<compile_context>
chip_gen: v7x
topology: tpu7x:2x2x1
jax: 0.10.2.dev20260603
libtpu: 0.0.44.dev20260713+nightly
codegen_flags: <defaults>
</compile_context>

<pallas_src>
import functools

import jax
import jax.numpy as jnp
import numpy as np
from jax import lax
from jax.experimental import pallas as pl
from jax.experimental.pallas import tpu as pltpu
from jax.experimental.pallas import tpu_sc as plsc

_B, _C, _H, _W = 16, 3, 512, 512
_N_OUT = _B * _C * _H * _W
_N_LAT = 16 * 192 * 32 * 32

_NC, _NS, _L = 2, 16, 16
_NW = _NC * _NS
_PW_O = _N_OUT // _NW
_HBINS = 256
_HSTRIDE = _HBINS + 1
_HSIZE = _HSTRIDE * _L


def _minmax_body(lat_ref, out_ref, mn_ref, mx_ref):
    i = pl.program_id(0)
    x = lat_ref[...]
    bmn = jnp.min(x)
    bmx = jnp.max(x)

    @pl.when(i == 0)
    def _():
        mn_ref[0] = bmn
        mx_ref[0] = bmx

    @pl.when(i > 0)
    def _():
        mn_ref[0] = jnp.minimum(mn_ref[0], bmn)
        mx_ref[0] = jnp.maximum(mx_ref[0], bmx)

    @pl.when(i == pl.num_programs(0) - 1)
    def _():
        vmin = mn_ref[0]
        inv = 256.0 / (mx_ref[0] - vmin)
        out_ref[...] = jnp.concatenate(
            [jnp.full((1, _L), vmin), jnp.full((1, _L), inv)], axis=0
        )


_minmax = pl.pallas_call(
    _minmax_body,
    grid=(4,),
    in_specs=[pl.BlockSpec((4, 32, 32, 192), lambda i: (i, 0, 0, 0))],
    out_specs=pl.BlockSpec((2, _L), lambda i: (0, 0)),
    out_shape=jax.ShapeDtypeStruct((2, _L), jnp.float32),
    scratch_shapes=[
        pltpu.SMEM((1,), jnp.float32),
        pltpu.SMEM((1,), jnp.float32),
    ],
)


def _mse_body(o_ref, i_ref, out_ref, acc_ref):
    i = pl.program_id(0)
    d = o_ref[...] - i_ref[...]
    s = jnp.sum(d * d)

    @pl.when(i == 0)
    def _():
        acc_ref[0] = s

    @pl.when(i > 0)
    def _():
        acc_ref[0] = acc_ref[0] + s

    @pl.when(i == pl.num_programs(0) - 1)
    def _():
        out_ref[0, 0] = acc_ref[0] / float(_N_OUT)


_mse = pl.pallas_call(
    _mse_body,
    grid=(8,),
    in_specs=[
        pl.BlockSpec((2, 3, 512, 512), lambda i: (i, 0, 0, 0)),
        pl.BlockSpec((2, 3, 512, 512), lambda i: (i, 0, 0, 0)),
    ],
    out_specs=pl.BlockSpec(memory_space=pltpu.SMEM),
    out_shape=jax.ShapeDtypeStruct((1, 1), jnp.float32),
    scratch_shapes=[pltpu.SMEM((1,), jnp.float32)],
)


_SLAB_R = 64
_SLABS_PW = _PW_O // (_SLAB_R * _W)
_LROWS = _N_LAT // 192
_LSLAB_R = 64
_LSLABS = _LROWS // (_NW * _LSLAB_R)


def _sc_hist_body(out4_hbm, lat_hbm, mm_hbm, outo_hbm, outl_hbm,
                  obuf0, obuf1, lbufA0, lbufA1, lbufB0, lbufB1, hist_o, hist_l,
                  vmin_r, vinv_r, sem0, sem1):
    wid = lax.axis_index("s") * _NC + lax.axis_index("c")
    zero16 = jnp.zeros((_L,), jnp.float32)

    def zbody(i, c):
        hist_o[pl.ds(i * _L, _L)] = zero16
        hist_l[pl.ds(i * _L, _L)] = zero16
        return c

    lax.fori_loop(0, _HSIZE // _L, zbody, 0, unroll=4)

    pltpu.sync_copy(mm_hbm.at[pl.ds(0, _L)], vmin_r)
    pltpu.sync_copy(mm_hbm.at[pl.ds(_L, _L)], vinv_r)
    vminv = vmin_r[...]
    vinvv = vinv_r[...]

    lane_base = lax.iota(jnp.int32, _L) * _HSTRIDE
    magic = jnp.float32(8388608.0)
    lane_fo = lane_base.astype(jnp.float32) + magic
    ones = jnp.ones((_L,), jnp.float32)
    c255 = jnp.full((_L,), 255.0, jnp.float32)
    sems = (sem0, sem1)

    h0 = wid * (_SLABS_PW // 4)

    def oslab(j):
        h = h0 + j // 4
        b = h // 6
        rr = h % 6
        c = rr // 2
        r0 = (rr % 2) * 256 + (j % 4) * _SLAB_R
        return out4_hbm.at[b, c, pl.ds(r0, _SLAB_R)]

    obufs = (obuf0, obuf1)
    ocopies = {}

    def ostart(j):
        ocopies[j] = pltpu.async_copy(oslab(j), obufs[j & 1], sems[j & 1])

    ostart(0)
    for j in range(_SLABS_PW):
        if j + 1 < _SLABS_PW:
            ostart(j + 1)
        ocopies[j].wait()
        buf = obufs[j & 1]

        @plsc.parallel_loop(0, _SLAB_R * _W // _L, unroll=16)
        def _(i):
            r = lax.shift_right_logical(i, 5)
            c16 = lax.shift_left(jnp.bitwise_and(i, 31), 4)
            v = buf[r, pl.ds(c16, _L)]
            q = plsc.bitcast(v * c255 + lane_fo, jnp.int32) - jnp.int32(0x4B000000)
            plsc.addupdate_scatter(hist_o, [q], ones)

    lbufsA = (lbufA0, lbufA1)
    lbufsB = (lbufB0, lbufB1)
    lcopies = {}

    def lstart(s):
        r0 = (wid * _LSLABS + s) * _LSLAB_R
        lcopies[s] = (
            pltpu.async_copy(
                lat_hbm.at[pl.ds(r0, _LSLAB_R), pl.ds(0, 128)],
                lbufsA[s & 1], sems[s & 1]),
            pltpu.async_copy(
                lat_hbm.at[pl.ds(r0, _LSLAB_R), pl.ds(128, 64)],
                lbufsB[s & 1], sems[s & 1]),
        )

    c2v = lane_base.astype(jnp.float32) - vminv * vinvv

    def lprocess(buf, v_):
        q = (v_ * vinvv + c2v).astype(jnp.int32)
        plsc.addupdate_scatter(hist_l, [q], ones)

    lstart(0)
    for s in range(_LSLABS):
        if s + 1 < _LSLABS:
            lstart(s + 1)
        ca, cb = lcopies[s]
        ca.wait()
        bufa = lbufsA[s & 1]

        @plsc.parallel_loop(0, _LSLAB_R * 8, unroll=16)
        def _(i):
            r = lax.shift_right_logical(i, 3)
            c16 = lax.shift_left(jnp.bitwise_and(i, 7), 4)
            lprocess(bufa, bufa[r, pl.ds(c16, _L)])

        cb.wait()
        bufb = lbufsB[s & 1]

        @plsc.parallel_loop(0, _LSLAB_R * 4, unroll=16)
        def _(i):
            r = lax.shift_right_logical(i, 2)
            c16 = lax.shift_left(jnp.bitwise_and(i, 3), 4)
            lprocess(bufb, bufb[r, pl.ds(c16, _L)])

    pltpu.sync_copy(hist_o, outo_hbm.at[pl.ds(wid * _HSIZE, _HSIZE)])
    pltpu.sync_copy(hist_l, outl_hbm.at[pl.ds(wid * _HSIZE, _HSIZE)])


@functools.cache
def _get_sc_hist():
    return pl.kernel(
        _sc_hist_body,
        out_type=[jax.ShapeDtypeStruct((_NW * _HSIZE,), jnp.float32),
                  jax.ShapeDtypeStruct((_NW * _HSIZE,), jnp.float32)],
        mesh=plsc.VectorSubcoreMesh(
            core_axis_name="c", subcore_axis_name="s",
            num_cores=_NC, num_subcores=_NS,
        ),
        scratch_types=[
            pltpu.VMEM((_SLAB_R, _W), jnp.float32),
            pltpu.VMEM((_SLAB_R, _W), jnp.float32),
            pltpu.VMEM((_LSLAB_R, 128), jnp.float32),
            pltpu.VMEM((_LSLAB_R, 128), jnp.float32),
            pltpu.VMEM((_LSLAB_R, 64), jnp.float32),
            pltpu.VMEM((_LSLAB_R, 64), jnp.float32),
            pltpu.VMEM((_HSIZE,), jnp.float32),
            pltpu.VMEM((_HSIZE,), jnp.float32),
            pltpu.VMEM((_L,), jnp.float32),
            pltpu.VMEM((_L,), jnp.float32),
            pltpu.SemaphoreType.DMA,
            pltpu.SemaphoreType.DMA,
        ],
        compiler_params=pltpu.CompilerParams(
            needs_layout_passes=False, use_tc_tiling_on_sc=True
        ),
    )


def _finalize_body(ho_ref, hl_ref, dist_ref, loss_ref, bpp_ref, dout_ref, ent_ref):
    inv_ln2 = 1.0 / float(np.log(2.0))

    def entropy(h2):
        h = jnp.sum(h2, axis=0, keepdims=True)
        tot = jnp.sum(h)
        p = jnp.clip(h / tot, 1e-12, 1.0)
        return -jnp.sum(p * (jnp.log(p) * inv_ln2))

    ent_o = entropy(ho_ref[...])
    ent_l = entropy(hl_ref[...]) / float(_B)
    dist = dist_ref[0, 0]
    loss_ref[0, 0] = dist + ent_l
    bpp_ref[0, 0] = ent_o * float(_C) / float(_H * _W)
    dout_ref[0, 0] = dist
    ent_ref[0, 0] = ent_l


_finalize = pl.pallas_call(
    _finalize_body,
    in_specs=[
        pl.BlockSpec(),
        pl.BlockSpec(),
        pl.BlockSpec(memory_space=pltpu.SMEM),
    ],
    out_specs=[pl.BlockSpec(memory_space=pltpu.SMEM)] * 4,
    out_shape=[jax.ShapeDtypeStruct((1, 1), jnp.float32)] * 4,
)


def kernel(outputs, inputs, latent):
    lat = jnp.transpose(latent, (0, 2, 3, 1))
    mm = _minmax(lat)
    ho, hl = _get_sc_hist()(outputs, lat.reshape(_LROWS, 192), mm.reshape(-1))
    dist = _mse(outputs, inputs)
    ho2 = ho.reshape(_NW * _L, _HSTRIDE)
    hl2 = hl.reshape(_NW * _L, _HSTRIDE)
    loss, bpp, dout, ent = _finalize(ho2, hl2, dist)
    return (loss[0, 0], bpp[0, 0], dout[0, 0], ent[0, 0])

# --- scband reference (transcript-rebuilt; emitter-appended) ---
"""Pipeline reference for scband-bpp-distortion-loss-82592221102369 (READ-ONLY COPY).

The authoritative reference and input builder live on the scoring server;
editing this copy changes nothing except your own understanding.
"""

import jax, jax.numpy as jnp
import numpy as np


def _histc(x, bins, vmin, vmax):
    # torch.histc equivalent: uniform bins over [vmin, vmax], values == vmax go to last bin.
    # All values here are guaranteed in-range (clamped or min/max derived from data).
    x = x.ravel()
    width = (vmax - vmin) / bins
    idx = jnp.floor((x - vmin) / width)
    idx = jnp.clip(idx, 0, bins - 1).astype(jnp.int32)
    return jnp.bincount(idx, length=bins).astype(jnp.float32)


def calculate_bits_per_pixel(outputs):
    batch_size, channels, height, width = outputs.shape
    quantized = jnp.clip(jnp.round(outputs * 255.0), 0, 255)
    quantized = quantized.reshape(batch_size, -1)
    hist = _histc(quantized.astype(jnp.float32), 256, 0.0, 255.0)
    hist = hist / hist.sum()
    epsilon = 1e-12
    hist = jnp.clip(hist, epsilon, 1.0)
    entropy = -jnp.sum(hist * jnp.log2(hist))
    num_pixels = height * width
    bpp = entropy * channels / num_pixels
    return bpp


def calculate_entropy(latent):
    latent_flat = latent.reshape(latent.shape[0], -1)
    vmin = jax.lax.stop_gradient(jnp.min(latent_flat)).astype(jnp.float32)
    vmax = jax.lax.stop_gradient(jnp.max(latent_flat)).astype(jnp.float32)
    hist = _histc(latent_flat.astype(jnp.float32), 256, vmin, vmax)
    hist = hist / hist.sum()
    epsilon = 1e-12
    hist = jnp.clip(hist, epsilon, 1.0)
    entropy = -jnp.sum(hist * jnp.log2(hist))
    return entropy / latent_flat.shape[0]


def setup_inputs(seed: int = 0) -> dict:
    key = jax.random.key(seed)
    k1, k2, k3 = jax.random.split(key, 3)
    outputs = jax.random.uniform(k1, (16, 3, 512, 512), dtype=jnp.float32)
    inputs = jax.random.uniform(k2, (16, 3, 512, 512), dtype=jnp.float32)
    latent = jax.random.normal(k3, (16, 192, 32, 32), dtype=jnp.float32)
    return {"outputs": outputs, "inputs": inputs, "latent": latent}


def reference(outputs, inputs, latent):
    lambda_distortion = 1.0
    lambda_entropy = 1.0
    distortion = jnp.mean((outputs - inputs) ** 2)
    bpp = calculate_bits_per_pixel(outputs)
    entropy = calculate_entropy(latent)
    loss = lambda_distortion * distortion + lambda_entropy * entropy
    return (loss, bpp, distortion, entropy)

if __name__ == "__main__":
    import jax
    _d = setup_inputs()
    print(jax.jit(kernel)(*tuple(_d.values())))

</pallas_src>

<mosaic_0001>
#map = affine_map<(d0, d1) -> (0, 0, 0, 0)>
#map1 = affine_map<(d0, d1) -> (0, 0)>
#map2 = affine_map<(d0, d1) -> (0)>
module attributes {stable_mosaic.version = 14 : i64} {
  func.func @_sc_hist_body(%arg0: i32, %arg1: i32, %arg2: memref<16x3x512x512xf32, #tpu.memory_space<hbm>>, %arg3: memref<16384x192xf32, #tpu.memory_space<hbm>>, %arg4: memref<32xf32, #tpu.memory_space<hbm>>, %arg5: memref<131584xf32, #tpu.memory_space<hbm>>, %arg6: memref<131584xf32, #tpu.memory_space<hbm>>, %arg7: memref<64x512xf32, #tpu.memory_space<vmem>>, %arg8: memref<64x512xf32, #tpu.memory_space<vmem>>, %arg9: memref<64x128xf32, #tpu.memory_space<vmem>>, %arg10: memref<64x128xf32, #tpu.memory_space<vmem>>, %arg11: memref<64x64xf32, #tpu.memory_space<vmem>>, %arg12: memref<64x64xf32, #tpu.memory_space<vmem>>, %arg13: memref<4112xf32, #tpu.memory_space<vmem>>, %arg14: memref<4112xf32, #tpu.memory_space<vmem>>, %arg15: memref<16xf32, #tpu.memory_space<vmem>>, %arg16: memref<16xf32, #tpu.memory_space<vmem>>, %arg17: memref<!tpu.dma_semaphore, #tpu.memory_space<semaphore_mem>>, %arg18: memref<!tpu.dma_semaphore, #tpu.memory_space<semaphore_mem>>) attributes {dimension_semantics = [#tpu.dimension_semantics<core_parallel>, #tpu.dimension_semantics<subcore_parallel>], iteration_bounds = array<i64: 2, 16>, scalar_prefetch = 0 : i64, scratch_operands = 12 : i64, tpu.core_type = #tpu.core_type<sc_vector_subcore>, window_params = [{transform_indices = #map}, {transform_indices = #map1}, {transform_indices = #map2}, {transform_indices = #map2}, {transform_indices = #map2}]} {
    %mul3A = arith.constant 2 : i32
    %mul3A_0 = arith.muli %arg1, %mul3A : i32
    %add3A = arith.addi %mul3A_0, %arg0 : i32
    %broadcast_in_dim3A = arith.constant 0.000000e+00 : f32
    %broadcast_in_dim3A_1 = vector.broadcast %broadcast_in_dim3A : f32 to vector<16xf32>
    %scan3A = arith.constant 0 : i32
    %scan3A_2 = arith.constant 0 : i32
    %scan3A_3 = arith.constant 256 : i32
    %scan3A_4 = arith.addi %scan3A_2, %scan3A_3 : i32
    %scan3A_5 = arith.constant 4 : i32
    scf.for %scan3A_1461 = %scan3A_2 to %scan3A_4 step %scan3A_5  : i32 {
      %mul3A_1462 = arith.constant 16 : i32
      %mul3A_1463 = arith.muli %scan3A_1461, %mul3A_1462 : i32
      %swap3A_1464 = arith.index_cast %mul3A_1463 : i32 to index
      %swap3A_1465 = tpu.vector_load %arg13[%swap3A_1464] {strides = array<i32>} : memref<4112xf32, #tpu.memory_space<vmem>>, vector<16xf32>,
      tpu.vector_store %arg13[%swap3A_1464], %broadcast_in_dim3A_1 {strides = array<i32>} : memref<4112xf32, #tpu.memory_space<vmem>>, vector<16xf32>,
      %mul3A_1466 = arith.constant 16 : i32
      %mul3A_1467 = arith.muli %scan3A_1461, %mul3A_1466 : i32
      %swap3A_1468 = arith.index_cast %mul3A_1467 : i32 to index
      %swap3A_1469 = tpu.vector_load %arg14[%swap3A_1468] {strides = array<i32>} : memref<4112xf32, #tpu.memory_space<vmem>>, vector<16xf32>,
      tpu.vector_store %arg14[%swap3A_1468], %broadcast_in_dim3A_1 {strides = array<i32>} : memref<4112xf32, #tpu.memory_space<vmem>>, vector<16xf32>,
      %scan3A_1470 = arith.constant 1 : i32
      %scan3A_1471 = arith.addi %scan3A_1461, %scan3A_1470 : i32
      %mul3A_1472 = arith.constant 16 : i32
      %mul3A_1473 = arith.muli %scan3A_1471, %mul3A_1472 : i32
      %swap3A_1474 = arith.index_cast %mul3A_1473 : i32 to index
      %swap3A_1475 = tpu.vector_load %arg13[%swap3A_1474] {strides = array<i32>} : memref<4112xf32, #tpu.memory_space<vmem>>, vector<16xf32>,
      tpu.vector_store %arg13[%swap3A_1474], %broadcast_in_dim3A_1 {strides = array<i32>} : memref<4112xf32, #tpu.memory_space<vmem>>, vector<16xf32>,
      %mul3A_1476 = arith.constant 16 : i32
      %mul3A_1477 = arith.muli %scan3A_1471, %mul3A_1476 : i32
      %swap3A_1478 = arith.index_cast %mul3A_1477 : i32 to index
      %swap3A_1479 = tpu.vector_load %arg14[%swap3A_1478] {strides = array<i32>} : memref<4112xf32, #tpu.memory_space<vmem>>, vector<16xf32>,
      tpu.vector_store %arg14[%swap3A_1478], %broadcast_in_dim3A_1 {strides = array<i32>} : memref<4112xf32, #tpu.memory_space<vmem>>, vector<16xf32>,
      %scan3A_1480 = arith.constant 2 : i32
      %scan3A_1481 = arith.addi %scan3A_1461, %scan3A_1480 : i32
      %mul3A_1482 = arith.constant 16 : i32
      %mul3A_1483 = arith.muli %scan3A_1481, %mul3A_1482 : i32
      %swap3A_1484 = arith.index_cast %mul3A_1483 : i32 to index
      %swap3A_1485 = tpu.vector_load %arg13[%swap3A_1484] {strides = array<i32>} : memref<4112xf32, #tpu.memory_space<vmem>>, vector<16xf32>,
      tpu.vector_store %arg13[%swap3A_1484], %broadcast_in_dim3A_1 {strides = array<i32>} : memref<4112xf32, #tpu.memory_space<vmem>>, vector<16xf32>,
      %mul3A_1486 = arith.constant 16 : i32
      %mul3A_1487 = arith.muli %scan3A_1481, %mul3A_1486 : i32
      %swap3A_1488 = arith.index_cast %mul3A_1487 : i32 to index
      %swap3A_1489 = tpu.vector_load %arg14[%swap3A_1488] {strides = array<i32>} : memref<4112xf32, #tpu.memory_space<vmem>>, vector<16xf32>,
      tpu.vector_store %arg14[%swap3A_1488], %broadcast_in_dim3A_1 {strides = array<i32>} : memref<4112xf32, #tpu.memory_space<vmem>>, vector<16xf32>,
      %scan3A_1490 = arith.constant 3 : i32
      %scan3A_1491 = arith.addi %scan3A_1461, %scan3A_1490 : i32
      %mul3A_1492 = arith.constant 16 : i32
      %mul3A_1493 = arith.muli %scan3A_1491, %mul3A_1492 : i32
      %swap3A_1494 = arith.index_cast %mul3A_1493 : i32 to index
      %swap3A_1495 = tpu.vector_load %arg13[%swap3A_1494] {strides = array<i32>} : memref<4112xf32, #tpu.memory_space<vmem>>, vector<16xf32>,
      tpu.vector_store %arg13[%swap3A_1494], %broadcast_in_dim3A_1 {strides = array<i32>} : memref<4112xf32, #tpu.memory_space<vmem>>, vector<16xf32>,
      %mul3A_1496 = arith.constant 16 : i32
      %mul3A_1497 = arith.muli %scan3A_1491, %mul3A_1496 : i32
      %swap3A_1498 = arith.index_cast %mul3A_1497 : i32 to index
      %swap3A_1499 = tpu.vector_load %arg14[%swap3A_1498] {strides = array<i32>} : memref<4112xf32, #tpu.memory_space<vmem>>, vector<16xf32>,
      tpu.vector_store %arg14[%swap3A_1498], %broadcast_in_dim3A_1 {strides = array<i32>} : memref<4112xf32, #tpu.memory_space<vmem>>, vector<16xf32>,
    }
    %scan3A_6 = arith.constant 256 : i32
    %scan3A_7 = arith.addi %scan3A_2, %scan3A_6 : i32
    %mul3A_8 = arith.constant 16 : i32
    %mul3A_9 = arith.muli %scan3A_7, %mul3A_8 : i32
    %swap3A = arith.index_cast %mul3A_9 : i32 to index
    %swap3A_10 = tpu.vector_load %arg13[%swap3A] {strides = array<i32>} : memref<4112xf32, #tpu.memory_space<vmem>>, vector<16xf32>,
    tpu.vector_store %arg13[%swap3A], %broadcast_in_dim3A_1 {strides = array<i32>} : memref<4112xf32, #tpu.memory_space<vmem>>, vector<16xf32>,
    %mul3A_11 = arith.constant 16 : i32
    %mul3A_12 = arith.muli %scan3A_7, %mul3A_11 : i32
    %swap3A_13 = arith.index_cast %mul3A_12 : i32 to index
    %swap3A_14 = tpu.vector_load %arg14[%swap3A_13] {strides = array<i32>} : memref<4112xf32, #tpu.memory_space<vmem>>, vector<16xf32>,
    tpu.vector_store %arg14[%swap3A_13], %broadcast_in_dim3A_1 {strides = array<i32>} : memref<4112xf32, #tpu.memory_space<vmem>>, vector<16xf32>,
    %scan3A_15 = arith.constant 257 : i32
    "tpu.region"() ({
      %run_scoped3A = tpu.sem_alloc : memref<!tpu.dma_semaphore, #tpu.memory_space<semaphore_mem>>
      %dma_start3A_1461 = arith.constant 0 : i32
      %dma_start3A_1462 = tpu.memref_slice %arg4[%dma_start3A_1461] : memref<32xf32, #tpu.memory_space<hbm>> -> memref<16xf32, #tpu.memory_space<hbm>>
      %dma_start3A_1463 = arith.constant 0 : i32
      %dma_start3A_1464 = tpu.memref_slice %arg4[%dma_start3A_1463] : memref<32xf32, #tpu.memory_space<hbm>> -> memref<16xf32, #tpu.memory_space<hbm>>
      tpu.enqueue_dma source(%dma_start3A_1464 : memref<16xf32, #tpu.memory_space<hbm>>) target(%arg15 : memref<16xf32, #tpu.memory_space<vmem>>) target_semaphore(%run_scoped3A : memref<!tpu.dma_semaphore, #tpu.memory_space<semaphore_mem>>)
      %dma_wait3A_1465 = arith.constant 0 : i32
      %dma_wait3A_1466 = tpu.memref_slice %arg4[%dma_wait3A_1465] : memref<32xf32, #tpu.memory_space<hbm>> -> memref<16xf32, #tpu.memory_space<hbm>>
      %dma_wait3A_1467 = arith.constant 0 : i32
      %dma_wait3A_1468 = tpu.memref_slice %arg4[%dma_wait3A_1467] : memref<32xf32, #tpu.memory_space<hbm>> -> memref<16xf32, #tpu.memory_space<hbm>>
      tpu.wait_dma2 semaphore(%run_scoped3A : memref<!tpu.dma_semaphore, #tpu.memory_space<semaphore_mem>>) src(%dma_wait3A_1468 : memref<16xf32, #tpu.memory_space<hbm>>) dst(%arg15 : memref<16xf32, #tpu.memory_space<vmem>>)
      tpu.yield
    }) : () -> ()
    "tpu.region"() ({
      %run_scoped3A = tpu.sem_alloc : memref<!tpu.dma_semaphore, #tpu.memory_space<semaphore_mem>>
      %dma_start3A_1461 = arith.constant 16 : i32
      %dma_start3A_1462 = tpu.memref_slice %arg4[%dma_start3A_1461] : memref<32xf32, #tpu.memory_space<hbm>> -> memref<16xf32, #tpu.memory_space<hbm>>
      %dma_start3A_1463 = arith.constant 16 : i32
      %dma_start3A_1464 = tpu.memref_slice %arg4[%dma_start3A_1463] : memref<32xf32, #tpu.memory_space<hbm>> -> memref<16xf32, #tpu.memory_space<hbm>>
      tpu.enqueue_dma source(%dma_start3A_1464 : memref<16xf32, #tpu.memory_space<hbm>>) target(%arg16 : memref<16xf32, #tpu.memory_space<vmem>>) target_semaphore(%run_scoped3A : memref<!tpu.dma_semaphore, #tpu.memory_space<semaphore_mem>>)
      %dma_wait3A_1465 = arith.constant 16 : i32
      %dma_wait3A_1466 = tpu.memref_slice %arg4[%dma_wait3A_1465] : memref<32xf32, #tpu.memory_space<hbm>> -> memref<16xf32, #tpu.memory_space<hbm>>
      %dma_wait3A_1467 = arith.constant 16 : i32
      %dma_wait3A_1468 = tpu.memref_slice %arg4[%dma_wait3A_1467] : memref<32xf32, #tpu.memory_space<hbm>> -> memref<16xf32, #tpu.memory_space<hbm>>
      tpu.wait_dma2 semaphore(%run_scoped3A : memref<!tpu.dma_semaphore, #tpu.memory_space<semaphore_mem>>) src(%dma_wait3A_1468 : memref<16xf32, #tpu.memory_space<hbm>>) dst(%arg16 : memref<16xf32, #tpu.memory_space<vmem>>)
      tpu.yield
    }) : () -> ()
    %get3A = arith.constant 0 : index
    %get3A_16 = tpu.vector_load %arg15[%get3A] {strides = array<i32>} : memref<16xf32, #tpu.memory_space<vmem>>, vector<16xf32>,
    %get3A_17 = arith.constant 0 : index
    %get3A_18 = tpu.vector_load %arg16[%get3A_17] {strides = array<i32>} : memref<16xf32, #tpu.memory_space<vmem>>, vector<16xf32>,
    %iota3A = tpu.iota {dimensions = array<i32: 0>} : vector<16xi32>
    %mul3A_19 = arith.constant 257 : i32
    %mul3A_20 = vector.broadcast %mul3A_19 : i32 to vector<16xi32>
    %mul3A_21 = arith.muli %iota3A, %mul3A_20 : vector<16xi32>
    %convert_element_type3A = arith.sitofp %mul3A_21 : vector<16xi32> to vector<16xf32>
    %add3A_22 = arith.constant 0x4B000000 : f32
    %add3A_23 = vector.broadcast %add3A_22 : f32 to vector<16xf32>
    %add3A_24 = arith.addf %convert_element_type3A, %add3A_23 : vector<16xf32>
    %broadcast_in_dim3A_25 = arith.constant 1.000000e+00 : f32
    %broadcast_in_dim3A_26 = vector.broadcast %broadcast_in_dim3A_25 : f32 to vector<16xf32>
    %broadcast_in_dim3A_27 = arith.constant 2.550000e+02 : f32
    %broadcast_in_dim3A_28 = vector.broadcast %broadcast_in_dim3A_27 : f32 to vector<16xf32>
    %mul3A_29 = arith.constant 3 : i32
    %mul3A_30 = arith.muli %add3A, %mul3A_29 : i32
    %add3A_31 = arith.constant 0 : i32
    %add3A_32 = arith.addi %mul3A_30, %add3A_31 : i32
    %jit3A = arith.constant 6 : i32
    %div3A = arith.divsi %add3A_32, %jit3A : i32
    %sign3A = arith.constant 0 : i32
    %sign3A_33 = arith.cmpi sgt, %add3A_32, %sign3A : i32
    %sign3A_34 = arith.extui %sign3A_33 : i1 to i32
    %sign3A_35 = arith.constant 0 : i32
    %sign3A_36 = arith.cmpi slt, %add3A_32, %sign3A_35 : i32
    %sign3A_37 = arith.extui %sign3A_36 : i1 to i32
    %sign3A_38 = arith.subi %sign3A_34, %sign3A_37 : i32
    %sign3A_39 = arith.constant 0 : i32
    %sign3A_40 = arith.cmpi sgt, %jit3A, %sign3A_39 : i32
    %sign3A_41 = arith.extui %sign3A_40 : i1 to i32
    %sign3A_42 = arith.constant 0 : i32
    %sign3A_43 = arith.cmpi slt, %jit3A, %sign3A_42 : i32
    %sign3A_44 = arith.extui %sign3A_43 : i1 to i32
    %sign3A_45 = arith.subi %sign3A_41, %sign3A_44 : i32
    %ne3A = arith.cmpi ne, %sign3A_38, %sign3A_45 : i32
    %rem3A = arith.remsi %add3A_32, %jit3A : i32
    %ne3A_46 = arith.constant 0 : i32
    %ne3A_47 = arith.cmpi ne, %rem3A, %ne3A_46 : i32
    %and3A = arith.andi %ne3A, %ne3A_47 : i1
    %sub3A = arith.constant 1 : i32
    %sub3A_48 = arith.subi %div3A, %sub3A : i32
    %select_n3A = arith.select %and3A, %sub3A_48, %div3A : i32
    %jit3A_49 = arith.constant 6 : i32
    %eq3A = arith.constant 0 : i32
    %eq3A_50 = arith.cmpi eq, %jit3A_49, %eq3A : i32
    %jit3A_51 = arith.constant 1 : i32
    %select_n3A_52 = arith.select %eq3A_50, %jit3A_51, %jit3A_49 : i32
    %rem3A_53 = arith.remsi %add3A_32, %select_n3A_52 : i32
    %ne3A_54 = arith.constant 0 : i32
    %ne3A_55 = arith.cmpi ne, %rem3A_53, %ne3A_54 : i32
    %lt3A = arith.constant 0 : i32
    %lt3A_56 = arith.cmpi slt, %rem3A_53, %lt3A : i32
    %lt3A_57 = arith.constant 0 : i32
    %lt3A_58 = arith.cmpi slt, %select_n3A_52, %lt3A_57 : i32
    %ne3A_59 = arith.xori %lt3A_56, %lt3A_58 : i1
    %and3A_60 = arith.andi %ne3A_59, %ne3A_55 : i1
    %add3A_61 = arith.addi %rem3A_53, %select_n3A_52 : i32
    %select_n3A_62 = arith.select %and3A_60, %add3A_61, %rem3A_53 : i32
    %jit3A_63 = arith.constant 2 : i32
    %div3A_64 = arith.divsi %select_n3A_62, %jit3A_63 : i32
    %sign3A_65 = arith.constant 0 : i32
    %sign3A_66 = arith.cmpi sgt, %select_n3A_62, %sign3A_65 : i32
    %sign3A_67 = arith.extui %sign3A_66 : i1 to i32
    %sign3A_68 = arith.constant 0 : i32
    %sign3A_69 = arith.cmpi slt, %select_n3A_62, %sign3A_68 : i32
    %sign3A_70 = arith.extui %sign3A_69 : i1 to i32
    %sign3A_71 = arith.subi %sign3A_67, %sign3A_70 : i32
    %sign3A_72 = arith.constant 0 : i32
    %sign3A_73 = arith.cmpi sgt, %jit3A_63, %sign3A_72 : i32
    %sign3A_74 = arith.extui %sign3A_73 : i1 to i32
    %sign3A_75 = arith.constant 0 : i32
    %sign3A_76 = arith.cmpi slt, %jit3A_63, %sign3A_75 : i32
    %sign3A_77 = arith.extui %sign3A_76 : i1 to i32
    %sign3A_78 = arith.subi %sign3A_74, %sign3A_77 : i32
    %ne3A_79 = arith.cmpi ne, %sign3A_71, %sign3A_78 : i32
    %rem3A_80 = arith.remsi %select_n3A_62, %jit3A_63 : i32
    %ne3A_81 = arith.constant 0 : i32
    %ne3A_82 = arith.cmpi ne, %rem3A_80, %ne3A_81 : i32
    %and3A_83 = arith.andi %ne3A_79, %ne3A_82 : i1
    %sub3A_84 = arith.constant 1 : i32
    %sub3A_85 = arith.subi %div3A_64, %sub3A_84 : i32
    %select_n3A_86 = arith.select %and3A_83, %sub3A_85, %div3A_64 : i32
    %jit3A_87 = arith.constant 2 : i32
    %eq3A_88 = arith.constant 0 : i32
    %eq3A_89 = arith.cmpi eq, %jit3A_87, %eq3A_88 : i32
    %jit3A_90 = arith.constant 1 : i32
    %select_n3A_91 = arith.select %eq3A_89, %jit3A_90, %jit3A_87 : i32
    %rem3A_92 = arith.remsi %select_n3A_62, %select_n3A_91 : i32
    %ne3A_93 = arith.constant 0 : i32
    %ne3A_94 = arith.cmpi ne, %rem3A_92, %ne3A_93 : i32
    %lt3A_95 = arith.constant 0 : i32
    %lt3A_96 = arith.cmpi slt, %rem3A_92, %lt3A_95 : i32
    %lt3A_97 = arith.constant 0 : i32
    %lt3A_98 = arith.cmpi slt, %select_n3A_91, %lt3A_97 : i32
    %ne3A_99 = arith.xori %lt3A_96, %lt3A_98 : i1
    %and3A_100 = arith.andi %ne3A_99, %ne3A_94 : i1
    %add3A_101 = arith.addi %rem3A_92, %select_n3A_91 : i32
    %select_n3A_102 = arith.select %and3A_100, %add3A_101, %rem3A_92 : i32
    %mul3A_103 = arith.constant 256 : i32
    %mul3A_104 = arith.muli %select_n3A_102, %mul3A_103 : i32
    %add3A_105 = arith.constant 0 : i32
    %add3A_106 = arith.addi %mul3A_104, %add3A_105 : i32
    %dma_start3A = arith.constant 0 : i32
    %dma_start3A_107 = tpu.memref_slice %arg2[%select_n3A, %select_n3A_86, %add3A_106, %dma_start3A] : memref<16x3x512x512xf32, #tpu.memory_space<hbm>> -> memref<1x1x64x512xf32, #tpu.memory_space<hbm>>
    %dma_start3A_108 = tpu.memref_squeeze %dma_start3A_107 : memref<1x1x64x512xf32, #tpu.memory_space<hbm>> -> memref<64x512xf32, #tpu.memory_space<hbm>>
    %dma_start3A_109 = arith.constant 0 : i32
    %dma_start3A_110 = tpu.memref_slice %arg2[%select_n3A, %select_n3A_86, %add3A_106, %dma_start3A_109] : memref<16x3x512x512xf32, #tpu.memory_space<hbm>> -> memref<1x1x64x512xf32, #tpu.memory_space<hbm>>
    %dma_start3A_111 = tpu.memref_squeeze %dma_start3A_110 : memref<1x1x64x512xf32, #tpu.memory_space<hbm>> -> memref<64x512xf32, #tpu.memory_space<hbm>>
    tpu.enqueue_dma source(%dma_start3A_111 : memref<64x512xf32, #tpu.memory_space<hbm>>) target(%arg7 : memref<64x512xf32, #tpu.memory_space<vmem>>) target_semaphore(%arg17 : memref<!tpu.dma_semaphore, #tpu.memory_space<semaphore_mem>>)
    %add3A_112 = arith.constant 0 : i32
    %add3A_113 = arith.addi %mul3A_30, %add3A_112 : i32
    %jit3A_114 = arith.constant 6 : i32
    %div3A_115 = arith.divsi %add3A_113, %jit3A_114 : i32
    %sign3A_116 = arith.constant 0 : i32
    %sign3A_117 = arith.cmpi sgt, %add3A_113, %sign3A_116 : i32
    %sign3A_118 = arith.extui %sign3A_117 : i1 to i32
    %sign3A_119 = arith.constant 0 : i32
    %sign3A_120 = arith.cmpi slt, %add3A_113, %sign3A_119 : i32
    %sign3A_121 = arith.extui %sign3A_120 : i1 to i32
    %sign3A_122 = arith.subi %sign3A_118, %sign3A_121 : i32
    %sign3A_123 = arith.constant 0 : i32
    %sign3A_124 = arith.cmpi sgt, %jit3A_114, %sign3A_123 : i32
    %sign3A_125 = arith.extui %sign3A_124 : i1 to i32
    %sign3A_126 = arith.constant 0 : i32
    %sign3A_127 = arith.cmpi slt, %jit3A_114, %sign3A_126 : i32
    %sign3A_128 = arith.extui %sign3A_127 : i1 to i32
    %sign3A_129 = arith.subi %sign3A_125, %sign3A_128 : i32
    %ne3A_130 = arith.cmpi ne, %sign3A_122, %sign3A_129 : i32
    %rem3A_131 = arith.remsi %add3A_113, %jit3A_114 : i32
    %ne3A_132 = arith.constant 0 : i32
    %ne3A_133 = arith.cmpi ne, %rem3A_131, %ne3A_132 : i32
    %and3A_134 = arith.andi %ne3A_130, %ne3A_133 : i1
    %sub3A_135 = arith.constant 1 : i32
    %sub3A_136 = arith.subi %div3A_115, %sub3A_135 : i32
    %select_n3A_137 = arith.select %and3A_134, %sub3A_136, %div3A_115 : i32
    %jit3A_138 = arith.constant 6 : i32
    %eq3A_139 = arith.constant 0 : i32
    %eq3A_140 = arith.cmpi eq, %jit3A_138, %eq3A_139 : i32
    %jit3A_141 = arith.constant 1 : i32
    %select_n3A_142 = arith.select %eq3A_140, %jit3A_141, %jit3A_138 : i32
    %rem3A_143 = arith.remsi %add3A_113, %select_n3A_142 : i32
    %ne3A_144 = arith.constant 0 : i32
    %ne3A_145 = arith.cmpi ne, %rem3A_143, %ne3A_144 : i32
    %lt3A_146 = arith.constant 0 : i32
    %lt3A_147 = arith.cmpi slt, %rem3A_143, %lt3A_146 : i32
    %lt3A_148 = arith.constant 0 : i32
    %lt3A_149 = arith.cmpi slt, %select_n3A_142, %lt3A_148 : i32
    %ne3A_150 = arith.xori %lt3A_147, %lt3A_149 : i1
    %and3A_151 = arith.andi %ne3A_150, %ne3A_145 : i1
    %add3A_152 = arith.addi %rem3A_143, %select_n3A_142 : i32
    %select_n3A_153 = arith.select %and3A_151, %add3A_152, %rem3A_143 : i32
    %jit3A_154 = arith.constant 2 : i32
    %div3A_155 = arith.divsi %select_n3A_153, %jit3A_154 : i32
    %sign3A_156 = arith.constant 0 : i32
    %sign3A_157 = arith.cmpi sgt, %select_n3A_153, %sign3A_156 : i32
    %sign3A_158 = arith.extui %sign3A_157 : i1 to i32
    %sign3A_159 = arith.constant 0 : i32
    %sign3A_160 = arith.cmpi slt, %select_n3A_153, %sign3A_159 : i32
    %sign3A_161 = arith.extui %sign3A_160 : i1 to i32
    %sign3A_162 = arith.subi %sign3A_158, %sign3A_161 : i32
    %sign3A_163 = arith.constant 0 : i32
    %sign3A_164 = arith.cmpi sgt, %jit3A_154, %sign3A_163 : i32
    %sign3A_165 = arith.extui %sign3A_164 : i1 to i32
    %sign3A_166 = arith.constant 0 : i32
    %sign3A_167 = arith.cmpi slt, %jit3A_154, %sign3A_166 : i32
    %sign3A_168 = arith.extui %sign3A_167 : i1 to i32
    %sign3A_169 = arith.subi %sign3A_165, %sign3A_168 : i32
    %ne3A_170 = arith.cmpi ne, %sign3A_162, %sign3A_169 : i32
    %rem3A_171 = arith.remsi %select_n3A_153, %jit3A_154 : i32
    %ne3A_172 = arith.constant 0 : i32
    %ne3A_173 = arith.cmpi ne, %rem3A_171, %ne3A_172 : i32
    %and3A_174 = arith.andi %ne3A_170, %ne3A_173 : i1
    %sub3A_175 = arith.constant 1 : i32
    %sub3A_176 = arith.subi %div3A_155, %sub3A_175 : i32
    %select_n3A_177 = arith.select %and3A_174, %sub3A_176, %div3A_155 : i32
    %jit3A_178 = arith.constant 2 : i32
    %eq3A_179 = arith.constant 0 : i32
    %eq3A_180 = arith.cmpi eq, %jit3A_178, %eq3A_179 : i32
    %jit3A_181 = arith.constant 1 : i32
    %select_n3A_182 = arith.select %eq3A_180, %jit3A_181, %jit3A_178 : i32
    %rem3A_183 = arith.remsi %select_n3A_153, %select_n3A_182 : i32
    %ne3A_184 = arith.constant 0 : i32
    %ne3A_185 = arith.cmpi ne, %rem3A_183, %ne3A_184 : i32
    %lt3A_186 = arith.constant 0 : i32
    %lt3A_187 = arith.cmpi slt, %rem3A_183, %lt3A_186 : i32
    %lt3A_188 = arith.constant 0 : i32
    %lt3A_189 = arith.cmpi slt, %select_n3A_182, %lt3A_188 : i32
    %ne3A_190 = arith.xori %lt3A_187, %lt3A_189 : i1
    %and3A_191 = arith.andi %ne3A_190, %ne3A_185 : i1
    %add3A_192 = arith.addi %rem3A_183, %select_n3A_182 : i32
    %select_n3A_193 = arith.select %and3A_191, %add3A_192, %rem3A_183 : i32
    %mul3A_194 = arith.constant 256 : i32
    %mul3A_195 = arith.muli %select_n3A_193, %mul3A_194 : i32
    %add3A_196 = arith.constant 64 : i32
    %add3A_197 = arith.addi %mul3A_195, %add3A_196 : i32
    %dma_start3A_198 = arith.constant 0 : i32
    %dma_start3A_199 = tpu.memref_slice %arg2[%select_n3A_137, %select_n3A_177, %add3A_197, %dma_start3A_198] : memref<16x3x512x512xf32, #tpu.memory_space<hbm>> -> memref<1x1x64x512xf32, #tpu.memory_space<hbm>>
    %dma_start3A_200 = tpu.memref_squeeze %dma_start3A_199 : memref<1x1x64x512xf32, #tpu.memory_space<hbm>> -> memref<64x512xf32, #tpu.memory_space<hbm>>
    %dma_start3A_201 = arith.constant 0 : i32
    %dma_start3A_202 = tpu.memref_slice %arg2[%select_n3A_137, %select_n3A_177, %add3A_197, %dma_start3A_201] : memref<16x3x512x512xf32, #tpu.memory_space<hbm>> -> memref<1x1x64x512xf32, #tpu.memory_space<hbm>>
    %dma_start3A_203 = tpu.memref_squeeze %dma_start3A_202 : memref<1x1x64x512xf32, #tpu.memory_space<hbm>> -> memref<64x512xf32, #tpu.memory_space<hbm>>
    tpu.enqueue_dma source(%dma_start3A_203 : memref<64x512xf32, #tpu.memory_space<hbm>>) target(%arg8 : memref<64x512xf32, #tpu.memory_space<vmem>>) target_semaphore(%arg18 : memref<!tpu.dma_semaphore, #tpu.memory_space<semaphore_mem>>)
    %dma_wait3A = arith.constant 0 : i32
    %dma_wait3A_204 = tpu.memref_slice %arg2[%select_n3A, %select_n3A_86, %add3A_106, %dma_wait3A] : memref<16x3x512x512xf32, #tpu.memory_space<hbm>> -> memref<1x1x64x512xf32, #tpu.memory_space<hbm>>
    %dma_wait3A_205 = tpu.memref_squeeze %dma_wait3A_204 : memref<1x1x64x512xf32, #tpu.memory_space<hbm>> -> memref<64x512xf32, #tpu.memory_space<hbm>>
    %dma_wait3A_206 = arith.constant 0 : i32
    %dma_wait3A_207 = tpu.memref_slice %arg2[%select_n3A, %select_n3A_86, %add3A_106, %dma_wait3A_206] : memref<16x3x512x512xf32, #tpu.memory_space<hbm>> -> memref<1x1x64x512xf32, #tpu.memory_space<hbm>>
    %dma_wait3A_208 = tpu.memref_squeeze %dma_wait3A_207 : memref<1x1x64x512xf32, #tpu.memory_space<hbm>> -> memref<64x512xf32, #tpu.memory_space<hbm>>
    tpu.wait_dma2 semaphore(%arg17 : memref<!tpu.dma_semaphore, #tpu.memory_space<semaphore_mem>>) src(%dma_wait3A_208 : memref<64x512xf32, #tpu.memory_space<hbm>>) dst(%arg7 : memref<64x512xf32, #tpu.memory_space<vmem>>)
    %parallel_loop3A = arith.constant 0 : i32
    %parallel_loop3A_209 = arith.constant 2048 : i32
    %parallel_loop3A_210 = arith.constant 1 : i32
    scf.for %parallel_loop3A_1461 = %parallel_loop3A to %parallel_loop3A_209 step %parallel_loop3A_210  : i32 {
      %parallel_loop3A_1462 = arith.constant 5 : i32
      %parallel_loop3A_1463 = arith.shrui %parallel_loop3A_1461, %parallel_loop3A_1462 : i32
      %parallel_loop3A_1464 = arith.constant 31 : i32
      %parallel_loop3A_1465 = arith.andi %parallel_loop3A_1461, %parallel_loop3A_1464 : i32
      %parallel_loop3A_1466 = arith.constant 4 : i32
      %parallel_loop3A_1467 = arith.shli %parallel_loop3A_1465, %parallel_loop3A_1466 : i32
      %parallel_loop3A_1468 = arith.index_cast %parallel_loop3A_1463 : i32 to index
      %parallel_loop3A_1469 = arith.index_cast %parallel_loop3A_1467 : i32 to index
      %parallel_loop3A_1470 = tpu.vector_load %arg7[%parallel_loop3A_1468, %parallel_loop3A_1469] {strides = array<i32>} : memref<64x512xf32, #tpu.memory_space<vmem>>, vector<16xf32>,
      %parallel_loop3A_1471 = arith.mulf %parallel_loop3A_1470, %broadcast_in_dim3A_28 : vector<16xf32>
      %parallel_loop3A_1472 = arith.addf %parallel_loop3A_1471, %add3A_24 : vector<16xf32>
      %parallel_loop3A_1473 = vector.bitcast %parallel_loop3A_1472 : vector<16xf32> to vector<16xi32>
      %parallel_loop3A_1474 = arith.constant 1258291200 : i32
      %parallel_loop3A_1475 = vector.broadcast %parallel_loop3A_1474 : i32 to vector<16xi32>
      %parallel_loop3A_1476 = arith.subi %parallel_loop3A_1473, %parallel_loop3A_1475 : vector<16xi32>
      tpu.vector_store_idx %arg13[%parallel_loop3A_1476], %broadcast_in_dim3A_26 {add = true} : memref<4112xf32, #tpu.memory_space<vmem>>[vector<16xi32>], vector<16xf32>,
    } {sc.loop_unroll_factor = 16 : i64, sc.parallel_access}
    %add3A_211 = arith.constant 0 : i32
    %add3A_212 = arith.addi %mul3A_30, %add3A_211 : i32
    %jit3A_213 = arith.constant 6 : i32
    %div3A_214 = arith.divsi %add3A_212, %jit3A_213 : i32
    %sign3A_215 = arith.constant 0 : i32
    %sign3A_216 = arith.cmpi sgt, %add3A_212, %sign3A_215 : i32
    %sign3A_217 = arith.extui %sign3A_216 : i1 to i32
    %sign3A_218 = arith.constant 0 : i32
    %sign3A_219 = arith.cmpi slt, %add3A_212, %sign3A_218 : i32
    %sign3A_220 = arith.extui %sign3A_219 : i1 to i32
    %sign3A_221 = arith.subi %sign3A_217, %sign3A_220 : i32
    %sign3A_222 = arith.constant 0 : i32
    %sign3A_223 = arith.cmpi sgt, %jit3A_213, %sign3A_222 : i32
    %sign3A_224 = arith.extui %sign3A_223 : i1 to i32
    %sign3A_225 = arith.constant 0 : i32
    %sign3A_226 = arith.cmpi slt, %jit3A_213, %sign3A_225 : i32
    %sign3A_227 = arith.extui %sign3A_226 : i1 to i32
    %sign3A_228 = arith.subi %sign3A_224, %sign3A_227 : i32
    %ne3A_229 = arith.cmpi ne, %sign3A_221, %sign3A_228 : i32
    %rem3A_230 = arith.remsi %add3A_212, %jit3A_213 : i32
    %ne3A_231 = arith.constant 0 : i32
    %ne3A_232 = arith.cmpi ne, %rem3A_230, %ne3A_231 : i32
    %and3A_233 = arith.andi %ne3A_229, %ne3A_232 : i1
    %sub3A_234 = arith.constant 1 : i32
    %sub3A_235 = arith.subi %div3A_214, %sub3A_234 : i32
    %select_n3A_236 = arith.select %and3A_233, %sub3A_235, %div3A_214 : i32
    %jit3A_237 = arith.constant 6 : i32
    %eq3A_238 = arith.constant 0 : i32
    %eq3A_239 = arith.cmpi eq, %jit3A_237, %eq3A_238 : i32
    %jit3A_240 = arith.constant 1 : i32
    %select_n3A_241 = arith.select %eq3A_239, %jit3A_240, %jit3A_237 : i32
    %rem3A_242 = arith.remsi %add3A_212, %select_n3A_241 : i32
    %ne3A_243 = arith.constant 0 : i32
    %ne3A_244 = arith.cmpi ne, %rem3A_242, %ne3A_243 : i32
    %lt3A_245 = arith.constant 0 : i32
    %lt3A_246 = arith.cmpi slt, %rem3A_242, %lt3A_245 : i32
    %lt3A_247 = arith.constant 0 : i32
    %lt3A_248 = arith.cmpi slt, %select_n3A_241, %lt3A_247 : i32
    %ne3A_249 = arith.xori %lt3A_246, %lt3A_248 : i1
    %and3A_250 = arith.andi %ne3A_249, %ne3A_244 : i1
    %add3A_251 = arith.addi %rem3A_242, %select_n3A_241 : i32
    %select_n3A_252 = arith.select %and3A_250, %add3A_251, %rem3A_242 : i32
    %jit3A_253 = arith.constant 2 : i32
    %div3A_254 = arith.divsi %select_n3A_252, %jit3A_253 : i32
    %sign3A_255 = arith.constant 0 : i32
    %sign3A_256 = arith.cmpi sgt, %select_n3A_252, %sign3A_255 : i32
    %sign3A_257 = arith.extui %sign3A_256 : i1 to i32
    %sign3A_258 = arith.constant 0 : i32
    %sign3A_259 = arith.cmpi slt, %select_n3A_252, %sign3A_258 : i32
    %sign3A_260 = arith.extui %sign3A_259 : i1 to i32
    %sign3A_261 = arith.subi %sign3A_257, %sign3A_260 : i32
    %sign3A_262 = arith.constant 0 : i32
    %sign3A_263 = arith.cmpi sgt, %jit3A_253, %sign3A_262 : i32
    %sign3A_264 = arith.extui %sign3A_263 : i1 to i32
    %sign3A_265 = arith.constant 0 : i32
    %sign3A_266 = arith.cmpi slt, %jit3A_253, %sign3A_265 : i32
    %sign3A_267 = arith.extui %sign3A_266 : i1 to i32
    %sign3A_268 = arith.subi %sign3A_264, %sign3A_267 : i32
    %ne3A_269 = arith.cmpi ne, %sign3A_261, %sign3A_268 : i32
    %rem3A_270 = arith.remsi %select_n3A_252, %jit3A_253 : i32
    %ne3A_271 = arith.constant 0 : i32
    %ne3A_272 = arith.cmpi ne, %rem3A_270, %ne3A_271 : i32
    %and3A_273 = arith.andi %ne3A_269, %ne3A_272 : i1
    %sub3A_274 = arith.constant 1 : i32
    %sub3A_275 = arith.subi %div3A_254, %sub3A_274 : i32
    %select_n3A_276 = arith.select %and3A_273, %sub3A_275, %div3A_254 : i32
    %jit3A_277 = arith.constant 2 : i32
    %eq3A_278 = arith.constant 0 : i32
    %eq3A_279 = arith.cmpi eq, %jit3A_277, %eq3A_278 : i32
    %jit3A_280 = arith.constant 1 : i32
    %select_n3A_281 = arith.select %eq3A_279, %jit3A_280, %jit3A_277 : i32
    %rem3A_282 = arith.remsi %select_n3A_252, %select_n3A_281 : i32
    %ne3A_283 = arith.constant 0 : i32
    %ne3A_284 = arith.cmpi ne, %rem3A_282, %ne3A_283 : i32
    %lt3A_285 = arith.constant 0 : i32
    %lt3A_286 = arith.cmpi slt, %rem3A_282, %lt3A_285 : i32
    %lt3A_287 = arith.constant 0 : i32
    %lt3A_288 = arith.cmpi slt, %select_n3A_281, %lt3A_287 : i32
    %ne3A_289 = arith.xori %lt3A_286, %lt3A_288 : i1
    %and3A_290 = arith.andi %ne3A_289, %ne3A_284 : i1
    %add3A_291 = arith.addi %rem3A_282, %select_n3A_281 : i32
    %select_n3A_292 = arith.select %and3A_290, %add3A_291, %rem3A_282 : i32
    %mul3A_293 = arith.constant 256 : i32
    %mul3A_294 = arith.muli %select_n3A_292, %mul3A_293 : i32
    %add3A_295 = arith.constant 128 : i32
    %add3A_296 = arith.addi %mul3A_294, %add3A_295 : i32
    %dma_start3A_297 = arith.constant 0 : i32
    %dma_start3A_298 = tpu.memref_slice %arg2[%select_n3A_236, %select_n3A_276, %add3A_296, %dma_start3A_297] : memref<16x3x512x512xf32, #tpu.memory_space<hbm>> -> memref<1x1x64x512xf32, #tpu.memory_space<hbm>>
    %dma_start3A_299 = tpu.memref_squeeze %dma_start3A_298 : memref<1x1x64x512xf32, #tpu.memory_space<hbm>> -> memref<64x512xf32, #tpu.memory_space<hbm>>
    %dma_start3A_300 = arith.constant 0 : i32
    %dma_start3A_301 = tpu.memref_slice %arg2[%select_n3A_236, %select_n3A_276, %add3A_296, %dma_start3A_300] : memref<16x3x512x512xf32, #tpu.memory_space<hbm>> -> memref<1x1x64x512xf32, #tpu.memory_space<hbm>>
    %dma_start3A_302 = tpu.memref_squeeze %dma_start3A_301 : memref<1x1x64x512xf32, #tpu.memory_space<hbm>> -> memref<64x512xf32, #tpu.memory_space<hbm>>
    tpu.enqueue_dma source(%dma_start3A_302 : memref<64x512xf32, #tpu.memory_space<hbm>>) target(%arg7 : memref<64x512xf32, #tpu.memory_space<vmem>>) target_semaphore(%arg17 : memref<!tpu.dma_semaphore, #tpu.memory_space<semaphore_mem>>)
    %dma_wait3A_303 = arith.constant 0 : i32
    %dma_wait3A_304 = tpu.memref_slice %arg2[%select_n3A_137, %select_n3A_177, %add3A_197, %dma_wait3A_303] : memref<16x3x512x512xf32, #tpu.memory_space<hbm>> -> memref<1x1x64x512xf32, #tpu.memory_space<hbm>>
    %dma_wait3A_305 = tpu.memref_squeeze %dma_wait3A_304 : memref<1x1x64x512xf32, #tpu.memory_space<hbm>> -> memref<64x512xf32, #tpu.memory_space<hbm>>
    %dma_wait3A_306 = arith.constant 0 : i32
    %dma_wait3A_307 = tpu.memref_slice %arg2[%select_n3A_137, %select_n3A_177, %add3A_197, %dma_wait3A_306] : memref<16x3x512x512xf32, #tpu.memory_space<hbm>> -> memref<1x1x64x512xf32, #tpu.memory_space<hbm>>
    %dma_wait3A_308 = tpu.memref_squeeze %dma_wait3A_307 : memref<1x1x64x512xf32, #tpu.memory_space<hbm>> -> memref<64x512xf32, #tpu.memory_space<hbm>>
    tpu.wait_dma2 semaphore(%arg18 : memref<!tpu.dma_semaphore, #tpu.memory_space<semaphore_mem>>) src(%dma_wait3A_308 : memref<64x512xf32, #tpu.memory_space<hbm>>) dst(%arg8 : memref<64x512xf32, #tpu.memory_space<vmem>>)
    %parallel_loop3A_309 = arith.constant 0 : i32
    %parallel_loop3A_310 = arith.constant 2048 : i32
    %parallel_loop3A_311 = arith.constant 1 : i32
    scf.for %parallel_loop3A_1461 = %parallel_loop3A_309 to %parallel_loop3A_310 step %parallel_loop3A_311  : i32 {
      %parallel_loop3A_1462 = arith.constant 5 : i32
      %parallel_loop3A_1463 = arith.shrui %parallel_loop3A_1461, %parallel_loop3A_1462 : i32
      %parallel_loop3A_1464 = arith.constant 31 : i32
      %parallel_loop3A_1465 = arith.andi %parallel_loop3A_1461, %parallel_loop3A_1464 : i32
      %parallel_loop3A_1466 = arith.constant 4 : i32
      %parallel_loop3A_1467 = arith.shli %parallel_loop3A_1465, %parallel_loop3A_1466 : i32
      %parallel_loop3A_1468 = arith.index_cast %parallel_loop3A_1463 : i32 to index
      %parallel_loop3A_1469 = arith.index_cast %parallel_loop3A_1467 : i32 to index
      %parallel_loop3A_1470 = tpu.vector_load %arg8[%parallel_loop3A_1468, %parallel_loop3A_1469] {strides = array<i32>} : memref<64x512xf32, #tpu.memory_space<vmem>>, vector<16xf32>,
      %parallel_loop3A_1471 = arith.mulf %parallel_loop3A_1470, %broadcast_in_dim3A_28 : vector<16xf32>
      %parallel_loop3A_1472 = arith.addf %parallel_loop3A_1471, %add3A_24 : vector<16xf32>
      %parallel_loop3A_1473 = vector.bitcast %parallel_loop3A_1472 : vector<16xf32> to vector<16xi32>
      %parallel_loop3A_1474 = arith.constant 1258291200 : i32
      %parallel_loop3A_1475 = vector.broadcast %parallel_loop3A_1474 : i32 to vector<16xi32>
      %parallel_loop3A_1476 = arith.subi %parallel_loop3A_1473, %parallel_loop3A_1475 : vector<16xi32>
      tpu.vector_store_idx %arg13[%parallel_loop3A_1476], %broadcast_in_dim3A_26 {add = true} : memref<4112xf32, #tpu.memory_space<vmem>>[vector<16xi32>], vector<16xf32>,
    } {sc.loop_unroll_factor = 16 : i64, sc.parallel_access}
    %add3A_312 = arith.constant 0 : i32
    %add3A_313 = arith.addi %mul3A_30, %add3A_312 : i32
    %jit3A_314 = arith.constant 6 : i32
    %div3A_315 = arith.divsi %add3A_313, %jit3A_314 : i32
    %sign3A_316 = arith.constant 0 : i32
    %sign3A_317 = arith.cmpi sgt, %add3A_313, %sign3A_316 : i32
    %sign3A_318 = arith.extui %sign3A_317 : i1 to i32
    %sign3A_319 = arith.constant 0 : i32
    %sign3A_320 = arith.cmpi slt, %add3A_313, %sign3A_319 : i32
    %sign3A_321 = arith.extui %sign3A_320 : i1 to i32
    %sign3A_322 = arith.subi %sign3A_318, %sign3A_321 : i32
    %sign3A_323 = arith.constant 0 : i32
    %sign3A_324 = arith.cmpi sgt, %jit3A_314, %sign3A_323 : i32
    %sign3A_325 = arith.extui %sign3A_324 : i1 to i32
    %sign3A_326 = arith.constant 0 : i32
    %sign3A_327 = arith.cmpi slt, %jit3A_314, %sign3A_326 : i32
    %sign3A_328 = arith.extui %sign3A_327 : i1 to i32
    %sign3A_329 = arith.subi %sign3A_325, %sign3A_328 : i32
    %ne3A_330 = arith.cmpi ne, %sign3A_322, %sign3A_329 : i32
    %rem3A_331 = arith.remsi %add3A_313, %jit3A_314 : i32
    %ne3A_332 = arith.constant 0 : i32
    %ne3A_333 = arith.cmpi ne, %rem3A_331, %ne3A_332 : i32
    %and3A_334 = arith.andi %ne3A_330, %ne3A_333 : i1
    %sub3A_335 = arith.constant 1 : i32
    %sub3A_336 = arith.subi %div3A_315, %sub3A_335 : i32
    %select_n3A_337 = arith.select %and3A_334, %sub3A_336, %div3A_315 : i32
    %jit3A_338 = arith.constant 6 : i32
    %eq3A_339 = arith.constant 0 : i32
    %eq3A_340 = arith.cmpi eq, %jit3A_338, %eq3A_339 : i32
    %jit3A_341 = arith.constant 1 : i32
    %select_n3A_342 = arith.select %eq3A_340, %jit3A_341, %jit3A_338 : i32
    %rem3A_343 = arith.remsi %add3A_313, %select_n3A_342 : i32
    %ne3A_344 = arith.constant 0 : i32
    %ne3A_345 = arith.cmpi ne, %rem3A_343, %ne3A_344 : i32
    %lt3A_346 = arith.constant 0 : i32
    %lt3A_347 = arith.cmpi slt, %rem3A_343, %lt3A_346 : i32
    %lt3A_348 = arith.constant 0 : i32
    %lt3A_349 = arith.cmpi slt, %select_n3A_342, %lt3A_348 : i32
    %ne3A_350 = arith.xori %lt3A_347, %lt3A_349 : i1
    %and3A_351 = arith.andi %ne3A_350, %ne3A_345 : i1
    %add3A_352 = arith.addi %rem3A_343, %select_n3A_342 : i32
    %select_n3A_353 = arith.select %and3A_351, %add3A_352, %rem3A_343 : i32
    %jit3A_354 = arith.constant 2 : i32
    %div3A_355 = arith.divsi %select_n3A_353, %jit3A_354 : i32
    %sign3A_356 = arith.constant 0 : i32
    %sign3A_357 = arith.cmpi sgt, %select_n3A_353, %sign3A_356 : i32
    %sign3A_358 = arith.extui %sign3A_357 : i1 to i32
    %sign3A_359 = arith.constant 0 : i32
    %sign3A_360 = arith.cmpi slt, %select_n3A_353, %sign3A_359 : i32
    %sign3A_361 = arith.extui %sign3A_360 : i1 to i32
    %sign3A_362 = arith.subi %sign3A_358, %sign3A_361 : i32
    %sign3A_363 = arith.constant 0 : i32
    %sign3A_364 = arith.cmpi sgt, %jit3A_354, %sign3A_363 : i32
    %sign3A_365 = arith.extui %sign3A_364 : i1 to i32
    %sign3A_366 = arith.constant 0 : i32
    %sign3A_367 = arith.cmpi slt, %jit3A_354, %sign3A_366 : i32
    %sign3A_368 = arith.extui %sign3A_367 : i1 to i32
    %sign3A_369 = arith.subi %sign3A_365, %sign3A_368 : i32
    %ne3A_370 = arith.cmpi ne, %sign3A_362, %sign3A_369 : i32
    %rem3A_371 = arith.remsi %select_n3A_353, %jit3A_354 : i32
    %ne3A_372 = arith.constant 0 : i32
    %ne3A_373 = arith.cmpi ne, %rem3A_371, %ne3A_372 : i32
    %and3A_374 = arith.andi %ne3A_370, %ne3A_373 : i1
    %sub3A_375 = arith.constant 1 : i32
    %sub3A_376 = arith.subi %div3A_355, %sub3A_375 : i32
    %select_n3A_377 = arith.select %and3A_374, %sub3A_376, %div3A_355 : i32
    %jit3A_378 = arith.constant 2 : i32
    %eq3A_379 = arith.constant 0 : i32
    %eq3A_380 = arith.cmpi eq, %jit3A_378, %eq3A_379 : i32
    %jit3A_381 = arith.constant 1 : i32
    %select_n3A_382 = arith.select %eq3A_380, %jit3A_381, %jit3A_378 : i32
    %rem3A_383 = arith.remsi %select_n3A_353, %select_n3A_382 : i32
    %ne3A_384 = arith.constant 0 : i32
    %ne3A_385 = arith.cmpi ne, %rem3A_383, %ne3A_384 : i32
    %lt3A_386 = arith.constant 0 : i32
    %lt3A_387 = arith.cmpi slt, %rem3A_383, %lt3A_386 : i32
    %lt3A_388 = arith.constant 0 : i32
    %lt3A_389 = arith.cmpi slt, %select_n3A_382, %lt3A_388 : i32
    %ne3A_390 = arith.xori %lt3A_387, %lt3A_389 : i1
    %and3A_391 = arith.andi %ne3A_390, %ne3A_385 : i1
    %add3A_392 = arith.addi %rem3A_383, %select_n3A_382 : i32
    %select_n3A_393 = arith.select %and3A_391, %add3A_392, %rem3A_383 : i32
    %mul3A_394 = arith.constant 256 : i32
    %mul3A_395 = arith.muli %select_n3A_393, %mul3A_394 : i32
    %add3A_396 = arith.constant 192 : i32
    %add3A_397 = arith.addi %mul3A_395, %add3A_396 : i32
    %dma_start3A_398 = arith.constant 0 : i32
    %dma_start3A_399 = tpu.memref_slice %arg2[%select_n3A_337, %select_n3A_377, %add3A_397, %dma_start3A_398] : memref<16x3x512x512xf32, #tpu.memory_space<hbm>> -> memref<1x1x64x512xf32, #tpu.memory_space<hbm>>
    %dma_start3A_400 = tpu.memref_squeeze %dma_start3A_399 : memref<1x1x64x512xf32, #tpu.memory_space<hbm>> -> memref<64x512xf32, #tpu.memory_space<hbm>>
    %dma_start3A_401 = arith.constant 0 : i32
    %dma_start3A_402 = tpu.memref_slice %arg2[%select_n3A_337, %select_n3A_377, %add3A_397, %dma_start3A_401] : memref<16x3x512x512xf32, #tpu.memory_space<hbm>> -> memref<1x1x64x512xf32, #tpu.memory_space<hbm>>
    %dma_start3A_403 = tpu.memref_squeeze %dma_start3A_402 : memref<1x1x64x512xf32, #tpu.memory_space<hbm>> -> memref<64x512xf32, #tpu.memory_space<hbm>>
    tpu.enqueue_dma source(%dma_start3A_403 : memref<64x512xf32, #tpu.memory_space<hbm>>) target(%arg8 : memref<64x512xf32, #tpu.memory_space<vmem>>) target_semaphore(%arg18 : memref<!tpu.dma_semaphore, #tpu.memory_space<semaphore_mem>>)
    %dma_wait3A_404 = arith.constant 0 : i32
    %dma_wait3A_405 = tpu.memref_slice %arg2[%select_n3A_236, %select_n3A_276, %add3A_296, %dma_wait3A_404] : memref<16x3x512x512xf32, #tpu.memory_space<hbm>> -> memref<1x1x64x512xf32, #tpu.memory_space<hbm>>
    %dma_wait3A_406 = tpu.memref_squeeze %dma_wait3A_405 : memref<1x1x64x512xf32, #tpu.memory_space<hbm>> -> memref<64x512xf32, #tpu.memory_space<hbm>>
    %dma_wait3A_407 = arith.constant 0 : i32
    %dma_wait3A_408 = tpu.memref_slice %arg2[%select_n3A_236, %select_n3A_276, %add3A_296, %dma_wait3A_407] : memref<16x3x512x512xf32, #tpu.memory_space<hbm>> -> memref<1x1x64x512xf32, #tpu.memory_space<hbm>>
    %dma_wait3A_409 = tpu.memref_squeeze %dma_wait3A_408 : memref<1x1x64x512xf32, #tpu.memory_space<hbm>> -> memref<64x512xf32, #tpu.memory_space<hbm>>
    tpu.wait_dma2 semaphore(%arg17 : memref<!tpu.dma_semaphore, #tpu.memory_space<semaphore_mem>>) src(%dma_wait3A_409 : memref<64x512xf32, #tpu.memory_space<hbm>>) dst(%arg7 : memref<64x512xf32, #tpu.memory_space<vmem>>)
    %parallel_loop3A_410 = arith.constant 0 : i32
    %parallel_loop3A_411 = arith.constant 2048 : i32
    %parallel_loop3A_412 = arith.constant 1 : i32
    scf.for %parallel_loop3A_1461 = %parallel_loop3A_410 to %parallel_loop3A_411 step %parallel_loop3A_412  : i32 {
      %parallel_loop3A_1462 = arith.constant 5 : i32
      %parallel_loop3A_1463 = arith.shrui %parallel_loop3A_1461, %parallel_loop3A_1462 : i32
      %parallel_loop3A_1464 = arith.constant 31 : i32
      %parallel_loop3A_1465 = arith.andi %parallel_loop3A_1461, %parallel_loop3A_1464 : i32
      %parallel_loop3A_1466 = arith.constant 4 : i32
      %parallel_loop3A_1467 = arith.shli %parallel_loop3A_1465, %parallel_loop3A_1466 : i32
      %parallel_loop3A_1468 = arith.index_cast %parallel_loop3A_1463 : i32 to index
      %parallel_loop3A_1469 = arith.index_cast %parallel_loop3A_1467 : i32 to index
      %parallel_loop3A_1470 = tpu.vector_load %arg7[%parallel_loop3A_1468, %parallel_loop3A_1469] {strides = array<i32>} : memref<64x512xf32, #tpu.memory_space<vmem>>, vector<16xf32>,
      %parallel_loop3A_1471 = arith.mulf %parallel_loop3A_1470, %broadcast_in_dim3A_28 : vector<16xf32>
      %parallel_loop3A_1472 = arith.addf %parallel_loop3A_1471, %add3A_24 : vector<16xf32>
      %parallel_loop3A_1473 = vector.bitcast %parallel_loop3A_1472 : vector<16xf32> to vector<16xi32>
      %parallel_loop3A_1474 = arith.constant 1258291200 : i32
      %parallel_loop3A_1475 = vector.broadcast %parallel_loop3A_1474 : i32 to vector<16xi32>
      %parallel_loop3A_1476 = arith.subi %parallel_loop3A_1473, %parallel_loop3A_1475 : vector<16xi32>
      tpu.vector_store_idx %arg13[%parallel_loop3A_1476], %broadcast_in_dim3A_26 {add = true} : memref<4112xf32, #tpu.memory_space<vmem>>[vector<16xi32>], vector<16xf32>,
    } {sc.loop_unroll_factor = 16 : i64, sc.parallel_access}
    %add3A_413 = arith.constant 1 : i32
    %add3A_414 = arith.addi %mul3A_30, %add3A_413 : i32
    %jit3A_415 = arith.constant 6 : i32
    %div3A_416 = arith.divsi %add3A_414, %jit3A_415 : i32
    %sign3A_417 = arith.constant 0 : i32
    %sign3A_418 = arith.cmpi sgt, %add3A_414, %sign3A_417 : i32
    %sign3A_419 = arith.extui %sign3A_418 : i1 to i32
    %sign3A_420 = arith.constant 0 : i32
    %sign3A_421 = arith.cmpi slt, %add3A_414, %sign3A_420 : i32
    %sign3A_422 = arith.extui %sign3A_421 : i1 to i32
    %sign3A_423 = arith.subi %sign3A_419, %sign3A_422 : i32
    %sign3A_424 = arith.constant 0 : i32
    %sign3A_425 = arith.cmpi sgt, %jit3A_415, %sign3A_424 : i32
    %sign3A_426 = arith.extui %sign3A_425 : i1 to i32
    %sign3A_427 = arith.constant 0 : i32
    %sign3A_428 = arith.cmpi slt, %jit3A_415, %sign3A_427 : i32
    %sign3A_429 = arith.extui %sign3A_428 : i1 to i32
    %sign3A_430 = arith.subi %sign3A_426, %sign3A_429 : i32
    %ne3A_431 = arith.cmpi ne, %sign3A_423, %sign3A_430 : i32
    %rem3A_432 = arith.remsi %add3A_414, %jit3A_415 : i32
    %ne3A_433 = arith.constant 0 : i32
    %ne3A_434 = arith.cmpi ne, %rem3A_432, %ne3A_433 : i32
    %and3A_435 = arith.andi %ne3A_431, %ne3A_434 : i1
    %sub3A_436 = arith.constant 1 : i32
    %sub3A_437 = arith.subi %div3A_416, %sub3A_436 : i32
    %select_n3A_438 = arith.select %and3A_435, %sub3A_437, %div3A_416 : i32
    %jit3A_439 = arith.constant 6 : i32
    %eq3A_440 = arith.constant 0 : i32
    %eq3A_441 = arith.cmpi eq, %jit3A_439, %eq3A_440 : i32
    %jit3A_442 = arith.constant 1 : i32
    %select_n3A_443 = arith.select %eq3A_441, %jit3A_442, %jit3A_439 : i32
    %rem3A_444 = arith.remsi %add3A_414, %select_n3A_443 : i32
    %ne3A_445 = arith.constant 0 : i32
    %ne3A_446 = arith.cmpi ne, %rem3A_444, %ne3A_445 : i32
    %lt3A_447 = arith.constant 0 : i32
    %lt3A_448 = arith.cmpi slt, %rem3A_444, %lt3A_447 : i32
    %lt3A_449 = arith.constant 0 : i32
    %lt3A_450 = arith.cmpi slt, %select_n3A_443, %lt3A_449 : i32
    %ne3A_451 = arith.xori %lt3A_448, %lt3A_450 : i1
    %and3A_452 = arith.andi %ne3A_451, %ne3A_446 : i1
    %add3A_453 = arith.addi %rem3A_444, %select_n3A_443 : i32
    %select_n3A_454 = arith.select %and3A_452, %add3A_453, %rem3A_444 : i32
    %jit3A_455 = arith.constant 2 : i32
    %div3A_456 = arith.divsi %select_n3A_454, %jit3A_455 : i32
    %sign3A_457 = arith.constant 0 : i32
    %sign3A_458 = arith.cmpi sgt, %select_n3A_454, %sign3A_457 : i32
    %sign3A_459 = arith.extui %sign3A_458 : i1 to i32
    %sign3A_460 = arith.constant 0 : i32
    %sign3A_461 = arith.cmpi slt, %select_n3A_454, %sign3A_460 : i32
    %sign3A_462 = arith.extui %sign3A_461 : i1 to i32
    %sign3A_463 = arith.subi %sign3A_459, %sign3A_462 : i32
    %sign3A_464 = arith.constant 0 : i32
    %sign3A_465 = arith.cmpi sgt, %jit3A_455, %sign3A_464 : i32
    %sign3A_466 = arith.extui %sign3A_465 : i1 to i32
    %sign3A_467 = arith.constant 0 : i32
    %sign3A_468 = arith.cmpi slt, %jit3A_455, %sign3A_467 : i32
    %sign3A_469 = arith.extui %sign3A_468 : i1 to i32
    %sign3A_470 = arith.subi %sign3A_466, %sign3A_469 : i32
    %ne3A_471 = arith.cmpi ne, %sign3A_463, %sign3A_470 : i32
    %rem3A_472 = arith.remsi %select_n3A_454, %jit3A_455 : i32
    %ne3A_473 = arith.constant 0 : i32
    %ne3A_474 = arith.cmpi ne, %rem3A_472, %ne3A_473 : i32
    %and3A_475 = arith.andi %ne3A_471, %ne3A_474 : i1
    %sub3A_476 = arith.constant 1 : i32
    %sub3A_477 = arith.subi %div3A_456, %sub3A_476 : i32
    %select_n3A_478 = arith.select %and3A_475, %sub3A_477, %div3A_456 : i32
    %jit3A_479 = arith.constant 2 : i32
    %eq3A_480 = arith.constant 0 : i32
    %eq3A_481 = arith.cmpi eq, %jit3A_479, %eq3A_480 : i32
    %jit3A_482 = arith.constant 1 : i32
    %select_n3A_483 = arith.select %eq3A_481, %jit3A_482, %jit3A_479 : i32
    %rem3A_484 = arith.remsi %select_n3A_454, %select_n3A_483 : i32
    %ne3A_485 = arith.constant 0 : i32
    %ne3A_486 = arith.cmpi ne, %rem3A_484, %ne3A_485 : i32
    %lt3A_487 = arith.constant 0 : i32
    %lt3A_488 = arith.cmpi slt, %rem3A_484, %lt3A_487 : i32
    %lt3A_489 = arith.constant 0 : i32
    %lt3A_490 = arith.cmpi slt, %select_n3A_483, %lt3A_489 : i32
    %ne3A_491 = arith.xori %lt3A_488, %lt3A_490 : i1
    %and3A_492 = arith.andi %ne3A_491, %ne3A_486 : i1
    %add3A_493 = arith.addi %rem3A_484, %select_n3A_483 : i32
    %select_n3A_494 = arith.select %and3A_492, %add3A_493, %rem3A_484 : i32
    %mul3A_495 = arith.constant 256 : i32
    %mul3A_496 = arith.muli %select_n3A_494, %mul3A_495 : i32
    %add3A_497 = arith.constant 0 : i32
    %add3A_498 = arith.addi %mul3A_496, %add3A_497 : i32
    %dma_start3A_499 = arith.constant 0 : i32
    %dma_start3A_500 = tpu.memref_slice %arg2[%select_n3A_438, %select_n3A_478, %add3A_498, %dma_start3A_499] : memref<16x3x512x512xf32, #tpu.memory_space<hbm>> -> memref<1x1x64x512xf32, #tpu.memory_space<hbm>>
    %dma_start3A_501 = tpu.memref_squeeze %dma_start3A_500 : memref<1x1x64x512xf32, #tpu.memory_space<hbm>> -> memref<64x512xf32, #tpu.memory_space<hbm>>
    %dma_start3A_502 = arith.constant 0 : i32
    %dma_start3A_503 = tpu.memref_slice %arg2[%select_n3A_438, %select_n3A_478, %add3A_498, %dma_start3A_502] : memref<16x3x512x512xf32, #tpu.memory_space<hbm>> -> memref<1x1x64x512xf32, #tpu.memory_space<hbm>>
    %dma_start3A_504 = tpu.memref_squeeze %dma_start3A_503 : memref<1x1x64x512xf32, #tpu.memory_space<hbm>> -> memref<64x512xf32, #tpu.memory_space<hbm>>
    tpu.enqueue_dma source(%dma_start3A_504 : memref<64x512xf32, #tpu.memory_space<hbm>>) target(%arg7 : memref<64x512xf32, #tpu.memory_space<vmem>>) target_semaphore(%arg17 : memref<!tpu.dma_semaphore, #tpu.memory_space<semaphore_mem>>)
    %dma_wait3A_505 = arith.constant 0 : i32
    %dma_wait3A_506 = tpu.memref_slice %arg2[%select_n3A_337, %select_n3A_377, %add3A_397, %dma_wait3A_505] : memref<16x3x512x512xf32, #tpu.memory_space<hbm>> -> memref<1x1x64x512xf32, #tpu.memory_space<hbm>>
    %dma_wait3A_507 = tpu.memref_squeeze %dma_wait3A_506 : memref<1x1x64x512xf32, #tpu.memory_space<hbm>> -> memref<64x512xf32, #tpu.memory_space<hbm>>
    %dma_wait3A_508 = arith.constant 0 : i32
    %dma_wait3A_509 = tpu.memref_slice %arg2[%select_n3A_337, %select_n3A_377, %add3A_397, %dma_wait3A_508] : memref<16x3x512x512xf32, #tpu.memory_space<hbm>> -> memref<1x1x64x512xf32, #tpu.memory_space<hbm>>
    %dma_wait3A_510 = tpu.memref_squeeze %dma_wait3A_509 : memref<1x1x64x512xf32, #tpu.memory_space<hbm>> -> memref<64x512xf32, #tpu.memory_space<hbm>>
    tpu.wait_dma2 semaphore(%arg18 : memref<!tpu.dma_semaphore, #tpu.memory_space<semaphore_mem>>) src(%dma_wait3A_510 : memref<64x512xf32, #tpu.memory_space<hbm>>) dst(%arg8 : memref<64x512xf32, #tpu.memory_space<vmem>>)
    %parallel_loop3A_511 = arith.constant 0 : i32
    %parallel_loop3A_512 = arith.constant 2048 : i32
    %parallel_loop3A_513 = arith.constant 1 : i32
    scf.for %parallel_loop3A_1461 = %parallel_loop3A_511 to %parallel_loop3A_512 step %parallel_loop3A_513  : i32 {
      %parallel_loop3A_1462 = arith.constant 5 : i32
      %parallel_loop3A_1463 = arith.shrui %parallel_loop3A_1461, %parallel_loop3A_1462 : i32
      %parallel_loop3A_1464 = arith.constant 31 : i32
      %parallel_loop3A_1465 = arith.andi %parallel_loop3A_1461, %parallel_loop3A_1464 : i32
      %parallel_loop3A_1466 = arith.constant 4 : i32
      %parallel_loop3A_1467 = arith.shli %parallel_loop3A_1465, %parallel_loop3A_1466 : i32
      %parallel_loop3A_1468 = arith.index_cast %parallel_loop3A_1463 : i32 to index
      %parallel_loop3A_1469 = arith.index_cast %parallel_loop3A_1467 : i32 to index
      %parallel_loop3A_1470 = tpu.vector_load %arg8[%parallel_loop3A_1468, %parallel_loop3A_1469] {strides = array<i32>} : memref<64x512xf32, #tpu.memory_space<vmem>>, vector<16xf32>,
      %parallel_loop3A_1471 = arith.mulf %parallel_loop3A_1470, %broadcast_in_dim3A_28 : vector<16xf32>
      %parallel_loop3A_1472 = arith.addf %parallel_loop3A_1471, %add3A_24 : vector<16xf32>
      %parallel_loop3A_1473 = vector.bitcast %parallel_loop3A_1472 : vector<16xf32> to vector<16xi32>
      %parallel_loop3A_1474 = arith.constant 1258291200 : i32
      %parallel_loop3A_1475 = vector.broadcast %parallel_loop3A_1474 : i32 to vector<16xi32>
      %parallel_loop3A_1476 = arith.subi %parallel_loop3A_1473, %parallel_loop3A_1475 : vector<16xi32>
      tpu.vector_store_idx %arg13[%parallel_loop3A_1476], %broadcast_in_dim3A_26 {add = true} : memref<4112xf32, #tpu.memory_space<vmem>>[vector<16xi32>], vector<16xf32>,
    } {sc.loop_unroll_factor = 16 : i64, sc.parallel_access}
    %add3A_514 = arith.constant 1 : i32
    %add3A_515 = arith.addi %mul3A_30, %add3A_514 : i32
    %jit3A_516 = arith.constant 6 : i32
    %div3A_517 = arith.divsi %add3A_515, %jit3A_516 : i32
    %sign3A_518 = arith.constant 0 : i32
    %sign3A_519 = arith.cmpi sgt, %add3A_515, %sign3A_518 : i32
    %sign3A_520 = arith.extui %sign3A_519 : i1 to i32
    %sign3A_521 = arith.constant 0 : i32
    %sign3A_522 = arith.cmpi slt, %add3A_515, %sign3A_521 : i32
    %sign3A_523 = arith.extui %sign3A_522 : i1 to i32
    %sign3A_524 = arith.subi %sign3A_520, %sign3A_523 : i32
    %sign3A_525 = arith.constant 0 : i32
    %sign3A_526 = arith.cmpi sgt, %jit3A_516, %sign3A_525 : i32
    %sign3A_527 = arith.extui %sign3A_526 : i1 to i32
    %sign3A_528 = arith.constant 0 : i32
    %sign3A_529 = arith.cmpi slt, %jit3A_516, %sign3A_528 : i32
    %sign3A_530 = arith.extui %sign3A_529 : i1 to i32
    %sign3A_531 = arith.subi %sign3A_527, %sign3A_530 : i32
    %ne3A_532 = arith.cmpi ne, %sign3A_524, %sign3A_531 : i32
    %rem3A_533 = arith.remsi %add3A_515, %jit3A_516 : i32
    %ne3A_534 = arith.constant 0 : i32
    %ne3A_535 = arith.cmpi ne, %rem3A_533, %ne3A_534 : i32
    %and3A_536 = arith.andi %ne3A_532, %ne3A_535 : i1
    %sub3A_537 = arith.constant 1 : i32
    %sub3A_538 = arith.subi %div3A_517, %sub3A_537 : i32
    %select_n3A_539 = arith.select %and3A_536, %sub3A_538, %div3A_517 : i32
    %jit3A_540 = arith.constant 6 : i32
    %eq3A_541 = arith.constant 0 : i32
    %eq3A_542 = arith.cmpi eq, %jit3A_540, %eq3A_541 : i32
    %jit3A_543 = arith.constant 1 : i32
    %select_n3A_544 = arith.select %eq3A_542, %jit3A_543, %jit3A_540 : i32
    %rem3A_545 = arith.remsi %add3A_515, %select_n3A_544 : i32
    %ne3A_546 = arith.constant 0 : i32
    %ne3A_547 = arith.cmpi ne, %rem3A_545, %ne3A_546 : i32
    %lt3A_548 = arith.constant 0 : i32
    %lt3A_549 = arith.cmpi slt, %rem3A_545, %lt3A_548 : i32
    %lt3A_550 = arith.constant 0 : i32
    %lt3A_551 = arith.cmpi slt, %select_n3A_544, %lt3A_550 : i32
    %ne3A_552 = arith.xori %lt3A_549, %lt3A_551 : i1
    %and3A_553 = arith.andi %ne3A_552, %ne3A_547 : i1
    %add3A_554 = arith.addi %rem3A_545, %select_n3A_544 : i32
    %select_n3A_555 = arith.select %and3A_553, %add3A_554, %rem3A_545 : i32
    %jit3A_556 = arith.constant 2 : i32
    %div3A_557 = arith.divsi %select_n3A_555, %jit3A_556 : i32
    %sign3A_558 = arith.constant 0 : i32
    %sign3A_559 = arith.cmpi sgt, %select_n3A_555, %sign3A_558 : i32
    %sign3A_560 = arith.extui %sign3A_559 : i1 to i32
    %sign3A_561 = arith.constant 0 : i32
    %sign3A_562 = arith.cmpi slt, %select_n3A_555, %sign3A_561 : i32
    %sign3A_563 = arith.extui %sign3A_562 : i1 to i32
    %sign3A_564 = arith.subi %sign3A_560, %sign3A_563 : i32
    %sign3A_565 = arith.constant 0 : i32
    %sign3A_566 = arith.cmpi sgt, %jit3A_556, %sign3A_565 : i32
    %sign3A_567 = arith.extui %sign3A_566 : i1 to i32
    %sign3A_568 = arith.constant 0 : i32
    %sign3A_569 = arith.cmpi slt, %jit3A_556, %sign3A_568 : i32
    %sign3A_570 = arith.extui %sign3A_569 : i1 to i32
    %sign3A_571 = arith.subi %sign3A_567, %sign3A_570 : i32
    %ne3A_572 = arith.cmpi ne, %sign3A_564, %sign3A_571 : i32
    %rem3A_573 = arith.remsi %select_n3A_555, %jit3A_556 : i32
    %ne3A_574 = arith.constant 0 : i32
    %ne3A_575 = arith.cmpi ne, %rem3A_573, %ne3A_574 : i32
    %and3A_576 = arith.andi %ne3A_572, %ne3A_575 : i1
    %sub3A_577 = arith.constant 1 : i32
    %sub3A_578 = arith.subi %div3A_557, %sub3A_577 : i32
    %select_n3A_579 = arith.select %and3A_576, %sub3A_578, %div3A_557 : i32
    %jit3A_580 = arith.constant 2 : i32
    %eq3A_581 = arith.constant 0 : i32
    %eq3A_582 = arith.cmpi eq, %jit3A_580, %eq3A_581 : i32
    %jit3A_583 = arith.constant 1 : i32
    %select_n3A_584 = arith.select %eq3A_582, %jit3A_583, %jit3A_580 : i32
    %rem3A_585 = arith.remsi %select_n3A_555, %select_n3A_584 : i32
    %ne3A_586 = arith.constant 0 : i32
    %ne3A_587 = arith.cmpi ne, %rem3A_585, %ne3A_586 : i32
    %lt3A_588 = arith.constant 0 : i32
    %lt3A_589 = arith.cmpi slt, %rem3A_585, %lt3A_588 : i32
    %lt3A_590 = arith.constant 0 : i32
    %lt3A_591 = arith.cmpi slt, %select_n3A_584, %lt3A_590 : i32
    %ne3A_592 = arith.xori %lt3A_589, %lt3A_591 : i1
    %and3A_593 = arith.andi %ne3A_592, %ne3A_587 : i1
    %add3A_594 = arith.addi %rem3A_585, %select_n3A_584 : i32
    %select_n3A_595 = arith.select %and3A_593, %add3A_594, %rem3A_585 : i32
    %mul3A_596 = arith.constant 256 : i32
    %mul3A_597 = arith.muli %select_n3A_595, %mul3A_596 : i32
    %add3A_598 = arith.constant 64 : i32
    %add3A_599 = arith.addi %mul3A_597, %add3A_598 : i32
    %dma_start3A_600 = arith.constant 0 : i32
    %dma_start3A_601 = tpu.memref_slice %arg2[%select_n3A_539, %select_n3A_579, %add3A_599, %dma_start3A_600] : memref<16x3x512x512xf32, #tpu.memory_space<hbm>> -> memref<1x1x64x512xf32, #tpu.memory_space<hbm>>
    %dma_start3A_602 = tpu.memref_squeeze %dma_start3A_601 : memref<1x1x64x512xf32, #tpu.memory_space<hbm>> -> memref<64x512xf32, #tpu.memory_space<hbm>>
    %dma_start3A_603 = arith.constant 0 : i32
    %dma_start3A_604 = tpu.memref_slice %arg2[%select_n3A_539, %select_n3A_579, %add3A_599, %dma_start3A_603] : memref<16x3x512x512xf32, #tpu.memory_space<hbm>> -> memref<1x1x64x512xf32, #tpu.memory_space<hbm>>
    %dma_start3A_605 = tpu.memref_squeeze %dma_start3A_604 : memref<1x1x64x512xf32, #tpu.memory_space<hbm>> -> memref<64x512xf32, #tpu.memory_space<hbm>>
    tpu.enqueue_dma source(%dma_start3A_605 : memref<64x512xf32, #tpu.memory_space<hbm>>) target(%arg8 : memref<64x512xf32, #tpu.memory_space<vmem>>) target_semaphore(%arg18 : memref<!tpu.dma_semaphore, #tpu.memory_space<semaphore_mem>>)
    %dma_wait3A_606 = arith.constant 0 : i32
    %dma_wait3A_607 = tpu.memref_slice %arg2[%select_n3A_438, %select_n3A_478, %add3A_498, %dma_wait3A_606] : memref<16x3x512x512xf32, #tpu.memory_space<hbm>> -> memref<1x1x64x512xf32, #tpu.memory_space<hbm>>
    %dma_wait3A_608 = tpu.memref_squeeze %dma_wait3A_607 : memref<1x1x64x512xf32, #tpu.memory_space<hbm>> -> memref<64x512xf32, #tpu.memory_space<hbm>>
    %dma_wait3A_609 = arith.constant 0 : i32
    %dma_wait3A_610 = tpu.memref_slice %arg2[%select_n3A_438, %select_n3A_478, %add3A_498, %dma_wait3A_609] : memref<16x3x512x512xf32, #tpu.memory_space<hbm>> -> memref<1x1x64x512xf32, #tpu.memory_space<hbm>>
    %dma_wait3A_611 = tpu.memref_squeeze %dma_wait3A_610 : memref<1x1x64x512xf32, #tpu.memory_space<hbm>> -> memref<64x512xf32, #tpu.memory_space<hbm>>
    tpu.wait_dma2 semaphore(%arg17 : memref<!tpu.dma_semaphore, #tpu.memory_space<semaphore_mem>>) src(%dma_wait3A_611 : memref<64x512xf32, #tpu.memory_space<hbm>>) dst(%arg7 : memref<64x512xf32, #tpu.memory_space<vmem>>)
    %parallel_loop3A_612 = arith.constant 0 : i32
    %parallel_loop3A_613 = arith.constant 2048 : i32
    %parallel_loop3A_614 = arith.constant 1 : i32
    scf.for %parallel_loop3A_1461 = %parallel_loop3A_612 to %parallel_loop3A_613 step %parallel_loop3A_614  : i32 {
      %parallel_loop3A_1462 = arith.constant 5 : i32
      %parallel_loop3A_1463 = arith.shrui %parallel_loop3A_1461, %parallel_loop3A_1462 : i32
      %parallel_loop3A_1464 = arith.constant 31 : i32
      %parallel_loop3A_1465 = arith.andi %parallel_loop3A_1461, %parallel_loop3A_1464 : i32
      %parallel_loop3A_1466 = arith.constant 4 : i32
      %parallel_loop3A_1467 = arith.shli %parallel_loop3A_1465, %parallel_loop3A_1466 : i32
      %parallel_loop3A_1468 = arith.index_cast %parallel_loop3A_1463 : i32 to index
      %parallel_loop3A_1469 = arith.index_cast %parallel_loop3A_1467 : i32 to index
      %parallel_loop3A_1470 = tpu.vector_load %arg7[%parallel_loop3A_1468, %parallel_loop3A_1469] {strides = array<i32>} : memref<64x512xf32, #tpu.memory_space<vmem>>, vector<16xf32>,
      %parallel_loop3A_1471 = arith.mulf %parallel_loop3A_1470, %broadcast_in_dim3A_28 : vector<16xf32>
      %parallel_loop3A_1472 = arith.addf %parallel_loop3A_1471, %add3A_24 : vector<16xf32>
      %parallel_loop3A_1473 = vector.bitcast %parallel_loop3A_1472 : vector<16xf32> to vector<16xi32>
      %parallel_loop3A_1474 = arith.constant 1258291200 : i32
      %parallel_loop3A_1475 = vector.broadcast %parallel_loop3A_1474 : i32 to vector<16xi32>
      %parallel_loop3A_1476 = arith.subi %parallel_loop3A_1473, %parallel_loop3A_1475 : vector<16xi32>
      tpu.vector_store_idx %arg13[%parallel_loop3A_1476], %broadcast_in_dim3A_26 {add = true} : memref<4112xf32, #tpu.memory_space<vmem>>[vector<16xi32>], vector<16xf32>,
    } {sc.loop_unroll_factor = 16 : i64, sc.parallel_access}
    %add3A_615 = arith.constant 1 : i32
    %add3A_616 = arith.addi %mul3A_30, %add3A_615 : i32
    %jit3A_617 = arith.constant 6 : i32
    %div3A_618 = arith.divsi %add3A_616, %jit3A_617 : i32
    %sign3A_619 = arith.constant 0 : i32
    %sign3A_620 = arith.cmpi sgt, %add3A_616, %sign3A_619 : i32
    %sign3A_621 = arith.extui %sign3A_620 : i1 to i32
    %sign3A_622 = arith.constant 0 : i32
    %sign3A_623 = arith.cmpi slt, %add3A_616, %sign3A_622 : i32
    %sign3A_624 = arith.extui %sign3A_623 : i1 to i32
    %sign3A_625 = arith.subi %sign3A_621, %sign3A_624 : i32
    %sign3A_626 = arith.constant 0 : i32
    %sign3A_627 = arith.cmpi sgt, %jit3A_617, %sign3A_626 : i32
    %sign3A_628 = arith.extui %sign3A_627 : i1 to i32
    %sign3A_629 = arith.constant 0 : i32
    %sign3A_630 = arith.cmpi slt, %jit3A_617, %sign3A_629 : i32
    %sign3A_631 = arith.extui %sign3A_630 : i1 to i32
    %sign3A_632 = arith.subi %sign3A_628, %sign3A_631 : i32
    %ne3A_633 = arith.cmpi ne, %sign3A_625, %sign3A_632 : i32
    %rem3A_634 = arith.remsi %add3A_616, %jit3A_617 : i32
    %ne3A_635 = arith.constant 0 : i32
    %ne3A_636 = arith.cmpi ne, %rem3A_634, %ne3A_635 : i32
    %and3A_637 = arith.andi %ne3A_633, %ne3A_636 : i1
    %sub3A_638 = arith.constant 1 : i32
    %sub3A_639 = arith.subi %div3A_618, %sub3A_638 : i32
    %select_n3A_640 = arith.select %and3A_637, %sub3A_639, %div3A_618 : i32
    %jit3A_641 = arith.constant 6 : i32
    %eq3A_642 = arith.constant 0 : i32
    %eq3A_643 = arith.cmpi eq, %jit3A_641, %eq3A_642 : i32
    %jit3A_644 = arith.constant 1 : i32
    %select_n3A_645 = arith.select %eq3A_643, %jit3A_644, %jit3A_641 : i32
    %rem3A_646 = arith.remsi %add3A_616, %select_n3A_645 : i32
    %ne3A_647 = arith.constant 0 : i32
    %ne3A_648 = arith.cmpi ne, %rem3A_646, %ne3A_647 : i32
    %lt3A_649 = arith.constant 0 : i32
    %lt3A_650 = arith.cmpi slt, %rem3A_646, %lt3A_649 : i32
    %lt3A_651 = arith.constant 0 : i32
    %lt3A_652 = arith.cmpi slt, %select_n3A_645, %lt3A_651 : i32
    %ne3A_653 = arith.xori %lt3A_650, %lt3A_652 : i1
    %and3A_654 = arith.andi %ne3A_653, %ne3A_648 : i1
    %add3A_655 = arith.addi %rem3A_646, %select_n3A_645 : i32
    %select_n3A_656 = arith.select %and3A_654, %add3A_655, %rem3A_646 : i32
    %jit3A_657 = arith.constant 2 : i32
    %div3A_658 = arith.divsi %select_n3A_656, %jit3A_657 : i32
    %sign3A_659 = arith.constant 0 : i32
    %sign3A_660 = arith.cmpi sgt, %select_n3A_656, %sign3A_659 : i32
    %sign3A_661 = arith.extui %sign3A_660 : i1 to i32
    %sign3A_662 = arith.constant 0 : i32
    %sign3A_663 = arith.cmpi slt, %select_n3A_656, %sign3A_662 : i32
    %sign3A_664 = arith.extui %sign3A_663 : i1 to i32
    %sign3A_665 = arith.subi %sign3A_661, %sign3A_664 : i32
    %sign3A_666 = arith.constant 0 : i32
    %sign3A_667 = arith.cmpi sgt, %jit3A_657, %sign3A_666 : i32
    %sign3A_668 = arith.extui %sign3A_667 : i1 to i32
    %sign3A_669 = arith.constant 0 : i32
    %sign3A_670 = arith.cmpi slt, %jit3A_657, %sign3A_669 : i32
    %sign3A_671 = arith.extui %sign3A_670 : i1 to i32
    %sign3A_672 = arith.subi %sign3A_668, %sign3A_671 : i32
    %ne3A_673 = arith.cmpi ne, %sign3A_665, %sign3A_672 : i32
    %rem3A_674 = arith.remsi %select_n3A_656, %jit3A_657 : i32
    %ne3A_675 = arith.constant 0 : i32
    %ne3A_676 = arith.cmpi ne, %rem3A_674, %ne3A_675 : i32
    %and3A_677 = arith.andi %ne3A_673, %ne3A_676 : i1
    %sub3A_678 = arith.constant 1 : i32
    %sub3A_679 = arith.subi %div3A_658, %sub3A_678 : i32
    %select_n3A_680 = arith.select %and3A_677, %sub3A_679, %div3A_658 : i32
    %jit3A_681 = arith.constant 2 : i32
    %eq3A_682 = arith.constant 0 : i32
    %eq3A_683 = arith.cmpi eq, %jit3A_681, %eq3A_682 : i32
    %jit3A_684 = arith.constant 1 : i32
    %select_n3A_685 = arith.select %eq3A_683, %jit3A_684, %jit3A_681 : i32
    %rem3A_686 = arith.remsi %select_n3A_656, %select_n3A_685 : i32
    %ne3A_687 = arith.constant 0 : i32
    %ne3A_688 = arith.cmpi ne, %rem3A_686, %ne3A_687 : i32
    %lt3A_689 = arith.constant 0 : i32
    %lt3A_690 = arith.cmpi slt, %rem3A_686, %lt3A_689 : i32
    %lt3A_691 = arith.constant 0 : i32
    %lt3A_692 = arith.cmpi slt, %select_n3A_685, %lt3A_691 : i32
    %ne3A_693 = arith.xori %lt3A_690, %lt3A_692 : i1
    %and3A_694 = arith.andi %ne3A_693, %ne3A_688 : i1
    %add3A_695 = arith.addi %rem3A_686, %select_n3A_685 : i32
    %select_n3A_696 = arith.select %and3A_694, %add3A_695, %rem3A_686 : i32
    %mul3A_697 = arith.constant 256 : i32
    %mul3A_698 = arith.muli %select_n3A_696, %mul3A_697 : i32
    %add3A_699 = arith.constant 128 : i32
    %add3A_700 = arith.addi %mul3A_698, %add3A_699 : i32
    %dma_start3A_701 = arith.constant 0 : i32
    %dma_start3A_702 = tpu.memref_slice %arg2[%select_n3A_640, %select_n3A_680, %add3A_700, %dma_start3A_701] : memref<16x3x512x512xf32, #tpu.memory_space<hbm>> -> memref<1x1x64x512xf32, #tpu.memory_space<hbm>>
    %dma_start3A_703 = tpu.memref_squeeze %dma_start3A_702 : memref<1x1x64x512xf32, #tpu.memory_space<hbm>> -> memref<64x512xf32, #tpu.memory_space<hbm>>
    %dma_start3A_704 = arith.constant 0 : i32
    %dma_start3A_705 = tpu.memref_slice %arg2[%select_n3A_640, %select_n3A_680, %add3A_700, %dma_start3A_704] : memref<16x3x512x512xf32, #tpu.memory_space<hbm>> -> memref<1x1x64x512xf32, #tpu.memory_space<hbm>>
    %dma_start3A_706 = tpu.memref_squeeze %dma_start3A_705 : memref<1x1x64x512xf32, #tpu.memory_space<hbm>> -> memref<64x512xf32, #tpu.memory_space<hbm>>
    tpu.enqueue_dma source(%dma_start3A_706 : memref<64x512xf32, #tpu.memory_space<hbm>>) target(%arg7 : memref<64x512xf32, #tpu.memory_space<vmem>>) target_semaphore(%arg17 : memref<!tpu.dma_semaphore, #tpu.memory_space<semaphore_mem>>)
    %dma_wait3A_707 = arith.constant 0 : i32
    %dma_wait3A_708 = tpu.memref_slice %arg2[%select_n3A_539, %select_n3A_579, %add3A_599, %dma_wait3A_707] : memref<16x3x512x512xf32, #tpu.memory_space<hbm>> -> memref<1x1x64x512xf32, #tpu.memory_space<hbm>>
    %dma_wait3A_709 = tpu.memref_squeeze %dma_wait3A_708 : memref<1x1x64x512xf32, #tpu.memory_space<hbm>> -> memref<64x512xf32, #tpu.memory_space<hbm>>
    %dma_wait3A_710 = arith.constant 0 : i32
    %dma_wait3A_711 = tpu.memref_slice %arg2[%select_n3A_539, %select_n3A_579, %add3A_599, %dma_wait3A_710] : memref<16x3x512x512xf32, #tpu.memory_space<hbm>> -> memref<1x1x64x512xf32, #tpu.memory_space<hbm>>
    %dma_wait3A_712 = tpu.memref_squeeze %dma_wait3A_711 : memref<1x1x64x512xf32, #tpu.memory_space<hbm>> -> memref<64x512xf32, #tpu.memory_space<hbm>>
    tpu.wait_dma2 semaphore(%arg18 : memref<!tpu.dma_semaphore, #tpu.memory_space<semaphore_mem>>) src(%dma_wait3A_712 : memref<64x512xf32, #tpu.memory_space<hbm>>) dst(%arg8 : memref<64x512xf32, #tpu.memory_space<vmem>>)
    %parallel_loop3A_713 = arith.constant 0 : i32
    %parallel_loop3A_714 = arith.constant 2048 : i32
    %parallel_loop3A_715 = arith.constant 1 : i32
    scf.for %parallel_loop3A_1461 = %parallel_loop3A_713 to %parallel_loop3A_714 step %parallel_loop3A_715  : i32 {
      %parallel_loop3A_1462 = arith.constant 5 : i32
      %parallel_loop3A_1463 = arith.shrui %parallel_loop3A_1461, %parallel_loop3A_1462 : i32
      %parallel_loop3A_1464 = arith.constant 31 : i32
      %parallel_loop3A_1465 = arith.andi %parallel_loop3A_1461, %parallel_loop3A_1464 : i32
      %parallel_loop3A_1466 = arith.constant 4 : i32
      %parallel_loop3A_1467 = arith.shli %parallel_loop3A_1465, %parallel_loop3A_1466 : i32
      %parallel_loop3A_1468 = arith.index_cast %parallel_loop3A_1463 : i32 to index
      %parallel_loop3A_1469 = arith.index_cast %parallel_loop3A_1467 : i32 to index
      %parallel_loop3A_1470 = tpu.vector_load %arg8[%parallel_loop3A_1468, %parallel_loop3A_1469] {strides = array<i32>} : memref<64x512xf32, #tpu.memory_space<vmem>>, vector<16xf32>,
      %parallel_loop3A_1471 = arith.mulf %parallel_loop3A_1470, %broadcast_in_dim3A_28 : vector<16xf32>
      %parallel_loop3A_1472 = arith.addf %parallel_loop3A_1471, %add3A_24 : vector<16xf32>
      %parallel_loop3A_1473 = vector.bitcast %parallel_loop3A_1472 : vector<16xf32> to vector<16xi32>
      %parallel_loop3A_1474 = arith.constant 1258291200 : i32
      %parallel_loop3A_1475 = vector.broadcast %parallel_loop3A_1474 : i32 to vector<16xi32>
      %parallel_loop3A_1476 = arith.subi %parallel_loop3A_1473, %parallel_loop3A_1475 : vector<16xi32>
      tpu.vector_store_idx %arg13[%parallel_loop3A_1476], %broadcast_in_dim3A_26 {add = true} : memref<4112xf32, #tpu.memory_space<vmem>>[vector<16xi32>], vector<16xf32>,
    } {sc.loop_unroll_factor = 16 : i64, sc.parallel_access}
    %add3A_716 = arith.constant 1 : i32
    %add3A_717 = arith.addi %mul3A_30, %add3A_716 : i32
    %jit3A_718 = arith.constant 6 : i32
    %div3A_719 = arith.divsi %add3A_717, %jit3A_718 : i32
    %sign3A_720 = arith.constant 0 : i32
    %sign3A_721 = arith.cmpi sgt, %add3A_717, %sign3A_720 : i32
    %sign3A_722 = arith.extui %sign3A_721 : i1 to i32
    %sign3A_723 = arith.constant 0 : i32
    %sign3A_724 = arith.cmpi slt, %add3A_717, %sign3A_723 : i32
    %sign3A_725 = arith.extui %sign3A_724 : i1 to i32
    %sign3A_726 = arith.subi %sign3A_722, %sign3A_725 : i32
    %sign3A_727 = arith.constant 0 : i32
    %sign3A_728 = arith.cmpi sgt, %jit3A_718, %sign3A_727 : i32
    %sign3A_729 = arith.extui %sign3A_728 : i1 to i32
    %sign3A_730 = arith.constant 0 : i32
    %sign3A_731 = arith.cmpi slt, %jit3A_718, %sign3A_730 : i32
    %sign3A_732 = arith.extui %sign3A_731 : i1 to i32
    %sign3A_733 = arith.subi %sign3A_729, %sign3A_732 : i32
    %ne3A_734 = arith.cmpi ne, %sign3A_726, %sign3A_733 : i32
    %rem3A_735 = arith.remsi %add3A_717, %jit3A_718 : i32
    %ne3A_736 = arith.constant 0 : i32
    %ne3A_737 = arith.cmpi ne, %rem3A_735, %ne3A_736 : i32
    %and3A_738 = arith.andi %ne3A_734, %ne3A_737 : i1
    %sub3A_739 = arith.constant 1 : i32
    %sub3A_740 = arith.subi %div3A_719, %sub3A_739 : i32
    %select_n3A_741 = arith.select %and3A_738, %sub3A_740, %div3A_719 : i32
    %jit3A_742 = arith.constant 6 : i32
    %eq3A_743 = arith.constant 0 : i32
    %eq3A_744 = arith.cmpi eq, %jit3A_742, %eq3A_743 : i32
    %jit3A_745 = arith.constant 1 : i32
    %select_n3A_746 = arith.select %eq3A_744, %jit3A_745, %jit3A_742 : i32
    %rem3A_747 = arith.remsi %add3A_717, %select_n3A_746 : i32
    %ne3A_748 = arith.constant 0 : i32
    %ne3A_749 = arith.cmpi ne, %rem3A_747, %ne3A_748 : i32
    %lt3A_750 = arith.constant 0 : i32
    %lt3A_751 = arith.cmpi slt, %rem3A_747, %lt3A_750 : i32
    %lt3A_752 = arith.constant 0 : i32
    %lt3A_753 = arith.cmpi slt, %select_n3A_746, %lt3A_752 : i32
    %ne3A_754 = arith.xori %lt3A_751, %lt3A_753 : i1
    %and3A_755 = arith.andi %ne3A_754, %ne3A_749 : i1
    %add3A_756 = arith.addi %rem3A_747, %select_n3A_746 : i32
    %select_n3A_757 = arith.select %and3A_755, %add3A_756, %rem3A_747 : i32
    %jit3A_758 = arith.constant 2 : i32
    %div3A_759 = arith.divsi %select_n3A_757, %jit3A_758 : i32
    %sign3A_760 = arith.constant 0 : i32
    %sign3A_761 = arith.cmpi sgt, %select_n3A_757, %sign3A_760 : i32
    %sign3A_762 = arith.extui %sign3A_761 : i1 to i32
    %sign3A_763 = arith.constant 0 : i32
    %sign3A_764 = arith.cmpi slt, %select_n3A_757, %sign3A_763 : i32
    %sign3A_765 = arith.extui %sign3A_764 : i1 to i32
    %sign3A_766 = arith.subi %sign3A_762, %sign3A_765 : i32
    %sign3A_767 = arith.constant 0 : i32
    %sign3A_768 = arith.cmpi sgt, %jit3A_758, %sign3A_767 : i32
    %sign3A_769 = arith.extui %sign3A_768 : i1 to i32
    %sign3A_770 = arith.constant 0 : i32
    %sign3A_771 = arith.cmpi slt, %jit3A_758, %sign3A_770 : i32
    %sign3A_772 = arith.extui %sign3A_771 : i1 to i32
    %sign3A_773 = arith.subi %sign3A_769, %sign3A_772 : i32
    %ne3A_774 = arith.cmpi ne, %sign3A_766, %sign3A_773 : i32
    %rem3A_775 = arith.remsi %select_n3A_757, %jit3A_758 : i32
    %ne3A_776 = arith.constant 0 : i32
    %ne3A_777 = arith.cmpi ne, %rem3A_775, %ne3A_776 : i32
    %and3A_778 = arith.andi %ne3A_774, %ne3A_777 : i1
    %sub3A_779 = arith.constant 1 : i32
    %sub3A_780 = arith.subi %div3A_759, %sub3A_779 : i32
    %select_n3A_781 = arith.select %and3A_778, %sub3A_780, %div3A_759 : i32
    %jit3A_782 = arith.constant 2 : i32
    %eq3A_783 = arith.constant 0 : i32
    %eq3A_784 = arith.cmpi eq, %jit3A_782, %eq3A_783 : i32
    %jit3A_785 = arith.constant 1 : i32
    %select_n3A_786 = arith.select %eq3A_784, %jit3A_785, %jit3A_782 : i32
    %rem3A_787 = arith.remsi %select_n3A_757, %select_n3A_786 : i32
    %ne3A_788 = arith.constant 0 : i32
    %ne3A_789 = arith.cmpi ne, %rem3A_787, %ne3A_788 : i32
    %lt3A_790 = arith.constant 0 : i32
    %lt3A_791 = arith.cmpi slt, %rem3A_787, %lt3A_790 : i32
    %lt3A_792 = arith.constant 0 : i32
    %lt3A_793 = arith.cmpi slt, %select_n3A_786, %lt3A_792 : i32
    %ne3A_794 = arith.xori %lt3A_791, %lt3A_793 : i1
    %and3A_795 = arith.andi %ne3A_794, %ne3A_789 : i1
    %add3A_796 = arith.addi %rem3A_787, %select_n3A_786 : i32
    %select_n3A_797 = arith.select %and3A_795, %add3A_796, %rem3A_787 : i32
    %mul3A_798 = arith.constant 256 : i32
    %mul3A_799 = arith.muli %select_n3A_797, %mul3A_798 : i32
    %add3A_800 = arith.constant 192 : i32
    %add3A_801 = arith.addi %mul3A_799, %add3A_800 : i32
    %dma_start3A_802 = arith.constant 0 : i32
    %dma_start3A_803 = tpu.memref_slice %arg2[%select_n3A_741, %select_n3A_781, %add3A_801, %dma_start3A_802] : memref<16x3x512x512xf32, #tpu.memory_space<hbm>> -> memref<1x1x64x512xf32, #tpu.memory_space<hbm>>
    %dma_start3A_804 = tpu.memref_squeeze %dma_start3A_803 : memref<1x1x64x512xf32, #tpu.memory_space<hbm>> -> memref<64x512xf32, #tpu.memory_space<hbm>>
    %dma_start3A_805 = arith.constant 0 : i32
    %dma_start3A_806 = tpu.memref_slice %arg2[%select_n3A_741, %select_n3A_781, %add3A_801, %dma_start3A_805] : memref<16x3x512x512xf32, #tpu.memory_space<hbm>> -> memref<1x1x64x512xf32, #tpu.memory_space<hbm>>
    %dma_start3A_807 = tpu.memref_squeeze %dma_start3A_806 : memref<1x1x64x512xf32, #tpu.memory_space<hbm>> -> memref<64x512xf32, #tpu.memory_space<hbm>>
    tpu.enqueue_dma source(%dma_start3A_807 : memref<64x512xf32, #tpu.memory_space<hbm>>) target(%arg8 : memref<64x512xf32, #tpu.memory_space<vmem>>) target_semaphore(%arg18 : memref<!tpu.dma_semaphore, #tpu.memory_space<semaphore_mem>>)
    %dma_wait3A_808 = arith.constant 0 : i32
    %dma_wait3A_809 = tpu.memref_slice %arg2[%select_n3A_640, %select_n3A_680, %add3A_700, %dma_wait3A_808] : memref<16x3x512x512xf32, #tpu.memory_space<hbm>> -> memref<1x1x64x512xf32, #tpu.memory_space<hbm>>
    %dma_wait3A_810 = tpu.memref_squeeze %dma_wait3A_809 : memref<1x1x64x512xf32, #tpu.memory_space<hbm>> -> memref<64x512xf32, #tpu.memory_space<hbm>>
    %dma_wait3A_811 = arith.constant 0 : i32
    %dma_wait3A_812 = tpu.memref_slice %arg2[%select_n3A_640, %select_n3A_680, %add3A_700, %dma_wait3A_811] : memref<16x3x512x512xf32, #tpu.memory_space<hbm>> -> memref<1x1x64x512xf32, #tpu.memory_space<hbm>>
    %dma_wait3A_813 = tpu.memref_squeeze %dma_wait3A_812 : memref<1x1x64x512xf32, #tpu.memory_space<hbm>> -> memref<64x512xf32, #tpu.memory_space<hbm>>
    tpu.wait_dma2 semaphore(%arg17 : memref<!tpu.dma_semaphore, #tpu.memory_space<semaphore_mem>>) src(%dma_wait3A_813 : memref<64x512xf32, #tpu.memory_space<hbm>>) dst(%arg7 : memref<64x512xf32, #tpu.memory_space<vmem>>)
    %parallel_loop3A_814 = arith.constant 0 : i32
    %parallel_loop3A_815 = arith.constant 2048 : i32
    %parallel_loop3A_816 = arith.constant 1 : i32
    scf.for %parallel_loop3A_1461 = %parallel_loop3A_814 to %parallel_loop3A_815 step %parallel_loop3A_816  : i32 {
      %parallel_loop3A_1462 = arith.constant 5 : i32
      %parallel_loop3A_1463 = arith.shrui %parallel_loop3A_1461, %parallel_loop3A_1462 : i32
      %parallel_loop3A_1464 = arith.constant 31 : i32
      %parallel_loop3A_1465 = arith.andi %parallel_loop3A_1461, %parallel_loop3A_1464 : i32
      %parallel_loop3A_1466 = arith.constant 4 : i32
      %parallel_loop3A_1467 = arith.shli %parallel_loop3A_1465, %parallel_loop3A_1466 : i32
      %parallel_loop3A_1468 = arith.index_cast %parallel_loop3A_1463 : i32 to index
      %parallel_loop3A_1469 = arith.index_cast %parallel_loop3A_1467 : i32 to index
      %parallel_loop3A_1470 = tpu.vector_load %arg7[%parallel_loop3A_1468, %parallel_loop3A_1469] {strides = array<i32>} : memref<64x512xf32, #tpu.memory_space<vmem>>, vector<16xf32>,
      %parallel_loop3A_1471 = arith.mulf %parallel_loop3A_1470, %broadcast_in_dim3A_28 : vector<16xf32>
      %parallel_loop3A_1472 = arith.addf %parallel_loop3A_1471, %add3A_24 : vector<16xf32>
      %parallel_loop3A_1473 = vector.bitcast %parallel_loop3A_1472 : vector<16xf32> to vector<16xi32>
      %parallel_loop3A_1474 = arith.constant 1258291200 : i32
      %parallel_loop3A_1475 = vector.broadcast %parallel_loop3A_1474 : i32 to vector<16xi32>
      %parallel_loop3A_1476 = arith.subi %parallel_loop3A_1473, %parallel_loop3A_1475 : vector<16xi32>
      tpu.vector_store_idx %arg13[%parallel_loop3A_1476], %broadcast_in_dim3A_26 {add = true} : memref<4112xf32, #tpu.memory_space<vmem>>[vector<16xi32>], vector<16xf32>,
    } {sc.loop_unroll_factor = 16 : i64, sc.parallel_access}
    %add3A_817 = arith.constant 2 : i32
    %add3A_818 = arith.addi %mul3A_30, %add3A_817 : i32
    %jit3A_819 = arith.constant 6 : i32
    %div3A_820 = arith.divsi %add3A_818, %jit3A_819 : i32
    %sign3A_821 = arith.constant 0 : i32
    %sign3A_822 = arith.cmpi sgt, %add3A_818, %sign3A_821 : i32
    %sign3A_823 = arith.extui %sign3A_822 : i1 to i32
    %sign3A_824 = arith.constant 0 : i32
    %sign3A_825 = arith.cmpi slt, %add3A_818, %sign3A_824 : i32
    %sign3A_826 = arith.extui %sign3A_825 : i1 to i32
    %sign3A_827 = arith.subi %sign3A_823, %sign3A_826 : i32
    %sign3A_828 = arith.constant 0 : i32
    %sign3A_829 = arith.cmpi sgt, %jit3A_819, %sign3A_828 : i32
    %sign3A_830 = arith.extui %sign3A_829 : i1 to i32
    %sign3A_831 = arith.constant 0 : i32
    %sign3A_832 = arith.cmpi slt, %jit3A_819, %sign3A_831 : i32
    %sign3A_833 = arith.extui %sign3A_832 : i1 to i32
    %sign3A_834 = arith.subi %sign3A_830, %sign3A_833 : i32
    %ne3A_835 = arith.cmpi ne, %sign3A_827, %sign3A_834 : i32
    %rem3A_836 = arith.remsi %add3A_818, %jit3A_819 : i32
    %ne3A_837 = arith.constant 0 : i32
    %ne3A_838 = arith.cmpi ne, %rem3A_836, %ne3A_837 : i32
    %and3A_839 = arith.andi %ne3A_835, %ne3A_838 : i1
    %sub3A_840 = arith.constant 1 : i32
    %sub3A_841 = arith.subi %div3A_820, %sub3A_840 : i32
    %select_n3A_842 = arith.select %and3A_839, %sub3A_841, %div3A_820 : i32
    %jit3A_843 = arith.constant 6 : i32
    %eq3A_844 = arith.constant 0 : i32
    %eq3A_845 = arith.cmpi eq, %jit3A_843, %eq3A_844 : i32
    %jit3A_846 = arith.constant 1 : i32
    %select_n3A_847 = arith.select %eq3A_845, %jit3A_846, %jit3A_843 : i32
    %rem3A_848 = arith.remsi %add3A_818, %select_n3A_847 : i32
    %ne3A_849 = arith.constant 0 : i32
    %ne3A_850 = arith.cmpi ne, %rem3A_848, %ne3A_849 : i32
    %lt3A_851 = arith.constant 0 : i32
    %lt3A_852 = arith.cmpi slt, %rem3A_848, %lt3A_851 : i32
    %lt3A_853 = arith.constant 0 : i32
    %lt3A_854 = arith.cmpi slt, %select_n3A_847, %lt3A_853 : i32
    %ne3A_855 = arith.xori %lt3A_852, %lt3A_854 : i1
    %and3A_856 = arith.andi %ne3A_855, %ne3A_850 : i1
    %add3A_857 = arith.addi %rem3A_848, %select_n3A_847 : i32
    %select_n3A_858 = arith.select %and3A_856, %add3A_857, %rem3A_848 : i32
    %jit3A_859 = arith.constant 2 : i32
    %div3A_860 = arith.divsi %select_n3A_858, %jit3A_859 : i32
    %sign3A_861 = arith.constant 0 : i32
    %sign3A_862 = arith.cmpi sgt, %select_n3A_858, %sign3A_861 : i32
    %sign3A_863 = arith.extui %sign3A_862 : i1 to i32
    %sign3A_864 = arith.constant 0 : i32
    %sign3A_865 = arith.cmpi slt, %select_n3A_858, %sign3A_864 : i32
    %sign3A_866 = arith.extui %sign3A_865 : i1 to i32
    %sign3A_867 = arith.subi %sign3A_863, %sign3A_866 : i32
    %sign3A_868 = arith.constant 0 : i32
    %sign3A_869 = arith.cmpi sgt, %jit3A_859, %sign3A_868 : i32
    %sign3A_870 = arith.extui %sign3A_869 : i1 to i32
    %sign3A_871 = arith.constant 0 : i32
    %sign3A_872 = arith.cmpi slt, %jit3A_859, %sign3A_871 : i32
    %sign3A_873 = arith.extui %sign3A_872 : i1 to i32
    %sign3A_874 = arith.subi %sign3A_870, %sign3A_873 : i32
    %ne3A_875 = arith.cmpi ne, %sign3A_867, %sign3A_874 : i32
    %rem3A_876 = arith.remsi %select_n3A_858, %jit3A_859 : i32
    %ne3A_877 = arith.constant 0 : i32
    %ne3A_878 = arith.cmpi ne, %rem3A_876, %ne3A_877 : i32
    %and3A_879 = arith.andi %ne3A_875, %ne3A_878 : i1
    %sub3A_880 = arith.constant 1 : i32
    %sub3A_881 = arith.subi %div3A_860, %sub3A_880 : i32
    %select_n3A_882 = arith.select %and3A_879, %sub3A_881, %div3A_860 : i32
    %jit3A_883 = arith.constant 2 : i32
    %eq3A_884 = arith.constant 0 : i32
    %eq3A_885 = arith.cmpi eq, %jit3A_883, %eq3A_884 : i32
    %jit3A_886 = arith.constant 1 : i32
    %select_n3A_887 = arith.select %eq3A_885, %jit3A_886, %jit3A_883 : i32
    %rem3A_888 = arith.remsi %select_n3A_858, %select_n3A_887 : i32
    %ne3A_889 = arith.constant 0 : i32
    %ne3A_890 = arith.cmpi ne, %rem3A_888, %ne3A_889 : i32
    %lt3A_891 = arith.constant 0 : i32
    %lt3A_892 = arith.cmpi slt, %rem3A_888, %lt3A_891 : i32
    %lt3A_893 = arith.constant 0 : i32
    %lt3A_894 = arith.cmpi slt, %select_n3A_887, %lt3A_893 : i32
    %ne3A_895 = arith.xori %lt3A_892, %lt3A_894 : i1
    %and3A_896 = arith.andi %ne3A_895, %ne3A_890 : i1
    %add3A_897 = arith.addi %rem3A_888, %select_n3A_887 : i32
    %select_n3A_898 = arith.select %and3A_896, %add3A_897, %rem3A_888 : i32
    %mul3A_899 = arith.constant 256 : i32
    %mul3A_900 = arith.muli %select_n3A_898, %mul3A_899 : i32
    %add3A_901 = arith.constant 0 : i32
    %add3A_902 = arith.addi %mul3A_900, %add3A_901 : i32
    %dma_start3A_903 = arith.constant 0 : i32
    %dma_start3A_904 = tpu.memref_slice %arg2[%select_n3A_842, %select_n3A_882, %add3A_902, %dma_start3A_903] : memref<16x3x512x512xf32, #tpu.memory_space<hbm>> -> memref<1x1x64x512xf32, #tpu.memory_space<hbm>>
    %dma_start3A_905 = tpu.memref_squeeze %dma_start3A_904 : memref<1x1x64x512xf32, #tpu.memory_space<hbm>> -> memref<64x512xf32, #tpu.memory_space<hbm>>
    %dma_start3A_906 = arith.constant 0 : i32
    %dma_start3A_907 = tpu.memref_slice %arg2[%select_n3A_842, %select_n3A_882, %add3A_902, %dma_start3A_906] : memref<16x3x512x512xf32, #tpu.memory_space<hbm>> -> memref<1x1x64x512xf32, #tpu.memory_space<hbm>>
    %dma_start3A_908 = tpu.memref_squeeze %dma_start3A_907 : memref<1x1x64x512xf32, #tpu.memory_space<hbm>> -> memref<64x512xf32, #tpu.memory_space<hbm>>
    tpu.enqueue_dma source(%dma_start3A_908 : memref<64x512xf32, #tpu.memory_space<hbm>>) target(%arg7 : memref<64x512xf32, #tpu.memory_space<vmem>>) target_semaphore(%arg17 : memref<!tpu.dma_semaphore, #tpu.memory_space<semaphore_mem>>)
    %dma_wait3A_909 = arith.constant 0 : i32
    %dma_wait3A_910 = tpu.memref_slice %arg2[%select_n3A_741, %select_n3A_781, %add3A_801, %dma_wait3A_909] : memref<16x3x512x512xf32, #tpu.memory_space<hbm>> -> memref<1x1x64x512xf32, #tpu.memory_space<hbm>>
    %dma_wait3A_911 = tpu.memref_squeeze %dma_wait3A_910 : memref<1x1x64x512xf32, #tpu.memory_space<hbm>> -> memref<64x512xf32, #tpu.memory_space<hbm>>
    %dma_wait3A_912 = arith.constant 0 : i32
    %dma_wait3A_913 = tpu.memref_slice %arg2[%select_n3A_741, %select_n3A_781, %add3A_801, %dma_wait3A_912] : memref<16x3x512x512xf32, #tpu.memory_space<hbm>> -> memref<1x1x64x512xf32, #tpu.memory_space<hbm>>
    %dma_wait3A_914 = tpu.memref_squeeze %dma_wait3A_913 : memref<1x1x64x512xf32, #tpu.memory_space<hbm>> -> memref<64x512xf32, #tpu.memory_space<hbm>>
    tpu.wait_dma2 semaphore(%arg18 : memref<!tpu.dma_semaphore, #tpu.memory_space<semaphore_mem>>) src(%dma_wait3A_914 : memref<64x512xf32, #tpu.memory_space<hbm>>) dst(%arg8 : memref<64x512xf32, #tpu.memory_space<vmem>>)
    %parallel_loop3A_915 = arith.constant 0 : i32
    %parallel_loop3A_916 = arith.constant 2048 : i32
    %parallel_loop3A_917 = arith.constant 1 : i32
    scf.for %parallel_loop3A_1461 = %parallel_loop3A_915 to %parallel_loop3A_916 step %parallel_loop3A_917  : i32 {
      %parallel_loop3A_1462 = arith.constant 5 : i32
      %parallel_loop3A_1463 = arith.shrui %parallel_loop3A_1461, %parallel_loop3A_1462 : i32
      %parallel_loop3A_1464 = arith.constant 31 : i32
      %parallel_loop3A_1465 = arith.andi %parallel_loop3A_1461, %parallel_loop3A_1464 : i32
      %parallel_loop3A_1466 = arith.constant 4 : i32
      %parallel_loop3A_1467 = arith.shli %parallel_loop3A_1465, %parallel_loop3A_1466 : i32
      %parallel_loop3A_1468 = arith.index_cast %parallel_loop3A_1463 : i32 to index
      %parallel_loop3A_1469 = arith.index_cast %parallel_loop3A_1467 : i32 to index
      %parallel_loop3A_1470 = tpu.vector_load %arg8[%parallel_loop3A_1468, %parallel_loop3A_1469] {strides = array<i32>} : memref<64x512xf32, #tpu.memory_space<vmem>>, vector<16xf32>,
      %parallel_loop3A_1471 = arith.mulf %parallel_loop3A_1470, %broadcast_in_dim3A_28 : vector<16xf32>
      %parallel_loop3A_1472 = arith.addf %parallel_loop3A_1471, %add3A_24 : vector<16xf32>
      %parallel_loop3A_1473 = vector.bitcast %parallel_loop3A_1472 : vector<16xf32> to vector<16xi32>
      %parallel_loop3A_1474 = arith.constant 1258291200 : i32
      %parallel_loop3A_1475 = vector.broadcast %parallel_loop3A_1474 : i32 to vector<16xi32>
      %parallel_loop3A_1476 = arith.subi %parallel_loop3A_1473, %parallel_loop3A_1475 : vector<16xi32>
      tpu.vector_store_idx %arg13[%parallel_loop3A_1476], %broadcast_in_dim3A_26 {add = true} : memref<4112xf32, #tpu.memory_space<vmem>>[vector<16xi32>], vector<16xf32>,
    } {sc.loop_unroll_factor = 16 : i64, sc.parallel_access}
    %add3A_918 = arith.constant 2 : i32
    %add3A_919 = arith.addi %mul3A_30, %add3A_918 : i32
    %jit3A_920 = arith.constant 6 : i32
    %div3A_921 = arith.divsi %add3A_919, %jit3A_920 : i32
    %sign3A_922 = arith.constant 0 : i32
    %sign3A_923 = arith.cmpi sgt, %add3A_919, %sign3A_922 : i32
    %sign3A_924 = arith.extui %sign3A_923 : i1 to i32
    %sign3A_925 = arith.constant 0 : i32
    %sign3A_926 = arith.cmpi slt, %add3A_919, %sign3A_925 : i32
    %sign3A_927 = arith.extui %sign3A_926 : i1 to i32
    %sign3A_928 = arith.subi %sign3A_924, %sign3A_927 : i32
    %sign3A_929 = arith.constant 0 : i32
    %sign3A_930 = arith.cmpi sgt, %jit3A_920, %sign3A_929 : i32
    %sign3A_931 = arith.extui %sign3A_930 : i1 to i32
    %sign3A_932 = arith.constant 0 : i32
    %sign3A_933 = arith.cmpi slt, %jit3A_920, %sign3A_932 : i32
    %sign3A_934 = arith.extui %sign3A_933 : i1 to i32
    %sign3A_935 = arith.subi %sign3A_931, %sign3A_934 : i32
    %ne3A_936 = arith.cmpi ne, %sign3A_928, %sign3A_935 : i32
    %rem3A_937 = arith.remsi %add3A_919, %jit3A_920 : i32
    %ne3A_938 = arith.constant 0 : i32
    %ne3A_939 = arith.cmpi ne, %rem3A_937, %ne3A_938 : i32
    %and3A_940 = arith.andi %ne3A_936, %ne3A_939 : i1
    %sub3A_941 = arith.constant 1 : i32
    %sub3A_942 = arith.subi %div3A_921, %sub3A_941 : i32
    %select_n3A_943 = arith.select %and3A_940, %sub3A_942, %div3A_921 : i32
    %jit3A_944 = arith.constant 6 : i32
    %eq3A_945 = arith.constant 0 : i32
    %eq3A_946 = arith.cmpi eq, %jit3A_944, %eq3A_945 : i32
    %jit3A_947 = arith.constant 1 : i32
    %select_n3A_948 = arith.select %eq3A_946, %jit3A_947, %jit3A_944 : i32
    %rem3A_949 = arith.remsi %add3A_919, %select_n3A_948 : i32
    %ne3A_950 = arith.constant 0 : i32
    %ne3A_951 = arith.cmpi ne, %rem3A_949, %ne3A_950 : i32
    %lt3A_952 = arith.constant 0 : i32
    %lt3A_953 = arith.cmpi slt, %rem3A_949, %lt3A_952 : i32
    %lt3A_954 = arith.constant 0 : i32
    %lt3A_955 = arith.cmpi slt, %select_n3A_948, %lt3A_954 : i32
    %ne3A_956 = arith.xori %lt3A_953, %lt3A_955 : i1
    %and3A_957 = arith.andi %ne3A_956, %ne3A_951 : i1
    %add3A_958 = arith.addi %rem3A_949, %select_n3A_948 : i32
    %select_n3A_959 = arith.select %and3A_957, %add3A_958, %rem3A_949 : i32
    %jit3A_960 = arith.constant 2 : i32
    %div3A_961 = arith.divsi %select_n3A_959, %jit3A_960 : i32
    %sign3A_962 = arith.constant 0 : i32
    %sign3A_963 = arith.cmpi sgt, %select_n3A_959, %sign3A_962 : i32
    %sign3A_964 = arith.extui %sign3A_963 : i1 to i32
    %sign3A_965 = arith.constant 0 : i32
    %sign3A_966 = arith.cmpi slt, %select_n3A_959, %sign3A_965 : i32
    %sign3A_967 = arith.extui %sign3A_966 : i1 to i32
    %sign3A_968 = arith.subi %sign3A_964, %sign3A_967 : i32
    %sign3A_969 = arith.constant 0 : i32
    %sign3A_970 = arith.cmpi sgt, %jit3A_960, %sign3A_969 : i32
    %sign3A_971 = arith.extui %sign3A_970 : i1 to i32
    %sign3A_972 = arith.constant 0 : i32
    %sign3A_973 = arith.cmpi slt, %jit3A_960, %sign3A_972 : i32
    %sign3A_974 = arith.extui %sign3A_973 : i1 to i32
    %sign3A_975 = arith.subi %sign3A_971, %sign3A_974 : i32
    %ne3A_976 = arith.cmpi ne, %sign3A_968, %sign3A_975 : i32
    %rem3A_977 = arith.remsi %select_n3A_959, %jit3A_960 : i32
    %ne3A_978 = arith.constant 0 : i32
    %ne3A_979 = arith.cmpi ne, %rem3A_977, %ne3A_978 : i32
    %and3A_980 = arith.andi %ne3A_976, %ne3A_979 : i1
    %sub3A_981 = arith.constant 1 : i32
    %sub3A_982 = arith.subi %div3A_961, %sub3A_981 : i32
    %select_n3A_983 = arith.select %and3A_980, %sub3A_982, %div3A_961 : i32
    %jit3A_984 = arith.constant 2 : i32
    %eq3A_985 = arith.constant 0 : i32
    %eq3A_986 = arith.cmpi eq, %jit3A_984, %eq3A_985 : i32
    %jit3A_987 = arith.constant 1 : i32
    %select_n3A_988 = arith.select %eq3A_986, %jit3A_987, %jit3A_984 : i32
    %rem3A_989 = arith.remsi %select_n3A_959, %select_n3A_988 : i32
    %ne3A_990 = arith.constant 0 : i32
    %ne3A_991 = arith.cmpi ne, %rem3A_989, %ne3A_990 : i32
    %lt3A_992 = arith.constant 0 : i32
    %lt3A_993 = arith.cmpi slt, %rem3A_989, %lt3A_992 : i32
    %lt3A_994 = arith.constant 0 : i32
    %lt3A_995 = arith.cmpi slt, %select_n3A_988, %lt3A_994 : i32
    %ne3A_996 = arith.xori %lt3A_993, %lt3A_995 : i1
    %and3A_997 = arith.andi %ne3A_996, %ne3A_991 : i1
    %add3A_998 = arith.addi %rem3A_989, %select_n3A_988 : i32
    %select_n3A_999 = arith.select %and3A_997, %add3A_998, %rem3A_989 : i32
    %mul3A_1000 = arith.constant 256 : i32
    %mul3A_1001 = arith.muli %select_n3A_999, %mul3A_1000 : i32
    %add3A_1002 = arith.constant 64 : i32
    %add3A_1003 = arith.addi %mul3A_1001, %add3A_1002 : i32
    %dma_start3A_1004 = arith.constant 0 : i32
    %dma_start3A_1005 = tpu.memref_slice %arg2[%select_n3A_943, %select_n3A_983, %add3A_1003, %dma_start3A_1004] : memref<16x3x512x512xf32, #tpu.memory_space<hbm>> -> memref<1x1x64x512xf32, #tpu.memory_space<hbm>>
    %dma_start3A_1006 = tpu.memref_squeeze %dma_start3A_1005 : memref<1x1x64x512xf32, #tpu.memory_space<hbm>> -> memref<64x512xf32, #tpu.memory_space<hbm>>
    %dma_start3A_1007 = arith.constant 0 : i32
    %dma_start3A_1008 = tpu.memref_slice %arg2[%select_n3A_943, %select_n3A_983, %add3A_1003, %dma_start3A_1007] : memref<16x3x512x512xf32, #tpu.memory_space<hbm>> -> memref<1x1x64x512xf32, #tpu.memory_space<hbm>>
    %dma_start3A_1009 = tpu.memref_squeeze %dma_start3A_1008 : memref<1x1x64x512xf32, #tpu.memory_space<hbm>> -> memref<64x512xf32, #tpu.memory_space<hbm>>
    tpu.enqueue_dma source(%dma_start3A_1009 : memref<64x512xf32, #tpu.memory_space<hbm>>) target(%arg8 : memref<64x512xf32, #tpu.memory_space<vmem>>) target_semaphore(%arg18 : memref<!tpu.dma_semaphore, #tpu.memory_space<semaphore_mem>>)
    %dma_wait3A_1010 = arith.constant 0 : i32
    %dma_wait3A_1011 = tpu.memref_slice %arg2[%select_n3A_842, %select_n3A_882, %add3A_902, %dma_wait3A_1010] : memref<16x3x512x512xf32, #tpu.memory_space<hbm>> -> memref<1x1x64x512xf32, #tpu.memory_space<hbm>>
    %dma_wait3A_1012 = tpu.memref_squeeze %dma_wait3A_1011 : memref<1x1x64x512xf32, #tpu.memory_space<hbm>> -> memref<64x512xf32, #tpu.memory_space<hbm>>
    %dma_wait3A_1013 = arith.constant 0 : i32
    %dma_wait3A_1014 = tpu.memref_slice %arg2[%select_n3A_842, %select_n3A_882, %add3A_902, %dma_wait3A_1013] : memref<16x3x512x512xf32, #tpu.memory_space<hbm>> -> memref<1x1x64x512xf32, #tpu.memory_space<hbm>>
    %dma_wait3A_1015 = tpu.memref_squeeze %dma_wait3A_1014 : memref<1x1x64x512xf32, #tpu.memory_space<hbm>> -> memref<64x512xf32, #tpu.memory_space<hbm>>
    tpu.wait_dma2 semaphore(%arg17 : memref<!tpu.dma_semaphore, #tpu.memory_space<semaphore_mem>>) src(%dma_wait3A_1015 : memref<64x512xf32, #tpu.memory_space<hbm>>) dst(%arg7 : memref<64x512xf32, #tpu.memory_space<vmem>>)
    %parallel_loop3A_1016 = arith.constant 0 : i32
    %parallel_loop3A_1017 = arith.constant 2048 : i32
    %parallel_loop3A_1018 = arith.constant 1 : i32
    scf.for %parallel_loop3A_1461 = %parallel_loop3A_1016 to %parallel_loop3A_1017 step %parallel_loop3A_1018  : i32 {
      %parallel_loop3A_1462 = arith.constant 5 : i32
      %parallel_loop3A_1463 = arith.shrui %parallel_loop3A_1461, %parallel_loop3A_1462 : i32
      %parallel_loop3A_1464 = arith.constant 31 : i32
      %parallel_loop3A_1465 = arith.andi %parallel_loop3A_1461, %parallel_loop3A_1464 : i32
      %parallel_loop3A_1466 = arith.constant 4 : i32
      %parallel_loop3A_1467 = arith.shli %parallel_loop3A_1465, %parallel_loop3A_1466 : i32
      %parallel_loop3A_1468 = arith.index_cast %parallel_loop3A_1463 : i32 to index
      %parallel_loop3A_1469 = arith.index_cast %parallel_loop3A_1467 : i32 to index
      %parallel_loop3A_1470 = tpu.vector_load %arg7[%parallel_loop3A_1468, %parallel_loop3A_1469] {strides = array<i32>} : memref<64x512xf32, #tpu.memory_space<vmem>>, vector<16xf32>,
      %parallel_loop3A_1471 = arith.mulf %parallel_loop3A_1470, %broadcast_in_dim3A_28 : vector<16xf32>
      %parallel_loop3A_1472 = arith.addf %parallel_loop3A_1471, %add3A_24 : vector<16xf32>
      %parallel_loop3A_1473 = vector.bitcast %parallel_loop3A_1472 : vector<16xf32> to vector<16xi32>
      %parallel_loop3A_1474 = arith.constant 1258291200 : i32
      %parallel_loop3A_1475 = vector.broadcast %parallel_loop3A_1474 : i32 to vector<16xi32>
      %parallel_loop3A_1476 = arith.subi %parallel_loop3A_1473, %parallel_loop3A_1475 : vector<16xi32>
      tpu.vector_store_idx %arg13[%parallel_loop3A_1476], %broadcast_in_dim3A_26 {add = true} : memref<4112xf32, #tpu.memory_space<vmem>>[vector<16xi32>], vector<16xf32>,
    } {sc.loop_unroll_factor = 16 : i64, sc.parallel_access}
    %add3A_1019 = arith.constant 2 : i32
    %add3A_1020 = arith.addi %mul3A_30, %add3A_1019 : i32
    %jit3A_1021 = arith.constant 6 : i32
    %div3A_1022 = arith.divsi %add3A_1020, %jit3A_1021 : i32
    %sign3A_1023 = arith.constant 0 : i32
    %sign3A_1024 = arith.cmpi sgt, %add3A_1020, %sign3A_1023 : i32
    %sign3A_1025 = arith.extui %sign3A_1024 : i1 to i32
    %sign3A_1026 = arith.constant 0 : i32
    %sign3A_1027 = arith.cmpi slt, %add3A_1020, %sign3A_1026 : i32
    %sign3A_1028 = arith.extui %sign3A_1027 : i1 to i32
    %sign3A_1029 = arith.subi %sign3A_1025, %sign3A_1028 : i32
    %sign3A_1030 = arith.constant 0 : i32
    %sign3A_1031 = arith.cmpi sgt, %jit3A_1021, %sign3A_1030 : i32
    %sign3A_1032 = arith.extui %sign3A_1031 : i1 to i32
    %sign3A_1033 = arith.constant 0 : i32
    %sign3A_1034 = arith.cmpi slt, %jit3A_1021, %sign3A_1033 : i32
    %sign3A_1035 = arith.extui %sign3A_1034 : i1 to i32
    %sign3A_1036 = arith.subi %sign3A_1032, %sign3A_1035 : i32
    %ne3A_1037 = arith.cmpi ne, %sign3A_1029, %sign3A_1036 : i32
    %rem3A_1038 = arith.remsi %add3A_1020, %jit3A_1021 : i32
    %ne3A_1039 = arith.constant 0 : i32
    %ne3A_1040 = arith.cmpi ne, %rem3A_1038, %ne3A_1039 : i32
    %and3A_1041 = arith.andi %ne3A_1037, %ne3A_1040 : i1
    %sub3A_1042 = arith.constant 1 : i32
    %sub3A_1043 = arith.subi %div3A_1022, %sub3A_1042 : i32
    %select_n3A_1044 = arith.select %and3A_1041, %sub3A_1043, %div3A_1022 : i32
    %jit3A_1045 = arith.constant 6 : i32
    %eq3A_1046 = arith.constant 0 : i32
    %eq3A_1047 = arith.cmpi eq, %jit3A_1045, %eq3A_1046 : i32
    %jit3A_1048 = arith.constant 1 : i32
    %select_n3A_1049 = arith.select %eq3A_1047, %jit3A_1048, %jit3A_1045 : i32
    %rem3A_1050 = arith.remsi %add3A_1020, %select_n3A_1049 : i32
    %ne3A_1051 = arith.constant 0 : i32
    %ne3A_1052 = arith.cmpi ne, %rem3A_1050, %ne3A_1051 : i32
    %lt3A_1053 = arith.constant 0 : i32
    %lt3A_1054 = arith.cmpi slt, %rem3A_1050, %lt3A_1053 : i32
    %lt3A_1055 = arith.constant 0 : i32
    %lt3A_1056 = arith.cmpi slt, %select_n3A_1049, %lt3A_1055 : i32
    %ne3A_1057 = arith.xori %lt3A_1054, %lt3A_1056 : i1
    %and3A_1058 = arith.andi %ne3A_1057, %ne3A_1052 : i1
    %add3A_1059 = arith.addi %rem3A_1050, %select_n3A_1049 : i32
    %select_n3A_1060 = arith.select %and3A_1058, %add3A_1059, %rem3A_1050 : i32
    %jit3A_1061 = arith.constant 2 : i32
    %div3A_1062 = arith.divsi %select_n3A_1060, %jit3A_1061 : i32
    %sign3A_1063 = arith.constant 0 : i32
    %sign3A_1064 = arith.cmpi sgt, %select_n3A_1060, %sign3A_1063 : i32
    %sign3A_1065 = arith.extui %sign3A_1064 : i1 to i32
    %sign3A_1066 = arith.constant 0 : i32
    %sign3A_1067 = arith.cmpi slt, %select_n3A_1060, %sign3A_1066 : i32
    %sign3A_1068 = arith.extui %sign3A_1067 : i1 to i32
    %sign3A_1069 = arith.subi %sign3A_1065, %sign3A_1068 : i32
    %sign3A_1070 = arith.constant 0 : i32
    %sign3A_1071 = arith.cmpi sgt, %jit3A_1061, %sign3A_1070 : i32
    %sign3A_1072 = arith.extui %sign3A_1071 : i1 to i32
    %sign3A_1073 = arith.constant 0 : i32
    %sign3A_1074 = arith.cmpi slt, %jit3A_1061, %sign3A_1073 : i32
    %sign3A_1075 = arith.extui %sign3A_1074 : i1 to i32
    %sign3A_1076 = arith.subi %sign3A_1072, %sign3A_1075 : i32
    %ne3A_1077 = arith.cmpi ne, %sign3A_1069, %sign3A_1076 : i32
    %rem3A_1078 = arith.remsi %select_n3A_1060, %jit3A_1061 : i32
    %ne3A_1079 = arith.constant 0 : i32
    %ne3A_1080 = arith.cmpi ne, %rem3A_1078, %ne3A_1079 : i32
    %and3A_1081 = arith.andi %ne3A_1077, %ne3A_1080 : i1
    %sub3A_1082 = arith.constant 1 : i32
    %sub3A_1083 = arith.subi %div3A_1062, %sub3A_1082 : i32
    %select_n3A_1084 = arith.select %and3A_1081, %sub3A_1083, %div3A_1062 : i32
    %jit3A_1085 = arith.constant 2 : i32
    %eq3A_1086 = arith.constant 0 : i32
    %eq3A_1087 = arith.cmpi eq, %jit3A_1085, %eq3A_1086 : i32
    %jit3A_1088 = arith.constant 1 : i32
    %select_n3A_1089 = arith.select %eq3A_1087, %jit3A_1088, %jit3A_1085 : i32
    %rem3A_1090 = arith.remsi %select_n3A_1060, %select_n3A_1089 : i32
    %ne3A_1091 = arith.constant 0 : i32
    %ne3A_1092 = arith.cmpi ne, %rem3A_1090, %ne3A_1091 : i32
    %lt3A_1093 = arith.constant 0 : i32
    %lt3A_1094 = arith.cmpi slt, %rem3A_1090, %lt3A_1093 : i32
    %lt3A_1095 = arith.constant 0 : i32
    %lt3A_1096 = arith.cmpi slt, %select_n3A_1089, %lt3A_1095 : i32
    %ne3A_1097 = arith.xori %lt3A_1094, %lt3A_1096 : i1
    %and3A_1098 = arith.andi %ne3A_1097, %ne3A_1092 : i1
    %add3A_1099 = arith.addi %rem3A_1090, %select_n3A_1089 : i32
    %select_n3A_1100 = arith.select %and3A_1098, %add3A_1099, %rem3A_1090 : i32
    %mul3A_1101 = arith.constant 256 : i32
    %mul3A_1102 = arith.muli %select_n3A_1100, %mul3A_1101 : i32
    %add3A_1103 = arith.constant 128 : i32
    %add3A_1104 = arith.addi %mul3A_1102, %add3A_1103 : i32
    %dma_start3A_1105 = arith.constant 0 : i32
    %dma_start3A_1106 = tpu.memref_slice %arg2[%select_n3A_1044, %select_n3A_1084, %add3A_1104, %dma_start3A_1105] : memref<16x3x512x512xf32, #tpu.memory_space<hbm>> -> memref<1x1x64x512xf32, #tpu.memory_space<hbm>>
    %dma_start3A_1107 = tpu.memref_squeeze %dma_start3A_1106 : memref<1x1x64x512xf32, #tpu.memory_space<hbm>> -> memref<64x512xf32, #tpu.memory_space<hbm>>
    %dma_start3A_1108 = arith.constant 0 : i32
    %dma_start3A_1109 = tpu.memref_slice %arg2[%select_n3A_1044, %select_n3A_1084, %add3A_1104, %dma_start3A_1108] : memref<16x3x512x512xf32, #tpu.memory_space<hbm>> -> memref<1x1x64x512xf32, #tpu.memory_space<hbm>>
    %dma_start3A_1110 = tpu.memref_squeeze %dma_start3A_1109 : memref<1x1x64x512xf32, #tpu.memory_space<hbm>> -> memref<64x512xf32, #tpu.memory_space<hbm>>
    tpu.enqueue_dma source(%dma_start3A_1110 : memref<64x512xf32, #tpu.memory_space<hbm>>) target(%arg7 : memref<64x512xf32, #tpu.memory_space<vmem>>) target_semaphore(%arg17 : memref<!tpu.dma_semaphore, #tpu.memory_space<semaphore_mem>>)
    %dma_wait3A_1111 = arith.constant 0 : i32
    %dma_wait3A_1112 = tpu.memref_slice %arg2[%select_n3A_943, %select_n3A_983, %add3A_1003, %dma_wait3A_1111] : memref<16x3x512x512xf32, #tpu.memory_space<hbm>> -> memref<1x1x64x512xf32, #tpu.memory_space<hbm>>
    %dma_wait3A_1113 = tpu.memref_squeeze %dma_wait3A_1112 : memref<1x1x64x512xf32, #tpu.memory_space<hbm>> -> memref<64x512xf32, #tpu.memory_space<hbm>>
    %dma_wait3A_1114 = arith.constant 0 : i32
    %dma_wait3A_1115 = tpu.memref_slice %arg2[%select_n3A_943, %select_n3A_983, %add3A_1003, %dma_wait3A_1114] : memref<16x3x512x512xf32, #tpu.memory_space<hbm>> -> memref<1x1x64x512xf32, #tpu.memory_space<hbm>>
    %dma_wait3A_1116 = tpu.memref_squeeze %dma_wait3A_1115 : memref<1x1x64x512xf32, #tpu.memory_space<hbm>> -> memref<64x512xf32, #tpu.memory_space<hbm>>
    tpu.wait_dma2 semaphore(%arg18 : memref<!tpu.dma_semaphore, #tpu.memory_space<semaphore_mem>>) src(%dma_wait3A_1116 : memref<64x512xf32, #tpu.memory_space<hbm>>) dst(%arg8 : memref<64x512xf32, #tpu.memory_space<vmem>>)
    %parallel_loop3A_1117 = arith.constant 0 : i32
    %parallel_loop3A_1118 = arith.constant 2048 : i32
    %parallel_loop3A_1119 = arith.constant 1 : i32
    scf.for %parallel_loop3A_1461 = %parallel_loop3A_1117 to %parallel_loop3A_1118 step %parallel_loop3A_1119  : i32 {
      %parallel_loop3A_1462 = arith.constant 5 : i32
      %parallel_loop3A_1463 = arith.shrui %parallel_loop3A_1461, %parallel_loop3A_1462 : i32
      %parallel_loop3A_1464 = arith.constant 31 : i32
      %parallel_loop3A_1465 = arith.andi %parallel_loop3A_1461, %parallel_loop3A_1464 : i32
      %parallel_loop3A_1466 = arith.constant 4 : i32
      %parallel_loop3A_1467 = arith.shli %parallel_loop3A_1465, %parallel_loop3A_1466 : i32
      %parallel_loop3A_1468 = arith.index_cast %parallel_loop3A_1463 : i32 to index
      %parallel_loop3A_1469 = arith.index_cast %parallel_loop3A_1467 : i32 to index
      %parallel_loop3A_1470 = tpu.vector_load %arg8[%parallel_loop3A_1468, %parallel_loop3A_1469] {strides = array<i32>} : memref<64x512xf32, #tpu.memory_space<vmem>>, vector<16xf32>,
      %parallel_loop3A_1471 = arith.mulf %parallel_loop3A_1470, %broadcast_in_dim3A_28 : vector<16xf32>
      %parallel_loop3A_1472 = arith.addf %parallel_loop3A_1471, %add3A_24 : vector<16xf32>
      %parallel_loop3A_1473 = vector.bitcast %parallel_loop3A_1472 : vector<16xf32> to vector<16xi32>
      %parallel_loop3A_1474 = arith.constant 1258291200 : i32
      %parallel_loop3A_1475 = vector.broadcast %parallel_loop3A_1474 : i32 to vector<16xi32>
      %parallel_loop3A_1476 = arith.subi %parallel_loop3A_1473, %parallel_loop3A_1475 : vector<16xi32>
      tpu.vector_store_idx %arg13[%parallel_loop3A_1476], %broadcast_in_dim3A_26 {add = true} : memref<4112xf32, #tpu.memory_space<vmem>>[vector<16xi32>], vector<16xf32>,
    } {sc.loop_unroll_factor = 16 : i64, sc.parallel_access}
    %add3A_1120 = arith.constant 2 : i32
    %add3A_1121 = arith.addi %mul3A_30, %add3A_1120 : i32
    %jit3A_1122 = arith.constant 6 : i32
    %div3A_1123 = arith.divsi %add3A_1121, %jit3A_1122 : i32
    %sign3A_1124 = arith.constant 0 : i32
    %sign3A_1125 = arith.cmpi sgt, %add3A_1121, %sign3A_1124 : i32
    %sign3A_1126 = arith.extui %sign3A_1125 : i1 to i32
    %sign3A_1127 = arith.constant 0 : i32
    %sign3A_1128 = arith.cmpi slt, %add3A_1121, %sign3A_1127 : i32
    %sign3A_1129 = arith.extui %sign3A_1128 : i1 to i32
    %sign3A_1130 = arith.subi %sign3A_1126, %sign3A_1129 : i32
    %sign3A_1131 = arith.constant 0 : i32
    %sign3A_1132 = arith.cmpi sgt, %jit3A_1122, %sign3A_1131 : i32
    %sign3A_1133 = arith.extui %sign3A_1132 : i1 to i32
    %sign3A_1134 = arith.constant 0 : i32
    %sign3A_1135 = arith.cmpi slt, %jit3A_1122, %sign3A_1134 : i32
    %sign3A_1136 = arith.extui %sign3A_1135 : i1 to i32
    %sign3A_1137 = arith.subi %sign3A_1133, %sign3A_1136 : i32
    %ne3A_1138 = arith.cmpi ne, %sign3A_1130, %sign3A_1137 : i32
    %rem3A_1139 = arith.remsi %add3A_1121, %jit3A_1122 : i32
    %ne3A_1140 = arith.constant 0 : i32
    %ne3A_1141 = arith.cmpi ne, %rem3A_1139, %ne3A_1140 : i32
    %and3A_1142 = arith.andi %ne3A_1138, %ne3A_1141 : i1
    %sub3A_1143 = arith.constant 1 : i32
    %sub3A_1144 = arith.subi %div3A_1123, %sub3A_1143 : i32
    %select_n3A_1145 = arith.select %and3A_1142, %sub3A_1144, %div3A_1123 : i32
    %jit3A_1146 = arith.constant 6 : i32
    %eq3A_1147 = arith.constant 0 : i32
    %eq3A_1148 = arith.cmpi eq, %jit3A_1146, %eq3A_1147 : i32
    %jit3A_1149 = arith.constant 1 : i32
    %select_n3A_1150 = arith.select %eq3A_1148, %jit3A_1149, %jit3A_1146 : i32
    %rem3A_1151 = arith.remsi %add3A_1121, %select_n3A_1150 : i32
    %ne3A_1152 = arith.constant 0 : i32
    %ne3A_1153 = arith.cmpi ne, %rem3A_1151, %ne3A_1152 : i32
    %lt3A_1154 = arith.constant 0 : i32
    %lt3A_1155 = arith.cmpi slt, %rem3A_1151, %lt3A_1154 : i32
    %lt3A_1156 = arith.constant 0 : i32
    %lt3A_1157 = arith.cmpi slt, %select_n3A_1150, %lt3A_1156 : i32
    %ne3A_1158 = arith.xori %lt3A_1155, %lt3A_1157 : i1
    %and3A_1159 = arith.andi %ne3A_1158, %ne3A_1153 : i1
    %add3A_1160 = arith.addi %rem3A_1151, %select_n3A_1150 : i32
    %select_n3A_1161 = arith.select %and3A_1159, %add3A_1160, %rem3A_1151 : i32
    %jit3A_1162 = arith.constant 2 : i32
    %div3A_1163 = arith.divsi %select_n3A_1161, %jit3A_1162 : i32
    %sign3A_1164 = arith.constant 0 : i32
    %sign3A_1165 = arith.cmpi sgt, %select_n3A_1161, %sign3A_1164 : i32
    %sign3A_1166 = arith.extui %sign3A_1165 : i1 to i32
    %sign3A_1167 = arith.constant 0 : i32
    %sign3A_1168 = arith.cmpi slt, %select_n3A_1161, %sign3A_1167 : i32
    %sign3A_1169 = arith.extui %sign3A_1168 : i1 to i32
    %sign3A_1170 = arith.subi %sign3A_1166, %sign3A_1169 : i32
    %sign3A_1171 = arith.constant 0 : i32
    %sign3A_1172 = arith.cmpi sgt, %jit3A_1162, %sign3A_1171 : i32
    %sign3A_1173 = arith.extui %sign3A_1172 : i1 to i32
    %sign3A_1174 = arith.constant 0 : i32
    %sign3A_1175 = arith.cmpi slt, %jit3A_1162, %sign3A_1174 : i32
    %sign3A_1176 = arith.extui %sign3A_1175 : i1 to i32
    %sign3A_1177 = arith.subi %sign3A_1173, %sign3A_1176 : i32
    %ne3A_1178 = arith.cmpi ne, %sign3A_1170, %sign3A_1177 : i32
    %rem3A_1179 = arith.remsi %select_n3A_1161, %jit3A_1162 : i32
    %ne3A_1180 = arith.constant 0 : i32
    %ne3A_1181 = arith.cmpi ne, %rem3A_1179, %ne3A_1180 : i32
    %and3A_1182 = arith.andi %ne3A_1178, %ne3A_1181 : i1
    %sub3A_1183 = arith.constant 1 : i32
    %sub3A_1184 = arith.subi %div3A_1163, %sub3A_1183 : i32
    %select_n3A_1185 = arith.select %and3A_1182, %sub3A_1184, %div3A_1163 : i32
    %jit3A_1186 = arith.constant 2 : i32
    %eq3A_1187 = arith.constant 0 : i32
    %eq3A_1188 = arith.cmpi eq, %jit3A_1186, %eq3A_1187 : i32
    %jit3A_1189 = arith.constant 1 : i32
    %select_n3A_1190 = arith.select %eq3A_1188, %jit3A_1189, %jit3A_1186 : i32
    %rem3A_1191 = arith.remsi %select_n3A_1161, %select_n3A_1190 : i32
    %ne3A_1192 = arith.constant 0 : i32
    %ne3A_1193 = arith.cmpi ne, %rem3A_1191, %ne3A_1192 : i32
    %lt3A_1194 = arith.constant 0 : i32
    %lt3A_1195 = arith.cmpi slt, %rem3A_1191, %lt3A_1194 : i32
    %lt3A_1196 = arith.constant 0 : i32
    %lt3A_1197 = arith.cmpi slt, %select_n3A_1190, %lt3A_1196 : i32
    %ne3A_1198 = arith.xori %lt3A_1195, %lt3A_1197 : i1
    %and3A_1199 = arith.andi %ne3A_1198, %ne3A_1193 : i1
    %add3A_1200 = arith.addi %rem3A_1191, %select_n3A_1190 : i32
    %select_n3A_1201 = arith.select %and3A_1199, %add3A_1200, %rem3A_1191 : i32
    %mul3A_1202 = arith.constant 256 : i32
    %mul3A_1203 = arith.muli %select_n3A_1201, %mul3A_1202 : i32
    %add3A_1204 = arith.constant 192 : i32
    %add3A_1205 = arith.addi %mul3A_1203, %add3A_1204 : i32
    %dma_start3A_1206 = arith.constant 0 : i32
    %dma_start3A_1207 = tpu.memref_slice %arg2[%select_n3A_1145, %select_n3A_1185, %add3A_1205, %dma_start3A_1206] : memref<16x3x512x512xf32, #tpu.memory_space<hbm>> -> memref<1x1x64x512xf32, #tpu.memory_space<hbm>>
    %dma_start3A_1208 = tpu.memref_squeeze %dma_start3A_1207 : memref<1x1x64x512xf32, #tpu.memory_space<hbm>> -> memref<64x512xf32, #tpu.memory_space<hbm>>
    %dma_start3A_1209 = arith.constant 0 : i32
    %dma_start3A_1210 = tpu.memref_slice %arg2[%select_n3A_1145, %select_n3A_1185, %add3A_1205, %dma_start3A_1209] : memref<16x3x512x512xf32, #tpu.memory_space<hbm>> -> memref<1x1x64x512xf32, #tpu.memory_space<hbm>>
    %dma_start3A_1211 = tpu.memref_squeeze %dma_start3A_1210 : memref<1x1x64x512xf32, #tpu.memory_space<hbm>> -> memref<64x512xf32, #tpu.memory_space<hbm>>
    tpu.enqueue_dma source(%dma_start3A_1211 : memref<64x512xf32, #tpu.memory_space<hbm>>) target(%arg8 : memref<64x512xf32, #tpu.memory_space<vmem>>) target_semaphore(%arg18 : memref<!tpu.dma_semaphore, #tpu.memory_space<semaphore_mem>>)
    %dma_wait3A_1212 = arith.constant 0 : i32
    %dma_wait3A_1213 = tpu.memref_slice %arg2[%select_n3A_1044, %select_n3A_1084, %add3A_1104, %dma_wait3A_1212] : memref<16x3x512x512xf32, #tpu.memory_space<hbm>> -> memref<1x1x64x512xf32, #tpu.memory_space<hbm>>
    %dma_wait3A_1214 = tpu.memref_squeeze %dma_wait3A_1213 : memref<1x1x64x512xf32, #tpu.memory_space<hbm>> -> memref<64x512xf32, #tpu.memory_space<hbm>>
    %dma_wait3A_1215 = arith.constant 0 : i32
    %dma_wait3A_1216 = tpu.memref_slice %arg2[%select_n3A_1044, %select_n3A_1084, %add3A_1104, %dma_wait3A_1215] : memref<16x3x512x512xf32, #tpu.memory_space<hbm>> -> memref<1x1x64x512xf32, #tpu.memory_space<hbm>>
    %dma_wait3A_1217 = tpu.memref_squeeze %dma_wait3A_1216 : memref<1x1x64x512xf32, #tpu.memory_space<hbm>> -> memref<64x512xf32, #tpu.memory_space<hbm>>
    tpu.wait_dma2 semaphore(%arg17 : memref<!tpu.dma_semaphore, #tpu.memory_space<semaphore_mem>>) src(%dma_wait3A_1217 : memref<64x512xf32, #tpu.memory_space<hbm>>) dst(%arg7 : memref<64x512xf32, #tpu.memory_space<vmem>>)
    %parallel_loop3A_1218 = arith.constant 0 : i32
    %parallel_loop3A_1219 = arith.constant 2048 : i32
    %parallel_loop3A_1220 = arith.constant 1 : i32
    scf.for %parallel_loop3A_1461 = %parallel_loop3A_1218 to %parallel_loop3A_1219 step %parallel_loop3A_1220  : i32 {
      %parallel_loop3A_1462 = arith.constant 5 : i32
      %parallel_loop3A_1463 = arith.shrui %parallel_loop3A_1461, %parallel_loop3A_1462 : i32
      %parallel_loop3A_1464 = arith.constant 31 : i32
      %parallel_loop3A_1465 = arith.andi %parallel_loop3A_1461, %parallel_loop3A_1464 : i32
      %parallel_loop3A_1466 = arith.constant 4 : i32
      %parallel_loop3A_1467 = arith.shli %parallel_loop3A_1465, %parallel_loop3A_1466 : i32
      %parallel_loop3A_1468 = arith.index_cast %parallel_loop3A_1463 : i32 to index
      %parallel_loop3A_1469 = arith.index_cast %parallel_loop3A_1467 : i32 to index
      %parallel_loop3A_1470 = tpu.vector_load %arg7[%parallel_loop3A_1468, %parallel_loop3A_1469] {strides = array<i32>} : memref<64x512xf32, #tpu.memory_space<vmem>>, vector<16xf32>,
      %parallel_loop3A_1471 = arith.mulf %parallel_loop3A_1470, %broadcast_in_dim3A_28 : vector<16xf32>
      %parallel_loop3A_1472 = arith.addf %parallel_loop3A_1471, %add3A_24 : vector<16xf32>
      %parallel_loop3A_1473 = vector.bitcast %parallel_loop3A_1472 : vector<16xf32> to vector<16xi32>
      %parallel_loop3A_1474 = arith.constant 1258291200 : i32
      %parallel_loop3A_1475 = vector.broadcast %parallel_loop3A_1474 : i32 to vector<16xi32>
      %parallel_loop3A_1476 = arith.subi %parallel_loop3A_1473, %parallel_loop3A_1475 : vector<16xi32>
      tpu.vector_store_idx %arg13[%parallel_loop3A_1476], %broadcast_in_dim3A_26 {add = true} : memref<4112xf32, #tpu.memory_space<vmem>>[vector<16xi32>], vector<16xf32>,
    } {sc.loop_unroll_factor = 16 : i64, sc.parallel_access}
    %dma_wait3A_1221 = arith.constant 0 : i32
    %dma_wait3A_1222 = tpu.memref_slice %arg2[%select_n3A_1145, %select_n3A_1185, %add3A_1205, %dma_wait3A_1221] : memref<16x3x512x512xf32, #tpu.memory_space<hbm>> -> memref<1x1x64x512xf32, #tpu.memory_space<hbm>>
    %dma_wait3A_1223 = tpu.memref_squeeze %dma_wait3A_1222 : memref<1x1x64x512xf32, #tpu.memory_space<hbm>> -> memref<64x512xf32, #tpu.memory_space<hbm>>
    %dma_wait3A_1224 = arith.constant 0 : i32
    %dma_wait3A_1225 = tpu.memref_slice %arg2[%select_n3A_1145, %select_n3A_1185, %add3A_1205, %dma_wait3A_1224] : memref<16x3x512x512xf32, #tpu.memory_space<hbm>> -> memref<1x1x64x512xf32, #tpu.memory_space<hbm>>
    %dma_wait3A_1226 = tpu.memref_squeeze %dma_wait3A_1225 : memref<1x1x64x512xf32, #tpu.memory_space<hbm>> -> memref<64x512xf32, #tpu.memory_space<hbm>>
    tpu.wait_dma2 semaphore(%arg18 : memref<!tpu.dma_semaphore, #tpu.memory_space<semaphore_mem>>) src(%dma_wait3A_1226 : memref<64x512xf32, #tpu.memory_space<hbm>>) dst(%arg8 : memref<64x512xf32, #tpu.memory_space<vmem>>)
    %parallel_loop3A_1227 = arith.constant 0 : i32
    %parallel_loop3A_1228 = arith.constant 2048 : i32
    %parallel_loop3A_1229 = arith.constant 1 : i32
    scf.for %parallel_loop3A_1461 = %parallel_loop3A_1227 to %parallel_loop3A_1228 step %parallel_loop3A_1229  : i32 {
      %parallel_loop3A_1462 = arith.constant 5 : i32
      %parallel_loop3A_1463 = arith.shrui %parallel_loop3A_1461, %parallel_loop3A_1462 : i32
      %parallel_loop3A_1464 = arith.constant 31 : i32
      %parallel_loop3A_1465 = arith.andi %parallel_loop3A_1461, %parallel_loop3A_1464 : i32
      %parallel_loop3A_1466 = arith.constant 4 : i32
      %parallel_loop3A_1467 = arith.shli %parallel_loop3A_1465, %parallel_loop3A_1466 : i32
      %parallel_loop3A_1468 = arith.index_cast %parallel_loop3A_1463 : i32 to index
      %parallel_loop3A_1469 = arith.index_cast %parallel_loop3A_1467 : i32 to index
      %parallel_loop3A_1470 = tpu.vector_load %arg8[%parallel_loop3A_1468, %parallel_loop3A_1469] {strides = array<i32>} : memref<64x512xf32, #tpu.memory_space<vmem>>, vector<16xf32>,
      %parallel_loop3A_1471 = arith.mulf %parallel_loop3A_1470, %broadcast_in_dim3A_28 : vector<16xf32>
      %parallel_loop3A_1472 = arith.addf %parallel_loop3A_1471, %add3A_24 : vector<16xf32>
      %parallel_loop3A_1473 = vector.bitcast %parallel_loop3A_1472 : vector<16xf32> to vector<16xi32>
      %parallel_loop3A_1474 = arith.constant 1258291200 : i32
      %parallel_loop3A_1475 = vector.broadcast %parallel_loop3A_1474 : i32 to vector<16xi32>
      %parallel_loop3A_1476 = arith.subi %parallel_loop3A_1473, %parallel_loop3A_1475 : vector<16xi32>
      tpu.vector_store_idx %arg13[%parallel_loop3A_1476], %broadcast_in_dim3A_26 {add = true} : memref<4112xf32, #tpu.memory_space<vmem>>[vector<16xi32>], vector<16xf32>,
    } {sc.loop_unroll_factor = 16 : i64, sc.parallel_access}
    %convert_element_type3A_1230 = arith.sitofp %mul3A_21 : vector<16xi32> to vector<16xf32>
    %mul3A_1231 = arith.mulf %get3A_16, %get3A_18 : vector<16xf32>
    %sub3A_1232 = arith.subf %convert_element_type3A_1230, %mul3A_1231 : vector<16xf32>
    %mul3A_1233 = arith.constant 8 : i32
    %mul3A_1234 = arith.muli %add3A, %mul3A_1233 : i32
    %add3A_1235 = arith.constant 0 : i32
    %add3A_1236 = arith.addi %mul3A_1234, %add3A_1235 : i32
    %mul3A_1237 = arith.constant 64 : i32
    %mul3A_1238 = arith.muli %add3A_1236, %mul3A_1237 : i32
    %dma_start3A_1239 = arith.constant 0 : i32
    %dma_start3A_1240 = tpu.memref_slice %arg3[%mul3A_1238, %dma_start3A_1239] : memref<16384x192xf32, #tpu.memory_space<hbm>> -> memref<64x128xf32, #tpu.memory_space<hbm>>
    %dma_start3A_1241 = arith.constant 0 : i32
    %dma_start3A_1242 = tpu.memref_slice %arg3[%mul3A_1238, %dma_start3A_1241] : memref<16384x192xf32, #tpu.memory_space<hbm>> -> memref<64x128xf32, #tpu.memory_space<hbm>>
    tpu.enqueue_dma source(%dma_start3A_1242 : memref<64x128xf32, #tpu.memory_space<hbm>>) target(%arg9 : memref<64x128xf32, #tpu.memory_space<vmem>>) target_semaphore(%arg17 : memref<!tpu.dma_semaphore, #tpu.memory_space<semaphore_mem>>)
    %dma_start3A_1243 = arith.constant 128 : i32
    %dma_start3A_1244 = tpu.memref_slice %arg3[%mul3A_1238, %dma_start3A_1243] : memref<16384x192xf32, #tpu.memory_space<hbm>> -> memref<64x64xf32, #tpu.memory_space<hbm>>
    %dma_start3A_1245 = arith.constant 128 : i32
    %dma_start3A_1246 = tpu.memref_slice %arg3[%mul3A_1238, %dma_start3A_1245] : memref<16384x192xf32, #tpu.memory_space<hbm>> -> memref<64x64xf32, #tpu.memory_space<hbm>>
    tpu.enqueue_dma source(%dma_start3A_1246 : memref<64x64xf32, #tpu.memory_space<hbm>>) target(%arg11 : memref<64x64xf32, #tpu.memory_space<vmem>>) target_semaphore(%arg17 : memref<!tpu.dma_semaphore, #tpu.memory_space<semaphore_mem>>)
    %mul3A_1247 = arith.constant 8 : i32
    %mul3A_1248 = arith.muli %add3A, %mul3A_1247 : i32
    %add3A_1249 = arith.constant 1 : i32
    %add3A_1250 = arith.addi %mul3A_1248, %add3A_1249 : i32
    %mul3A_1251 = arith.constant 64 : i32
    %mul3A_1252 = arith.muli %add3A_1250, %mul3A_1251 : i32
    %dma_start3A_1253 = arith.constant 0 : i32
    %dma_start3A_1254 = tpu.memref_slice %arg3[%mul3A_1252, %dma_start3A_1253] : memref<16384x192xf32, #tpu.memory_space<hbm>> -> memref<64x128xf32, #tpu.memory_space<hbm>>
    %dma_start3A_1255 = arith.constant 0 : i32
    %dma_start3A_1256 = tpu.memref_slice %arg3[%mul3A_1252, %dma_start3A_1255] : memref<16384x192xf32, #tpu.memory_space<hbm>> -> memref<64x128xf32, #tpu.memory_space<hbm>>
    tpu.enqueue_dma source(%dma_start3A_1256 : memref<64x128xf32, #tpu.memory_space<hbm>>) target(%arg10 : memref<64x128xf32, #tpu.memory_space<vmem>>) target_semaphore(%arg18 : memref<!tpu.dma_semaphore, #tpu.memory_space<semaphore_mem>>)
    %dma_start3A_1257 = arith.constant 128 : i32
    %dma_start3A_1258 = tpu.memref_slice %arg3[%mul3A_1252, %dma_start3A_1257] : memref<16384x192xf32, #tpu.memory_space<hbm>> -> memref<64x64xf32, #tpu.memory_space<hbm>>
    %dma_start3A_1259 = arith.constant 128 : i32
    %dma_start3A_1260 = tpu.memref_slice %arg3[%mul3A_1252, %dma_start3A_1259] : memref<16384x192xf32, #tpu.memory_space<hbm>> -> memref<64x64xf32, #tpu.memory_space<hbm>>
    tpu.enqueue_dma source(%dma_start3A_1260 : memref<64x64xf32, #tpu.memory_space<hbm>>) target(%arg12 : memref<64x64xf32, #tpu.memory_space<vmem>>) target_semaphore(%arg18 : memref<!tpu.dma_semaphore, #tpu.memory_space<semaphore_mem>>)
    %dma_wait3A_1261 = arith.constant 0 : i32
    %dma_wait3A_1262 = tpu.memref_slice %arg3[%mul3A_1238, %dma_wait3A_1261] : memref<16384x192xf32, #tpu.memory_space<hbm>> -> memref<64x128xf32, #tpu.memory_space<hbm>>
    %dma_wait3A_1263 = arith.constant 0 : i32
    %dma_wait3A_1264 = tpu.memref_slice %arg3[%mul3A_1238, %dma_wait3A_1263] : memref<16384x192xf32, #tpu.memory_space<hbm>> -> memref<64x128xf32, #tpu.memory_space<hbm>>
    tpu.wait_dma2 semaphore(%arg17 : memref<!tpu.dma_semaphore, #tpu.memory_space<semaphore_mem>>) src(%dma_wait3A_1264 : memref<64x128xf32, #tpu.memory_space<hbm>>) dst(%arg9 : memref<64x128xf32, #tpu.memory_space<vmem>>)
    %parallel_loop3A_1265 = arith.constant 0 : i32
    %parallel_loop3A_1266 = arith.constant 512 : i32
    %parallel_loop3A_1267 = arith.constant 1 : i32
    scf.for %parallel_loop3A_1461 = %parallel_loop3A_1265 to %parallel_loop3A_1266 step %parallel_loop3A_1267  : i32 {
      %parallel_loop3A_1462 = arith.constant 3 : i32
      %parallel_loop3A_1463 = arith.shrui %parallel_loop3A_1461, %parallel_loop3A_1462 : i32
      %parallel_loop3A_1464 = arith.constant 7 : i32
      %parallel_loop3A_1465 = arith.andi %parallel_loop3A_1461, %parallel_loop3A_1464 : i32
      %parallel_loop3A_1466 = arith.constant 4 : i32
      %parallel_loop3A_1467 = arith.shli %parallel_loop3A_1465, %parallel_loop3A_1466 : i32
      %parallel_loop3A_1468 = arith.index_cast %parallel_loop3A_1463 : i32 to index
      %parallel_loop3A_1469 = arith.index_cast %parallel_loop3A_1467 : i32 to index
      %parallel_loop3A_1470 = tpu.vector_load %arg9[%parallel_loop3A_1468, %parallel_loop3A_1469] {strides = array<i32>} : memref<64x128xf32, #tpu.memory_space<vmem>>, vector<16xf32>,
      %parallel_loop3A_1471 = arith.mulf %parallel_loop3A_1470, %get3A_18 : vector<16xf32>
      %parallel_loop3A_1472 = arith.addf %parallel_loop3A_1471, %sub3A_1232 : vector<16xf32>
      %parallel_loop3A_1473 = arith.fptosi %parallel_loop3A_1472 : vector<16xf32> to vector<16xi32>
      tpu.vector_store_idx %arg14[%parallel_loop3A_1473], %broadcast_in_dim3A_26 {add = true} : memref<4112xf32, #tpu.memory_space<vmem>>[vector<16xi32>], vector<16xf32>,
    } {sc.loop_unroll_factor = 16 : i64, sc.parallel_access}
    %dma_wait3A_1268 = arith.constant 128 : i32
    %dma_wait3A_1269 = tpu.memref_slice %arg3[%mul3A_1238, %dma_wait3A_1268] : memref<16384x192xf32, #tpu.memory_space<hbm>> -> memref<64x64xf32, #tpu.memory_space<hbm>>
    %dma_wait3A_1270 = arith.constant 128 : i32
    %dma_wait3A_1271 = tpu.memref_slice %arg3[%mul3A_1238, %dma_wait3A_1270] : memref<16384x192xf32, #tpu.memory_space<hbm>> -> memref<64x64xf32, #tpu.memory_space<hbm>>
    tpu.wait_dma2 semaphore(%arg17 : memref<!tpu.dma_semaphore, #tpu.memory_space<semaphore_mem>>) src(%dma_wait3A_1271 : memref<64x64xf32, #tpu.memory_space<hbm>>) dst(%arg11 : memref<64x64xf32, #tpu.memory_space<vmem>>)
    %parallel_loop3A_1272 = arith.constant 0 : i32
    %parallel_loop3A_1273 = arith.constant 256 : i32
    %parallel_loop3A_1274 = arith.constant 1 : i32
    scf.for %parallel_loop3A_1461 = %parallel_loop3A_1272 to %parallel_loop3A_1273 step %parallel_loop3A_1274  : i32 {
      %parallel_loop3A_1462 = arith.constant 2 : i32
      %parallel_loop3A_1463 = arith.shrui %parallel_loop3A_1461, %parallel_loop3A_1462 : i32
      %parallel_loop3A_1464 = arith.constant 3 : i32
      %parallel_loop3A_1465 = arith.andi %parallel_loop3A_1461, %parallel_loop3A_1464 : i32
      %parallel_loop3A_1466 = arith.constant 4 : i32
      %parallel_loop3A_1467 = arith.shli %parallel_loop3A_1465, %parallel_loop3A_1466 : i32
      %parallel_loop3A_1468 = arith.index_cast %parallel_loop3A_1463 : i32 to index
      %parallel_loop3A_1469 = arith.index_cast %parallel_loop3A_1467 : i32 to index
      %parallel_loop3A_1470 = tpu.vector_load %arg11[%parallel_loop3A_1468, %parallel_loop3A_1469] {strides = array<i32>} : memref<64x64xf32, #tpu.memory_space<vmem>>, vector<16xf32>,
      %parallel_loop3A_1471 = arith.mulf %parallel_loop3A_1470, %get3A_18 : vector<16xf32>
      %parallel_loop3A_1472 = arith.addf %parallel_loop3A_1471, %sub3A_1232 : vector<16xf32>
      %parallel_loop3A_1473 = arith.fptosi %parallel_loop3A_1472 : vector<16xf32> to vector<16xi32>
      tpu.vector_store_idx %arg14[%parallel_loop3A_1473], %broadcast_in_dim3A_26 {add = true} : memref<4112xf32, #tpu.memory_space<vmem>>[vector<16xi32>], vector<16xf32>,
    } {sc.loop_unroll_factor = 16 : i64, sc.parallel_access}
    %mul3A_1275 = arith.constant 8 : i32
    %mul3A_1276 = arith.muli %add3A, %mul3A_1275 : i32
    %add3A_1277 = arith.constant 2 : i32
    %add3A_1278 = arith.addi %mul3A_1276, %add3A_1277 : i32
    %mul3A_1279 = arith.constant 64 : i32
    %mul3A_1280 = arith.muli %add3A_1278, %mul3A_1279 : i32
    %dma_start3A_1281 = arith.constant 0 : i32
    %dma_start3A_1282 = tpu.memref_slice %arg3[%mul3A_1280, %dma_start3A_1281] : memref<16384x192xf32, #tpu.memory_space<hbm>> -> memref<64x128xf32, #tpu.memory_space<hbm>>
    %dma_start3A_1283 = arith.constant 0 : i32
    %dma_start3A_1284 = tpu.memref_slice %arg3[%mul3A_1280, %dma_start3A_1283] : memref<16384x192xf32, #tpu.memory_space<hbm>> -> memref<64x128xf32, #tpu.memory_space<hbm>>
    tpu.enqueue_dma source(%dma_start3A_1284 : memref<64x128xf32, #tpu.memory_space<hbm>>) target(%arg9 : memref<64x128xf32, #tpu.memory_space<vmem>>) target_semaphore(%arg17 : memref<!tpu.dma_semaphore, #tpu.memory_space<semaphore_mem>>)
    %dma_start3A_1285 = arith.constant 128 : i32
    %dma_start3A_1286 = tpu.memref_slice %arg3[%mul3A_1280, %dma_start3A_1285] : memref<16384x192xf32, #tpu.memory_space<hbm>> -> memref<64x64xf32, #tpu.memory_space<hbm>>
    %dma_start3A_1287 = arith.constant 128 : i32
    %dma_start3A_1288 = tpu.memref_slice %arg3[%mul3A_1280, %dma_start3A_1287] : memref<16384x192xf32, #tpu.memory_space<hbm>> -> memref<64x64xf32, #tpu.memory_space<hbm>>
    tpu.enqueue_dma source(%dma_start3A_1288 : memref<64x64xf32, #tpu.memory_space<hbm>>) target(%arg11 : memref<64x64xf32, #tpu.memory_space<vmem>>) target_semaphore(%arg17 : memref<!tpu.dma_semaphore, #tpu.memory_space<semaphore_mem>>)
    %dma_wait3A_1289 = arith.constant 0 : i32
    %dma_wait3A_1290 = tpu.memref_slice %arg3[%mul3A_1252, %dma_wait3A_1289] : memref<16384x192xf32, #tpu.memory_space<hbm>> -> memref<64x128xf32, #tpu.memory_space<hbm>>
    %dma_wait3A_1291 = arith.constant 0 : i32
    %dma_wait3A_1292 = tpu.memref_slice %arg3[%mul3A_1252, %dma_wait3A_1291] : memref<16384x192xf32, #tpu.memory_space<hbm>> -> memref<64x128xf32, #tpu.memory_space<hbm>>
    tpu.wait_dma2 semaphore(%arg18 : memref<!tpu.dma_semaphore, #tpu.memory_space<semaphore_mem>>) src(%dma_wait3A_1292 : memref<64x128xf32, #tpu.memory_space<hbm>>) dst(%arg10 : memref<64x128xf32, #tpu.memory_space<vmem>>)
    %parallel_loop3A_1293 = arith.constant 0 : i32
    %parallel_loop3A_1294 = arith.constant 512 : i32
    %parallel_loop3A_1295 = arith.constant 1 : i32
    scf.for %parallel_loop3A_1461 = %parallel_loop3A_1293 to %parallel_loop3A_1294 step %parallel_loop3A_1295  : i32 {
      %parallel_loop3A_1462 = arith.constant 3 : i32
      %parallel_loop3A_1463 = arith.shrui %parallel_loop3A_1461, %parallel_loop3A_1462 : i32
      %parallel_loop3A_1464 = arith.constant 7 : i32
      %parallel_loop3A_1465 = arith.andi %parallel_loop3A_1461, %parallel_loop3A_1464 : i32
      %parallel_loop3A_1466 = arith.constant 4 : i32
      %parallel_loop3A_1467 = arith.shli %parallel_loop3A_1465, %parallel_loop3A_1466 : i32
      %parallel_loop3A_1468 = arith.index_cast %parallel_loop3A_1463 : i32 to index
      %parallel_loop3A_1469 = arith.index_cast %parallel_loop3A_1467 : i32 to index
      %parallel_loop3A_1470 = tpu.vector_load %arg10[%parallel_loop3A_1468, %parallel_loop3A_1469] {strides = array<i32>} : memref<64x128xf32, #tpu.memory_space<vmem>>, vector<16xf32>,
      %parallel_loop3A_1471 = arith.mulf %parallel_loop3A_1470, %get3A_18 : vector<16xf32>
      %parallel_loop3A_1472 = arith.addf %parallel_loop3A_1471, %sub3A_1232 : vector<16xf32>
      %parallel_loop3A_1473 = arith.fptosi %parallel_loop3A_1472 : vector<16xf32> to vector<16xi32>
      tpu.vector_store_idx %arg14[%parallel_loop3A_1473], %broadcast_in_dim3A_26 {add = true} : memref<4112xf32, #tpu.memory_space<vmem>>[vector<16xi32>], vector<16xf32>,
    } {sc.loop_unroll_factor = 16 : i64, sc.parallel_access}
    %dma_wait3A_1296 = arith.constant 128 : i32
    %dma_wait3A_1297 = tpu.memref_slice %arg3[%mul3A_1252, %dma_wait3A_1296] : memref<16384x192xf32, #tpu.memory_space<hbm>> -> memref<64x64xf32, #tpu.memory_space<hbm>>
    %dma_wait3A_1298 = arith.constant 128 : i32
    %dma_wait3A_1299 = tpu.memref_slice %arg3[%mul3A_1252, %dma_wait3A_1298] : memref<16384x192xf32, #tpu.memory_space<hbm>> -> memref<64x64xf32, #tpu.memory_space<hbm>>
    tpu.wait_dma2 semaphore(%arg18 : memref<!tpu.dma_semaphore, #tpu.memory_space<semaphore_mem>>) src(%dma_wait3A_1299 : memref<64x64xf32, #tpu.memory_space<hbm>>) dst(%arg12 : memref<64x64xf32, #tpu.memory_space<vmem>>)
    %parallel_loop3A_1300 = arith.constant 0 : i32
    %parallel_loop3A_1301 = arith.constant 256 : i32
    %parallel_loop3A_1302 = arith.constant 1 : i32
    scf.for %parallel_loop3A_1461 = %parallel_loop3A_1300 to %parallel_loop3A_1301 step %parallel_loop3A_1302  : i32 {
      %parallel_loop3A_1462 = arith.constant 2 : i32
      %parallel_loop3A_1463 = arith.shrui %parallel_loop3A_1461, %parallel_loop3A_1462 : i32
      %parallel_loop3A_1464 = arith.constant 3 : i32
      %parallel_loop3A_1465 = arith.andi %parallel_loop3A_1461, %parallel_loop3A_1464 : i32
      %parallel_loop3A_1466 = arith.constant 4 : i32
      %parallel_loop3A_1467 = arith.shli %parallel_loop3A_1465, %parallel_loop3A_1466 : i32
      %parallel_loop3A_1468 = arith.index_cast %parallel_loop3A_1463 : i32 to index
      %parallel_loop3A_1469 = arith.index_cast %parallel_loop3A_1467 : i32 to index
      %parallel_loop3A_1470 = tpu.vector_load %arg12[%parallel_loop3A_1468, %parallel_loop3A_1469] {strides = array<i32>} : memref<64x64xf32, #tpu.memory_space<vmem>>, vector<16xf32>,
      %parallel_loop3A_1471 = arith.mulf %parallel_loop3A_1470, %get3A_18 : vector<16xf32>
      %parallel_loop3A_1472 = arith.addf %parallel_loop3A_1471, %sub3A_1232 : vector<16xf32>
      %parallel_loop3A_1473 = arith.fptosi %parallel_loop3A_1472 : vector<16xf32> to vector<16xi32>
      tpu.vector_store_idx %arg14[%parallel_loop3A_1473], %broadcast_in_dim3A_26 {add = true} : memref<4112xf32, #tpu.memory_space<vmem>>[vector<16xi32>], vector<16xf32>,
    } {sc.loop_unroll_factor = 16 : i64, sc.parallel_access}
    %mul3A_1303 = arith.constant 8 : i32
    %mul3A_1304 = arith.muli %add3A, %mul3A_1303 : i32
    %add3A_1305 = arith.constant 3 : i32
    %add3A_1306 = arith.addi %mul3A_1304, %add3A_1305 : i32
    %mul3A_1307 = arith.constant 64 : i32
    %mul3A_1308 = arith.muli %add3A_1306, %mul3A_1307 : i32
    %dma_start3A_1309 = arith.constant 0 : i32
    %dma_start3A_1310 = tpu.memref_slice %arg3[%mul3A_1308, %dma_start3A_1309] : memref<16384x192xf32, #tpu.memory_space<hbm>> -> memref<64x128xf32, #tpu.memory_space<hbm>>
    %dma_start3A_1311 = arith.constant 0 : i32
    %dma_start3A_1312 = tpu.memref_slice %arg3[%mul3A_1308, %dma_start3A_1311] : memref<16384x192xf32, #tpu.memory_space<hbm>> -> memref<64x128xf32, #tpu.memory_space<hbm>>
    tpu.enqueue_dma source(%dma_start3A_1312 : memref<64x128xf32, #tpu.memory_space<hbm>>) target(%arg10 : memref<64x128xf32, #tpu.memory_space<vmem>>) target_semaphore(%arg18 : memref<!tpu.dma_semaphore, #tpu.memory_space<semaphore_mem>>)
    %dma_start3A_1313 = arith.constant 128 : i32
    %dma_start3A_1314 = tpu.memref_slice %arg3[%mul3A_1308, %dma_start3A_1313] : memref<16384x192xf32, #tpu.memory_space<hbm>> -> memref<64x64xf32, #tpu.memory_space<hbm>>
    %dma_start3A_1315 = arith.constant 128 : i32
    %dma_start3A_1316 = tpu.memref_slice %arg3[%mul3A_1308, %dma_start3A_1315] : memref<16384x192xf32, #tpu.memory_space<hbm>> -> memref<64x64xf32, #tpu.memory_space<hbm>>
    tpu.enqueue_dma source(%dma_start3A_1316 : memref<64x64xf32, #tpu.memory_space<hbm>>) target(%arg12 : memref<64x64xf32, #tpu.memory_space<vmem>>) target_semaphore(%arg18 : memref<!tpu.dma_semaphore, #tpu.memory_space<semaphore_mem>>)
    %dma_wait3A_1317 = arith.constant 0 : i32
    %dma_wait3A_1318 = tpu.memref_slice %arg3[%mul3A_1280, %dma_wait3A_1317] : memref<16384x192xf32, #tpu.memory_space<hbm>> -> memref<64x128xf32, #tpu.memory_space<hbm>>
    %dma_wait3A_1319 = arith.constant 0 : i32
    %dma_wait3A_1320 = tpu.memref_slice %arg3[%mul3A_1280, %dma_wait3A_1319] : memref<16384x192xf32, #tpu.memory_space<hbm>> -> memref<64x128xf32, #tpu.memory_space<hbm>>
    tpu.wait_dma2 semaphore(%arg17 : memref<!tpu.dma_semaphore, #tpu.memory_space<semaphore_mem>>) src(%dma_wait3A_1320 : memref<64x128xf32, #tpu.memory_space<hbm>>) dst(%arg9 : memref<64x128xf32, #tpu.memory_space<vmem>>)
    %parallel_loop3A_1321 = arith.constant 0 : i32
    %parallel_loop3A_1322 = arith.constant 512 : i32
    %parallel_loop3A_1323 = arith.constant 1 : i32
    scf.for %parallel_loop3A_1461 = %parallel_loop3A_1321 to %parallel_loop3A_1322 step %parallel_loop3A_1323  : i32 {
      %parallel_loop3A_1462 = arith.constant 3 : i32
      %parallel_loop3A_1463 = arith.shrui %parallel_loop3A_1461, %parallel_loop3A_1462 : i32
      %parallel_loop3A_1464 = arith.constant 7 : i32
      %parallel_loop3A_1465 = arith.andi %parallel_loop3A_1461, %parallel_loop3A_1464 : i32
      %parallel_loop3A_1466 = arith.constant 4 : i32
      %parallel_loop3A_1467 = arith.shli %parallel_loop3A_1465, %parallel_loop3A_1466 : i32
      %parallel_loop3A_1468 = arith.index_cast %parallel_loop3A_1463 : i32 to index
      %parallel_loop3A_1469 = arith.index_cast %parallel_loop3A_1467 : i32 to index
      %parallel_loop3A_1470 = tpu.vector_load %arg9[%parallel_loop3A_1468, %parallel_loop3A_1469] {strides = array<i32>} : memref<64x128xf32, #tpu.memory_space<vmem>>, vector<16xf32>,
      %parallel_loop3A_1471 = arith.mulf %parallel_loop3A_1470, %get3A_18 : vector<16xf32>
      %parallel_loop3A_1472 = arith.addf %parallel_loop3A_1471, %sub3A_1232 : vector<16xf32>
      %parallel_loop3A_1473 = arith.fptosi %parallel_loop3A_1472 : vector<16xf32> to vector<16xi32>
      tpu.vector_store_idx %arg14[%parallel_loop3A_1473], %broadcast_in_dim3A_26 {add = true} : memref<4112xf32, #tpu.memory_space<vmem>>[vector<16xi32>], vector<16xf32>,
    } {sc.loop_unroll_factor = 16 : i64, sc.parallel_access}
    %dma_wait3A_1324 = arith.constant 128 : i32
    %dma_wait3A_1325 = tpu.memref_slice %arg3[%mul3A_1280, %dma_wait3A_1324] : memref<16384x192xf32, #tpu.memory_space<hbm>> -> memref<64x64xf32, #tpu.memory_space<hbm>>
    %dma_wait3A_1326 = arith.constant 128 : i32
    %dma_wait3A_1327 = tpu.memref_slice %arg3[%mul3A_1280, %dma_wait3A_1326] : memref<16384x192xf32, #tpu.memory_space<hbm>> -> memref<64x64xf32, #tpu.memory_space<hbm>>
    tpu.wait_dma2 semaphore(%arg17 : memref<!tpu.dma_semaphore, #tpu.memory_space<semaphore_mem>>) src(%dma_wait3A_1327 : memref<64x64xf32, #tpu.memory_space<hbm>>) dst(%arg11 : memref<64x64xf32, #tpu.memory_space<vmem>>)
    %parallel_loop3A_1328 = arith.constant 0 : i32
    %parallel_loop3A_1329 = arith.constant 256 : i32
    %parallel_loop3A_1330 = arith.constant 1 : i32
    scf.for %parallel_loop3A_1461 = %parallel_loop3A_1328 to %parallel_loop3A_1329 step %parallel_loop3A_1330  : i32 {
      %parallel_loop3A_1462 = arith.constant 2 : i32
      %parallel_loop3A_1463 = arith.shrui %parallel_loop3A_1461, %parallel_loop3A_1462 : i32
      %parallel_loop3A_1464 = arith.constant 3 : i32
      %parallel_loop3A_1465 = arith.andi %parallel_loop3A_1461, %parallel_loop3A_1464 : i32
      %parallel_loop3A_1466 = arith.constant 4 : i32
      %parallel_loop3A_1467 = arith.shli %parallel_loop3A_1465, %parallel_loop3A_1466 : i32
      %parallel_loop3A_1468 = arith.index_cast %parallel_loop3A_1463 : i32 to index
      %parallel_loop3A_1469 = arith.index_cast %parallel_loop3A_1467 : i32 to index
      %parallel_loop3A_1470 = tpu.vector_load %arg11[%parallel_loop3A_1468, %parallel_loop3A_1469] {strides = array<i32>} : memref<64x64xf32, #tpu.memory_space<vmem>>, vector<16xf32>,
      %parallel_loop3A_1471 = arith.mulf %parallel_loop3A_1470, %get3A_18 : vector<16xf32>
      %parallel_loop3A_1472 = arith.addf %parallel_loop3A_1471, %sub3A_1232 : vector<16xf32>
      %parallel_loop3A_1473 = arith.fptosi %parallel_loop3A_1472 : vector<16xf32> to vector<16xi32>
      tpu.vector_store_idx %arg14[%parallel_loop3A_1473], %broadcast_in_dim3A_26 {add = true} : memref<4112xf32, #tpu.memory_space<vmem>>[vector<16xi32>], vector<16xf32>,
    } {sc.loop_unroll_factor = 16 : i64, sc.parallel_access}
    %mul3A_1331 = arith.constant 8 : i32
    %mul3A_1332 = arith.muli %add3A, %mul3A_1331 : i32
    %add3A_1333 = arith.constant 4 : i32
    %add3A_1334 = arith.addi %mul3A_1332, %add3A_1333 : i32
    %mul3A_1335 = arith.constant 64 : i32
    %mul3A_1336 = arith.muli %add3A_1334, %mul3A_1335 : i32
    %dma_start3A_1337 = arith.constant 0 : i32
    %dma_start3A_1338 = tpu.memref_slice %arg3[%mul3A_1336, %dma_start3A_1337] : memref<16384x192xf32, #tpu.memory_space<hbm>> -> memref<64x128xf32, #tpu.memory_space<hbm>>
    %dma_start3A_1339 = arith.constant 0 : i32
    %dma_start3A_1340 = tpu.memref_slice %arg3[%mul3A_1336, %dma_start3A_1339] : memref<16384x192xf32, #tpu.memory_space<hbm>> -> memref<64x128xf32, #tpu.memory_space<hbm>>
    tpu.enqueue_dma source(%dma_start3A_1340 : memref<64x128xf32, #tpu.memory_space<hbm>>) target(%arg9 : memref<64x128xf32, #tpu.memory_space<vmem>>) target_semaphore(%arg17 : memref<!tpu.dma_semaphore, #tpu.memory_space<semaphore_mem>>)
    %dma_start3A_1341 = arith.constant 128 : i32
    %dma_start3A_1342 = tpu.memref_slice %arg3[%mul3A_1336, %dma_start3A_1341] : memref<16384x192xf32, #tpu.memory_space<hbm>> -> memref<64x64xf32, #tpu.memory_space<hbm>>
    %dma_start3A_1343 = arith.constant 128 : i32
    %dma_start3A_1344 = tpu.memref_slice %arg3[%mul3A_1336, %dma_start3A_1343] : memref<16384x192xf32, #tpu.memory_space<hbm>> -> memref<64x64xf32, #tpu.memory_space<hbm>>
    tpu.enqueue_dma source(%dma_start3A_1344 : memref<64x64xf32, #tpu.memory_space<hbm>>) target(%arg11 : memref<64x64xf32, #tpu.memory_space<vmem>>) target_semaphore(%arg17 : memref<!tpu.dma_semaphore, #tpu.memory_space<semaphore_mem>>)
    %dma_wait3A_1345 = arith.constant 0 : i32
    %dma_wait3A_1346 = tpu.memref_slice %arg3[%mul3A_1308, %dma_wait3A_1345] : memref<16384x192xf32, #tpu.memory_space<hbm>> -> memref<64x128xf32, #tpu.memory_space<hbm>>
    %dma_wait3A_1347 = arith.constant 0 : i32
    %dma_wait3A_1348 = tpu.memref_slice %arg3[%mul3A_1308, %dma_wait3A_1347] : memref<16384x192xf32, #tpu.memory_space<hbm>> -> memref<64x128xf32, #tpu.memory_space<hbm>>
    tpu.wait_dma2 semaphore(%arg18 : memref<!tpu.dma_semaphore, #tpu.memory_space<semaphore_mem>>) src(%dma_wait3A_1348 : memref<64x128xf32, #tpu.memory_space<hbm>>) dst(%arg10 : memref<64x128xf32, #tpu.memory_space<vmem>>)
    %parallel_loop3A_1349 = arith.constant 0 : i32
    %parallel_loop3A_1350 = arith.constant 512 : i32
    %parallel_loop3A_1351 = arith.constant 1 : i32
    scf.for %parallel_loop3A_1461 = %parallel_loop3A_1349 to %parallel_loop3A_1350 step %parallel_loop3A_1351  : i32 {
      %parallel_loop3A_1462 = arith.constant 3 : i32
      %parallel_loop3A_1463 = arith.shrui %parallel_loop3A_1461, %parallel_loop3A_1462 : i32
      %parallel_loop3A_1464 = arith.constant 7 : i32
      %parallel_loop3A_1465 = arith.andi %parallel_loop3A_1461, %parallel_loop3A_1464 : i32
      %parallel_loop3A_1466 = arith.constant 4 : i32
      %parallel_loop3A_1467 = arith.shli %parallel_loop3A_1465, %parallel_loop3A_1466 : i32
      %parallel_loop3A_1468 = arith.index_cast %parallel_loop3A_1463 : i32 to index
      %parallel_loop3A_1469 = arith.index_cast %parallel_loop3A_1467 : i32 to index
      %parallel_loop3A_1470 = tpu.vector_load %arg10[%parallel_loop3A_1468, %parallel_loop3A_1469] {strides = array<i32>} : memref<64x128xf32, #tpu.memory_space<vmem>>, vector<16xf32>,
      %parallel_loop3A_1471 = arith.mulf %parallel_loop3A_1470, %get3A_18 : vector<16xf32>
      %parallel_loop3A_1472 = arith.addf %parallel_loop3A_1471, %sub3A_1232 : vector<16xf32>
      %parallel_loop3A_1473 = arith.fptosi %parallel_loop3A_1472 : vector<16xf32> to vector<16xi32>
      tpu.vector_store_idx %arg14[%parallel_loop3A_1473], %broadcast_in_dim3A_26 {add = true} : memref<4112xf32, #tpu.memory_space<vmem>>[vector<16xi32>], vector<16xf32>,
    } {sc.loop_unroll_factor = 16 : i64, sc.parallel_access}
    %dma_wait3A_1352 = arith.constant 128 : i32
    %dma_wait3A_1353 = tpu.memref_slice %arg3[%mul3A_1308, %dma_wait3A_1352] : memref<16384x192xf32, #tpu.memory_space<hbm>> -> memref<64x64xf32, #tpu.memory_space<hbm>>
    %dma_wait3A_1354 = arith.constant 128 : i32
    %dma_wait3A_1355 = tpu.memref_slice %arg3[%mul3A_1308, %dma_wait3A_1354] : memref<16384x192xf32, #tpu.memory_space<hbm>> -> memref<64x64xf32, #tpu.memory_space<hbm>>
    tpu.wait_dma2 semaphore(%arg18 : memref<!tpu.dma_semaphore, #tpu.memory_space<semaphore_mem>>) src(%dma_wait3A_1355 : memref<64x64xf32, #tpu.memory_space<hbm>>) dst(%arg12 : memref<64x64xf32, #tpu.memory_space<vmem>>)
    %parallel_loop3A_1356 = arith.constant 0 : i32
    %parallel_loop3A_1357 = arith.constant 256 : i32
    %parallel_loop3A_1358 = arith.constant 1 : i32
    scf.for %parallel_loop3A_1461 = %parallel_loop3A_1356 to %parallel_loop3A_1357 step %parallel_loop3A_1358  : i32 {
      %parallel_loop3A_1462 = arith.constant 2 : i32
      %parallel_loop3A_1463 = arith.shrui %parallel_loop3A_1461, %parallel_loop3A_1462 : i32
      %parallel_loop3A_1464 = arith.constant 3 : i32
      %parallel_loop3A_1465 = arith.andi %parallel_loop3A_1461, %parallel_loop3A_1464 : i32
      %parallel_loop3A_1466 = arith.constant 4 : i32
      %parallel_loop3A_1467 = arith.shli %parallel_loop3A_1465, %parallel_loop3A_1466 : i32
      %parallel_loop3A_1468 = arith.index_cast %parallel_loop3A_1463 : i32 to index
      %parallel_loop3A_1469 = arith.index_cast %parallel_loop3A_1467 : i32 to index
      %parallel_loop3A_1470 = tpu.vector_load %arg12[%parallel_loop3A_1468, %parallel_loop3A_1469] {strides = array<i32>} : memref<64x64xf32, #tpu.memory_space<vmem>>, vector<16xf32>,
      %parallel_loop3A_1471 = arith.mulf %parallel_loop3A_1470, %get3A_18 : vector<16xf32>
      %parallel_loop3A_1472 = arith.addf %parallel_loop3A_1471, %sub3A_1232 : vector<16xf32>
      %parallel_loop3A_1473 = arith.fptosi %parallel_loop3A_1472 : vector<16xf32> to vector<16xi32>
      tpu.vector_store_idx %arg14[%parallel_loop3A_1473], %broadcast_in_dim3A_26 {add = true} : memref<4112xf32, #tpu.memory_space<vmem>>[vector<16xi32>], vector<16xf32>,
    } {sc.loop_unroll_factor = 16 : i64, sc.parallel_access}
    %mul3A_1359 = arith.constant 8 : i32
    %mul3A_1360 = arith.muli %add3A, %mul3A_1359 : i32
    %add3A_1361 = arith.constant 5 : i32
    %add3A_1362 = arith.addi %mul3A_1360, %add3A_1361 : i32
    %mul3A_1363 = arith.constant 64 : i32
    %mul3A_1364 = arith.muli %add3A_1362, %mul3A_1363 : i32
    %dma_start3A_1365 = arith.constant 0 : i32
    %dma_start3A_1366 = tpu.memref_slice %arg3[%mul3A_1364, %dma_start3A_1365] : memref<16384x192xf32, #tpu.memory_space<hbm>> -> memref<64x128xf32, #tpu.memory_space<hbm>>
    %dma_start3A_1367 = arith.constant 0 : i32
    %dma_start3A_1368 = tpu.memref_slice %arg3[%mul3A_1364, %dma_start3A_1367] : memref<16384x192xf32, #tpu.memory_space<hbm>> -> memref<64x128xf32, #tpu.memory_space<hbm>>
    tpu.enqueue_dma source(%dma_start3A_1368 : memref<64x128xf32, #tpu.memory_space<hbm>>) target(%arg10 : memref<64x128xf32, #tpu.memory_space<vmem>>) target_semaphore(%arg18 : memref<!tpu.dma_semaphore, #tpu.memory_space<semaphore_mem>>)
    %dma_start3A_1369 = arith.constant 128 : i32
    %dma_start3A_1370 = tpu.memref_slice %arg3[%mul3A_1364, %dma_start3A_1369] : memref<16384x192xf32, #tpu.memory_space<hbm>> -> memref<64x64xf32, #tpu.memory_space<hbm>>
    %dma_start3A_1371 = arith.constant 128 : i32
    %dma_start3A_1372 = tpu.memref_slice %arg3[%mul3A_1364, %dma_start3A_1371] : memref<16384x192xf32, #tpu.memory_space<hbm>> -> memref<64x64xf32, #tpu.memory_space<hbm>>
    tpu.enqueue_dma source(%dma_start3A_1372 : memref<64x64xf32, #tpu.memory_space<hbm>>) target(%arg12 : memref<64x64xf32, #tpu.memory_space<vmem>>) target_semaphore(%arg18 : memref<!tpu.dma_semaphore, #tpu.memory_space<semaphore_mem>>)
    %dma_wait3A_1373 = arith.constant 0 : i32
    %dma_wait3A_1374 = tpu.memref_slice %arg3[%mul3A_1336, %dma_wait3A_1373] : memref<16384x192xf32, #tpu.memory_space<hbm>> -> memref<64x128xf32, #tpu.memory_space<hbm>>
    %dma_wait3A_1375 = arith.constant 0 : i32
    %dma_wait3A_1376 = tpu.memref_slice %arg3[%mul3A_1336, %dma_wait3A_1375] : memref<16384x192xf32, #tpu.memory_space<hbm>> -> memref<64x128xf32, #tpu.memory_space<hbm>>
    tpu.wait_dma2 semaphore(%arg17 : memref<!tpu.dma_semaphore, #tpu.memory_space<semaphore_mem>>) src(%dma_wait3A_1376 : memref<64x128xf32, #tpu.memory_space<hbm>>) dst(%arg9 : memref<64x128xf32, #tpu.memory_space<vmem>>)
    %parallel_loop3A_1377 = arith.constant 0 : i32
    %parallel_loop3A_1378 = arith.constant 512 : i32
    %parallel_loop3A_1379 = arith.constant 1 : i32
    scf.for %parallel_loop3A_1461 = %parallel_loop3A_1377 to %parallel_loop3A_1378 step %parallel_loop3A_1379  : i32 {
      %parallel_loop3A_1462 = arith.constant 3 : i32
      %parallel_loop3A_1463 = arith.shrui %parallel_loop3A_1461, %parallel_loop3A_1462 : i32
      %parallel_loop3A_1464 = arith.constant 7 : i32
      %parallel_loop3A_1465 = arith.andi %parallel_loop3A_1461, %parallel_loop3A_1464 : i32
      %parallel_loop3A_1466 = arith.constant 4 : i32
      %parallel_loop3A_1467 = arith.shli %parallel_loop3A_1465, %parallel_loop3A_1466 : i32
      %parallel_loop3A_1468 = arith.index_cast %parallel_loop3A_1463 : i32 to index
      %parallel_loop3A_1469 = arith.index_cast %parallel_loop3A_1467 : i32 to index
      %parallel_loop3A_1470 = tpu.vector_load %arg9[%parallel_loop3A_1468, %parallel_loop3A_1469] {strides = array<i32>} : memref<64x128xf32, #tpu.memory_space<vmem>>, vector<16xf32>,
      %parallel_loop3A_1471 = arith.mulf %parallel_loop3A_1470, %get3A_18 : vector<16xf32>
      %parallel_loop3A_1472 = arith.addf %parallel_loop3A_1471, %sub3A_1232 : vector<16xf32>
      %parallel_loop3A_1473 = arith.fptosi %parallel_loop3A_1472 : vector<16xf32> to vector<16xi32>
      tpu.vector_store_idx %arg14[%parallel_loop3A_1473], %broadcast_in_dim3A_26 {add = true} : memref<4112xf32, #tpu.memory_space<vmem>>[vector<16xi32>], vector<16xf32>,
    } {sc.loop_unroll_factor = 16 : i64, sc.parallel_access}
    %dma_wait3A_1380 = arith.constant 128 : i32
    %dma_wait3A_1381 = tpu.memref_slice %arg3[%mul3A_1336, %dma_wait3A_1380] : memref<16384x192xf32, #tpu.memory_space<hbm>> -> memref<64x64xf32, #tpu.memory_space<hbm>>
    %dma_wait3A_1382 = arith.constant 128 : i32
    %dma_wait3A_1383 = tpu.memref_slice %arg3[%mul3A_1336, %dma_wait3A_1382] : memref<16384x192xf32, #tpu.memory_space<hbm>> -> memref<64x64xf32, #tpu.memory_space<hbm>>
    tpu.wait_dma2 semaphore(%arg17 : memref<!tpu.dma_semaphore, #tpu.memory_space<semaphore_mem>>) src(%dma_wait3A_1383 : memref<64x64xf32, #tpu.memory_space<hbm>>) dst(%arg11 : memref<64x64xf32, #tpu.memory_space<vmem>>)
    %parallel_loop3A_1384 = arith.constant 0 : i32
    %parallel_loop3A_1385 = arith.constant 256 : i32
    %parallel_loop3A_1386 = arith.constant 1 : i32
    scf.for %parallel_loop3A_1461 = %parallel_loop3A_1384 to %parallel_loop3A_1385 step %parallel_loop3A_1386  : i32 {
      %parallel_loop3A_1462 = arith.constant 2 : i32
      %parallel_loop3A_1463 = arith.shrui %parallel_loop3A_1461, %parallel_loop3A_1462 : i32
      %parallel_loop3A_1464 = arith.constant 3 : i32
      %parallel_loop3A_1465 = arith.andi %parallel_loop3A_1461, %parallel_loop3A_1464 : i32
      %parallel_loop3A_1466 = arith.constant 4 : i32
      %parallel_loop3A_1467 = arith.shli %parallel_loop3A_1465, %parallel_loop3A_1466 : i32
      %parallel_loop3A_1468 = arith.index_cast %parallel_loop3A_1463 : i32 to index
      %parallel_loop3A_1469 = arith.index_cast %parallel_loop3A_1467 : i32 to index
      %parallel_loop3A_1470 = tpu.vector_load %arg11[%parallel_loop3A_1468, %parallel_loop3A_1469] {strides = array<i32>} : memref<64x64xf32, #tpu.memory_space<vmem>>, vector<16xf32>,
      %parallel_loop3A_1471 = arith.mulf %parallel_loop3A_1470, %get3A_18 : vector<16xf32>
      %parallel_loop3A_1472 = arith.addf %parallel_loop3A_1471, %sub3A_1232 : vector<16xf32>
      %parallel_loop3A_1473 = arith.fptosi %parallel_loop3A_1472 : vector<16xf32> to vector<16xi32>
      tpu.vector_store_idx %arg14[%parallel_loop3A_1473], %broadcast_in_dim3A_26 {add = true} : memref<4112xf32, #tpu.memory_space<vmem>>[vector<16xi32>], vector<16xf32>,
    } {sc.loop_unroll_factor = 16 : i64, sc.parallel_access}
    %mul3A_1387 = arith.constant 8 : i32
    %mul3A_1388 = arith.muli %add3A, %mul3A_1387 : i32
    %add3A_1389 = arith.constant 6 : i32
    %add3A_1390 = arith.addi %mul3A_1388, %add3A_1389 : i32
    %mul3A_1391 = arith.constant 64 : i32
    %mul3A_1392 = arith.muli %add3A_1390, %mul3A_1391 : i32
    %dma_start3A_1393 = arith.constant 0 : i32
    %dma_start3A_1394 = tpu.memref_slice %arg3[%mul3A_1392, %dma_start3A_1393] : memref<16384x192xf32, #tpu.memory_space<hbm>> -> memref<64x128xf32, #tpu.memory_space<hbm>>
    %dma_start3A_1395 = arith.constant 0 : i32
    %dma_start3A_1396 = tpu.memref_slice %arg3[%mul3A_1392, %dma_start3A_1395] : memref<16384x192xf32, #tpu.memory_space<hbm>> -> memref<64x128xf32, #tpu.memory_space<hbm>>
    tpu.enqueue_dma source(%dma_start3A_1396 : memref<64x128xf32, #tpu.memory_space<hbm>>) target(%arg9 : memref<64x128xf32, #tpu.memory_space<vmem>>) target_semaphore(%arg17 : memref<!tpu.dma_semaphore, #tpu.memory_space<semaphore_mem>>)
    %dma_start3A_1397 = arith.constant 128 : i32
    %dma_start3A_1398 = tpu.memref_slice %arg3[%mul3A_1392, %dma_start3A_1397] : memref<16384x192xf32, #tpu.memory_space<hbm>> -> memref<64x64xf32, #tpu.memory_space<hbm>>
    %dma_start3A_1399 = arith.constant 128 : i32
    %dma_start3A_1400 = tpu.memref_slice %arg3[%mul3A_1392, %dma_start3A_1399] : memref<16384x192xf32, #tpu.memory_space<hbm>> -> memref<64x64xf32, #tpu.memory_space<hbm>>
    tpu.enqueue_dma source(%dma_start3A_1400 : memref<64x64xf32, #tpu.memory_space<hbm>>) target(%arg11 : memref<64x64xf32, #tpu.memory_space<vmem>>) target_semaphore(%arg17 : memref<!tpu.dma_semaphore, #tpu.memory_space<semaphore_mem>>)
    %dma_wait3A_1401 = arith.constant 0 : i32
    %dma_wait3A_1402 = tpu.memref_slice %arg3[%mul3A_1364, %dma_wait3A_1401] : memref<16384x192xf32, #tpu.memory_space<hbm>> -> memref<64x128xf32, #tpu.memory_space<hbm>>
    %dma_wait3A_1403 = arith.constant 0 : i32
    %dma_wait3A_1404 = tpu.memref_slice %arg3[%mul3A_1364, %dma_wait3A_1403] : memref<16384x192xf32, #tpu.memory_space<hbm>> -> memref<64x128xf32, #tpu.memory_space<hbm>>
    tpu.wait_dma2 semaphore(%arg18 : memref<!tpu.dma_semaphore, #tpu.memory_space<semaphore_mem>>) src(%dma_wait3A_1404 : memref<64x128xf32, #tpu.memory_space<hbm>>) dst(%arg10 : memref<64x128xf32, #tpu.memory_space<vmem>>)
    %parallel_loop3A_1405 = arith.constant 0 : i32
    %parallel_loop3A_1406 = arith.constant 512 : i32
    %parallel_loop3A_1407 = arith.constant 1 : i32
    scf.for %parallel_loop3A_1461 = %parallel_loop3A_1405 to %parallel_loop3A_1406 step %parallel_loop3A_1407  : i32 {
      %parallel_loop3A_1462 = arith.constant 3 : i32
      %parallel_loop3A_1463 = arith.shrui %parallel_loop3A_1461, %parallel_loop3A_1462 : i32
      %parallel_loop3A_1464 = arith.constant 7 : i32
      %parallel_loop3A_1465 = arith.andi %parallel_loop3A_1461, %parallel_loop3A_1464 : i32
      %parallel_loop3A_1466 = arith.constant 4 : i32
      %parallel_loop3A_1467 = arith.shli %parallel_loop3A_1465, %parallel_loop3A_1466 : i32
      %parallel_loop3A_1468 = arith.index_cast %parallel_loop3A_1463 : i32 to index
      %parallel_loop3A_1469 = arith.index_cast %parallel_loop3A_1467 : i32 to index
      %parallel_loop3A_1470 = tpu.vector_load %arg10[%parallel_loop3A_1468, %parallel_loop3A_1469] {strides = array<i32>} : memref<64x128xf32, #tpu.memory_space<vmem>>, vector<16xf32>,
      %parallel_loop3A_1471 = arith.mulf %parallel_loop3A_1470, %get3A_18 : vector<16xf32>
      %parallel_loop3A_1472 = arith.addf %parallel_loop3A_1471, %sub3A_1232 : vector<16xf32>
      %parallel_loop3A_1473 = arith.fptosi %parallel_loop3A_1472 : vector<16xf32> to vector<16xi32>
      tpu.vector_store_idx %arg14[%parallel_loop3A_1473], %broadcast_in_dim3A_26 {add = true} : memref<4112xf32, #tpu.memory_space<vmem>>[vector<16xi32>], vector<16xf32>,
    } {sc.loop_unroll_factor = 16 : i64, sc.parallel_access}
    %dma_wait3A_1408 = arith.constant 128 : i32
    %dma_wait3A_1409 = tpu.memref_slice %arg3[%mul3A_1364, %dma_wait3A_1408] : memref<16384x192xf32, #tpu.memory_space<hbm>> -> memref<64x64xf32, #tpu.memory_space<hbm>>
    %dma_wait3A_1410 = arith.constant 128 : i32
    %dma_wait3A_1411 = tpu.memref_slice %arg3[%mul3A_1364, %dma_wait3A_1410] : memref<16384x192xf32, #tpu.memory_space<hbm>> -> memref<64x64xf32, #tpu.memory_space<hbm>>
    tpu.wait_dma2 semaphore(%arg18 : memref<!tpu.dma_semaphore, #tpu.memory_space<semaphore_mem>>) src(%dma_wait3A_1411 : memref<64x64xf32, #tpu.memory_space<hbm>>) dst(%arg12 : memref<64x64xf32, #tpu.memory_space<vmem>>)
    %parallel_loop3A_1412 = arith.constant 0 : i32
    %parallel_loop3A_1413 = arith.constant 256 : i32
    %parallel_loop3A_1414 = arith.constant 1 : i32
    scf.for %parallel_loop3A_1461 = %parallel_loop3A_1412 to %parallel_loop3A_1413 step %parallel_loop3A_1414  : i32 {
      %parallel_loop3A_1462 = arith.constant 2 : i32
      %parallel_loop3A_1463 = arith.shrui %parallel_loop3A_1461, %parallel_loop3A_1462 : i32
      %parallel_loop3A_1464 = arith.constant 3 : i32
      %parallel_loop3A_1465 = arith.andi %parallel_loop3A_1461, %parallel_loop3A_1464 : i32
      %parallel_loop3A_1466 = arith.constant 4 : i32
      %parallel_loop3A_1467 = arith.shli %parallel_loop3A_1465, %parallel_loop3A_1466 : i32
      %parallel_loop3A_1468 = arith.index_cast %parallel_loop3A_1463 : i32 to index
      %parallel_loop3A_1469 = arith.index_cast %parallel_loop3A_1467 : i32 to index
      %parallel_loop3A_1470 = tpu.vector_load %arg12[%parallel_loop3A_1468, %parallel_loop3A_1469] {strides = array<i32>} : memref<64x64xf32, #tpu.memory_space<vmem>>, vector<16xf32>,
      %parallel_loop3A_1471 = arith.mulf %parallel_loop3A_1470, %get3A_18 : vector<16xf32>
      %parallel_loop3A_1472 = arith.addf %parallel_loop3A_1471, %sub3A_1232 : vector<16xf32>
      %parallel_loop3A_1473 = arith.fptosi %parallel_loop3A_1472 : vector<16xf32> to vector<16xi32>
      tpu.vector_store_idx %arg14[%parallel_loop3A_1473], %broadcast_in_dim3A_26 {add = true} : memref<4112xf32, #tpu.memory_space<vmem>>[vector<16xi32>], vector<16xf32>,
    } {sc.loop_unroll_factor = 16 : i64, sc.parallel_access}
    %mul3A_1415 = arith.constant 8 : i32
    %mul3A_1416 = arith.muli %add3A, %mul3A_1415 : i32
    %add3A_1417 = arith.constant 7 : i32
    %add3A_1418 = arith.addi %mul3A_1416, %add3A_1417 : i32
    %mul3A_1419 = arith.constant 64 : i32
    %mul3A_1420 = arith.muli %add3A_1418, %mul3A_1419 : i32
    %dma_start3A_1421 = arith.constant 0 : i32
    %dma_start3A_1422 = tpu.memref_slice %arg3[%mul3A_1420, %dma_start3A_1421] : memref<16384x192xf32, #tpu.memory_space<hbm>> -> memref<64x128xf32, #tpu.memory_space<hbm>>
    %dma_start3A_1423 = arith.constant 0 : i32
    %dma_start3A_1424 = tpu.memref_slice %arg3[%mul3A_1420, %dma_start3A_1423] : memref<16384x192xf32, #tpu.memory_space<hbm>> -> memref<64x128xf32, #tpu.memory_space<hbm>>
    tpu.enqueue_dma source(%dma_start3A_1424 : memref<64x128xf32, #tpu.memory_space<hbm>>) target(%arg10 : memref<64x128xf32, #tpu.memory_space<vmem>>) target_semaphore(%arg18 : memref<!tpu.dma_semaphore, #tpu.memory_space<semaphore_mem>>)
    %dma_start3A_1425 = arith.constant 128 : i32
    %dma_start3A_1426 = tpu.memref_slice %arg3[%mul3A_1420, %dma_start3A_1425] : memref<16384x192xf32, #tpu.memory_space<hbm>> -> memref<64x64xf32, #tpu.memory_space<hbm>>
    %dma_start3A_1427 = arith.constant 128 : i32
    %dma_start3A_1428 = tpu.memref_slice %arg3[%mul3A_1420, %dma_start3A_1427] : memref<16384x192xf32, #tpu.memory_space<hbm>> -> memref<64x64xf32, #tpu.memory_space<hbm>>
    tpu.enqueue_dma source(%dma_start3A_1428 : memref<64x64xf32, #tpu.memory_space<hbm>>) target(%arg12 : memref<64x64xf32, #tpu.memory_space<vmem>>) target_semaphore(%arg18 : memref<!tpu.dma_semaphore, #tpu.memory_space<semaphore_mem>>)
    %dma_wait3A_1429 = arith.constant 0 : i32
    %dma_wait3A_1430 = tpu.memref_slice %arg3[%mul3A_1392, %dma_wait3A_1429] : memref<16384x192xf32, #tpu.memory_space<hbm>> -> memref<64x128xf32, #tpu.memory_space<hbm>>
    %dma_wait3A_1431 = arith.constant 0 : i32
    %dma_wait3A_1432 = tpu.memref_slice %arg3[%mul3A_1392, %dma_wait3A_1431] : memref<16384x192xf32, #tpu.memory_space<hbm>> -> memref<64x128xf32, #tpu.memory_space<hbm>>
    tpu.wait_dma2 semaphore(%arg17 : memref<!tpu.dma_semaphore, #tpu.memory_space<semaphore_mem>>) src(%dma_wait3A_1432 : memref<64x128xf32, #tpu.memory_space<hbm>>) dst(%arg9 : memref<64x128xf32, #tpu.memory_space<vmem>>)
    %parallel_loop3A_1433 = arith.constant 0 : i32
    %parallel_loop3A_1434 = arith.constant 512 : i32
    %parallel_loop3A_1435 = arith.constant 1 : i32
    scf.for %parallel_loop3A_1461 = %parallel_loop3A_1433 to %parallel_loop3A_1434 step %parallel_loop3A_1435  : i32 {
      %parallel_loop3A_1462 = arith.constant 3 : i32
      %parallel_loop3A_1463 = arith.shrui %parallel_loop3A_1461, %parallel_loop3A_1462 : i32
      %parallel_loop3A_1464 = arith.constant 7 : i32
      %parallel_loop3A_1465 = arith.andi %parallel_loop3A_1461, %parallel_loop3A_1464 : i32
      %parallel_loop3A_1466 = arith.constant 4 : i32
      %parallel_loop3A_1467 = arith.shli %parallel_loop3A_1465, %parallel_loop3A_1466 : i32
      %parallel_loop3A_1468 = arith.index_cast %parallel_loop3A_1463 : i32 to index
      %parallel_loop3A_1469 = arith.index_cast %parallel_loop3A_1467 : i32 to index
      %parallel_loop3A_1470 = tpu.vector_load %arg9[%parallel_loop3A_1468, %parallel_loop3A_1469] {strides = array<i32>} : memref<64x128xf32, #tpu.memory_space<vmem>>, vector<16xf32>,
      %parallel_loop3A_1471 = arith.mulf %parallel_loop3A_1470, %get3A_18 : vector<16xf32>
      %parallel_loop3A_1472 = arith.addf %parallel_loop3A_1471, %sub3A_1232 : vector<16xf32>
      %parallel_loop3A_1473 = arith.fptosi %parallel_loop3A_1472 : vector<16xf32> to vector<16xi32>
      tpu.vector_store_idx %arg14[%parallel_loop3A_1473], %broadcast_in_dim3A_26 {add = true} : memref<4112xf32, #tpu.memory_space<vmem>>[vector<16xi32>], vector<16xf32>,
    } {sc.loop_unroll_factor = 16 : i64, sc.parallel_access}
    %dma_wait3A_1436 = arith.constant 128 : i32
    %dma_wait3A_1437 = tpu.memref_slice %arg3[%mul3A_1392, %dma_wait3A_1436] : memref<16384x192xf32, #tpu.memory_space<hbm>> -> memref<64x64xf32, #tpu.memory_space<hbm>>
    %dma_wait3A_1438 = arith.constant 128 : i32
    %dma_wait3A_1439 = tpu.memref_slice %arg3[%mul3A_1392, %dma_wait3A_1438] : memref<16384x192xf32, #tpu.memory_space<hbm>> -> memref<64x64xf32, #tpu.memory_space<hbm>>
    tpu.wait_dma2 semaphore(%arg17 : memref<!tpu.dma_semaphore, #tpu.memory_space<semaphore_mem>>) src(%dma_wait3A_1439 : memref<64x64xf32, #tpu.memory_space<hbm>>) dst(%arg11 : memref<64x64xf32, #tpu.memory_space<vmem>>)
    %parallel_loop3A_1440 = arith.constant 0 : i32
    %parallel_loop3A_1441 = arith.constant 256 : i32
    %parallel_loop3A_1442 = arith.constant 1 : i32
    scf.for %parallel_loop3A_1461 = %parallel_loop3A_1440 to %parallel_loop3A_1441 step %parallel_loop3A_1442  : i32 {
      %parallel_loop3A_1462 = arith.constant 2 : i32
      %parallel_loop3A_1463 = arith.shrui %parallel_loop3A_1461, %parallel_loop3A_1462 : i32
      %parallel_loop3A_1464 = arith.constant 3 : i32
      %parallel_loop3A_1465 = arith.andi %parallel_loop3A_1461, %parallel_loop3A_1464 : i32
      %parallel_loop3A_1466 = arith.constant 4 : i32
      %parallel_loop3A_1467 = arith.shli %parallel_loop3A_1465, %parallel_loop3A_1466 : i32
      %parallel_loop3A_1468 = arith.index_cast %parallel_loop3A_1463 : i32 to index
      %parallel_loop3A_1469 = arith.index_cast %parallel_loop3A_1467 : i32 to index
      %parallel_loop3A_1470 = tpu.vector_load %arg11[%parallel_loop3A_1468, %parallel_loop3A_1469] {strides = array<i32>} : memref<64x64xf32, #tpu.memory_space<vmem>>, vector<16xf32>,
      %parallel_loop3A_1471 = arith.mulf %parallel_loop3A_1470, %get3A_18 : vector<16xf32>
      %parallel_loop3A_1472 = arith.addf %parallel_loop3A_1471, %sub3A_1232 : vector<16xf32>
      %parallel_loop3A_1473 = arith.fptosi %parallel_loop3A_1472 : vector<16xf32> to vector<16xi32>
      tpu.vector_store_idx %arg14[%parallel_loop3A_1473], %broadcast_in_dim3A_26 {add = true} : memref<4112xf32, #tpu.memory_space<vmem>>[vector<16xi32>], vector<16xf32>,
    } {sc.loop_unroll_factor = 16 : i64, sc.parallel_access}
    %dma_wait3A_1443 = arith.constant 0 : i32
    %dma_wait3A_1444 = tpu.memref_slice %arg3[%mul3A_1420, %dma_wait3A_1443] : memref<16384x192xf32, #tpu.memory_space<hbm>> -> memref<64x128xf32, #tpu.memory_space<hbm>>
    %dma_wait3A_1445 = arith.constant 0 : i32
    %dma_wait3A_1446 = tpu.memref_slice %arg3[%mul3A_1420, %dma_wait3A_1445] : memref<16384x192xf32, #tpu.memory_space<hbm>> -> memref<64x128xf32, #tpu.memory_space<hbm>>
    tpu.wait_dma2 semaphore(%arg18 : memref<!tpu.dma_semaphore, #tpu.memory_space<semaphore_mem>>) src(%dma_wait3A_1446 : memref<64x128xf32, #tpu.memory_space<hbm>>) dst(%arg10 : memref<64x128xf32, #tpu.memory_space<vmem>>)
    %parallel_loop3A_1447 = arith.constant 0 : i32
    %parallel_loop3A_1448 = arith.constant 512 : i32
    %parallel_loop3A_1449 = arith.constant 1 : i32
    scf.for %parallel_loop3A_1461 = %parallel_loop3A_1447 to %parallel_loop3A_1448 step %parallel_loop3A_1449  : i32 {
      %parallel_loop3A_1462 = arith.constant 3 : i32
      %parallel_loop3A_1463 = arith.shrui %parallel_loop3A_1461, %parallel_loop3A_1462 : i32
      %parallel_loop3A_1464 = arith.constant 7 : i32
      %parallel_loop3A_1465 = arith.andi %parallel_loop3A_1461, %parallel_loop3A_1464 : i32
      %parallel_loop3A_1466 = arith.constant 4 : i32
      %parallel_loop3A_1467 = arith.shli %parallel_loop3A_1465, %parallel_loop3A_1466 : i32
      %parallel_loop3A_1468 = arith.index_cast %parallel_loop3A_1463 : i32 to index
      %parallel_loop3A_1469 = arith.index_cast %parallel_loop3A_1467 : i32 to index
      %parallel_loop3A_1470 = tpu.vector_load %arg10[%parallel_loop3A_1468, %parallel_loop3A_1469] {strides = array<i32>} : memref<64x128xf32, #tpu.memory_space<vmem>>, vector<16xf32>,
      %parallel_loop3A_1471 = arith.mulf %parallel_loop3A_1470, %get3A_18 : vector<16xf32>
      %parallel_loop3A_1472 = arith.addf %parallel_loop3A_1471, %sub3A_1232 : vector<16xf32>
      %parallel_loop3A_1473 = arith.fptosi %parallel_loop3A_1472 : vector<16xf32> to vector<16xi32>
      tpu.vector_store_idx %arg14[%parallel_loop3A_1473], %broadcast_in_dim3A_26 {add = true} : memref<4112xf32, #tpu.memory_space<vmem>>[vector<16xi32>], vector<16xf32>,
    } {sc.loop_unroll_factor = 16 : i64, sc.parallel_access}
    %dma_wait3A_1450 = arith.constant 128 : i32
    %dma_wait3A_1451 = tpu.memref_slice %arg3[%mul3A_1420, %dma_wait3A_1450] : memref<16384x192xf32, #tpu.memory_space<hbm>> -> memref<64x64xf32, #tpu.memory_space<hbm>>
    %dma_wait3A_1452 = arith.constant 128 : i32
    %dma_wait3A_1453 = tpu.memref_slice %arg3[%mul3A_1420, %dma_wait3A_1452] : memref<16384x192xf32, #tpu.memory_space<hbm>> -> memref<64x64xf32, #tpu.memory_space<hbm>>
    tpu.wait_dma2 semaphore(%arg18 : memref<!tpu.dma_semaphore, #tpu.memory_space<semaphore_mem>>) src(%dma_wait3A_1453 : memref<64x64xf32, #tpu.memory_space<hbm>>) dst(%arg12 : memref<64x64xf32, #tpu.memory_space<vmem>>)
    %parallel_loop3A_1454 = arith.constant 0 : i32
    %parallel_loop3A_1455 = arith.constant 256 : i32
    %parallel_loop3A_1456 = arith.constant 1 : i32
    scf.for %parallel_loop3A_1461 = %parallel_loop3A_1454 to %parallel_loop3A_1455 step %parallel_loop3A_1456  : i32 {
      %parallel_loop3A_1462 = arith.constant 2 : i32
      %parallel_loop3A_1463 = arith.shrui %parallel_loop3A_1461, %parallel_loop3A_1462 : i32
      %parallel_loop3A_1464 = arith.constant 3 : i32
      %parallel_loop3A_1465 = arith.andi %parallel_loop3A_1461, %parallel_loop3A_1464 : i32
      %parallel_loop3A_1466 = arith.constant 4 : i32
      %parallel_loop3A_1467 = arith.shli %parallel_loop3A_1465, %parallel_loop3A_1466 : i32
      %parallel_loop3A_1468 = arith.index_cast %parallel_loop3A_1463 : i32 to index
      %parallel_loop3A_1469 = arith.index_cast %parallel_loop3A_1467 : i32 to index
      %parallel_loop3A_1470 = tpu.vector_load %arg12[%parallel_loop3A_1468, %parallel_loop3A_1469] {strides = array<i32>} : memref<64x64xf32, #tpu.memory_space<vmem>>, vector<16xf32>,
      %parallel_loop3A_1471 = arith.mulf %parallel_loop3A_1470, %get3A_18 : vector<16xf32>
      %parallel_loop3A_1472 = arith.addf %parallel_loop3A_1471, %sub3A_1232 : vector<16xf32>
      %parallel_loop3A_1473 = arith.fptosi %parallel_loop3A_1472 : vector<16xf32> to vector<16xi32>
      tpu.vector_store_idx %arg14[%parallel_loop3A_1473], %broadcast_in_dim3A_26 {add = true} : memref<4112xf32, #tpu.memory_space<vmem>>[vector<16xi32>], vector<16xf32>,
    } {sc.loop_unroll_factor = 16 : i64, sc.parallel_access}
    %mul3A_1457 = arith.constant 4112 : i32
    %mul3A_1458 = arith.muli %add3A, %mul3A_1457 : i32
    "tpu.region"() ({
      %run_scoped3A = tpu.sem_alloc : memref<!tpu.dma_semaphore, #tpu.memory_space<semaphore_mem>>
      %dma_start3A_1461 = tpu.memref_slice %arg5[%mul3A_1458] : memref<131584xf32, #tpu.memory_space<hbm>> -> memref<4112xf32, #tpu.memory_space<hbm>>
      %dma_start3A_1462 = tpu.memref_slice %arg5[%mul3A_1458] : memref<131584xf32, #tpu.memory_space<hbm>> -> memref<4112xf32, #tpu.memory_space<hbm>>
      tpu.enqueue_dma source(%arg13 : memref<4112xf32, #tpu.memory_space<vmem>>) target(%dma_start3A_1462 : memref<4112xf32, #tpu.memory_space<hbm>>) target_semaphore(%run_scoped3A : memref<!tpu.dma_semaphore, #tpu.memory_space<semaphore_mem>>)
      %dma_wait3A_1463 = tpu.memref_slice %arg5[%mul3A_1458] : memref<131584xf32, #tpu.memory_space<hbm>> -> memref<4112xf32, #tpu.memory_space<hbm>>
      %dma_wait3A_1464 = tpu.memref_slice %arg5[%mul3A_1458] : memref<131584xf32, #tpu.memory_space<hbm>> -> memref<4112xf32, #tpu.memory_space<hbm>>
      tpu.wait_dma2 semaphore(%run_scoped3A : memref<!tpu.dma_semaphore, #tpu.memory_space<semaphore_mem>>) src(%arg13 : memref<4112xf32, #tpu.memory_space<vmem>>) dst(%dma_wait3A_1464 : memref<4112xf32, #tpu.memory_space<hbm>>)
      tpu.yield
    }) : () -> ()
    %mul3A_1459 = arith.constant 4112 : i32
    %mul3A_1460 = arith.muli %add3A, %mul3A_1459 : i32
    "tpu.region"() ({
      %run_scoped3A = tpu.sem_alloc : memref<!tpu.dma_semaphore, #tpu.memory_space<semaphore_mem>>
      %dma_start3A_1461 = tpu.memref_slice %arg6[%mul3A_1460] : memref<131584xf32, #tpu.memory_space<hbm>> -> memref<4112xf32, #tpu.memory_space<hbm>>
      %dma_start3A_1462 = tpu.memref_slice %arg6[%mul3A_1460] : memref<131584xf32, #tpu.memory_space<hbm>> -> memref<4112xf32, #tpu.memory_space<hbm>>
      tpu.enqueue_dma source(%arg14 : memref<4112xf32, #tpu.memory_space<vmem>>) target(%dma_start3A_1462 : memref<4112xf32, #tpu.memory_space<hbm>>) target_semaphore(%run_scoped3A : memref<!tpu.dma_semaphore, #tpu.memory_space<semaphore_mem>>)
      %dma_wait3A_1463 = tpu.memref_slice %arg6[%mul3A_1460] : memref<131584xf32, #tpu.memory_space<hbm>> -> memref<4112xf32, #tpu.memory_space<hbm>>
      %dma_wait3A_1464 = tpu.memref_slice %arg6[%mul3A_1460] : memref<131584xf32, #tpu.memory_space<hbm>> -> memref<4112xf32, #tpu.memory_space<hbm>>
      tpu.wait_dma2 semaphore(%run_scoped3A : memref<!tpu.dma_semaphore, #tpu.memory_space<semaphore_mem>>) src(%arg14 : memref<4112xf32, #tpu.memory_space<vmem>>) dst(%dma_wait3A_1464 : memref<4112xf32, #tpu.memory_space<hbm>>)
      tpu.yield
    }) : () -> ()
    return
  }
}

module attributes {stable_mosaic.version = 14 : i64} {
  func.func @_mse_body(%arg0: i32, %arg1: memref<2x3x512x512xf32, #tpu.memory_space<vmem>>, %arg2: memref<2x3x512x512xf32, #tpu.memory_space<vmem>>, %arg3: memref<1x1xf32, #tpu.memory_space<smem>>, %arg4: memref<1xf32, #tpu.memory_space<smem>>) attributes {dimension_semantics = [#tpu.dimension_semantics<arbitrary>], iteration_bounds = array<i64: 8>, scalar_prefetch = 0 : i64, scratch_operands = 1 : i64, tpu.core_type = #tpu.core_type<tc>, window_params = [{transform_indices = @transform_0, window_bounds = array<i64: 2, 3, 512, 512>}, {transform_indices = @transform_1, window_bounds = array<i64: 2, 3, 512, 512>}, {transform_indices = @transform_2, window_bounds = array<i64: 1, 1>}]} {
    %get3A = arith.constant 0 : index
    %get3A_0 = arith.constant 0 : index
    %get3A_1 = arith.constant 0 : index
    %get3A_2 = arith.constant 0 : index
    %get3A_3 = vector.load %arg1[%get3A, %get3A_0, %get3A_1, %get3A_2] : memref<2x3x512x512xf32, #tpu.memory_space<vmem>>, vector<2x3x512x512xf32>
    %get3A_4 = arith.constant 0 : index
    %get3A_5 = arith.constant 0 : index
    %get3A_6 = arith.constant 0 : index
    %get3A_7 = arith.constant 0 : index
    %get3A_8 = vector.load %arg2[%get3A_4, %get3A_5, %get3A_6, %get3A_7] : memref<2x3x512x512xf32, #tpu.memory_space<vmem>>, vector<2x3x512x512xf32>
    %sub3A = arith.subf %get3A_3, %get3A_8 : vector<2x3x512x512xf32>
    %mul3A = arith.mulf %sub3A, %sub3A : vector<2x3x512x512xf32>
    %reduce_sum3A = vector.shape_cast %mul3A : vector<2x3x512x512xf32> to vector<1x2x3x512x512xf32>
    %reduce_sum3A_9 = arith.constant dense<0.000000e+00> : vector<1xf32>
    %reduce_sum3A_10 = vector.multi_reduction <add>, %reduce_sum3A, %reduce_sum3A_9 [1, 2, 3, 4] : vector<1x2x3x512x512xf32> to vector<1xf32>
    %reduce_sum3A_11 = vector.shape_cast %reduce_sum3A_10 : vector<1xf32> to vector<1x1x1x1x1xf32>
    %reduce_sum3A_12 = vector.extract %reduce_sum3A_11[0, 0, 0, 0, 0] : f32 from vector<1x1x1x1x1xf32>
    %eq3A = arith.constant 0 : i32
    %eq3A_13 = arith.cmpi eq, %arg0, %eq3A : i32
    %convert_element_type3A = arith.extui %eq3A_13 : i1 to i32
    %cond3A = arith.constant 0 : i32
    %cond3A_14 = arith.cmpi ne, %convert_element_type3A, %cond3A : i32
    scf.if %cond3A_14 {
      %swap3A = arith.constant 0 : index
      %swap3A_24 = memref.load %arg4[%swap3A] : memref<1xf32, #tpu.memory_space<smem>>
      memref.store %reduce_sum3A_12, %arg4[%swap3A] : memref<1xf32, #tpu.memory_space<smem>>
    } else {
    }
    %gt3A = arith.constant 0 : i32
    %gt3A_15 = arith.cmpi sgt, %arg0, %gt3A : i32
    %convert_element_type3A_16 = arith.extui %gt3A_15 : i1 to i32
    %cond3A_17 = arith.constant 0 : i32
    %cond3A_18 = arith.cmpi ne, %convert_element_type3A_16, %cond3A_17 : i32
    scf.if %cond3A_18 {
      %get3A_24 = arith.constant 0 : index
      %get3A_25 = memref.load %arg4[%get3A_24] : memref<1xf32, #tpu.memory_space<smem>>
      %add3A = arith.addf %get3A_25, %reduce_sum3A_12 : f32
      %swap3A = arith.constant 0 : index
      %swap3A_26 = memref.load %arg4[%swap3A] : memref<1xf32, #tpu.memory_space<smem>>
      memref.store %add3A, %arg4[%swap3A] : memref<1xf32, #tpu.memory_space<smem>>
    } else {
    }
    %eq3A_19 = arith.constant 7 : i32
    %eq3A_20 = arith.cmpi eq, %arg0, %eq3A_19 : i32
    %convert_element_type3A_21 = arith.extui %eq3A_20 : i1 to i32
    %cond3A_22 = arith.constant 0 : i32
    %cond3A_23 = arith.cmpi ne, %convert_element_type3A_21, %cond3A_22 : i32
    scf.if %cond3A_23 {
      %get3A_24 = arith.constant 0 : index
      %get3A_25 = memref.load %arg4[%get3A_24] : memref<1xf32, #tpu.memory_space<smem>>
      %div3A = arith.constant 0x4B400000 : f32
      %div3A_26 = arith.divf %get3A_25, %div3A : f32
      %swap3A = arith.constant 0 : index
      %swap3A_27 = arith.constant 0 : index
      %swap3A_28 = memref.load %arg3[%swap3A, %swap3A_27] : memref<1x1xf32, #tpu.memory_space<smem>>
      memref.store %div3A_26, %arg3[%swap3A, %swap3A_27] : memref<1x1xf32, #tpu.memory_space<smem>>
    } else {
    }
    return
  }
  func.func @transform_0(%arg0: i32) -> (i32, i32, i32, i32) {
    %c0_i32 = arith.constant 0 : i32
    %c0_i32_0 = arith.constant 0 : i32
    %c0_i32_1 = arith.constant 0 : i32
    %c0_i32_2 = arith.constant 0 : i32
    return %arg0, %c0_i32, %c0_i32_0, %c0_i32_1 : i32, i32, i32, i32
  }
  func.func @transform_1(%arg0: i32) -> (i32, i32, i32, i32) {
    %c0_i32 = arith.constant 0 : i32
    %c0_i32_0 = arith.constant 0 : i32
    %c0_i32_1 = arith.constant 0 : i32
    %c0_i32_2 = arith.constant 0 : i32
    return %arg0, %c0_i32, %c0_i32_0, %c0_i32_1 : i32, i32, i32, i32
  }
  func.func @transform_2(%arg0: i32) -> (i32, i32) {
    %c0_i32 = arith.constant 0 : i32
    %c0_i32_0 = arith.constant 0 : i32
    %c0_i32_1 = arith.constant 0 : i32
    return %c0_i32, %c0_i32_0 : i32, i32
  }
}

module attributes {stable_mosaic.version = 14 : i64} {
  func.func @_finalize_body(%arg0: memref<512x257xf32, #tpu.memory_space<vmem>>, %arg1: memref<512x257xf32, #tpu.memory_space<vmem>>, %arg2: memref<1x1xf32, #tpu.memory_space<smem>>, %arg3: memref<1x1xf32, #tpu.memory_space<smem>>, %arg4: memref<1x1xf32, #tpu.memory_space<smem>>, %arg5: memref<1x1xf32, #tpu.memory_space<smem>>, %arg6: memref<1x1xf32, #tpu.memory_space<smem>>) attributes {dimension_semantics = [], scalar_prefetch = 0 : i64, scratch_operands = 0 : i64, tpu.core_type = #tpu.core_type<tc>} {
    %get3A = arith.constant 0 : index
    %get3A_0 = arith.constant 0 : index
    %get3A_1 = vector.load %arg0[%get3A, %get3A_0] : memref<512x257xf32, #tpu.memory_space<vmem>>, vector<512x257xf32>
    %reduce_sum3A = arith.constant dense<0.000000e+00> : vector<257xf32>
    %reduce_sum3A_2 = vector.multi_reduction <add>, %get3A_1, %reduce_sum3A [0] : vector<512x257xf32> to vector<257xf32>
    %broadcast_in_dim3A = vector.shape_cast %reduce_sum3A_2 : vector<257xf32> to vector<1x257xf32>
    %reduce_sum3A_3 = vector.shape_cast %broadcast_in_dim3A : vector<1x257xf32> to vector<1x1x257xf32>
    %reduce_sum3A_4 = arith.constant dense<0.000000e+00> : vector<1xf32>
    %reduce_sum3A_5 = vector.multi_reduction <add>, %reduce_sum3A_3, %reduce_sum3A_4 [1, 2] : vector<1x1x257xf32> to vector<1xf32>
    %reduce_sum3A_6 = vector.shape_cast %reduce_sum3A_5 : vector<1xf32> to vector<1x1x1xf32>
    %reduce_sum3A_7 = vector.extract %reduce_sum3A_6[0, 0, 0] : f32 from vector<1x1x1xf32>
    %div3A = vector.broadcast %reduce_sum3A_7 : f32 to vector<1x257xf32>
    %div3A_8 = arith.divf %broadcast_in_dim3A, %div3A : vector<1x257xf32>
    %jit3A = arith.constant 9.99999996E-13 : f32
    %jit3A_9 = arith.constant 1.000000e+00 : f32
    %max3A = vector.broadcast %jit3A : f32 to vector<1x257xf32>
    %max3A_10 = arith.maximumf %max3A, %div3A_8 : vector<1x257xf32>
    %min3A = vector.broadcast %jit3A_9 : f32 to vector<1x257xf32>
    %min3A_11 = arith.minimumf %min3A, %max3A_10 : vector<1x257xf32>
    %log3A = math.log %min3A_11 : vector<1x257xf32>
    %mul3A = arith.constant 1.44269502 : f32
    %mul3A_12 = vector.broadcast %mul3A : f32 to vector<1x257xf32>
    %mul3A_13 = arith.mulf %log3A, %mul3A_12 : vector<1x257xf32>
    %mul3A_14 = arith.mulf %min3A_11, %mul3A_13 : vector<1x257xf32>
    %reduce_sum3A_15 = vector.shape_cast %mul3A_14 : vector<1x257xf32> to vector<1x1x257xf32>
    %reduce_sum3A_16 = arith.constant dense<0.000000e+00> : vector<1xf32>
    %reduce_sum3A_17 = vector.multi_reduction <add>, %reduce_sum3A_15, %reduce_sum3A_16 [1, 2] : vector<1x1x257xf32> to vector<1xf32>
    %reduce_sum3A_18 = vector.shape_cast %reduce_sum3A_17 : vector<1xf32> to vector<1x1x1xf32>
    %reduce_sum3A_19 = vector.extract %reduce_sum3A_18[0, 0, 0] : f32 from vector<1x1x1xf32>
    %neg3A = arith.constant 0.000000e+00 : f32
    %neg3A_20 = arith.subf %neg3A, %reduce_sum3A_19 : f32
    %get3A_21 = arith.constant 0 : index
    %get3A_22 = arith.constant 0 : index
    %get3A_23 = vector.load %arg1[%get3A_21, %get3A_22] : memref<512x257xf32, #tpu.memory_space<vmem>>, vector<512x257xf32>
    %reduce_sum3A_24 = arith.constant dense<0.000000e+00> : vector<257xf32>
    %reduce_sum3A_25 = vector.multi_reduction <add>, %get3A_23, %reduce_sum3A_24 [0] : vector<512x257xf32> to vector<257xf32>
    %broadcast_in_dim3A_26 = vector.shape_cast %reduce_sum3A_25 : vector<257xf32> to vector<1x257xf32>
    %reduce_sum3A_27 = vector.shape_cast %broadcast_in_dim3A_26 : vector<1x257xf32> to vector<1x1x257xf32>
    %reduce_sum3A_28 = arith.constant dense<0.000000e+00> : vector<1xf32>
    %reduce_sum3A_29 = vector.multi_reduction <add>, %reduce_sum3A_27, %reduce_sum3A_28 [1, 2] : vector<1x1x257xf32> to vector<1xf32>
    %reduce_sum3A_30 = vector.shape_cast %reduce_sum3A_29 : vector<1xf32> to vector<1x1x1xf32>
    %reduce_sum3A_31 = vector.extract %reduce_sum3A_30[0, 0, 0] : f32 from vector<1x1x1xf32>
    %div3A_32 = vector.broadcast %reduce_sum3A_31 : f32 to vector<1x257xf32>
    %div3A_33 = arith.divf %broadcast_in_dim3A_26, %div3A_32 : vector<1x257xf32>
    %jit3A_34 = arith.constant 9.99999996E-13 : f32
    %jit3A_35 = arith.constant 1.000000e+00 : f32
    %max3A_36 = vector.broadcast %jit3A_34 : f32 to vector<1x257xf32>
    %max3A_37 = arith.maximumf %max3A_36, %div3A_33 : vector<1x257xf32>
    %min3A_38 = vector.broadcast %jit3A_35 : f32 to vector<1x257xf32>
    %min3A_39 = arith.minimumf %min3A_38, %max3A_37 : vector<1x257xf32>
    %log3A_40 = math.log %min3A_39 : vector<1x257xf32>
    %mul3A_41 = arith.constant 1.44269502 : f32
    %mul3A_42 = vector.broadcast %mul3A_41 : f32 to vector<1x257xf32>
    %mul3A_43 = arith.mulf %log3A_40, %mul3A_42 : vector<1x257xf32>
    %mul3A_44 = arith.mulf %min3A_39, %mul3A_43 : vector<1x257xf32>
    %reduce_sum3A_45 = vector.shape_cast %mul3A_44 : vector<1x257xf32> to vector<1x1x257xf32>
    %reduce_sum3A_46 = arith.constant dense<0.000000e+00> : vector<1xf32>
    %reduce_sum3A_47 = vector.multi_reduction <add>, %reduce_sum3A_45, %reduce_sum3A_46 [1, 2] : vector<1x1x257xf32> to vector<1xf32>
    %reduce_sum3A_48 = vector.shape_cast %reduce_sum3A_47 : vector<1xf32> to vector<1x1x1xf32>
    %reduce_sum3A_49 = vector.extract %reduce_sum3A_48[0, 0, 0] : f32 from vector<1x1x1xf32>
    %neg3A_50 = arith.constant 0.000000e+00 : f32
    %neg3A_51 = arith.subf %neg3A_50, %reduce_sum3A_49 : f32
    %div3A_52 = arith.constant 1.600000e+01 : f32
    %div3A_53 = arith.divf %neg3A_51, %div3A_52 : f32
    %get3A_54 = arith.constant 0 : index
    %get3A_55 = arith.constant 0 : index
    %get3A_56 = memref.load %arg2[%get3A_54, %get3A_55] : memref<1x1xf32, #tpu.memory_space<smem>>
    %add3A = arith.addf %get3A_56, %div3A_53 : f32
    %swap3A = arith.constant 0 : index
    %swap3A_57 = arith.constant 0 : index
    %swap3A_58 = memref.load %arg3[%swap3A, %swap3A_57] : memref<1x1xf32, #tpu.memory_space<smem>>
    memref.store %add3A, %arg3[%swap3A, %swap3A_57] : memref<1x1xf32, #tpu.memory_space<smem>>
    %mul3A_59 = arith.constant 3.000000e+00 : f32
    %mul3A_60 = arith.mulf %neg3A_20, %mul3A_59 : f32
    %div3A_61 = arith.constant 2.621440e+05 : f32
    %div3A_62 = arith.divf %mul3A_60, %div3A_61 : f32
    %swap3A_63 = arith.constant 0 : index
    %swap3A_64 = arith.constant 0 : index
    %swap3A_65 = memref.load %arg4[%swap3A_63, %swap3A_64] : memref<1x1xf32, #tpu.memory_space<smem>>
    memref.store %div3A_62, %arg4[%swap3A_63, %swap3A_64] : memref<1x1xf32, #tpu.memory_space<smem>>
    %swap3A_66 = arith.constant 0 : index
    %swap3A_67 = arith.constant 0 : index
    %swap3A_68 = memref.load %arg5[%swap3A_66, %swap3A_67] : memref<1x1xf32, #tpu.memory_space<smem>>
    memref.store %get3A_56, %arg5[%swap3A_66, %swap3A_67] : memref<1x1xf32, #tpu.memory_space<smem>>
    %swap3A_69 = arith.constant 0 : index
    %swap3A_70 = arith.constant 0 : index
    %swap3A_71 = memref.load %arg6[%swap3A_69, %swap3A_70] : memref<1x1xf32, #tpu.memory_space<smem>>
    memref.store %div3A_53, %arg6[%swap3A_69, %swap3A_70] : memref<1x1xf32, #tpu.memory_space<smem>>
    return
  }
}

module attributes {stable_mosaic.version = 14 : i64} {
  func.func @_minmax_body(%arg0: i32, %arg1: memref<4x32x32x192xf32, #tpu.memory_space<vmem>>, %arg2: memref<2x16xf32, #tpu.memory_space<vmem>>, %arg3: memref<1xf32, #tpu.memory_space<smem>>, %arg4: memref<1xf32, #tpu.memory_space<smem>>) attributes {dimension_semantics = [#tpu.dimension_semantics<arbitrary>], iteration_bounds = array<i64: 4>, scalar_prefetch = 0 : i64, scratch_operands = 2 : i64, tpu.core_type = #tpu.core_type<tc>, window_params = [{transform_indices = @transform_0, window_bounds = array<i64: 4, 32, 32, 192>}, {pipeline_mode = #tpu.pipeline_mode<synchronous>, transform_indices = @transform_1, window_bounds = array<i64: 2, 16>}]} {
    %get3A = arith.constant 0 : index
    %get3A_0 = arith.constant 0 : index
    %get3A_1 = arith.constant 0 : index
    %get3A_2 = arith.constant 0 : index
    %get3A_3 = vector.load %arg1[%get3A, %get3A_0, %get3A_1, %get3A_2] : memref<4x32x32x192xf32, #tpu.memory_space<vmem>>, vector<4x32x32x192xf32>
    %reduce_min3A = vector.shape_cast %get3A_3 : vector<4x32x32x192xf32> to vector<1x4x32x32x192xf32>
    %reduce_min3A_4 = arith.constant dense<0x7F800000> : vector<1xf32>
    %reduce_min3A_5 = vector.multi_reduction <minimumf>, %reduce_min3A, %reduce_min3A_4 [1, 2, 3, 4] : vector<1x4x32x32x192xf32> to vector<1xf32>
    %reduce_min3A_6 = vector.shape_cast %reduce_min3A_5 : vector<1xf32> to vector<1x1x1x1x1xf32>
    %reduce_min3A_7 = vector.extract %reduce_min3A_6[0, 0, 0, 0, 0] : f32 from vector<1x1x1x1x1xf32>
    %reduce_max3A = vector.shape_cast %get3A_3 : vector<4x32x32x192xf32> to vector<1x4x32x32x192xf32>
    %reduce_max3A_8 = arith.constant dense<0xFF800000> : vector<1xf32>
    %reduce_max3A_9 = vector.multi_reduction <maximumf>, %reduce_max3A, %reduce_max3A_8 [1, 2, 3, 4] : vector<1x4x32x32x192xf32> to vector<1xf32>
    %reduce_max3A_10 = vector.shape_cast %reduce_max3A_9 : vector<1xf32> to vector<1x1x1x1x1xf32>
    %reduce_max3A_11 = vector.extract %reduce_max3A_10[0, 0, 0, 0, 0] : f32 from vector<1x1x1x1x1xf32>
    %eq3A = arith.constant 0 : i32
    %eq3A_12 = arith.cmpi eq, %arg0, %eq3A : i32
    %convert_element_type3A = arith.extui %eq3A_12 : i1 to i32
    %cond3A = arith.constant 0 : i32
    %cond3A_13 = arith.cmpi ne, %convert_element_type3A, %cond3A : i32
    scf.if %cond3A_13 {
      %swap3A = arith.constant 0 : index
      %swap3A_23 = memref.load %arg3[%swap3A] : memref<1xf32, #tpu.memory_space<smem>>
      memref.store %reduce_min3A_7, %arg3[%swap3A] : memref<1xf32, #tpu.memory_space<smem>>
      %swap3A_24 = arith.constant 0 : index
      %swap3A_25 = memref.load %arg4[%swap3A_24] : memref<1xf32, #tpu.memory_space<smem>>
      memref.store %reduce_max3A_11, %arg4[%swap3A_24] : memref<1xf32, #tpu.memory_space<smem>>
    } else {
    }
    %gt3A = arith.constant 0 : i32
    %gt3A_14 = arith.cmpi sgt, %arg0, %gt3A : i32
    %convert_element_type3A_15 = arith.extui %gt3A_14 : i1 to i32
    %cond3A_16 = arith.constant 0 : i32
    %cond3A_17 = arith.cmpi ne, %convert_element_type3A_15, %cond3A_16 : i32
    scf.if %cond3A_17 {
      %get3A_23 = arith.constant 0 : index
      %get3A_24 = memref.load %arg3[%get3A_23] : memref<1xf32, #tpu.memory_space<smem>>
      %min3A = arith.minimumf %get3A_24, %reduce_min3A_7 : f32
      %swap3A = arith.constant 0 : index
      %swap3A_25 = memref.load %arg3[%swap3A] : memref<1xf32, #tpu.memory_space<smem>>
      memref.store %min3A, %arg3[%swap3A] : memref<1xf32, #tpu.memory_space<smem>>
      %get3A_26 = arith.constant 0 : index
      %get3A_27 = memref.load %arg4[%get3A_26] : memref<1xf32, #tpu.memory_space<smem>>
      %max3A = arith.maximumf %get3A_27, %reduce_max3A_11 : f32
      %swap3A_28 = arith.constant 0 : index
      %swap3A_29 = memref.load %arg4[%swap3A_28] : memref<1xf32, #tpu.memory_space<smem>>
      memref.store %max3A, %arg4[%swap3A_28] : memref<1xf32, #tpu.memory_space<smem>>
    } else {
    }
    %eq3A_18 = arith.constant 3 : i32
    %eq3A_19 = arith.cmpi eq, %arg0, %eq3A_18 : i32
    %convert_element_type3A_20 = arith.extui %eq3A_19 : i1 to i32
    %cond3A_21 = arith.constant 0 : i32
    %cond3A_22 = arith.cmpi ne, %convert_element_type3A_20, %cond3A_21 : i32
    scf.if %cond3A_22 {
      %get3A_23 = arith.constant 0 : index
      %get3A_24 = memref.load %arg3[%get3A_23] : memref<1xf32, #tpu.memory_space<smem>>
      %get3A_25 = arith.constant 0 : index
      %get3A_26 = memref.load %arg4[%get3A_25] : memref<1xf32, #tpu.memory_space<smem>>
      %sub3A = arith.subf %get3A_26, %get3A_24 : f32
      %div3A = arith.constant 2.560000e+02 : f32
      %div3A_27 = arith.divf %div3A, %sub3A : f32
      %broadcast_in_dim3A = vector.broadcast %get3A_24 : f32 to vector<1x16xf32>
      %broadcast_in_dim3A_28 = vector.broadcast %div3A_27 : f32 to vector<1x16xf32>
      %concatenate3A = tpu.concatenate %broadcast_in_dim3A, %broadcast_in_dim3A_28 in 0 : vector<1x16xf32>, vector<1x16xf32> -> vector<2x16xf32>
      %swap3A = arith.constant 0 : index
      %swap3A_29 = arith.constant 0 : index
      %swap3A_30 = vector.load %arg2[%swap3A, %swap3A_29] : memref<2x16xf32, #tpu.memory_space<vmem>>, vector<2x16xf32>
      tpu.vector_store %arg2[%swap3A, %swap3A_29], %concatenate3A {strides = array<i32>} : memref<2x16xf32, #tpu.memory_space<vmem>>, vector<2x16xf32>,
    } else {
    }
    return
  }
  func.func @transform_0(%arg0: i32) -> (i32, i32, i32, i32) {
    %c0_i32 = arith.constant 0 : i32
    %c0_i32_0 = arith.constant 0 : i32
    %c0_i32_1 = arith.constant 0 : i32
    %c0_i32_2 = arith.constant 0 : i32
    return %arg0, %c0_i32, %c0_i32_0, %c0_i32_1 : i32, i32, i32, i32
  }
  func.func @transform_1(%arg0: i32) -> (i32, i32) {
    %c0_i32 = arith.constant 0 : i32
    %c0_i32_0 = arith.constant 0 : i32
    %c0_i32_1 = arith.constant 0 : i32
    return %c0_i32, %c0_i32_0 : i32, i32
  }
}

</mosaic_0001>

<sc_bundles>
// kernel: kernel.6.cloned.1.call-start
scs
__scs_entry_jumppad:
0x0: {  	(pc) =	sbr.rel $0x88, $3  }
0x1: {  	(tag) =	ssettag $0x0;
	lr =	simm.s32 $0x1  }
0x2: {  	[smem:$0x3F9E] =	sst lr;
	_ =	strace $0xD0000000  }
0x3: {  	_ = 	snop  }
0x4: {  	_ = 	snop  }
0x5: {  	_ = 	snop  }
0x6: {  	_ = 	snop  }
0x7: {  	_ = 	snop  }
__scs_overlays_trampoline_lowered:
0x8: {  	[smem:$0x3FAD] =	sst s0  }
0x9: {  	[smem:$0x3FAE] =	sst s1  }
0xa: {  	[smem:$0x3FAF] =	sst s2  }
0xb: {  	[smem:$0x3FB0] =	sst s3  }
0xc: {  	[smem:$0x3FB1] =	sst s4  }
0xd: {  	[smem:$0x3FB2] =	sst s5  }
0xe: {  	[smem:$0x3FB3] =	sst s6  }
0xf: {  	[smem:$0x3FB4] =	sst s7  }
0x10: {  	[smem:$0x3FB5] =	sst s8  }
0x11: {  	[smem:$0x3FB6] =	sst s9;
	s0 =	simm.s32 @!p0 $0x0  }
0x12: {  	s1 =	sld [smem:$0x3F9C];
	s0 =	simm.s32 @p0 $0x1  }
0x13: {  	[smem:$0x3FB7] =	sst s0;
	s0 =	simm.s32 @!p1 $0x0  }
0x14: {  	s2 =	sld [smem:$0x3F9B];
	s0 =	simm.s32 @p1 $0x1  }
0x15: {  	[smem:$0x3FB8] =	sst s0;
	s0 =	simm.s32 @!p2 $0x0  }
0x16: {  	s3 =	sld [smem:$0x3FDB];
	s0 =	simm.s32 @p2 $0x1  }
0x17: {  	s4 =	simm.s32 $0x1BF5;
	[smem:$0x3FBA] =	sst s0  }
0x18: {  	s0 =	sld [smem:$0x3F9D];
	_ =	swait.ge [sflag:s4], $0x0  }
0x19: {  	s7 =	sld [smem:$0x3F9E]  }
0x1a: {  	s8 =	sadd.s32 $0xFFFFE003, lr  }
0x1b: {  	s9 =	sadd.s32 $0xFFFFFEF7, lr;
	s5 =	simm.s32 $0xFFFFFFFF;
	p2 =	slt.u32 s8, $0xFFFFF086  }
0x1c: {  	p1 =	slt.u32 s9, $0xF7A;
	s5 =	simm.s32 @!p2 $0x0  }
0x1d: {  	s5 =	simm.s32 @p1 $0x1;
	p0 =	seq.s32 s7, s2  }
0x1e: {  	s7 =	smul.u32 @!p0 $0xF7A, s2;
	p2 =	seq.s32 @!p0 s5, $0x0  }
0x1f: {  	s9 =	smul.u32 $0xF7A, s1;
	s8 =	simm.s32 @!p0 $0x1BF5;
	p2 =	por !p2, p0  }
0x20: {  	[sflag:s8] =	ssyncset.s32 @!p0 $0xFFFFF086;
	s6 =	sadd.s32 @!p0 s3, s7;
	s7 =	simm.s32 @!p0 $0x108  }
0x21: {  	s3 =	sadd.s32 s3, s9;
	s6 =	sadd.s32 @!p0 $0x88, s6;
	s7 =	simm.s32 @p2 $0x1082  }
0x22: {  	[simem:s7], [sflag:s8] =	dma.local @!p0 [hbm:s6], $0xF7A  }
0x23: {  	s9 =	sor.u32 $0xD0000000, s2;
	s6 =	simm.s32 $0x108;
	_ =	swait.ge @!p0 [sflag:s8], $0x0  }
0x24: {  	s3 =	sadd.s32 $0x88, s3;
	s6 =	simm.s32 @!p1 $0x1082;
	[sflag:s4] =	ssyncset.s32 $0xFFFFF086  }
0x25: {  	[simem:s6], [sflag:s4] =	dma.local [hbm:s3], $0xF7A  }
0x26: {  	[smem:$0x3F9E] =	sst s1;
	(tag) =	ssettag s2;
	_ =	strace s9  }
0x27: {  	s1 =	sld [smem:$0x3FAE]  }
0x28: {  	s2 =	sld [smem:$0x3FAF]  }
0x29: {  	s4 =	sld [smem:$0x3FB1]  }
0x2a: {  	p0 =	seq.s32 s5, $0x0;
	s5 =	sld [smem:$0x3FB2]  }
0x2b: {  	s6 =	sld [smem:$0x3FB3]  }
0x2c: {  	s7 =	sld [smem:$0x3FB4]  }
0x2d: {  	s3 =	simm.s32 $0x108;
	s8 =	sld [smem:$0x3FB5]  }
0x2e: {  	s3 =	simm.s32 @!p0 $0x1082;
	s9 =	sld [smem:$0x3FB6]  }
0x2f: {  	lr =	sadd.s32 s0, s3;
	s0 =	sld [smem:$0x3FAD]  }
0x30: {  	s3 =	sld [smem:$0x3FB0]  }
0x31: {  	[smem:$0x3FB9] =	sst s10  }
0x32: {  	s10 =	sld [smem:$0x3FB7];
	_ =	sdelay $0x3  }
0x33: {  	p0 =	seq.s32 s10, $0x1;
	s10 =	sld [smem:$0x3FB9];
	_ =	sdelay $0x3  }
0x34: {  	[smem:$0x3FB9] =	sst s10  }
0x35: {  	s10 =	sld [smem:$0x3FB8];
	_ =	sdelay $0x3  }
0x36: {  	p1 =	seq.s32 s10, $0x1;
	s10 =	sld [smem:$0x3FB9];
	_ =	sdelay $0x3  }
0x37: {  	[smem:$0x3FB9] =	sst s10  }
0x38: {  	s10 =	sld [smem:$0x3FBA]  }
0x39: {  	_ = 	snop;
	(pc) =	sbr.ind lr, $3  }
0x3a: {  	_ = 	snop  }
0x3b: {  	_ = 	snop  }
0x3c: {  	p2 =	seq.s32 s10, $0x1;
	s10 =	sld [smem:$0x3FB9]  }
0x3d: {  	_ =	shalt  }
0x3e: {  	_ =	shalt  }
0x3f: {  	_ =	shalt  }
0x40: {  	_ =	shalt  }
0x41: {  	_ =	shalt  }
0x42: {  	_ =	shalt  }
0x43: {  	_ =	shalt  }
0x44: {  	_ =	shalt  }
0x45: {  	_ =	shalt  }
0x46: {  	_ =	shalt  }
0x47: {  	_ =	shalt  }
0x48: {  	_ =	shalt  }
0x49: {  	_ =	shalt  }
0x4a: {  	_ =	shalt  }
0x4b: {  	_ =	shalt  }
0x4c: {  	_ =	shalt  }
0x4d: {  	_ =	shalt  }
0x4e: {  	_ =	shalt  }
0x4f: {  	_ =	shalt  }
0x50: {  	_ =	shalt  }
0x51: {  	_ =	shalt  }
0x52: {  	_ =	shalt  }
0x53: {  	_ =	shalt  }
0x54: {  	_ =	shalt  }
0x55: {  	_ =	shalt  }
0x56: {  	_ =	shalt  }
0x57: {  	_ =	shalt  }
0x58: {  	_ =	shalt  }
0x59: {  	_ =	shalt  }
0x5a: {  	_ =	shalt  }
0x5b: {  	_ =	shalt  }
0x5c: {  	_ =	shalt  }
0x5d: {  	_ =	shalt  }
0x5e: {  	_ =	shalt  }
0x5f: {  	_ =	shalt  }
0x60: {  	_ =	shalt  }
0x61: {  	_ =	shalt  }
0x62: {  	_ =	shalt  }
0x63: {  	_ =	shalt  }
0x64: {  	_ =	shalt  }
0x65: {  	_ =	shalt  }
0x66: {  	_ =	shalt  }
0x67: {  	_ =	shalt  }
0x68: {  	_ =	shalt  }
0x69: {  	_ =	shalt  }
0x6a: {  	_ =	shalt  }
0x6b: {  	_ =	shalt  }
0x6c: {  	_ =	shalt  }
0x6d: {  	_ =	shalt  }
0x6e: {  	_ =	shalt  }
0x6f: {  	_ =	shalt  }
0x70: {  	_ =	shalt  }
0x71: {  	_ =	shalt  }
0x72: {  	_ =	shalt  }
0x73: {  	_ =	shalt  }
0x74: {  	_ =	shalt  }
0x75: {  	_ =	shalt  }
0x76: {  	_ =	shalt  }
0x77: {  	_ =	shalt  }
0x78: {  	_ =	shalt  }
0x79: {  	_ =	shalt  }
0x7a: {  	_ =	shalt  }
0x7b: {  	_ =	shalt  }
0x7c: {  	_ =	shalt  }
0x7d: {  	_ =	shalt  }
0x7e: {  	_ =	shalt  }
0x7f: {  	_ =	shalt  }
0x80: {  	_ =	shalt  }
0x81: {  	_ =	shalt  }
0x82: {  	_ =	shalt  }
0x83: {  	_ =	shalt  }
0x84: {  	_ =	shalt  }
0x85: {  	_ =	shalt  }
0x86: {  	_ =	shalt  }
0x87: {  	_ =	shalt  }
.Lfunc_end0:
.L_simem_size_0:
called_computation_lowered:
.L_overlay_start_0:
0x88: {  	s2 =	sld [smem:$0x3FD9]  }
0x89: {  	s3 =	sld [smem:$0x3FFE];
	_ =	sdelay $0x1  }
0x8a: {  	s1 =	srdreg.scid  }
0x8b: {  	s0 =	sand.u32 $0x1, s1  }
0x8c: {  	s14 =	sshll.u32 s0, $0xA;
	s2 =	sadd.s32 s3, s2  }
0x8d: {  	s2 =	sadd.s32 s2, s14  }
0x8e: {  	[smem:$0x3FC5] =	sst s2  }
0x8f: {  	_ = 	snop  }
0x90: {  	s2 =	sld [smem:$0x3FD0];
	_ =	sdelay $0x1  }
0x91: {  	s15 =	sld [smem:$0x3FC9]  }
0x92: {  	s5 =	simm.s32 $0xA;
	s6 =	simm.s32 $0x10;
	s4 =	sld [smem:$0x3FC7]  }
0x93: {  	[smem:s6], [sflag:s5] =	dma.local [hbm:s2], $0x1  }
0x94: {  	_ =	swait.eq [sflag:s5], $0x1  }
0x95: {  	[sflag:s5] =	ssyncset.done $0x0  }
0x96: {  	[sflag:s5] =	ssyncadd.s32 $0xFFFFFFFF  }
0x97: {  	s16 =	sld [smem:$0x13];
	(tm) =	ssettm $0x1  }
0x98: {  	s17 =	sld [smem:$0x3FFB];
	_ =	sdelay $0x3  }
0x99: {  	_ =	strace s17  }
0x9a: {  	s5 =	sld [smem:$0x3FFC];
	_ =	sdelay $0x3  }
0x9b: {  	_ =	strace s5  }
0x9c: {  	s5 =	sld [smem:$0x3FFD];
	_ =	sdelay $0x3  }
0x9d: {  	_ =	strace s5  }
0x9e: {  	_ =	strace $0x8FFFFFFF  }
0x9f: {  	s18 =	sld [smem:$0x3FDB];
	_ =	sdelay $0x1  }
0xa0: {  	s19 =	simm.s32 $_scs_section_size  }
0xa1: {  	s7 =	simm.s32 $_size__tile_overlayer_lowered;
	s8 =	simm.s32 $_tile_overlayer_lowered  }
0xa2: {  	s22 =	simm.s32 $0x1BFF;
	s21 =	sshll.u32 s8, $0x1;
	s5 =	sadd.s32 s19, s18  }
0xa3: {  	s9 =	simm.s32 $0x0;
	s20 =	sshll.u32 s7, $0x1;
	s7 =	sadd.s32 s21, s5  }
0xa4: {  	[timem:s9], [sflag:s22] =	dma.local [hbm:s7], s20  }
0xa5: {  	_ =	swait.ge [sflag:s22], s20  }
0xa6: {  	s6 =	ssub.s32 $0x0, s20;
	[sflag:s22] =	ssyncset.done $0x0  }
0xa7: {  	[sflag:s22] =	ssyncadd.s32 s6;
	_ =	sdelay $0x1  }
0xa8: {  	s23 =	simm.s32 $0x1B8B  }
0xa9: {  	_ =	swait.ge [sflag:s23], $0x1  }
0xaa: {  	[sflag:s23] =	ssyncset.done $0x0  }
0xab: {  	s25 =	simm.s32 $0x1B8E;
	s24 =	sld [smem:$0x3FFE];
	[sflag:s23] =	ssyncadd.s32 $0xFFFFFFFF  }
0xac: {  	s26 =	simm.s32 $execute0_lowered;
	[smem:$0x3FD2] =	sst s25  }
0xad: {  	s7 =	sshll.u32 s26, $0x1;
	_ =	strace $0x80000046;
	[dreg:$0x1] =	wrdreg $0xFFFFFFFF  }
0xae: {  	s28 =	simm.s32 $_size_execute0_lowered;
	s5 =	sadd.s32 s5, s7;
	[dreg:$0x0] =	wrdreg $0x0  }
0xaf: {  	s7 =	sshll.u32 s28, $0x1;
	[dreg:$0x2] =	wrdreg s5  }
0xb0: {  	[dreg:$0x3] =	wrdreg s7  }
0xb1: {  	[dreg:$0x4] =	wrdreg $0xC0  }
0xb2: {  	_ =	task [dreg:s9], $0x5FFFF  }
0xb3: {  	[dreg:$0x1] =	wrdreg $0xFFFFFFFF  }
0xb4: {  	[dreg:$0x0] =	wrdreg $0x60  }
0xb5: {  	[dreg:$0x2] =	wrdreg s15  }
0xb6: {  	[dreg:$0x3] =	wrdreg s4  }
0xb7: {  	[dreg:$0x4] =	wrdreg s16  }
0xb8: {  	[dreg:$0x5] =	wrdreg s24  }
0xb9: {  	[dreg:$0x6] =	wrdreg $0x9  }
0xba: {  	_ =	task.clear_ibuf [dreg:s9], $0x7FFFF;
	_ =	strace $0x90000046  }
0xbb: {  	s29 =	simm.s32 $0x9;
	_ =	strace $0x80000048  }
0xbc: {  	_ =	swait.ge [sflag:s29], $0x1  }
0xbd: {  	[sflag:s29] =	ssyncadd.s32 $0xFFFFFFFF  }
0xbe: {  	_ =	strace $0x90000048  }
0xbf: {  	_ =	sfence  }
0xc0: {  	s30 =	sld [smem:$0x0];
	_ =	sdelay $0x2  }
0xc1: {  	s31 =	sshll.u32 s1, $0xD;
	s1 =	sshrl.u32 s1, $0x2  }
0xc2: {  	s3 =	sand.u32 $0x4000, s31;
	s1 =	sadd.s32 s1, s30  }
0xc3: {  	s0 =	sor.u32 s3, s0;
	s1 =	sshll.u32 s1, $0x11  }
0xc4: {  	s0 =	sor.u32 s1, s0  }
0xc5: {  	s0 =	sadd.s32 $0x8F2B, s0  }
0xc6: {  	[sflag:s0] =	ssyncadd.remote.s32 $0x1  }
0xc7: {  	_ =	sfence.sel $0xFFFF  }
0xc8: {  	[dreg:$0x0] =	wrdreg $0xFFFFFFFF;
	(pc) =	sbr.abs _section_cstart, $3  }
0xc9: {  	[dreg:$0x1] =	wrdreg $0xFFFFFFFF  }
0xca: {  	_ =	task.clear_ibuf [dreg:s9], $0x2FFFF;
	_ =	strace $0x9FFFFFFF  }
0xcb: {  	(tm) =	ssettm $0x7FFFFFFF  }
tec
execute0_lowered:
.L_overlay_start_1:
0x0: {  	(tag) =	ssettag $0x1  }
0x1: {  	s0 =	srdreg.scid;
	s10 =	stileid.u32  }
0x2: {  	s2 =	rddreg [dreg:$0x0];
	s4 =	sand.u32 $0x1, s0;
	s12 =	sshll.u32 s10, $0x1  }
0x3: {  	s1 =	rddreg [dreg:$0x1];
	s17 =	smul.u32 $0xC0000, s10;
	s3 =	sor.u32 s4, s12  }
0x4: {  	s14 =	rddreg [dreg:$0x2];
	s0 =	smul.u32 $0x81, s3  }
0x5: {  	s6 =	rddreg [dreg:$0x3];
	s9 =	simm.s32 $0x0;
	s7 =	smul.u32 $0x3, s3  }
0x6: {  	[smem:$0x7FF] =	sst s9;
	s24 =	sadd.s32 $0x2, s14;
	s13 =	smul.u32 $0x201, s3  }
0x7: {  	_ =	strace $0x80000047;
	s5 =	smul.u32 $0x202, s3;
	s0 =	sshrl.u32 s0, $0x8  }
0x8: {  	s16 =	sadd.s32 $0xAB, s13;
	s19 =	sadd.s32 $0x2, s7;
	s8 =	smul.u32 $0x6, s0  }
0x9: {  	s0 =	sadd.s32 s5, s6;
	s6 =	sshrl.u32 s16, $0xA;
	s12 =	smul.u32 $0xAB, s19  }
0xa: {  	s4 =	ssub.s32 $0x2, s4;
	[dreg:$0x6] =	wrdreg s24;
	s18 =	smul.u32 $0x6, s6  }
0xb: {  	s13 =	sshrl.u32 s4, $0x1;
	s6 =	smul.u32 $0xC0000, s6;
	s24 =	sadd.s32 $0xC00, s0  }
0xc: {  	s0 =	sadd.s32 $0x4E00, s0;
	s15 =	ssub.s32 s7, s8;
	s20 =	sshrl.u32 s12, $0xA  }
0xd: {  	[dreg:$0x14] =	wrdreg s24;
	s5 =	sand.u32 $0xFF, s15;
	s7 =	ssub.s32 s7, s18  }
0xe: {  	[dreg:$0x15] =	wrdreg s0;
	s5 =	sshll.u32 s5, $0x11;
	s7 =	sadd.s32 $0x1, s7  }
0xf: {  	s22 =	smul.u32 $0x6, s20;
	s11 =	sand.u32 $0xC0000, s5;
	s7 =	sand.u32 $0xFF, s7  }
0x10: {  	s5 =	sand.u32 $0x20000, s5;
	s8 =	sadd.s32 s17, s11;
	s7 =	sshll.u32 s7, $0x11  }
0x11: {  	s23 =	ssub.s32 s19, s22;
	s5 =	sor.u32 s5, s8;
	s25 =	sand.u32 $0xC0000, s7  }
0x12: {  	s8 =	smul.u32 $0xC0000, s20;
	s7 =	sand.u32 $0x20000, s7;
	s21 =	sshrl.u32 s5, $0x3  }
0x13: {  	s5 =	ssub.s32 s4, s13;
	s6 =	sadd.s32 s6, s25;
	s13 =	sshll.u32 s3, $0xE  }
0x14: {  	s4 =	sadd.s32 s2, s21;
	s6 =	sor.u32 s7, s6;
	s25 =	smax.u32 s5, $0x1  }
0x15: {  	s9 =	sadd.s32 $0x1000, s4;
	s29 =	sadd.s32 $0x2000, s4;
	[dreg:$0x16] =	wrdreg s25  }
0x16: {  	s6 =	sshrl.u32 s6, $0x3;
	[dreg:$0x5] =	wrdreg s9;
	s9 =	sand.u32 $0xFF, s23  }
0x17: {  	s10 =	sadd.s32 $0x3000, s4;
	[dreg:$0x7] =	wrdreg s29;
	s9 =	sshll.u32 s9, $0x11  }
0x18: {  	s26 =	sand.u32 $0xC0000, s9;
	s28 =	sand.u32 $0x20000, s9;
	s9 =	sadd.s32 s2, s6  }
0x19: {  	[dreg:$0x8] =	wrdreg s10;
	s10 =	simm.s32 $0x18000;
	s12 =	sadd.s32 $0x1000, s9  }
0x1a: {  	v0 =	vimm.f32 $8.392463000e+06;
	vm0 =	vcmask $0x300;
	s6 =	simm.s32 $0x3;
	s14 =	sadd.s32 $0x2000, s9;
	[dreg:$0x9] =	wrdreg s12  }
0x1b: {  	vm1 =	vcmask $0x704;
	v1 =	vimm.f32 $3.855000000e+03;
	v0 =	vsel vm0, $0x4B000000, v0;
	s8 =	sadd.s32 s8, s26;
	s16 =	sadd.s32 $0x3000, s9;
	[dreg:$0xa] =	wrdreg s14  }
0x1c: {  	vm2 =	vcmask $0xB08;
	v1 =	vsel vm0, $0x0, v1;
	v0 =	vsel vm1, $0x4B000101, v0;
	s7 =	sor.u32 s28, s8;
	s14 =	sadd.s32 s1, s13;
	[dreg:$0xc] =	wrdreg s16  }
0x1d: {  	vm3 =	vcmask $0xF0C;
	v1 =	vsel vm1, $0x43808000, v1;
	v0 =	vsel vm2, $0x4B000202, v0;
	s8 =	simm.s32 $0x1;
	s12 =	simm.s32 $0x2;
	s13 =	simm.s32 $0x400  }
0x1e: {  	vm4 =	vcmask $0x1310;
	v1 =	vsel vm2, $0x44008000, v1;
	v0 =	vsel vm3, $0x4B000303, v0;
	s16 =	simm.s32 $0x10000;
	s11 =	sshrl.u32 s7, $0x3;
	s18 =	sadd.s32 $0x800, s14  }
0x1f: {  	vm5 =	vcmask $0x1714;
	v1 =	vsel vm3, $0x4440C000, v1;
	v0 =	vsel vm4, $0x4B000404, v0;
	s20 =	sadd.s32 $0x880, s14;
	s21 =	sadd.s32 $0x1000, s14;
	[dreg:$0xe] =	wrdreg s18  }
0x20: {  	vm15 =	vcmask $0x1B18;
	v1 =	vsel vm4, $0x44808000, v1;
	v0 =	vsel vm5, $0x4B000505, v0;
	s22 =	sadd.s32 $0x80, s14;
	s23 =	sadd.s32 $0x1080, s14;
	[dreg:$0x10] =	wrdreg s20  }
0x21: {  	vm8 =	vcmask $0x1F1C;
	v1 =	vsel vm5, $0x44A0A000, v1;
	v0 =	vsel vm15, $0x4B000606, v0;
	s26 =	sadd.s32 $0x1800, s14;
	s28 =	sadd.s32 $0x1880, s14;
	[dreg:$0x11] =	wrdreg s21  }
0x22: {  	vm9 =	vcmask $0x2320;
	v1 =	vsel vm15, $0x44C0C000, v1;
	v0 =	vsel vm8, $0x4B000707, v0;
	s29 =	sadd.s32 $0x2000, s14;
	s30 =	sadd.s32 $0x2080, s14;
	[dreg:$0x12] =	wrdreg s22  }
0x23: {  	vm10 =	vcmask $0x2724;
	v1 =	vsel vm8, $0x44E0E000, v1;
	v0 =	vsel vm9, $0x4B000808, v0;
	s31 =	sadd.s32 $0x2800, s14;
	s1 =	sadd.s32 $0x2880, s14;
	[dreg:$0x13] =	wrdreg s23  }
0x24: {  	vm11 =	vcmask $0x2B28;
	v1 =	vsel vm9, $0x45008000, v1;
	v0 =	vsel vm10, $0x4B000909, v0;
	s0 =	sadd.s32 $0x3000, s14;
	s3 =	sadd.s32 $0x3800, s14;
	[dreg:$0x17] =	wrdreg s26  }
0x25: {  	vm12 =	vcmask $0x2F2C;
	v1 =	vsel vm10, $0x45109000, v1;
	v0 =	vsel vm11, $0x4B000A0A, v0;
	s5 =	sadd.s32 $0x3880, s14;
	s11 =	sadd.s32 s2, s11;
	[dreg:$0x18] =	wrdreg s28  }
0x26: {  	vm13 =	vcmask $0x3330;
	v1 =	vsel vm11, $0x4520A000, v1;
	v0 =	vsel vm12, $0x4B000B0B, v0;
	s7 =	simm.s32 $0x8000;
	[dreg:$0x19] =	wrdreg s29;
	s15 =	sadd.s32 $0x2000, s11  }
0x27: {  	vm14 =	vcmask $0x3734;
	v1 =	vsel vm12, $0x4530B000, v1;
	v0 =	vsel vm13, $0x4B000C0C, v0;
	s2 =	sadd.s32 $0x3080, s14;
	s17 =	sadd.s32 $0x3000, s11;
	[dreg:$0xb] =	wrdreg s15  }
0x28: {  	vm15 =	vcmask $0x3B38;
	v1 =	vsel vm13, $0x4540C000, v1;
	v2 =	vsel vm14, $0x4B000D0D, v0;
	s18 =	simm.s32 $0x12000;
	s19 =	sadd.s32 $0x1000, s11;
	[dreg:$0xd] =	wrdreg s17  }
0x29: {  	v3 =	vsel vm14, $0x4550D000, v1;
	v1 =	vsel vm15, $0x4B000E0E, v2;
	s20 =	simm.s32 $0x19080;
	s21 =	simm.s32 $0x0;
	[dreg:$0xf] =	wrdreg s19  }
0x2a: {  	v0 =	vimm.f32 $0.0e+00;
	v2 =	vimm.f32 $1.000000000e+00;
	v3 =	vsel vm15, $0x4560E000, v3;
	s15 =	simm.s32 $0x800;
	s17 =	simm.s32 $0x14000;
	s19 =	simm.s32 $0x16000  }
.LBB2_1:
0x2b: {  	s23 =	simm.s32 $0x18020  }
0x2c: {  	s22 =	simm.s32 $0x190A0;
	[tilespmem:s23+$0xFFFFFFE0] =	vst v0  }
0x2d: {  	[tilespmem:s22+$0xFFFFFFE0] =	vst v0  }
0x2e: {  	[tilespmem:s23+$0xFFFFFFF0] =	vst v0  }
0x2f: {  	[tilespmem:s22+$0xFFFFFFF0] =	vst v0  }
0x30: {  	[tilespmem:s23+$0x0] =	vst v0  }
0x31: {  	[tilespmem:s22+$0x0] =	vst v0  }
0x32: {  	[tilespmem:s23+$0x10] =	vst v0  }
0x33: {  	s24 =	simm.s32 $0x18060;
	s23 =	simm.s32 $0x0;
	[tilespmem:s22+$0x10] =	vst v0  }
.LBB2_2:
0x34: {  	[tilespmem:s24+$0xFFFFFFE0] =	vst v0;
	s22 =	sadd.s32 $0x40, s22  }
0x35: {  	s23 =	sadd.s32 $0x4, s23;
	[tilespmem:s22+$0xFFFFFFE0] =	vst v0  }
0x36: {  	p0 =	slt.u32 s23, $0xFC;
	[tilespmem:s24+$0xFFFFFFF0] =	vst v0  }
.Ltmp0:
0x37: {  	[tilespmem:s22+$0xFFFFFFF0] =	vst v0;
	(pc) =	sbr.rel @p0 .LBB2_2-.Ltmp0, $4  }
0x38: {  	[tilespmem:s24+$0x0] =	vst v0  }
0x39: {  	[tilespmem:s22+$0x0] =	vst v0  }
0x3a: {  	[tilespmem:s24+$0x10] =	vst v0  }
0x3b: {  	s24 =	sadd.s32 $0x40, s24;
	[tilespmem:s22+$0x10] =	vst v0  }
0x3c: {  	[tilespmem:$0x19000] =	vst v0  }
0x3d: {  	[tilespmem:$0x1A080] =	vst v0;
	s22 =	simm.s32 $0x0;
	s23 =	rddreg [dreg:$0x2];
	s24 =	simm.s32 $0x1A100  }
0x3e: {  	[tilespmem:s24], [sflag:$0x3] =	stream.linear.gather [hbm4b:s23+s22], $0x10, $0x38;
	[tilespmem:$0x1A200] =	vst v63  }
0x3f: {  	_ =	swait.ge [sflag:s6], $0x10  }
0x40: {  	[sflag:s6] =	ssyncset.done $0x0  }
0x41: {  	s25 =	simm.s32 $0x1A180;
	s24 =	rddreg [dreg:$0x6];
	[sflag:s6] =	ssyncadd.s32 $0xFFFFFFF0  }
0x42: {  	[tilespmem:s25], [sflag:$0x3] =	stream.linear.gather [hbm4b:s24+s22], $0x10, $0x38;
	[tilespmem:$0x1A200] =	vst v63  }
0x43: {  	_ =	swait.ge [sflag:s6], $0x10  }
0x44: {  	[sflag:s6] =	ssyncset.done $0x0  }
0x45: {  	[sflag:s6] =	ssyncadd.s32 $0xFFFFFFF0  }
0x46: {  	v5 =	vld [tilespmem:$0x1A100]  }
0x47: {  	v4 =	vld [tilespmem:$0x1A180];
	[tilespmem:s22], [sflag:$0x1] =	stream.linear.gather [hbm4b:s4+s22], $0x8000, $0x38  }
0x48: {  	s26 =	rddreg [dreg:$0x5]  }
0x49: {  	[tilespmem:s7], [sflag:$0x2] =	stream.linear.gather [hbm4b:s26+s22], $0x8000, $0x38;
	[tilespmem:$0x1A200] =	vst v63  }
0x4a: {  	s28 =	sand.u32 $0x7000, s22;
	s29 =	sand.u32 $0x800, s22;
	_ =	swait.ge [sflag:s8], $0x8000  }
0x4b: {  	s23 =	sor.u32 s29, s28;
	s22 =	sand.u32 $0x380, s22;
	[sflag:s8] =	ssyncset.done $0x0  }
0x4c: {  	s22 =	sor.u32 s22, s23;
	[sflag:s8] =	ssyncadd.s32 $0xFFFF8000  }
0x4d: {  	v6 =	vld [tilespmem:s22+$0x470]  }
0x4e: {  	v7 =	vld [tilespmem:s22+$0x0]  }
0x4f: {  	v8 =	vld [tilespmem:s22+$0x10]  }
0x50: {  	v9 =	vld [tilespmem:s22+$0x20]  }
0x51: {  	v10 =	vld [tilespmem:s22+$0x30]  }
0x52: {  	v11 =	vld [tilespmem:s22+$0x40]  }
0x53: {  	v12 =	vld [tilespmem:s22+$0x50];
	v6 =	vmul.f32 $2.550000000e+02, v6  }
0x54: {  	v13 =	vld [tilespmem:s22+$0x60]  }
0x55: {  	v14 =	vld [tilespmem:s22+$0x70];
	v7 =	vmul.f32 $2.550000000e+02, v7;
	v6 =	vadd.f32 v1, v6  }
0x56: {  	v15 =	vld [tilespmem:s22+$0x400];
	v8 =	vmul.f32 $2.550000000e+02, v8  }
0x57: {  	v16 =	vld [tilespmem:s22+$0x410];
	v9 =	vmul.f32 $2.550000000e+02, v9;
	v7 =	vadd.f32 v1, v7;
	v6 =	vadd.s32 $0xB5000000, v6  }
0x58: {  	v17 =	vld [tilespmem:s22+$0x420];
	v10 =	vmul.f32 $2.550000000e+02, v10;
	v11 =	vmul.f32 $2.550000000e+02, v11;
	v8 =	vadd.f32 v1, v8  }
0x59: {  	v18 =	vld [tilespmem:s22+$0x430];
	v12 =	vmul.f32 $2.550000000e+02, v12;
	v9 =	vadd.f32 v1, v9;
	v7 =	vadd.s32 $0xB5000000, v7  }
0x5a: {  	v19 =	vld [tilespmem:s22+$0x440];
	v10 =	vadd.f32 v1, v10;
	v11 =	vadd.f32 v1, v11;
	v8 =	vadd.s32 $0xB5000000, v8  }
0x5b: {  	v56 =	vld [tilespmem:s22+$0x450];
	v13 =	vmul.f32 $2.550000000e+02, v13;
	v55 =	vmul.f32 $2.550000000e+02, v14;
	v9 =	vadd.s32 $0xB5000000, v9  }
0x5c: {  	v11 =	vadd.s32 $0xB5000000, v11;
	[tilespmem:v6+s10+$0x0] =	vst.idx.add.f32.msk $0xffff, v2;
	v6 =	vadd.s32 $0xB5000000, v10;
	v10 =	vadd.f32 v1, v12  }
0x5d: {  	v20 =	vld [tilespmem:s22+$0x460];
	v15 =	vmul.f32 $2.550000000e+02, v15;
	v13 =	vadd.f32 v1, v13  }
0x5e: {  	v16 =	vmul.f32 $2.550000000e+02, v16;
	v12 =	vadd.f32 v1, v55;
	[tilespmem:v7+s10+$0x0] =	vst.idx.add.f32.msk $0xffff, v2;
	v10 =	vadd.s32 $0xB5000000, v10  }
0x5f: {  	v57 =	vadd.f32 v1, v15;
	v7 =	vadd.s32 $0xB5000000, v13;
	[tilespmem:v8+s10+$0x0] =	vst.idx.add.f32.msk $0xffff, v2  }
0x60: {  	v59 =	vadd.f32 v1, v16;
	[tilespmem:v9+s10+$0x0] =	vst.idx.add.f32.msk $0xffff, v2;
	v8 =	vadd.s32 $0xB5000000, v12  }
0x61: {  	v58 =	vmul.f32 $2.550000000e+02, v17;
	v9 =	vadd.s32 $0xB5000000, v57;
	[tilespmem:v11+s10+$0x0] =	vst.idx.add.f32.msk $0xffff, v2  }
0x62: {  	v60 =	vmul.f32 $2.550000000e+02, v18;
	[tilespmem:v6+s10+$0x0] =	vst.idx.add.f32.msk $0xffff, v2;
	v6 =	vadd.s32 $0xB5000000, v59  }
0x63: {  	v61 =	vadd.f32 v1, v58;
	[tilespmem:v10+s10+$0x0] =	vst.idx.add.f32.msk $0xffff, v2;
	v10 =	vmul.f32 $2.550000000e+02, v19  }
0x64: {  	v62 =	vadd.f32 v1, v60;
	[tilespmem:v7+s10+$0x0] =	vst.idx.add.f32.msk $0xffff, v2;
	v7 =	vmul.f32 $2.550000000e+02, v56  }
0x65: {  	v63 =	vmul.f32 $2.550000000e+02, v20;
	v11 =	vadd.s32 $0xB5000000, v61;
	[tilespmem:v8+s10+$0x0] =	vst.idx.add.f32.msk $0xffff, v2;
	v8 =	vadd.f32 v1, v10  }
0x66: {  	v12 =	vadd.s32 $0xB5000000, v62;
	[tilespmem:v9+s10+$0x0] =	vst.idx.add.f32.msk $0xffff, v2;
	v7 =	vadd.f32 v1, v7  }
0x67: {  	v9 =	vadd.f32 v1, v63;
	[tilespmem:v6+s10+$0x0] =	vst.idx.add.f32.msk $0xffff, v2;
	v6 =	vadd.s32 $0xB5000000, v8  }
0x68: {  	v7 =	vadd.s32 $0xB5000000, v7  }
0x69: {  	v8 =	vadd.s32 $0xB5000000, v9  }
0x6a: {  	s24 =	simm.s32 $0x800;
	[tilespmem:v11+s10+$0x0] =	vst.idx.add.f32.msk $0xffff, v2  }
0x6b: {  	s25 =	simm.s32 $0x100;
	s23 =	simm.s32 $0x40;
	s22 =	simm.s32 $0x0;
	[tilespmem:v12+s10+$0x0] =	vst.idx.add.f32.msk $0xffff, v2  }
.LBB2_4:
0x6c: {  	s26 =	sand.u32 $0x7000, s25;
	s28 =	sand.u32 $0x800, s24;
	s22 =	sadd.s32 $0x10, s22;
	[tilespmem:v6+s10+$0x0] =	vst.idx.add.f32.msk $0xffff, v2  }
0x6d: {  	s29 =	sand.u32 $0x380, s23;
	s26 =	sor.u32 s28, s26;
	p0 =	slt.u32 s22, $0x7F0;
	[tilespmem:v7+s10+$0x0] =	vst.idx.add.f32.msk $0xffff, v2  }
0x6e: {  	s26 =	sor.u32 s29, s26;
	[tilespmem:v8+s10+$0x0] =	vst.idx.add.f32.msk $0xffff, v2  }
0x6f: {  	v6 =	vld [tilespmem:s26+$0x470]  }
0x70: {  	v7 =	vld [tilespmem:s26+$0x0]  }
0x71: {  	v8 =	vld [tilespmem:s26+$0x10]  }
0x72: {  	v9 =	vld [tilespmem:s26+$0x20]  }
0x73: {  	v10 =	vld [tilespmem:s26+$0x30]  }
0x74: {  	v11 =	vld [tilespmem:s26+$0x40];
	v6 =	vmul.f32 $2.550000000e+02, v6  }
0x75: {  	v7 =	vmul.f32 $2.550000000e+02, v7;
	v12 =	vld [tilespmem:s26+$0x50]  }
0x76: {  	v8 =	vmul.f32 $2.550000000e+02, v8;
	v13 =	vld [tilespmem:s26+$0x60];
	v6 =	vadd.f32 v1, v6  }
0x77: {  	v7 =	vadd.f32 v1, v7;
	v9 =	vmul.f32 $2.550000000e+02, v9;
	v14 =	vld [tilespmem:s26+$0x70]  }
0x78: {  	v8 =	vadd.f32 v1, v8;
	v10 =	vmul.f32 $2.550000000e+02, v10;
	v15 =	vld [tilespmem:s26+$0x400];
	v6 =	vadd.s32 $0xB5000000, v6  }
0x79: {  	v7 =	vadd.s32 $0xB5000000, v7;
	v9 =	vadd.f32 v1, v9;
	v11 =	vmul.f32 $2.550000000e+02, v11;
	v16 =	vld [tilespmem:s26+$0x410]  }
0x7a: {  	v8 =	vadd.s32 $0xB5000000, v8;
	v10 =	vadd.f32 v1, v10;
	v12 =	vmul.f32 $2.550000000e+02, v12;
	v17 =	vld [tilespmem:s26+$0x420]  }
0x7b: {  	v9 =	vadd.s32 $0xB5000000, v9;
	v11 =	vadd.f32 v1, v11;
	v13 =	vmul.f32 $2.550000000e+02, v13;
	v18 =	vld [tilespmem:s26+$0x430]  }
0x7c: {  	v10 =	vadd.s32 $0xB5000000, v10;
	v12 =	vadd.f32 v1, v12;
	v14 =	vmul.f32 $2.550000000e+02, v14;
	v19 =	vld [tilespmem:s26+$0x440]  }
0x7d: {  	v11 =	vadd.s32 $0xB5000000, v11;
	v13 =	vadd.f32 v1, v13;
	v15 =	vmul.f32 $2.550000000e+02, v15;
	[tilespmem:v6+s10+$0x0] =	vst.idx.add.f32.msk $0xffff, v2  }
0x7e: {  	v6 =	vadd.s32 $0xB5000000, v12;
	v12 =	vadd.f32 v1, v14;
	v14 =	vmul.f32 $2.550000000e+02, v16;
	v16 =	vld [tilespmem:s26+$0x450]  }
0x7f: {  	v13 =	vadd.s32 $0xB5000000, v13;
	v15 =	vadd.f32 v1, v15;
	v17 =	vmul.f32 $2.550000000e+02, v17;
	v20 =	vld [tilespmem:s26+$0x460]  }
0x80: {  	[tilespmem:v7+s10+$0x0] =	vst.idx.add.f32.msk $0xffff, v2;
	v7 =	vadd.s32 $0xB5000000, v12;
	v12 =	vadd.f32 v1, v14;
	v14 =	vmul.f32 $2.550000000e+02, v18  }
0x81: {  	[tilespmem:v8+s10+$0x0] =	vst.idx.add.f32.msk $0xffff, v2;
	v8 =	vadd.s32 $0xB5000000, v15;
	v15 =	vadd.f32 v1, v17;
	v17 =	vmul.f32 $2.550000000e+02, v19  }
0x82: {  	[tilespmem:v9+s10+$0x0] =	vst.idx.add.f32.msk $0xffff, v2;
	v9 =	vadd.s32 $0xB5000000, v12;
	v12 =	vadd.f32 v1, v14  }
0x83: {  	[tilespmem:v10+s10+$0x0] =	vst.idx.add.f32.msk $0xffff, v2;
	v10 =	vadd.s32 $0xB5000000, v15;
	v14 =	vadd.f32 v1, v17;
	v15 =	vmul.f32 $2.550000000e+02, v16  }
0x84: {  	[tilespmem:v11+s10+$0x0] =	vst.idx.add.f32.msk $0xffff, v2;
	v11 =	vadd.s32 $0xB5000000, v12;
	v12 =	vmul.f32 $2.550000000e+02, v20  }
0x85: {  	[tilespmem:v6+s10+$0x0] =	vst.idx.add.f32.msk $0xffff, v2;
	v6 =	vadd.s32 $0xB5000000, v14;
	v14 =	vadd.f32 v1, v15  }
0x86: {  	[tilespmem:v13+s10+$0x0] =	vst.idx.add.f32.msk $0xffff, v2;
	v12 =	vadd.f32 v1, v12  }
.Ltmp1:
0x87: {  	[tilespmem:v7+s10+$0x0] =	vst.idx.add.f32.msk $0xffff, v2;
	v7 =	vadd.s32 $0xB5000000, v14;
	(pc) =	sbr.rel @p0 .LBB2_4-.Ltmp1, $4  }
0x88: {  	[tilespmem:v8+s10+$0x0] =	vst.idx.add.f32.msk $0xffff, v2;
	v8 =	vadd.s32 $0xB5000000, v12  }
0x89: {  	[tilespmem:v9+s10+$0x0] =	vst.idx.add.f32.msk $0xffff, v2  }
0x8a: {  	[tilespmem:v10+s10+$0x0] =	vst.idx.add.f32.msk $0xffff, v2  }
0x8b: {  	s23 =	sadd.s32 $0x40, s23;
	s24 =	sadd.s32 $0x800, s24;
	s25 =	sadd.s32 $0x100, s25;
	[tilespmem:v11+s10+$0x0] =	vst.idx.add.f32.msk $0xffff, v2  }
0x8c: {  	_ =	sdelay $0x3  }
0x8d: {  	[tilespmem:v6+s10+$0x0] =	vst.idx.add.f32.msk $0xffff, v2  }
0x8e: {  	[tilespmem:v7+s10+$0x0] =	vst.idx.add.f32.msk $0xffff, v2  }
0x8f: {  	[tilespmem:v8+s10+$0x0] =	vst.idx.add.f32.msk $0xffff, v2  }
0x90: {  	s22 =	simm.s32 $0x0;
	s23 =	rddreg [dreg:$0x7]  }
0x91: {  	[tilespmem:s22], [sflag:$0x1] =	stream.linear.gather [hbm4b:s23+s22], $0x8000, $0x38;
	[tilespmem:$0x1A200] =	vst v63  }
0x92: {  	s29 =	sand.u32 $0x7000, s22;
	s24 =	sand.u32 $0x800, s22;
	_ =	swait.ge [sflag:s12], $0x8000  }
0x93: {  	s22 =	sand.u32 $0x380, s22;
	s23 =	sor.u32 s24, s29;
	[sflag:s12] =	ssyncset.done $0x0  }
0x94: {  	s22 =	sor.u32 s22, s23;
	[sflag:s12] =	ssyncadd.s32 $0xFFFF8000  }
0x95: {  	v6 =	vld [tilespmem:s22+$0x8470]  }
0x96: {  	v7 =	vld [tilespmem:s22+$0x8000]  }
0x97: {  	v8 =	vld [tilespmem:s22+$0x8010]  }
0x98: {  	v9 =	vld [tilespmem:s22+$0x8020]  }
0x99: {  	v10 =	vld [tilespmem:s22+$0x8030]  }
0x9a: {  	v11 =	vld [tilespmem:s22+$0x8040]  }
0x9b: {  	v12 =	vld [tilespmem:s22+$0x8050];
	v6 =	vmul.f32 $2.550000000e+02, v6  }
0x9c: {  	v13 =	vld [tilespmem:s22+$0x8060]  }
0x9d: {  	v14 =	vld [tilespmem:s22+$0x8070];
	v7 =	vmul.f32 $2.550000000e+02, v7;
	v6 =	vadd.f32 v1, v6  }
0x9e: {  	v15 =	vld [tilespmem:s22+$0x8400];
	v8 =	vmul.f32 $2.550000000e+02, v8  }
0x9f: {  	v16 =	vld [tilespmem:s22+$0x8410];
	v9 =	vmul.f32 $2.550000000e+02, v9;
	v7 =	vadd.f32 v1, v7;
	v6 =	vadd.s32 $0xB5000000, v6  }
0xa0: {  	v17 =	vld [tilespmem:s22+$0x8420];
	v10 =	vmul.f32 $2.550000000e+02, v10;
	v11 =	vmul.f32 $2.550000000e+02, v11;
	v8 =	vadd.f32 v1, v8  }
0xa1: {  	v18 =	vld [tilespmem:s22+$0x8430];
	v12 =	vmul.f32 $2.550000000e+02, v12;
	v9 =	vadd.f32 v1, v9;
	v7 =	vadd.s32 $0xB5000000, v7  }
0xa2: {  	v19 =	vld [tilespmem:s22+$0x8440];
	v10 =	vadd.f32 v1, v10;
	v11 =	vadd.f32 v1, v11;
	v8 =	vadd.s32 $0xB5000000, v8  }
0xa3: {  	v56 =	vld [tilespmem:s22+$0x8450];
	v13 =	vmul.f32 $2.550000000e+02, v13;
	v55 =	vmul.f32 $2.550000000e+02, v14;
	v9 =	vadd.s32 $0xB5000000, v9  }
0xa4: {  	v11 =	vadd.s32 $0xB5000000, v11;
	[tilespmem:v6+s10+$0x0] =	vst.idx.add.f32.msk $0xffff, v2;
	v6 =	vadd.s32 $0xB5000000, v10;
	v10 =	vadd.f32 v1, v12  }
0xa5: {  	v20 =	vld [tilespmem:s22+$0x8460];
	v15 =	vmul.f32 $2.550000000e+02, v15;
	v13 =	vadd.f32 v1, v13  }
0xa6: {  	v16 =	vmul.f32 $2.550000000e+02, v16;
	v12 =	vadd.f32 v1, v55;
	[tilespmem:v7+s10+$0x0] =	vst.idx.add.f32.msk $0xffff, v2;
	v10 =	vadd.s32 $0xB5000000, v10  }
0xa7: {  	v57 =	vadd.f32 v1, v15;
	v7 =	vadd.s32 $0xB5000000, v13;
	[tilespmem:v8+s10+$0x0] =	vst.idx.add.f32.msk $0xffff, v2  }
0xa8: {  	v59 =	vadd.f32 v1, v16;
	[tilespmem:v9+s10+$0x0] =	vst.idx.add.f32.msk $0xffff, v2;
	v8 =	vadd.s32 $0xB5000000, v12  }
0xa9: {  	v58 =	vmul.f32 $2.550000000e+02, v17;
	v9 =	vadd.s32 $0xB5000000, v57;
	[tilespmem:v11+s10+$0x0] =	vst.idx.add.f32.msk $0xffff, v2  }
0xaa: {  	v60 =	vmul.f32 $2.550000000e+02, v18;
	[tilespmem:v6+s10+$0x0] =	vst.idx.add.f32.msk $0xffff, v2;
	v6 =	vadd.s32 $0xB5000000, v59  }
0xab: {  	v61 =	vadd.f32 v1, v58;
	[tilespmem:v10+s10+$0x0] =	vst.idx.add.f32.msk $0xffff, v2;
	v10 =	vmul.f32 $2.550000000e+02, v19  }
0xac: {  	v62 =	vadd.f32 v1, v60;
	[tilespmem:v7+s10+$0x0] =	vst.idx.add.f32.msk $0xffff, v2;
	v7 =	vmul.f32 $2.550000000e+02, v56  }
0xad: {  	v63 =	vmul.f32 $2.550000000e+02, v20;
	v11 =	vadd.s32 $0xB5000000, v61;
	[tilespmem:v8+s10+$0x0] =	vst.idx.add.f32.msk $0xffff, v2;
	v8 =	vadd.f32 v1, v10  }
0xae: {  	v12 =	vadd.s32 $0xB5000000, v62;
	[tilespmem:v9+s10+$0x0] =	vst.idx.add.f32.msk $0xffff, v2;
	v7 =	vadd.f32 v1, v7  }
0xaf: {  	v9 =	vadd.f32 v1, v63;
	[tilespmem:v6+s10+$0x0] =	vst.idx.add.f32.msk $0xffff, v2;
	v6 =	vadd.s32 $0xB5000000, v8  }
0xb0: {  	v7 =	vadd.s32 $0xB5000000, v7  }
0xb1: {  	v8 =	vadd.s32 $0xB5000000, v9  }
0xb2: {  	s25 =	simm.s32 $0x100;
	[tilespmem:v11+s10+$0x0] =	vst.idx.add.f32.msk $0xffff, v2  }
0xb3: {  	s24 =	simm.s32 $0x800;
	s23 =	simm.s32 $0x40;
	s22 =	simm.s32 $0x0;
	[tilespmem:v12+s10+$0x0] =	vst.idx.add.f32.msk $0xffff, v2  }
.LBB2_6:
0xb4: {  	s26 =	sand.u32 $0x7000, s25;
	s28 =	sand.u32 $0x800, s24;
	s22 =	sadd.s32 $0x10, s22;
	[tilespmem:v6+s10+$0x0] =	vst.idx.add.f32.msk $0xffff, v2  }
0xb5: {  	s29 =	sand.u32 $0x380, s23;
	s26 =	sor.u32 s28, s26;
	p0 =	slt.u32 s22, $0x7F0;
	[tilespmem:v7+s10+$0x0] =	vst.idx.add.f32.msk $0xffff, v2  }
0xb6: {  	s26 =	sor.u32 s29, s26;
	[tilespmem:v8+s10+$0x0] =	vst.idx.add.f32.msk $0xffff, v2  }
0xb7: {  	v6 =	vld [tilespmem:s26+$0x8470]  }
0xb8: {  	v7 =	vld [tilespmem:s26+$0x8000]  }
0xb9: {  	v8 =	vld [tilespmem:s26+$0x8010]  }
0xba: {  	v9 =	vld [tilespmem:s26+$0x8020]  }
0xbb: {  	v10 =	vld [tilespmem:s26+$0x8030]  }
0xbc: {  	v11 =	vld [tilespmem:s26+$0x8040];
	v6 =	vmul.f32 $2.550000000e+02, v6  }
0xbd: {  	v7 =	vmul.f32 $2.550000000e+02, v7;
	v12 =	vld [tilespmem:s26+$0x8050]  }
0xbe: {  	v8 =	vmul.f32 $2.550000000e+02, v8;
	v13 =	vld [tilespmem:s26+$0x8060];
	v6 =	vadd.f32 v1, v6  }
0xbf: {  	v7 =	vadd.f32 v1, v7;
	v9 =	vmul.f32 $2.550000000e+02, v9;
	v14 =	vld [tilespmem:s26+$0x8070]  }
0xc0: {  	v8 =	vadd.f32 v1, v8;
	v10 =	vmul.f32 $2.550000000e+02, v10;
	v15 =	vld [tilespmem:s26+$0x8400];
	v6 =	vadd.s32 $0xB5000000, v6  }
0xc1: {  	v7 =	vadd.s32 $0xB5000000, v7;
	v9 =	vadd.f32 v1, v9;
	v11 =	vmul.f32 $2.550000000e+02, v11;
	v16 =	vld [tilespmem:s26+$0x8410]  }
0xc2: {  	v8 =	vadd.s32 $0xB5000000, v8;
	v10 =	vadd.f32 v1, v10;
	v12 =	vmul.f32 $2.550000000e+02, v12;
	v17 =	vld [tilespmem:s26+$0x8420]  }
0xc3: {  	v9 =	vadd.s32 $0xB5000000, v9;
	v11 =	vadd.f32 v1, v11;
	v13 =	vmul.f32 $2.550000000e+02, v13;
	v18 =	vld [tilespmem:s26+$0x8430]  }
0xc4: {  	v10 =	vadd.s32 $0xB5000000, v10;
	v12 =	vadd.f32 v1, v12;
	v14 =	vmul.f32 $2.550000000e+02, v14;
	v19 =	vld [tilespmem:s26+$0x8440]  }
0xc5: {  	v11 =	vadd.s32 $0xB5000000, v11;
	v13 =	vadd.f32 v1, v13;
	v15 =	vmul.f32 $2.550000000e+02, v15;
	[tilespmem:v6+s10+$0x0] =	vst.idx.add.f32.msk $0xffff, v2  }
0xc6: {  	v6 =	vadd.s32 $0xB5000000, v12;
	v12 =	vadd.f32 v1, v14;
	v14 =	vmul.f32 $2.550000000e+02, v16;
	v16 =	vld [tilespmem:s26+$0x8450]  }
0xc7: {  	v13 =	vadd.s32 $0xB5000000, v13;
	v15 =	vadd.f32 v1, v15;
	v17 =	vmul.f32 $2.550000000e+02, v17;
	v20 =	vld [tilespmem:s26+$0x8460]  }
0xc8: {  	[tilespmem:v7+s10+$0x0] =	vst.idx.add.f32.msk $0xffff, v2;
	v7 =	vadd.s32 $0xB5000000, v12;
	v12 =	vadd.f32 v1, v14;
	v14 =	vmul.f32 $2.550000000e+02, v18  }
0xc9: {  	[tilespmem:v8+s10+$0x0] =	vst.idx.add.f32.msk $0xffff, v2;
	v8 =	vadd.s32 $0xB5000000, v15;
	v15 =	vadd.f32 v1, v17;
	v17 =	vmul.f32 $2.550000000e+02, v19  }
0xca: {  	[tilespmem:v9+s10+$0x0] =	vst.idx.add.f32.msk $0xffff, v2;
	v9 =	vadd.s32 $0xB5000000, v12;
	v12 =	vadd.f32 v1, v14  }
0xcb: {  	[tilespmem:v10+s10+$0x0] =	vst.idx.add.f32.msk $0xffff, v2;
	v10 =	vadd.s32 $0xB5000000, v15;
	v14 =	vadd.f32 v1, v17;
	v15 =	vmul.f32 $2.550000000e+02, v16  }
0xcc: {  	[tilespmem:v11+s10+$0x0] =	vst.idx.add.f32.msk $0xffff, v2;
	v11 =	vadd.s32 $0xB5000000, v12;
	v12 =	vmul.f32 $2.550000000e+02, v20  }
0xcd: {  	[tilespmem:v6+s10+$0x0] =	vst.idx.add.f32.msk $0xffff, v2;
	v6 =	vadd.s32 $0xB5000000, v14;
	v14 =	vadd.f32 v1, v15  }
0xce: {  	[tilespmem:v13+s10+$0x0] =	vst.idx.add.f32.msk $0xffff, v2;
	v12 =	vadd.f32 v1, v12  }
.Ltmp2:
0xcf: {  	[tilespmem:v7+s10+$0x0] =	vst.idx.add.f32.msk $0xffff, v2;
	v7 =	vadd.s32 $0xB5000000, v14;
	(pc) =	sbr.rel @p0 .LBB2_6-.Ltmp2, $4  }
0xd0: {  	[tilespmem:v8+s10+$0x0] =	vst.idx.add.f32.msk $0xffff, v2;
	v8 =	vadd.s32 $0xB5000000, v12  }
0xd1: {  	[tilespmem:v9+s10+$0x0] =	vst.idx.add.f32.msk $0xffff, v2  }
0xd2: {  	[tilespmem:v10+s10+$0x0] =	vst.idx.add.f32.msk $0xffff, v2  }
0xd3: {  	s23 =	sadd.s32 $0x40, s23;
	s24 =	sadd.s32 $0x800, s24;
	s25 =	sadd.s32 $0x100, s25;
	[tilespmem:v11+s10+$0x0] =	vst.idx.add.f32.msk $0xffff, v2  }
0xd4: {  	_ =	sdelay $0x3  }
0xd5: {  	[tilespmem:v6+s10+$0x0] =	vst.idx.add.f32.msk $0xffff, v2  }
0xd6: {  	[tilespmem:v7+s10+$0x0] =	vst.idx.add.f32.msk $0xffff, v2  }
0xd7: {  	[tilespmem:v8+s10+$0x0] =	vst.idx.add.f32.msk $0xffff, v2  }
0xd8: {  	s22 =	simm.s32 $0x0;
	s23 =	rddreg [dreg:$0x8]  }
0xd9: {  	[tilespmem:s7], [sflag:$0x2] =	stream.linear.gather [hbm4b:s23+s22], $0x8000, $0x38;
	[tilespmem:$0x1A200] =	vst v63  }
0xda: {  	s29 =	sand.u32 $0x7000, s22;
	s24 =	sand.u32 $0x800, s22;
	_ =	swait.ge [sflag:s8], $0x8000  }
0xdb: {  	s22 =	sand.u32 $0x380, s22;
	s23 =	sor.u32 s24, s29;
	[sflag:s8] =	ssyncset.done $0x0  }
0xdc: {  	s22 =	sor.u32 s22, s23;
	[sflag:s8] =	ssyncadd.s32 $0xFFFF8000  }
0xdd: {  	v6 =	vld [tilespmem:s22+$0x470]  }
0xde: {  	v7 =	vld [tilespmem:s22+$0x0]  }
0xdf: {  	v8 =	vld [tilespmem:s22+$0x10]  }
0xe0: {  	v9 =	vld [tilespmem:s22+$0x20]  }
0xe1: {  	v10 =	vld [tilespmem:s22+$0x30]  }
0xe2: {  	v11 =	vld [tilespmem:s22+$0x40]  }
0xe3: {  	v12 =	vld [tilespmem:s22+$0x50];
	v6 =	vmul.f32 $2.550000000e+02, v6  }
0xe4: {  	v13 =	vld [tilespmem:s22+$0x60]  }
0xe5: {  	v14 =	vld [tilespmem:s22+$0x70];
	v7 =	vmul.f32 $2.550000000e+02, v7;
	v6 =	vadd.f32 v1, v6  }
0xe6: {  	v15 =	vld [tilespmem:s22+$0x400];
	v8 =	vmul.f32 $2.550000000e+02, v8  }
0xe7: {  	v16 =	vld [tilespmem:s22+$0x410];
	v9 =	vmul.f32 $2.550000000e+02, v9;
	v7 =	vadd.f32 v1, v7;
	v6 =	vadd.s32 $0xB5000000, v6  }
0xe8: {  	v17 =	vld [tilespmem:s22+$0x420];
	v10 =	vmul.f32 $2.550000000e+02, v10;
	v11 =	vmul.f32 $2.550000000e+02, v11;
	v8 =	vadd.f32 v1, v8  }
0xe9: {  	v18 =	vld [tilespmem:s22+$0x430];
	v12 =	vmul.f32 $2.550000000e+02, v12;
	v9 =	vadd.f32 v1, v9;
	v7 =	vadd.s32 $0xB5000000, v7  }
0xea: {  	v19 =	vld [tilespmem:s22+$0x440];
	v10 =	vadd.f32 v1, v10;
	v11 =	vadd.f32 v1, v11;
	v8 =	vadd.s32 $0xB5000000, v8  }
0xeb: {  	v56 =	vld [tilespmem:s22+$0x450];
	v13 =	vmul.f32 $2.550000000e+02, v13;
	v55 =	vmul.f32 $2.550000000e+02, v14;
	v9 =	vadd.s32 $0xB5000000, v9  }
0xec: {  	v11 =	vadd.s32 $0xB5000000, v11;
	[tilespmem:v6+s10+$0x0] =	vst.idx.add.f32.msk $0xffff, v2;
	v6 =	vadd.s32 $0xB5000000, v10;
	v10 =	vadd.f32 v1, v12  }
0xed: {  	v20 =	vld [tilespmem:s22+$0x460];
	v15 =	vmul.f32 $2.550000000e+02, v15;
	v13 =	vadd.f32 v1, v13  }
0xee: {  	v16 =	vmul.f32 $2.550000000e+02, v16;
	v12 =	vadd.f32 v1, v55;
	[tilespmem:v7+s10+$0x0] =	vst.idx.add.f32.msk $0xffff, v2;
	v10 =	vadd.s32 $0xB5000000, v10  }
0xef: {  	v57 =	vadd.f32 v1, v15;
	v7 =	vadd.s32 $0xB5000000, v13;
	[tilespmem:v8+s10+$0x0] =	vst.idx.add.f32.msk $0xffff, v2  }
0xf0: {  	v59 =	vadd.f32 v1, v16;
	[tilespmem:v9+s10+$0x0] =	vst.idx.add.f32.msk $0xffff, v2;
	v8 =	vadd.s32 $0xB5000000, v12  }
0xf1: {  	v58 =	vmul.f32 $2.550000000e+02, v17;
	v9 =	vadd.s32 $0xB5000000, v57;
	[tilespmem:v11+s10+$0x0] =	vst.idx.add.f32.msk $0xffff, v2  }
0xf2: {  	v60 =	vmul.f32 $2.550000000e+02, v18;
	[tilespmem:v6+s10+$0x0] =	vst.idx.add.f32.msk $0xffff, v2;
	v6 =	vadd.s32 $0xB5000000, v59  }
0xf3: {  	v61 =	vadd.f32 v1, v58;
	[tilespmem:v10+s10+$0x0] =	vst.idx.add.f32.msk $0xffff, v2;
	v10 =	vmul.f32 $2.550000000e+02, v19  }
0xf4: {  	v62 =	vadd.f32 v1, v60;
	[tilespmem:v7+s10+$0x0] =	vst.idx.add.f32.msk $0xffff, v2;
	v7 =	vmul.f32 $2.550000000e+02, v56  }
0xf5: {  	v63 =	vmul.f32 $2.550000000e+02, v20;
	v11 =	vadd.s32 $0xB5000000, v61;
	[tilespmem:v8+s10+$0x0] =	vst.idx.add.f32.msk $0xffff, v2;
	v8 =	vadd.f32 v1, v10  }
0xf6: {  	v12 =	vadd.s32 $0xB5000000, v62;
	[tilespmem:v9+s10+$0x0] =	vst.idx.add.f32.msk $0xffff, v2;
	v7 =	vadd.f32 v1, v7  }
0xf7: {  	v9 =	vadd.f32 v1, v63;
	[tilespmem:v6+s10+$0x0] =	vst.idx.add.f32.msk $0xffff, v2;
	v6 =	vadd.s32 $0xB5000000, v8  }
0xf8: {  	v7 =	vadd.s32 $0xB5000000, v7  }
0xf9: {  	v8 =	vadd.s32 $0xB5000000, v9  }
0xfa: {  	s25 =	simm.s32 $0x100;
	[tilespmem:v11+s10+$0x0] =	vst.idx.add.f32.msk $0xffff, v2  }
0xfb: {  	s24 =	simm.s32 $0x800;
	s23 =	simm.s32 $0x40;
	s22 =	simm.s32 $0x0;
	[tilespmem:v12+s10+$0x0] =	vst.idx.add.f32.msk $0xffff, v2  }
.LBB2_8:
0xfc: {  	s26 =	sand.u32 $0x7000, s25;
	s28 =	sand.u32 $0x800, s24;
	s22 =	sadd.s32 $0x10, s22;
	[tilespmem:v6+s10+$0x0] =	vst.idx.add.f32.msk $0xffff, v2  }
0xfd: {  	s29 =	sand.u32 $0x380, s23;
	s26 =	sor.u32 s28, s26;
	p0 =	slt.u32 s22, $0x7F0;
	[tilespmem:v7+s10+$0x0] =	vst.idx.add.f32.msk $0xffff, v2  }
0xfe: {  	s26 =	sor.u32 s29, s26;
	[tilespmem:v8+s10+$0x0] =	vst.idx.add.f32.msk $0xffff, v2  }
0xff: {  	v6 =	vld [tilespmem:s26+$0x470]  }
0x100: {  	v7 =	vld [tilespmem:s26+$0x0]  }
0x101: {  	v8 =	vld [tilespmem:s26+$0x10]  }
0x102: {  	v9 =	vld [tilespmem:s26+$0x20]  }
0x103: {  	v10 =	vld [tilespmem:s26+$0x30]  }
0x104: {  	v11 =	vld [tilespmem:s26+$0x40];
	v6 =	vmul.f32 $2.550000000e+02, v6  }
0x105: {  	v7 =	vmul.f32 $2.550000000e+02, v7;
	v12 =	vld [tilespmem:s26+$0x50]  }
0x106: {  	v8 =	vmul.f32 $2.550000000e+02, v8;
	v13 =	vld [tilespmem:s26+$0x60];
	v6 =	vadd.f32 v1, v6  }
0x107: {  	v7 =	vadd.f32 v1, v7;
	v9 =	vmul.f32 $2.550000000e+02, v9;
	v14 =	vld [tilespmem:s26+$0x70]  }
0x108: {  	v8 =	vadd.f32 v1, v8;
	v10 =	vmul.f32 $2.550000000e+02, v10;
	v15 =	vld [tilespmem:s26+$0x400];
	v6 =	vadd.s32 $0xB5000000, v6  }
0x109: {  	v7 =	vadd.s32 $0xB5000000, v7;
	v9 =	vadd.f32 v1, v9;
	v11 =	vmul.f32 $2.550000000e+02, v11;
	v16 =	vld [tilespmem:s26+$0x410]  }
0x10a: {  	v8 =	vadd.s32 $0xB5000000, v8;
	v10 =	vadd.f32 v1, v10;
	v12 =	vmul.f32 $2.550000000e+02, v12;
	v17 =	vld [tilespmem:s26+$0x420]  }
0x10b: {  	v9 =	vadd.s32 $0xB5000000, v9;
	v11 =	vadd.f32 v1, v11;
	v13 =	vmul.f32 $2.550000000e+02, v13;
	v18 =	vld [tilespmem:s26+$0x430]  }
0x10c: {  	v10 =	vadd.s32 $0xB5000000, v10;
	v12 =	vadd.f32 v1, v12;
	v14 =	vmul.f32 $2.550000000e+02, v14;
	v19 =	vld [tilespmem:s26+$0x440]  }
0x10d: {  	v11 =	vadd.s32 $0xB5000000, v11;
	v13 =	vadd.f32 v1, v13;
	v15 =	vmul.f32 $2.550000000e+02, v15;
	[tilespmem:v6+s10+$0x0] =	vst.idx.add.f32.msk $0xffff, v2  }
0x10e: {  	v6 =	vadd.s32 $0xB5000000, v12;
	v12 =	vadd.f32 v1, v14;
	v14 =	vmul.f32 $2.550000000e+02, v16;
	v16 =	vld [tilespmem:s26+$0x450]  }
0x10f: {  	v13 =	vadd.s32 $0xB5000000, v13;
	v15 =	vadd.f32 v1, v15;
	v17 =	vmul.f32 $2.550000000e+02, v17;
	v20 =	vld [tilespmem:s26+$0x460]  }
0x110: {  	[tilespmem:v7+s10+$0x0] =	vst.idx.add.f32.msk $0xffff, v2;
	v7 =	vadd.s32 $0xB5000000, v12;
	v12 =	vadd.f32 v1, v14;
	v14 =	vmul.f32 $2.550000000e+02, v18  }
0x111: {  	[tilespmem:v8+s10+$0x0] =	vst.idx.add.f32.msk $0xffff, v2;
	v8 =	vadd.s32 $0xB5000000, v15;
	v15 =	vadd.f32 v1, v17;
	v17 =	vmul.f32 $2.550000000e+02, v19  }
0x112: {  	[tilespmem:v9+s10+$0x0] =	vst.idx.add.f32.msk $0xffff, v2;
	v9 =	vadd.s32 $0xB5000000, v12;
	v12 =	vadd.f32 v1, v14  }
0x113: {  	[tilespmem:v10+s10+$0x0] =	vst.idx.add.f32.msk $0xffff, v2;
	v10 =	vadd.s32 $0xB5000000, v15;
	v14 =	vadd.f32 v1, v17;
	v15 =	vmul.f32 $2.550000000e+02, v16  }
0x114: {  	[tilespmem:v11+s10+$0x0] =	vst.idx.add.f32.msk $0xffff, v2;
	v11 =	vadd.s32 $0xB5000000, v12;
	v12 =	vmul.f32 $2.550000000e+02, v20  }
0x115: {  	[tilespmem:v6+s10+$0x0] =	vst.idx.add.f32.msk $0xffff, v2;
	v6 =	vadd.s32 $0xB5000000, v14;
	v14 =	vadd.f32 v1, v15  }
0x116: {  	[tilespmem:v13+s10+$0x0] =	vst.idx.add.f32.msk $0xffff, v2;
	v12 =	vadd.f32 v1, v12  }
.Ltmp3:
0x117: {  	[tilespmem:v7+s10+$0x0] =	vst.idx.add.f32.msk $0xffff, v2;
	v7 =	vadd.s32 $0xB5000000, v14;
	(pc) =	sbr.rel @p0 .LBB2_8-.Ltmp3, $4  }
0x118: {  	[tilespmem:v8+s10+$0x0] =	vst.idx.add.f32.msk $0xffff, v2;
	v8 =	vadd.s32 $0xB5000000, v12  }
0x119: {  	[tilespmem:v9+s10+$0x0] =	vst.idx.add.f32.msk $0xffff, v2  }
0x11a: {  	[tilespmem:v10+s10+$0x0] =	vst.idx.add.f32.msk $0xffff, v2  }
0x11b: {  	s23 =	sadd.s32 $0x40, s23;
	s24 =	sadd.s32 $0x800, s24;
	s25 =	sadd.s32 $0x100, s25;
	[tilespmem:v11+s10+$0x0] =	vst.idx.add.f32.msk $0xffff, v2  }
0x11c: {  	_ =	sdelay $0x3  }
0x11d: {  	[tilespmem:v6+s10+$0x0] =	vst.idx.add.f32.msk $0xffff, v2  }
0x11e: {  	[tilespmem:v7+s10+$0x0] =	vst.idx.add.f32.msk $0xffff, v2  }
0x11f: {  	[tilespmem:v8+s10+$0x0] =	vst.idx.add.f32.msk $0xffff, v2;
	s22 =	simm.s32 $0x0  }
0x120: {  	[tilespmem:s22], [sflag:$0x1] =	stream.linear.gather [hbm4b:s9+s22], $0x8000, $0x38;
	[tilespmem:$0x1A200] =	vst v63  }
0x121: {  	s23 =	sand.u32 $0x7000, s22;
	s24 =	sand.u32 $0x800, s22;
	_ =	swait.ge [sflag:s12], $0x8000  }
0x122: {  	s22 =	sand.u32 $0x380, s22;
	s23 =	sor.u32 s24, s23;
	[sflag:s12] =	ssyncset.done $0x0  }
0x123: {  	s22 =	sor.u32 s22, s23;
	[sflag:s12] =	ssyncadd.s32 $0xFFFF8000  }
0x124: {  	v6 =	vld [tilespmem:s22+$0x8470]  }
0x125: {  	v7 =	vld [tilespmem:s22+$0x8000]  }
0x126: {  	v8 =	vld [tilespmem:s22+$0x8010]  }
0x127: {  	v9 =	vld [tilespmem:s22+$0x8020]  }
0x128: {  	v10 =	vld [tilespmem:s22+$0x8030]  }
0x129: {  	v11 =	vld [tilespmem:s22+$0x8040]  }
0x12a: {  	v12 =	vld [tilespmem:s22+$0x8050];
	v6 =	vmul.f32 $2.550000000e+02, v6  }
0x12b: {  	v13 =	vld [tilespmem:s22+$0x8060]  }
0x12c: {  	v14 =	vld [tilespmem:s22+$0x8070];
	v7 =	vmul.f32 $2.550000000e+02, v7;
	v6 =	vadd.f32 v1, v6  }
0x12d: {  	v15 =	vld [tilespmem:s22+$0x8400];
	v8 =	vmul.f32 $2.550000000e+02, v8  }
0x12e: {  	v16 =	vld [tilespmem:s22+$0x8410];
	v9 =	vmul.f32 $2.550000000e+02, v9;
	v7 =	vadd.f32 v1, v7;
	v6 =	vadd.s32 $0xB5000000, v6  }
0x12f: {  	v17 =	vld [tilespmem:s22+$0x8420];
	v10 =	vmul.f32 $2.550000000e+02, v10;
	v11 =	vmul.f32 $2.550000000e+02, v11;
	v8 =	vadd.f32 v1, v8  }
0x130: {  	v18 =	vld [tilespmem:s22+$0x8430];
	v12 =	vmul.f32 $2.550000000e+02, v12;
	v9 =	vadd.f32 v1, v9;
	v7 =	vadd.s32 $0xB5000000, v7  }
0x131: {  	v19 =	vld [tilespmem:s22+$0x8440];
	v10 =	vadd.f32 v1, v10;
	v11 =	vadd.f32 v1, v11;
	v8 =	vadd.s32 $0xB5000000, v8  }
0x132: {  	v56 =	vld [tilespmem:s22+$0x8450];
	v13 =	vmul.f32 $2.550000000e+02, v13;
	v55 =	vmul.f32 $2.550000000e+02, v14;
	v9 =	vadd.s32 $0xB5000000, v9  }
0x133: {  	v11 =	vadd.s32 $0xB5000000, v11;
	[tilespmem:v6+s10+$0x0] =	vst.idx.add.f32.msk $0xffff, v2;
	v6 =	vadd.s32 $0xB5000000, v10;
	v10 =	vadd.f32 v1, v12  }
0x134: {  	v20 =	vld [tilespmem:s22+$0x8460];
	v15 =	vmul.f32 $2.550000000e+02, v15;
	v13 =	vadd.f32 v1, v13  }
0x135: {  	v16 =	vmul.f32 $2.550000000e+02, v16;
	v12 =	vadd.f32 v1, v55;
	[tilespmem:v7+s10+$0x0] =	vst.idx.add.f32.msk $0xffff, v2;
	v10 =	vadd.s32 $0xB5000000, v10  }
0x136: {  	v57 =	vadd.f32 v1, v15;
	v7 =	vadd.s32 $0xB5000000, v13;
	[tilespmem:v8+s10+$0x0] =	vst.idx.add.f32.msk $0xffff, v2  }
0x137: {  	v59 =	vadd.f32 v1, v16;
	[tilespmem:v9+s10+$0x0] =	vst.idx.add.f32.msk $0xffff, v2;
	v8 =	vadd.s32 $0xB5000000, v12  }
0x138: {  	v58 =	vmul.f32 $2.550000000e+02, v17;
	v9 =	vadd.s32 $0xB5000000, v57;
	[tilespmem:v11+s10+$0x0] =	vst.idx.add.f32.msk $0xffff, v2  }
0x139: {  	v60 =	vmul.f32 $2.550000000e+02, v18;
	[tilespmem:v6+s10+$0x0] =	vst.idx.add.f32.msk $0xffff, v2;
	v6 =	vadd.s32 $0xB5000000, v59  }
0x13a: {  	v61 =	vadd.f32 v1, v58;
	[tilespmem:v10+s10+$0x0] =	vst.idx.add.f32.msk $0xffff, v2;
	v10 =	vmul.f32 $2.550000000e+02, v19  }
0x13b: {  	v62 =	vadd.f32 v1, v60;
	[tilespmem:v7+s10+$0x0] =	vst.idx.add.f32.msk $0xffff, v2;
	v7 =	vmul.f32 $2.550000000e+02, v56  }
0x13c: {  	v63 =	vmul.f32 $2.550000000e+02, v20;
	v11 =	vadd.s32 $0xB5000000, v61;
	[tilespmem:v8+s10+$0x0] =	vst.idx.add.f32.msk $0xffff, v2;
	v8 =	vadd.f32 v1, v10  }
0x13d: {  	v12 =	vadd.s32 $0xB5000000, v62;
	[tilespmem:v9+s10+$0x0] =	vst.idx.add.f32.msk $0xffff, v2;
	v7 =	vadd.f32 v1, v7  }
0x13e: {  	v9 =	vadd.f32 v1, v63;
	[tilespmem:v6+s10+$0x0] =	vst.idx.add.f32.msk $0xffff, v2;
	v6 =	vadd.s32 $0xB5000000, v8  }
0x13f: {  	v7 =	vadd.s32 $0xB5000000, v7  }
0x140: {  	v8 =	vadd.s32 $0xB5000000, v9  }
0x141: {  	s25 =	simm.s32 $0x100;
	[tilespmem:v11+s10+$0x0] =	vst.idx.add.f32.msk $0xffff, v2  }
0x142: {  	s24 =	simm.s32 $0x800;
	s23 =	simm.s32 $0x40;
	s22 =	simm.s32 $0x0;
	[tilespmem:v12+s10+$0x0] =	vst.idx.add.f32.msk $0xffff, v2  }
.LBB2_10:
0x143: {  	s26 =	sand.u32 $0x7000, s25;
	s28 =	sand.u32 $0x800, s24;
	s22 =	sadd.s32 $0x10, s22;
	[tilespmem:v6+s10+$0x0] =	vst.idx.add.f32.msk $0xffff, v2  }
0x144: {  	s29 =	sand.u32 $0x380, s23;
	s26 =	sor.u32 s28, s26;
	p0 =	slt.u32 s22, $0x7F0;
	[tilespmem:v7+s10+$0x0] =	vst.idx.add.f32.msk $0xffff, v2  }
0x145: {  	s26 =	sor.u32 s29, s26;
	[tilespmem:v8+s10+$0x0] =	vst.idx.add.f32.msk $0xffff, v2  }
0x146: {  	v6 =	vld [tilespmem:s26+$0x8470]  }
0x147: {  	v7 =	vld [tilespmem:s26+$0x8000]  }
0x148: {  	v8 =	vld [tilespmem:s26+$0x8010]  }
0x149: {  	v9 =	vld [tilespmem:s26+$0x8020]  }
0x14a: {  	v10 =	vld [tilespmem:s26+$0x8030]  }
0x14b: {  	v11 =	vld [tilespmem:s26+$0x8040];
	v6 =	vmul.f32 $2.550000000e+02, v6  }
0x14c: {  	v7 =	vmul.f32 $2.550000000e+02, v7;
	v12 =	vld [tilespmem:s26+$0x8050]  }
0x14d: {  	v8 =	vmul.f32 $2.550000000e+02, v8;
	v13 =	vld [tilespmem:s26+$0x8060];
	v6 =	vadd.f32 v1, v6  }
0x14e: {  	v7 =	vadd.f32 v1, v7;
	v9 =	vmul.f32 $2.550000000e+02, v9;
	v14 =	vld [tilespmem:s26+$0x8070]  }
0x14f: {  	v8 =	vadd.f32 v1, v8;
	v10 =	vmul.f32 $2.550000000e+02, v10;
	v15 =	vld [tilespmem:s26+$0x8400];
	v6 =	vadd.s32 $0xB5000000, v6  }
0x150: {  	v7 =	vadd.s32 $0xB5000000, v7;
	v9 =	vadd.f32 v1, v9;
	v11 =	vmul.f32 $2.550000000e+02, v11;
	v16 =	vld [tilespmem:s26+$0x8410]  }
0x151: {  	v8 =	vadd.s32 $0xB5000000, v8;
	v10 =	vadd.f32 v1, v10;
	v12 =	vmul.f32 $2.550000000e+02, v12;
	v17 =	vld [tilespmem:s26+$0x8420]  }
0x152: {  	v9 =	vadd.s32 $0xB5000000, v9;
	v11 =	vadd.f32 v1, v11;
	v13 =	vmul.f32 $2.550000000e+02, v13;
	v18 =	vld [tilespmem:s26+$0x8430]  }
0x153: {  	v10 =	vadd.s32 $0xB5000000, v10;
	v12 =	vadd.f32 v1, v12;
	v14 =	vmul.f32 $2.550000000e+02, v14;
	v19 =	vld [tilespmem:s26+$0x8440]  }
0x154: {  	v11 =	vadd.s32 $0xB5000000, v11;
	v13 =	vadd.f32 v1, v13;
	v15 =	vmul.f32 $2.550000000e+02, v15;
	[tilespmem:v6+s10+$0x0] =	vst.idx.add.f32.msk $0xffff, v2  }
0x155: {  	v6 =	vadd.s32 $0xB5000000, v12;
	v12 =	vadd.f32 v1, v14;
	v14 =	vmul.f32 $2.550000000e+02, v16;
	v16 =	vld [tilespmem:s26+$0x8450]  }
0x156: {  	v13 =	vadd.s32 $0xB5000000, v13;
	v15 =	vadd.f32 v1, v15;
	v17 =	vmul.f32 $2.550000000e+02, v17;
	v20 =	vld [tilespmem:s26+$0x8460]  }
0x157: {  	[tilespmem:v7+s10+$0x0] =	vst.idx.add.f32.msk $0xffff, v2;
	v7 =	vadd.s32 $0xB5000000, v12;
	v12 =	vadd.f32 v1, v14;
	v14 =	vmul.f32 $2.550000000e+02, v18  }
0x158: {  	[tilespmem:v8+s10+$0x0] =	vst.idx.add.f32.msk $0xffff, v2;
	v8 =	vadd.s32 $0xB5000000, v15;
	v15 =	vadd.f32 v1, v17;
	v17 =	vmul.f32 $2.550000000e+02, v19  }
0x159: {  	[tilespmem:v9+s10+$0x0] =	vst.idx.add.f32.msk $0xffff, v2;
	v9 =	vadd.s32 $0xB5000000, v12;
	v12 =	vadd.f32 v1, v14  }
0x15a: {  	[tilespmem:v10+s10+$0x0] =	vst.idx.add.f32.msk $0xffff, v2;
	v10 =	vadd.s32 $0xB5000000, v15;
	v14 =	vadd.f32 v1, v17;
	v15 =	vmul.f32 $2.550000000e+02, v16  }
0x15b: {  	[tilespmem:v11+s10+$0x0] =	vst.idx.add.f32.msk $0xffff, v2;
	v11 =	vadd.s32 $0xB5000000, v12;
	v12 =	vmul.f32 $2.550000000e+02, v20  }
0x15c: {  	[tilespmem:v6+s10+$0x0] =	vst.idx.add.f32.msk $0xffff, v2;
	v6 =	vadd.s32 $0xB5000000, v14;
	v14 =	vadd.f32 v1, v15  }
0x15d: {  	[tilespmem:v13+s10+$0x0] =	vst.idx.add.f32.msk $0xffff, v2;
	v12 =	vadd.f32 v1, v12  }
.Ltmp4:
0x15e: {  	[tilespmem:v7+s10+$0x0] =	vst.idx.add.f32.msk $0xffff, v2;
	v7 =	vadd.s32 $0xB5000000, v14;
	(pc) =	sbr.rel @p0 .LBB2_10-.Ltmp4, $4  }
0x15f: {  	[tilespmem:v8+s10+$0x0] =	vst.idx.add.f32.msk $0xffff, v2;
	v8 =	vadd.s32 $0xB5000000, v12  }
0x160: {  	[tilespmem:v9+s10+$0x0] =	vst.idx.add.f32.msk $0xffff, v2  }
0x161: {  	[tilespmem:v10+s10+$0x0] =	vst.idx.add.f32.msk $0xffff, v2  }
0x162: {  	s23 =	sadd.s32 $0x40, s23;
	s24 =	sadd.s32 $0x800, s24;
	s25 =	sadd.s32 $0x100, s25;
	[tilespmem:v11+s10+$0x0] =	vst.idx.add.f32.msk $0xffff, v2  }
0x163: {  	_ =	sdelay $0x3  }
0x164: {  	[tilespmem:v6+s10+$0x0] =	vst.idx.add.f32.msk $0xffff, v2  }
0x165: {  	[tilespmem:v7+s10+$0x0] =	vst.idx.add.f32.msk $0xffff, v2  }
0x166: {  	[tilespmem:v8+s10+$0x0] =	vst.idx.add.f32.msk $0xffff, v2  }
0x167: {  	s22 =	simm.s32 $0x0;
	s23 =	rddreg [dreg:$0x9]  }
0x168: {  	[tilespmem:s7], [sflag:$0x2] =	stream.linear.gather [hbm4b:s23+s22], $0x8000, $0x38;
	[tilespmem:$0x1A200] =	vst v63  }
0x169: {  	s29 =	sand.u32 $0x7000, s22;
	s24 =	sand.u32 $0x800, s22;
	_ =	swait.ge [sflag:s8], $0x8000  }
0x16a: {  	s22 =	sand.u32 $0x380, s22;
	s23 =	sor.u32 s24, s29;
	[sflag:s8] =	ssyncset.done $0x0  }
0x16b: {  	s22 =	sor.u32 s22, s23;
	[sflag:s8] =	ssyncadd.s32 $0xFFFF8000  }
0x16c: {  	v6 =	vld [tilespmem:s22+$0x470]  }
0x16d: {  	v7 =	vld [tilespmem:s22+$0x0]  }
0x16e: {  	v8 =	vld [tilespmem:s22+$0x10]  }
0x16f: {  	v9 =	vld [tilespmem:s22+$0x20]  }
0x170: {  	v10 =	vld [tilespmem:s22+$0x30]  }
0x171: {  	v11 =	vld [tilespmem:s22+$0x40]  }
0x172: {  	v12 =	vld [tilespmem:s22+$0x50];
	v6 =	vmul.f32 $2.550000000e+02, v6  }
0x173: {  	v13 =	vld [tilespmem:s22+$0x60]  }
0x174: {  	v14 =	vld [tilespmem:s22+$0x70];
	v7 =	vmul.f32 $2.550000000e+02, v7;
	v6 =	vadd.f32 v1, v6  }
0x175: {  	v15 =	vld [tilespmem:s22+$0x400];
	v8 =	vmul.f32 $2.550000000e+02, v8  }
0x176: {  	v16 =	vld [tilespmem:s22+$0x410];
	v9 =	vmul.f32 $2.550000000e+02, v9;
	v7 =	vadd.f32 v1, v7;
	v6 =	vadd.s32 $0xB5000000, v6  }
0x177: {  	v17 =	vld [tilespmem:s22+$0x420];
	v10 =	vmul.f32 $2.550000000e+02, v10;
	v11 =	vmul.f32 $2.550000000e+02, v11;
	v8 =	vadd.f32 v1, v8  }
0x178: {  	v18 =	vld [tilespmem:s22+$0x430];
	v12 =	vmul.f32 $2.550000000e+02, v12;
	v9 =	vadd.f32 v1, v9;
	v7 =	vadd.s32 $0xB5000000, v7  }
0x179: {  	v19 =	vld [tilespmem:s22+$0x440];
	v10 =	vadd.f32 v1, v10;
	v11 =	vadd.f32 v1, v11;
	v8 =	vadd.s32 $0xB5000000, v8  }
0x17a: {  	v56 =	vld [tilespmem:s22+$0x450];
	v13 =	vmul.f32 $2.550000000e+02, v13;
	v55 =	vmul.f32 $2.550000000e+02, v14;
	v9 =	vadd.s32 $0xB5000000, v9  }
0x17b: {  	v11 =	vadd.s32 $0xB5000000, v11;
	[tilespmem:v6+s10+$0x0] =	vst.idx.add.f32.msk $0xffff, v2;
	v6 =	vadd.s32 $0xB5000000, v10;
	v10 =	vadd.f32 v1, v12  }
0x17c: {  	v20 =	vld [tilespmem:s22+$0x460];
	v15 =	vmul.f32 $2.550000000e+02, v15;
	v13 =	vadd.f32 v1, v13  }
0x17d: {  	v16 =	vmul.f32 $2.550000000e+02, v16;
	v12 =	vadd.f32 v1, v55;
	[tilespmem:v7+s10+$0x0] =	vst.idx.add.f32.msk $0xffff, v2;
	v10 =	vadd.s32 $0xB5000000, v10  }
0x17e: {  	v57 =	vadd.f32 v1, v15;
	v7 =	vadd.s32 $0xB5000000, v13;
	[tilespmem:v8+s10+$0x0] =	vst.idx.add.f32.msk $0xffff, v2  }
0x17f: {  	v59 =	vadd.f32 v1, v16;
	[tilespmem:v9+s10+$0x0] =	vst.idx.add.f32.msk $0xffff, v2;
	v8 =	vadd.s32 $0xB5000000, v12  }
0x180: {  	v58 =	vmul.f32 $2.550000000e+02, v17;
	v9 =	vadd.s32 $0xB5000000, v57;
	[tilespmem:v11+s10+$0x0] =	vst.idx.add.f32.msk $0xffff, v2  }
0x181: {  	v60 =	vmul.f32 $2.550000000e+02, v18;
	[tilespmem:v6+s10+$0x0] =	vst.idx.add.f32.msk $0xffff, v2;
	v6 =	vadd.s32 $0xB5000000, v59  }
0x182: {  	v61 =	vadd.f32 v1, v58;
	[tilespmem:v10+s10+$0x0] =	vst.idx.add.f32.msk $0xffff, v2;
	v10 =	vmul.f32 $2.550000000e+02, v19  }
0x183: {  	v62 =	vadd.f32 v1, v60;
	[tilespmem:v7+s10+$0x0] =	vst.idx.add.f32.msk $0xffff, v2;
	v7 =	vmul.f32 $2.550000000e+02, v56  }
0x184: {  	v63 =	vmul.f32 $2.550000000e+02, v20;
	v11 =	vadd.s32 $0xB5000000, v61;
	[tilespmem:v8+s10+$0x0] =	vst.idx.add.f32.msk $0xffff, v2;
	v8 =	vadd.f32 v1, v10  }
0x185: {  	v12 =	vadd.s32 $0xB5000000, v62;
	[tilespmem:v9+s10+$0x0] =	vst.idx.add.f32.msk $0xffff, v2;
	v7 =	vadd.f32 v1, v7  }
0x186: {  	v9 =	vadd.f32 v1, v63;
	[tilespmem:v6+s10+$0x0] =	vst.idx.add.f32.msk $0xffff, v2;
	v6 =	vadd.s32 $0xB5000000, v8  }
0x187: {  	v7 =	vadd.s32 $0xB5000000, v7  }
0x188: {  	v8 =	vadd.s32 $0xB5000000, v9  }
0x189: {  	s25 =	simm.s32 $0x100;
	[tilespmem:v11+s10+$0x0] =	vst.idx.add.f32.msk $0xffff, v2  }
0x18a: {  	s24 =	simm.s32 $0x800;
	s23 =	simm.s32 $0x40;
	s22 =	simm.s32 $0x0;
	[tilespmem:v12+s10+$0x0] =	vst.idx.add.f32.msk $0xffff, v2  }
.LBB2_12:
0x18b: {  	s26 =	sand.u32 $0x7000, s25;
	s28 =	sand.u32 $0x800, s24;
	s22 =	sadd.s32 $0x10, s22;
	[tilespmem:v6+s10+$0x0] =	vst.idx.add.f32.msk $0xffff, v2  }
0x18c: {  	s29 =	sand.u32 $0x380, s23;
	s26 =	sor.u32 s28, s26;
	p0 =	slt.u32 s22, $0x7F0;
	[tilespmem:v7+s10+$0x0] =	vst.idx.add.f32.msk $0xffff, v2  }
0x18d: {  	s26 =	sor.u32 s29, s26;
	[tilespmem:v8+s10+$0x0] =	vst.idx.add.f32.msk $0xffff, v2  }
0x18e: {  	v6 =	vld [tilespmem:s26+$0x470]  }
0x18f: {  	v7 =	vld [tilespmem:s26+$0x0]  }
0x190: {  	v8 =	vld [tilespmem:s26+$0x10]  }
0x191: {  	v9 =	vld [tilespmem:s26+$0x20]  }
0x192: {  	v10 =	vld [tilespmem:s26+$0x30]  }
0x193: {  	v11 =	vld [tilespmem:s26+$0x40];
	v6 =	vmul.f32 $2.550000000e+02, v6  }
0x194: {  	v7 =	vmul.f32 $2.550000000e+02, v7;
	v12 =	vld [tilespmem:s26+$0x50]  }
0x195: {  	v8 =	vmul.f32 $2.550000000e+02, v8;
	v13 =	vld [tilespmem:s26+$0x60];
	v6 =	vadd.f32 v1, v6  }
0x196: {  	v7 =	vadd.f32 v1, v7;
	v9 =	vmul.f32 $2.550000000e+02, v9;
	v14 =	vld [tilespmem:s26+$0x70]  }
0x197: {  	v8 =	vadd.f32 v1, v8;
	v10 =	vmul.f32 $2.550000000e+02, v10;
	v15 =	vld [tilespmem:s26+$0x400];
	v6 =	vadd.s32 $0xB5000000, v6  }
0x198: {  	v7 =	vadd.s32 $0xB5000000, v7;
	v9 =	vadd.f32 v1, v9;
	v11 =	vmul.f32 $2.550000000e+02, v11;
	v16 =	vld [tilespmem:s26+$0x410]  }
0x199: {  	v8 =	vadd.s32 $0xB5000000, v8;
	v10 =	vadd.f32 v1, v10;
	v12 =	vmul.f32 $2.550000000e+02, v12;
	v17 =	vld [tilespmem:s26+$0x420]  }
0x19a: {  	v9 =	vadd.s32 $0xB5000000, v9;
	v11 =	vadd.f32 v1, v11;
	v13 =	vmul.f32 $2.550000000e+02, v13;
	v18 =	vld [tilespmem:s26+$0x430]  }
0x19b: {  	v10 =	vadd.s32 $0xB5000000, v10;
	v12 =	vadd.f32 v1, v12;
	v14 =	vmul.f32 $2.550000000e+02, v14;
	v19 =	vld [tilespmem:s26+$0x440]  }
0x19c: {  	v11 =	vadd.s32 $0xB5000000, v11;
	v13 =	vadd.f32 v1, v13;
	v15 =	vmul.f32 $2.550000000e+02, v15;
	[tilespmem:v6+s10+$0x0] =	vst.idx.add.f32.msk $0xffff, v2  }
0x19d: {  	v6 =	vadd.s32 $0xB5000000, v12;
	v12 =	vadd.f32 v1, v14;
	v14 =	vmul.f32 $2.550000000e+02, v16;
	v16 =	vld [tilespmem:s26+$0x450]  }
0x19e: {  	v13 =	vadd.s32 $0xB5000000, v13;
	v15 =	vadd.f32 v1, v15;
	v17 =	vmul.f32 $2.550000000e+02, v17;
	v20 =	vld [tilespmem:s26+$0x460]  }
0x19f: {  	[tilespmem:v7+s10+$0x0] =	vst.idx.add.f32.msk $0xffff, v2;
	v7 =	vadd.s32 $0xB5000000, v12;
	v12 =	vadd.f32 v1, v14;
	v14 =	vmul.f32 $2.550000000e+02, v18  }
0x1a0: {  	[tilespmem:v8+s10+$0x0] =	vst.idx.add.f32.msk $0xffff, v2;
	v8 =	vadd.s32 $0xB5000000, v15;
	v15 =	vadd.f32 v1, v17;
	v17 =	vmul.f32 $2.550000000e+02, v19  }
0x1a1: {  	[tilespmem:v9+s10+$0x0] =	vst.idx.add.f32.msk $0xffff, v2;
	v9 =	vadd.s32 $0xB5000000, v12;
	v12 =	vadd.f32 v1, v14  }
0x1a2: {  	[tilespmem:v10+s10+$0x0] =	vst.idx.add.f32.msk $0xffff, v2;
	v10 =	vadd.s32 $0xB5000000, v15;
	v14 =	vadd.f32 v1, v17;
	v15 =	vmul.f32 $2.550000000e+02, v16  }
0x1a3: {  	[tilespmem:v11+s10+$0x0] =	vst.idx.add.f32.msk $0xffff, v2;
	v11 =	vadd.s32 $0xB5000000, v12;
	v12 =	vmul.f32 $2.550000000e+02, v20  }
0x1a4: {  	[tilespmem:v6+s10+$0x0] =	vst.idx.add.f32.msk $0xffff, v2;
	v6 =	vadd.s32 $0xB5000000, v14;
	v14 =	vadd.f32 v1, v15  }
0x1a5: {  	[tilespmem:v13+s10+$0x0] =	vst.idx.add.f32.msk $0xffff, v2;
	v12 =	vadd.f32 v1, v12  }
.Ltmp5:
0x1a6: {  	[tilespmem:v7+s10+$0x0] =	vst.idx.add.f32.msk $0xffff, v2;
	v7 =	vadd.s32 $0xB5000000, v14;
	(pc) =	sbr.rel @p0 .LBB2_12-.Ltmp5, $4  }
0x1a7: {  	[tilespmem:v8+s10+$0x0] =	vst.idx.add.f32.msk $0xffff, v2;
	v8 =	vadd.s32 $0xB5000000, v12  }
0x1a8: {  	[tilespmem:v9+s10+$0x0] =	vst.idx.add.f32.msk $0xffff, v2  }
0x1a9: {  	[tilespmem:v10+s10+$0x0] =	vst.idx.add.f32.msk $0xffff, v2  }
0x1aa: {  	s23 =	sadd.s32 $0x40, s23;
	s24 =	sadd.s32 $0x800, s24;
	s25 =	sadd.s32 $0x100, s25;
	[tilespmem:v11+s10+$0x0] =	vst.idx.add.f32.msk $0xffff, v2  }
0x1ab: {  	_ =	sdelay $0x3  }
0x1ac: {  	[tilespmem:v6+s10+$0x0] =	vst.idx.add.f32.msk $0xffff, v2  }
0x1ad: {  	[tilespmem:v7+s10+$0x0] =	vst.idx.add.f32.msk $0xffff, v2  }
0x1ae: {  	[tilespmem:v8+s10+$0x0] =	vst.idx.add.f32.msk $0xffff, v2  }
0x1af: {  	s22 =	simm.s32 $0x0;
	s23 =	rddreg [dreg:$0xa]  }
0x1b0: {  	[tilespmem:s22], [sflag:$0x1] =	stream.linear.gather [hbm4b:s23+s22], $0x8000, $0x38;
	[tilespmem:$0x1A200] =	vst v63  }
0x1b1: {  	s29 =	sand.u32 $0x7000, s22;
	s24 =	sand.u32 $0x800, s22;
	_ =	swait.ge [sflag:s12], $0x8000  }
0x1b2: {  	s22 =	sand.u32 $0x380, s22;
	s23 =	sor.u32 s24, s29;
	[sflag:s12] =	ssyncset.done $0x0  }
0x1b3: {  	s22 =	sor.u32 s22, s23;
	[sflag:s12] =	ssyncadd.s32 $0xFFFF8000  }
0x1b4: {  	v6 =	vld [tilespmem:s22+$0x8470]  }
0x1b5: {  	v7 =	vld [tilespmem:s22+$0x8000]  }
0x1b6: {  	v8 =	vld [tilespmem:s22+$0x8010]  }
0x1b7: {  	v9 =	vld [tilespmem:s22+$0x8020]  }
0x1b8: {  	v10 =	vld [tilespmem:s22+$0x8030]  }
0x1b9: {  	v11 =	vld [tilespmem:s22+$0x8040]  }
0x1ba: {  	v12 =	vld [tilespmem:s22+$0x8050];
	v6 =	vmul.f32 $2.550000000e+02, v6  }
0x1bb: {  	v13 =	vld [tilespmem:s22+$0x8060]  }
0x1bc: {  	v14 =	vld [tilespmem:s22+$0x8070];
	v7 =	vmul.f32 $2.550000000e+02, v7;
	v6 =	vadd.f32 v1, v6  }
0x1bd: {  	v15 =	vld [tilespmem:s22+$0x8400];
	v8 =	vmul.f32 $2.550000000e+02, v8  }
0x1be: {  	v16 =	vld [tilespmem:s22+$0x8410];
	v9 =	vmul.f32 $2.550000000e+02, v9;
	v7 =	vadd.f32 v1, v7;
	v6 =	vadd.s32 $0xB5000000, v6  }
0x1bf: {  	v17 =	vld [tilespmem:s22+$0x8420];
	v10 =	vmul.f32 $2.550000000e+02, v10;
	v11 =	vmul.f32 $2.550000000e+02, v11;
	v8 =	vadd.f32 v1, v8  }
0x1c0: {  	v18 =	vld [tilespmem:s22+$0x8430];
	v12 =	vmul.f32 $2.550000000e+02, v12;
	v9 =	vadd.f32 v1, v9;
	v7 =	vadd.s32 $0xB5000000, v7  }
0x1c1: {  	v19 =	vld [tilespmem:s22+$0x8440];
	v10 =	vadd.f32 v1, v10;
	v11 =	vadd.f32 v1, v11;
	v8 =	vadd.s32 $0xB5000000, v8  }
0x1c2: {  	v56 =	vld [tilespmem:s22+$0x8450];
	v13 =	vmul.f32 $2.550000000e+02, v13;
	v55 =	vmul.f32 $2.550000000e+02, v14;
	v9 =	vadd.s32 $0xB5000000, v9  }
0x1c3: {  	v11 =	vadd.s32 $0xB5000000, v11;
	[tilespmem:v6+s10+$0x0] =	vst.idx.add.f32.msk $0xffff, v2;
	v6 =	vadd.s32 $0xB5000000, v10;
	v10 =	vadd.f32 v1, v12  }
0x1c4: {  	v20 =	vld [tilespmem:s22+$0x8460];
	v15 =	vmul.f32 $2.550000000e+02, v15;
	v13 =	vadd.f32 v1, v13  }
0x1c5: {  	v16 =	vmul.f32 $2.550000000e+02, v16;
	v12 =	vadd.f32 v1, v55;
	[tilespmem:v7+s10+$0x0] =	vst.idx.add.f32.msk $0xffff, v2;
	v10 =	vadd.s32 $0xB5000000, v10  }
0x1c6: {  	v57 =	vadd.f32 v1, v15;
	v7 =	vadd.s32 $0xB5000000, v13;
	[tilespmem:v8+s10+$0x0] =	vst.idx.add.f32.msk $0xffff, v2  }
0x1c7: {  	v59 =	vadd.f32 v1, v16;
	[tilespmem:v9+s10+$0x0] =	vst.idx.add.f32.msk $0xffff, v2;
	v8 =	vadd.s32 $0xB5000000, v12  }
0x1c8: {  	v58 =	vmul.f32 $2.550000000e+02, v17;
	v9 =	vadd.s32 $0xB5000000, v57;
	[tilespmem:v11+s10+$0x0] =	vst.idx.add.f32.msk $0xffff, v2  }
0x1c9: {  	v60 =	vmul.f32 $2.550000000e+02, v18;
	[tilespmem:v6+s10+$0x0] =	vst.idx.add.f32.msk $0xffff, v2;
	v6 =	vadd.s32 $0xB5000000, v59  }
0x1ca: {  	v61 =	vadd.f32 v1, v58;
	[tilespmem:v10+s10+$0x0] =	vst.idx.add.f32.msk $0xffff, v2;
	v10 =	vmul.f32 $2.550000000e+02, v19  }
0x1cb: {  	v62 =	vadd.f32 v1, v60;
	[tilespmem:v7+s10+$0x0] =	vst.idx.add.f32.msk $0xffff, v2;
	v7 =	vmul.f32 $2.550000000e+02, v56  }
0x1cc: {  	v63 =	vmul.f32 $2.550000000e+02, v20;
	v11 =	vadd.s32 $0xB5000000, v61;
	[tilespmem:v8+s10+$0x0] =	vst.idx.add.f32.msk $0xffff, v2;
	v8 =	vadd.f32 v1, v10  }
0x1cd: {  	v12 =	vadd.s32 $0xB5000000, v62;
	[tilespmem:v9+s10+$0x0] =	vst.idx.add.f32.msk $0xffff, v2;
	v7 =	vadd.f32 v1, v7  }
0x1ce: {  	v9 =	vadd.f32 v1, v63;
	[tilespmem:v6+s10+$0x0] =	vst.idx.add.f32.msk $0xffff, v2;
	v6 =	vadd.s32 $0xB5000000, v8  }
0x1cf: {  	v7 =	vadd.s32 $0xB5000000, v7  }
0x1d0: {  	v8 =	vadd.s32 $0xB5000000, v9  }
0x1d1: {  	s25 =	simm.s32 $0x100;
	[tilespmem:v11+s10+$0x0] =	vst.idx.add.f32.msk $0xffff, v2  }
0x1d2: {  	s24 =	simm.s32 $0x800;
	s23 =	simm.s32 $0x40;
	s22 =	simm.s32 $0x0;
	[tilespmem:v12+s10+$0x0] =	vst.idx.add.f32.msk $0xffff, v2  }
.LBB2_14:
0x1d3: {  	s26 =	sand.u32 $0x7000, s25;
	s28 =	sand.u32 $0x800, s24;
	s22 =	sadd.s32 $0x10, s22;
	[tilespmem:v6+s10+$0x0] =	vst.idx.add.f32.msk $0xffff, v2  }
0x1d4: {  	s29 =	sand.u32 $0x380, s23;
	s26 =	sor.u32 s28, s26;
	p0 =	slt.u32 s22, $0x7F0;
	[tilespmem:v7+s10+$0x0] =	vst.idx.add.f32.msk $0xffff, v2  }
0x1d5: {  	s26 =	sor.u32 s29, s26;
	[tilespmem:v8+s10+$0x0] =	vst.idx.add.f32.msk $0xffff, v2  }
0x1d6: {  	v6 =	vld [tilespmem:s26+$0x8470]  }
0x1d7: {  	v7 =	vld [tilespmem:s26+$0x8000]  }
0x1d8: {  	v8 =	vld [tilespmem:s26+$0x8010]  }
0x1d9: {  	v9 =	vld [tilespmem:s26+$0x8020]  }
0x1da: {  	v10 =	vld [tilespmem:s26+$0x8030]  }
0x1db: {  	v11 =	vld [tilespmem:s26+$0x8040];
	v6 =	vmul.f32 $2.550000000e+02, v6  }
0x1dc: {  	v7 =	vmul.f32 $2.550000000e+02, v7;
	v12 =	vld [tilespmem:s26+$0x8050]  }
0x1dd: {  	v8 =	vmul.f32 $2.550000000e+02, v8;
	v13 =	vld [tilespmem:s26+$0x8060];
	v6 =	vadd.f32 v1, v6  }
0x1de: {  	v7 =	vadd.f32 v1, v7;
	v9 =	vmul.f32 $2.550000000e+02, v9;
	v14 =	vld [tilespmem:s26+$0x8070]  }
0x1df: {  	v8 =	vadd.f32 v1, v8;
	v10 =	vmul.f32 $2.550000000e+02, v10;
	v15 =	vld [tilespmem:s26+$0x8400];
	v6 =	vadd.s32 $0xB5000000, v6  }
0x1e0: {  	v7 =	vadd.s32 $0xB5000000, v7;
	v9 =	vadd.f32 v1, v9;
	v11 =	vmul.f32 $2.550000000e+02, v11;
	v16 =	vld [tilespmem:s26+$0x8410]  }
0x1e1: {  	v8 =	vadd.s32 $0xB5000000, v8;
	v10 =	vadd.f32 v1, v10;
	v12 =	vmul.f32 $2.550000000e+02, v12;
	v17 =	vld [tilespmem:s26+$0x8420]  }
0x1e2: {  	v9 =	vadd.s32 $0xB5000000, v9;
	v11 =	vadd.f32 v1, v11;
	v13 =	vmul.f32 $2.550000000e+02, v13;
	v18 =	vld [tilespmem:s26+$0x8430]  }
0x1e3: {  	v10 =	vadd.s32 $0xB5000000, v10;
	v12 =	vadd.f32 v1, v12;
	v14 =	vmul.f32 $2.550000000e+02, v14;
	v19 =	vld [tilespmem:s26+$0x8440]  }
0x1e4: {  	v11 =	vadd.s32 $0xB5000000, v11;
	v13 =	vadd.f32 v1, v13;
	v15 =	vmul.f32 $2.550000000e+02, v15;
	[tilespmem:v6+s10+$0x0] =	vst.idx.add.f32.msk $0xffff, v2  }
0x1e5: {  	v6 =	vadd.s32 $0xB5000000, v12;
	v12 =	vadd.f32 v1, v14;
	v14 =	vmul.f32 $2.550000000e+02, v16;
	v16 =	vld [tilespmem:s26+$0x8450]  }
0x1e6: {  	v13 =	vadd.s32 $0xB5000000, v13;
	v15 =	vadd.f32 v1, v15;
	v17 =	vmul.f32 $2.550000000e+02, v17;
	v20 =	vld [tilespmem:s26+$0x8460]  }
0x1e7: {  	[tilespmem:v7+s10+$0x0] =	vst.idx.add.f32.msk $0xffff, v2;
	v7 =	vadd.s32 $0xB5000000, v12;
	v12 =	vadd.f32 v1, v14;
	v14 =	vmul.f32 $2.550000000e+02, v18  }
0x1e8: {  	[tilespmem:v8+s10+$0x0] =	vst.idx.add.f32.msk $0xffff, v2;
	v8 =	vadd.s32 $0xB5000000, v15;
	v15 =	vadd.f32 v1, v17;
	v17 =	vmul.f32 $2.550000000e+02, v19  }
0x1e9: {  	[tilespmem:v9+s10+$0x0] =	vst.idx.add.f32.msk $0xffff, v2;
	v9 =	vadd.s32 $0xB5000000, v12;
	v12 =	vadd.f32 v1, v14  }
0x1ea: {  	[tilespmem:v10+s10+$0x0] =	vst.idx.add.f32.msk $0xffff, v2;
	v10 =	vadd.s32 $0xB5000000, v15;
	v14 =	vadd.f32 v1, v17;
	v15 =	vmul.f32 $2.550000000e+02, v16  }
0x1eb: {  	[tilespmem:v11+s10+$0x0] =	vst.idx.add.f32.msk $0xffff, v2;
	v11 =	vadd.s32 $0xB5000000, v12;
	v12 =	vmul.f32 $2.550000000e+02, v20  }
0x1ec: {  	[tilespmem:v6+s10+$0x0] =	vst.idx.add.f32.msk $0xffff, v2;
	v6 =	vadd.s32 $0xB5000000, v14;
	v14 =	vadd.f32 v1, v15  }
0x1ed: {  	[tilespmem:v13+s10+$0x0] =	vst.idx.add.f32.msk $0xffff, v2;
	v12 =	vadd.f32 v1, v12  }
.Ltmp6:
0x1ee: {  	[tilespmem:v7+s10+$0x0] =	vst.idx.add.f32.msk $0xffff, v2;
	v7 =	vadd.s32 $0xB5000000, v14;
	(pc) =	sbr.rel @p0 .LBB2_14-.Ltmp6, $4  }
0x1ef: {  	[tilespmem:v8+s10+$0x0] =	vst.idx.add.f32.msk $0xffff, v2;
	v8 =	vadd.s32 $0xB5000000, v12  }
0x1f0: {  	[tilespmem:v9+s10+$0x0] =	vst.idx.add.f32.msk $0xffff, v2  }
0x1f1: {  	[tilespmem:v10+s10+$0x0] =	vst.idx.add.f32.msk $0xffff, v2  }
0x1f2: {  	s23 =	sadd.s32 $0x40, s23;
	s24 =	sadd.s32 $0x800, s24;
	s25 =	sadd.s32 $0x100, s25;
	[tilespmem:v11+s10+$0x0] =	vst.idx.add.f32.msk $0xffff, v2  }
0x1f3: {  	_ =	sdelay $0x3  }
0x1f4: {  	[tilespmem:v6+s10+$0x0] =	vst.idx.add.f32.msk $0xffff, v2  }
0x1f5: {  	[tilespmem:v7+s10+$0x0] =	vst.idx.add.f32.msk $0xffff, v2  }
0x1f6: {  	[tilespmem:v8+s10+$0x0] =	vst.idx.add.f32.msk $0xffff, v2  }
0x1f7: {  	s22 =	simm.s32 $0x0;
	s23 =	rddreg [dreg:$0xc]  }
0x1f8: {  	[tilespmem:s7], [sflag:$0x2] =	stream.linear.gather [hbm4b:s23+s22], $0x8000, $0x38;
	[tilespmem:$0x1A200] =	vst v63  }
0x1f9: {  	s29 =	sand.u32 $0x7000, s22;
	s24 =	sand.u32 $0x800, s22;
	_ =	swait.ge [sflag:s8], $0x8000  }
0x1fa: {  	s22 =	sand.u32 $0x380, s22;
	s23 =	sor.u32 s24, s29;
	[sflag:s8] =	ssyncset.done $0x0  }
0x1fb: {  	s22 =	sor.u32 s22, s23;
	[sflag:s8] =	ssyncadd.s32 $0xFFFF8000  }
0x1fc: {  	v6 =	vld [tilespmem:s22+$0x470]  }
0x1fd: {  	v7 =	vld [tilespmem:s22+$0x0]  }
0x1fe: {  	v8 =	vld [tilespmem:s22+$0x10]  }
0x1ff: {  	v9 =	vld [tilespmem:s22+$0x20]  }
0x200: {  	v10 =	vld [tilespmem:s22+$0x30]  }
0x201: {  	v11 =	vld [tilespmem:s22+$0x40]  }
0x202: {  	v12 =	vld [tilespmem:s22+$0x50];
	v6 =	vmul.f32 $2.550000000e+02, v6  }
0x203: {  	v13 =	vld [tilespmem:s22+$0x60]  }
0x204: {  	v14 =	vld [tilespmem:s22+$0x70];
	v7 =	vmul.f32 $2.550000000e+02, v7;
	v6 =	vadd.f32 v1, v6  }
0x205: {  	v15 =	vld [tilespmem:s22+$0x400];
	v8 =	vmul.f32 $2.550000000e+02, v8  }
0x206: {  	v16 =	vld [tilespmem:s22+$0x410];
	v9 =	vmul.f32 $2.550000000e+02, v9;
	v7 =	vadd.f32 v1, v7;
	v6 =	vadd.s32 $0xB5000000, v6  }
0x207: {  	v17 =	vld [tilespmem:s22+$0x420];
	v10 =	vmul.f32 $2.550000000e+02, v10;
	v11 =	vmul.f32 $2.550000000e+02, v11;
	v8 =	vadd.f32 v1, v8  }
0x208: {  	v18 =	vld [tilespmem:s22+$0x430];
	v12 =	vmul.f32 $2.550000000e+02, v12;
	v9 =	vadd.f32 v1, v9;
	v7 =	vadd.s32 $0xB5000000, v7  }
0x209: {  	v19 =	vld [tilespmem:s22+$0x440];
	v10 =	vadd.f32 v1, v10;
	v11 =	vadd.f32 v1, v11;
	v8 =	vadd.s32 $0xB5000000, v8  }
0x20a: {  	v56 =	vld [tilespmem:s22+$0x450];
	v13 =	vmul.f32 $2.550000000e+02, v13;
	v55 =	vmul.f32 $2.550000000e+02, v14;
	v9 =	vadd.s32 $0xB5000000, v9  }
0x20b: {  	v11 =	vadd.s32 $0xB5000000, v11;
	[tilespmem:v6+s10+$0x0] =	vst.idx.add.f32.msk $0xffff, v2;
	v6 =	vadd.s32 $0xB5000000, v10;
	v10 =	vadd.f32 v1, v12  }
0x20c: {  	v20 =	vld [tilespmem:s22+$0x460];
	v15 =	vmul.f32 $2.550000000e+02, v15;
	v13 =	vadd.f32 v1, v13  }
0x20d: {  	v16 =	vmul.f32 $2.550000000e+02, v16;
	v12 =	vadd.f32 v1, v55;
	[tilespmem:v7+s10+$0x0] =	vst.idx.add.f32.msk $0xffff, v2;
	v10 =	vadd.s32 $0xB5000000, v10  }
0x20e: {  	v57 =	vadd.f32 v1, v15;
	v7 =	vadd.s32 $0xB5000000, v13;
	[tilespmem:v8+s10+$0x0] =	vst.idx.add.f32.msk $0xffff, v2  }
0x20f: {  	v59 =	vadd.f32 v1, v16;
	[tilespmem:v9+s10+$0x0] =	vst.idx.add.f32.msk $0xffff, v2;
	v8 =	vadd.s32 $0xB5000000, v12  }
0x210: {  	v58 =	vmul.f32 $2.550000000e+02, v17;
	v9 =	vadd.s32 $0xB5000000, v57;
	[tilespmem:v11+s10+$0x0] =	vst.idx.add.f32.msk $0xffff, v2  }
0x211: {  	v60 =	vmul.f32 $2.550000000e+02, v18;
	[tilespmem:v6+s10+$0x0] =	vst.idx.add.f32.msk $0xffff, v2;
	v6 =	vadd.s32 $0xB5000000, v59  }
0x212: {  	v61 =	vadd.f32 v1, v58;
	[tilespmem:v10+s10+$0x0] =	vst.idx.add.f32.msk $0xffff, v2;
	v10 =	vmul.f32 $2.550000000e+02, v19  }
0x213: {  	v62 =	vadd.f32 v1, v60;
	[tilespmem:v7+s10+$0x0] =	vst.idx.add.f32.msk $0xffff, v2;
	v7 =	vmul.f32 $2.550000000e+02, v56  }
0x214: {  	v63 =	vmul.f32 $2.550000000e+02, v20;
	v11 =	vadd.s32 $0xB5000000, v61;
	[tilespmem:v8+s10+$0x0] =	vst.idx.add.f32.msk $0xffff, v2;
	v8 =	vadd.f32 v1, v10  }
0x215: {  	v12 =	vadd.s32 $0xB5000000, v62;
	[tilespmem:v9+s10+$0x0] =	vst.idx.add.f32.msk $0xffff, v2;
	v7 =	vadd.f32 v1, v7  }
0x216: {  	v9 =	vadd.f32 v1, v63;
	[tilespmem:v6+s10+$0x0] =	vst.idx.add.f32.msk $0xffff, v2;
	v6 =	vadd.s32 $0xB5000000, v8  }
0x217: {  	v7 =	vadd.s32 $0xB5000000, v7  }
0x218: {  	v8 =	vadd.s32 $0xB5000000, v9  }
0x219: {  	s25 =	simm.s32 $0x100;
	[tilespmem:v11+s10+$0x0] =	vst.idx.add.f32.msk $0xffff, v2  }
0x21a: {  	s24 =	simm.s32 $0x800;
	s23 =	simm.s32 $0x40;
	s22 =	simm.s32 $0x0;
	[tilespmem:v12+s10+$0x0] =	vst.idx.add.f32.msk $0xffff, v2  }
.LBB2_16:
0x21b: {  	s26 =	sand.u32 $0x7000, s25;
	s28 =	sand.u32 $0x800, s24;
	s22 =	sadd.s32 $0x10, s22;
	[tilespmem:v6+s10+$0x0] =	vst.idx.add.f32.msk $0xffff, v2  }
0x21c: {  	s29 =	sand.u32 $0x380, s23;
	s26 =	sor.u32 s28, s26;
	p0 =	slt.u32 s22, $0x7F0;
	[tilespmem:v7+s10+$0x0] =	vst.idx.add.f32.msk $0xffff, v2  }
0x21d: {  	s26 =	sor.u32 s29, s26;
	[tilespmem:v8+s10+$0x0] =	vst.idx.add.f32.msk $0xffff, v2  }
0x21e: {  	v6 =	vld [tilespmem:s26+$0x470]  }
0x21f: {  	v7 =	vld [tilespmem:s26+$0x0]  }
0x220: {  	v8 =	vld [tilespmem:s26+$0x10]  }
0x221: {  	v9 =	vld [tilespmem:s26+$0x20]  }
0x222: {  	v10 =	vld [tilespmem:s26+$0x30]  }
0x223: {  	v11 =	vld [tilespmem:s26+$0x40];
	v6 =	vmul.f32 $2.550000000e+02, v6  }
0x224: {  	v7 =	vmul.f32 $2.550000000e+02, v7;
	v12 =	vld [tilespmem:s26+$0x50]  }
0x225: {  	v8 =	vmul.f32 $2.550000000e+02, v8;
	v13 =	vld [tilespmem:s26+$0x60];
	v6 =	vadd.f32 v1, v6  }
0x226: {  	v7 =	vadd.f32 v1, v7;
	v9 =	vmul.f32 $2.550000000e+02, v9;
	v14 =	vld [tilespmem:s26+$0x70]  }
0x227: {  	v8 =	vadd.f32 v1, v8;
	v10 =	vmul.f32 $2.550000000e+02, v10;
	v15 =	vld [tilespmem:s26+$0x400];
	v6 =	vadd.s32 $0xB5000000, v6  }
0x228: {  	v7 =	vadd.s32 $0xB5000000, v7;
	v9 =	vadd.f32 v1, v9;
	v11 =	vmul.f32 $2.550000000e+02, v11;
	v16 =	vld [tilespmem:s26+$0x410]  }
0x229: {  	v8 =	vadd.s32 $0xB5000000, v8;
	v10 =	vadd.f32 v1, v10;
	v12 =	vmul.f32 $2.550000000e+02, v12;
	v17 =	vld [tilespmem:s26+$0x420]  }
0x22a: {  	v9 =	vadd.s32 $0xB5000000, v9;
	v11 =	vadd.f32 v1, v11;
	v13 =	vmul.f32 $2.550000000e+02, v13;
	v18 =	vld [tilespmem:s26+$0x430]  }
0x22b: {  	v10 =	vadd.s32 $0xB5000000, v10;
	v12 =	vadd.f32 v1, v12;
	v14 =	vmul.f32 $2.550000000e+02, v14;
	v19 =	vld [tilespmem:s26+$0x440]  }
0x22c: {  	v11 =	vadd.s32 $0xB5000000, v11;
	v13 =	vadd.f32 v1, v13;
	v15 =	vmul.f32 $2.550000000e+02, v15;
	[tilespmem:v6+s10+$0x0] =	vst.idx.add.f32.msk $0xffff, v2  }
0x22d: {  	v6 =	vadd.s32 $0xB5000000, v12;
	v12 =	vadd.f32 v1, v14;
	v14 =	vmul.f32 $2.550000000e+02, v16;
	v16 =	vld [tilespmem:s26+$0x450]  }
0x22e: {  	v13 =	vadd.s32 $0xB5000000, v13;
	v15 =	vadd.f32 v1, v15;
	v17 =	vmul.f32 $2.550000000e+02, v17;
	v20 =	vld [tilespmem:s26+$0x460]  }
0x22f: {  	[tilespmem:v7+s10+$0x0] =	vst.idx.add.f32.msk $0xffff, v2;
	v7 =	vadd.s32 $0xB5000000, v12;
	v12 =	vadd.f32 v1, v14;
	v14 =	vmul.f32 $2.550000000e+02, v18  }
0x230: {  	[tilespmem:v8+s10+$0x0] =	vst.idx.add.f32.msk $0xffff, v2;
	v8 =	vadd.s32 $0xB5000000, v15;
	v15 =	vadd.f32 v1, v17;
	v17 =	vmul.f32 $2.550000000e+02, v19  }
0x231: {  	[tilespmem:v9+s10+$0x0] =	vst.idx.add.f32.msk $0xffff, v2;
	v9 =	vadd.s32 $0xB5000000, v12;
	v12 =	vadd.f32 v1, v14  }
0x232: {  	[tilespmem:v10+s10+$0x0] =	vst.idx.add.f32.msk $0xffff, v2;
	v10 =	vadd.s32 $0xB5000000, v15;
	v14 =	vadd.f32 v1, v17;
	v15 =	vmul.f32 $2.550000000e+02, v16  }
0x233: {  	[tilespmem:v11+s10+$0x0] =	vst.idx.add.f32.msk $0xffff, v2;
	v11 =	vadd.s32 $0xB5000000, v12;
	v12 =	vmul.f32 $2.550000000e+02, v20  }
0x234: {  	[tilespmem:v6+s10+$0x0] =	vst.idx.add.f32.msk $0xffff, v2;
	v6 =	vadd.s32 $0xB5000000, v14;
	v14 =	vadd.f32 v1, v15  }
0x235: {  	[tilespmem:v13+s10+$0x0] =	vst.idx.add.f32.msk $0xffff, v2;
	v12 =	vadd.f32 v1, v12  }
.Ltmp7:
0x236: {  	[tilespmem:v7+s10+$0x0] =	vst.idx.add.f32.msk $0xffff, v2;
	v7 =	vadd.s32 $0xB5000000, v14;
	(pc) =	sbr.rel @p0 .LBB2_16-.Ltmp7, $4  }
0x237: {  	[tilespmem:v8+s10+$0x0] =	vst.idx.add.f32.msk $0xffff, v2;
	v8 =	vadd.s32 $0xB5000000, v12  }
0x238: {  	[tilespmem:v9+s10+$0x0] =	vst.idx.add.f32.msk $0xffff, v2  }
0x239: {  	[tilespmem:v10+s10+$0x0] =	vst.idx.add.f32.msk $0xffff, v2  }
0x23a: {  	s23 =	sadd.s32 $0x40, s23;
	s24 =	sadd.s32 $0x800, s24;
	s25 =	sadd.s32 $0x100, s25;
	[tilespmem:v11+s10+$0x0] =	vst.idx.add.f32.msk $0xffff, v2  }
0x23b: {  	_ =	sdelay $0x3  }
0x23c: {  	[tilespmem:v6+s10+$0x0] =	vst.idx.add.f32.msk $0xffff, v2  }
0x23d: {  	[tilespmem:v7+s10+$0x0] =	vst.idx.add.f32.msk $0xffff, v2  }
0x23e: {  	[tilespmem:v8+s10+$0x0] =	vst.idx.add.f32.msk $0xffff, v2;
	s22 =	simm.s32 $0x0  }
0x23f: {  	[tilespmem:s22], [sflag:$0x1] =	stream.linear.gather [hbm4b:s11+s22], $0x8000, $0x38;
	[tilespmem:$0x1A200] =	vst v63  }
0x240: {  	s23 =	sand.u32 $0x7000, s22;
	s24 =	sand.u32 $0x800, s22;
	_ =	swait.ge [sflag:s12], $0x8000  }
0x241: {  	s22 =	sand.u32 $0x380, s22;
	s23 =	sor.u32 s24, s23;
	[sflag:s12] =	ssyncset.done $0x0  }
0x242: {  	s22 =	sor.u32 s22, s23;
	[sflag:s12] =	ssyncadd.s32 $0xFFFF8000  }
0x243: {  	v6 =	vld [tilespmem:s22+$0x8470]  }
0x244: {  	v7 =	vld [tilespmem:s22+$0x8000]  }
0x245: {  	v8 =	vld [tilespmem:s22+$0x8010]  }
0x246: {  	v9 =	vld [tilespmem:s22+$0x8020]  }
0x247: {  	v10 =	vld [tilespmem:s22+$0x8030]  }
0x248: {  	v11 =	vld [tilespmem:s22+$0x8040]  }
0x249: {  	v12 =	vld [tilespmem:s22+$0x8050];
	v6 =	vmul.f32 $2.550000000e+02, v6  }
0x24a: {  	v13 =	vld [tilespmem:s22+$0x8060]  }
0x24b: {  	v14 =	vld [tilespmem:s22+$0x8070];
	v7 =	vmul.f32 $2.550000000e+02, v7;
	v6 =	vadd.f32 v1, v6  }
0x24c: {  	v15 =	vld [tilespmem:s22+$0x8400];
	v8 =	vmul.f32 $2.550000000e+02, v8  }
0x24d: {  	v16 =	vld [tilespmem:s22+$0x8410];
	v9 =	vmul.f32 $2.550000000e+02, v9;
	v7 =	vadd.f32 v1, v7;
	v6 =	vadd.s32 $0xB5000000, v6  }
0x24e: {  	v17 =	vld [tilespmem:s22+$0x8420];
	v10 =	vmul.f32 $2.550000000e+02, v10;
	v11 =	vmul.f32 $2.550000000e+02, v11;
	v8 =	vadd.f32 v1, v8  }
0x24f: {  	v18 =	vld [tilespmem:s22+$0x8430];
	v12 =	vmul.f32 $2.550000000e+02, v12;
	v9 =	vadd.f32 v1, v9;
	v7 =	vadd.s32 $0xB5000000, v7  }
0x250: {  	v19 =	vld [tilespmem:s22+$0x8440];
	v10 =	vadd.f32 v1, v10;
	v11 =	vadd.f32 v1, v11;
	v8 =	vadd.s32 $0xB5000000, v8  }
0x251: {  	v56 =	vld [tilespmem:s22+$0x8450];
	v13 =	vmul.f32 $2.550000000e+02, v13;
	v55 =	vmul.f32 $2.550000000e+02, v14;
	v9 =	vadd.s32 $0xB5000000, v9  }
0x252: {  	v11 =	vadd.s32 $0xB5000000, v11;
	[tilespmem:v6+s10+$0x0] =	vst.idx.add.f32.msk $0xffff, v2;
	v6 =	vadd.s32 $0xB5000000, v10;
	v10 =	vadd.f32 v1, v12  }
0x253: {  	v20 =	vld [tilespmem:s22+$0x8460];
	v15 =	vmul.f32 $2.550000000e+02, v15;
	v13 =	vadd.f32 v1, v13  }
0x254: {  	v16 =	vmul.f32 $2.550000000e+02, v16;
	v12 =	vadd.f32 v1, v55;
	[tilespmem:v7+s10+$0x0] =	vst.idx.add.f32.msk $0xffff, v2;
	v10 =	vadd.s32 $0xB5000000, v10  }
0x255: {  	v57 =	vadd.f32 v1, v15;
	v7 =	vadd.s32 $0xB5000000, v13;
	[tilespmem:v8+s10+$0x0] =	vst.idx.add.f32.msk $0xffff, v2  }
0x256: {  	v59 =	vadd.f32 v1, v16;
	[tilespmem:v9+s10+$0x0] =	vst.idx.add.f32.msk $0xffff, v2;
	v8 =	vadd.s32 $0xB5000000, v12  }
0x257: {  	v58 =	vmul.f32 $2.550000000e+02, v17;
	v9 =	vadd.s32 $0xB5000000, v57;
	[tilespmem:v11+s10+$0x0] =	vst.idx.add.f32.msk $0xffff, v2  }
0x258: {  	v60 =	vmul.f32 $2.550000000e+02, v18;
	[tilespmem:v6+s10+$0x0] =	vst.idx.add.f32.msk $0xffff, v2;
	v6 =	vadd.s32 $0xB5000000, v59  }
0x259: {  	v61 =	vadd.f32 v1, v58;
	[tilespmem:v10+s10+$0x0] =	vst.idx.add.f32.msk $0xffff, v2;
	v10 =	vmul.f32 $2.550000000e+02, v19  }
0x25a: {  	v62 =	vadd.f32 v1, v60;
	[tilespmem:v7+s10+$0x0] =	vst.idx.add.f32.msk $0xffff, v2;
	v7 =	vmul.f32 $2.550000000e+02, v56  }
0x25b: {  	v63 =	vmul.f32 $2.550000000e+02, v20;
	v11 =	vadd.s32 $0xB5000000, v61;
	[tilespmem:v8+s10+$0x0] =	vst.idx.add.f32.msk $0xffff, v2;
	v8 =	vadd.f32 v1, v10  }
0x25c: {  	v12 =	vadd.s32 $0xB5000000, v62;
	[tilespmem:v9+s10+$0x0] =	vst.idx.add.f32.msk $0xffff, v2;
	v7 =	vadd.f32 v1, v7  }
0x25d: {  	v9 =	vadd.f32 v1, v63;
	[tilespmem:v6+s10+$0x0] =	vst.idx.add.f32.msk $0xffff, v2;
	v6 =	vadd.s32 $0xB5000000, v8  }
0x25e: {  	v7 =	vadd.s32 $0xB5000000, v7  }
0x25f: {  	v8 =	vadd.s32 $0xB5000000, v9  }
0x260: {  	s25 =	simm.s32 $0x100;
	[tilespmem:v11+s10+$0x0] =	vst.idx.add.f32.msk $0xffff, v2  }
0x261: {  	s24 =	simm.s32 $0x800;
	s23 =	simm.s32 $0x40;
	s22 =	simm.s32 $0x0;
	[tilespmem:v12+s10+$0x0] =	vst.idx.add.f32.msk $0xffff, v2  }
.LBB2_18:
0x262: {  	s26 =	sand.u32 $0x7000, s25;
	s28 =	sand.u32 $0x800, s24;
	s22 =	sadd.s32 $0x10, s22;
	[tilespmem:v6+s10+$0x0] =	vst.idx.add.f32.msk $0xffff, v2  }
0x263: {  	s29 =	sand.u32 $0x380, s23;
	s26 =	sor.u32 s28, s26;
	p0 =	slt.u32 s22, $0x7F0;
	[tilespmem:v7+s10+$0x0] =	vst.idx.add.f32.msk $0xffff, v2  }
0x264: {  	s26 =	sor.u32 s29, s26;
	[tilespmem:v8+s10+$0x0] =	vst.idx.add.f32.msk $0xffff, v2  }
0x265: {  	v6 =	vld [tilespmem:s26+$0x8470]  }
0x266: {  	v7 =	vld [tilespmem:s26+$0x8000]  }
0x267: {  	v8 =	vld [tilespmem:s26+$0x8010]  }
0x268: {  	v9 =	vld [tilespmem:s26+$0x8020]  }
0x269: {  	v10 =	vld [tilespmem:s26+$0x8030]  }
0x26a: {  	v11 =	vld [tilespmem:s26+$0x8040];
	v6 =	vmul.f32 $2.550000000e+02, v6  }
0x26b: {  	v7 =	vmul.f32 $2.550000000e+02, v7;
	v12 =	vld [tilespmem:s26+$0x8050]  }
0x26c: {  	v8 =	vmul.f32 $2.550000000e+02, v8;
	v13 =	vld [tilespmem:s26+$0x8060];
	v6 =	vadd.f32 v1, v6  }
0x26d: {  	v7 =	vadd.f32 v1, v7;
	v9 =	vmul.f32 $2.550000000e+02, v9;
	v14 =	vld [tilespmem:s26+$0x8070]  }
0x26e: {  	v8 =	vadd.f32 v1, v8;
	v10 =	vmul.f32 $2.550000000e+02, v10;
	v15 =	vld [tilespmem:s26+$0x8400];
	v6 =	vadd.s32 $0xB5000000, v6  }
0x26f: {  	v7 =	vadd.s32 $0xB5000000, v7;
	v9 =	vadd.f32 v1, v9;
	v11 =	vmul.f32 $2.550000000e+02, v11;
	v16 =	vld [tilespmem:s26+$0x8410]  }
0x270: {  	v8 =	vadd.s32 $0xB5000000, v8;
	v10 =	vadd.f32 v1, v10;
	v12 =	vmul.f32 $2.550000000e+02, v12;
	v17 =	vld [tilespmem:s26+$0x8420]  }
0x271: {  	v9 =	vadd.s32 $0xB5000000, v9;
	v11 =	vadd.f32 v1, v11;
	v13 =	vmul.f32 $2.550000000e+02, v13;
	v18 =	vld [tilespmem:s26+$0x8430]  }
0x272: {  	v10 =	vadd.s32 $0xB5000000, v10;
	v12 =	vadd.f32 v1, v12;
	v14 =	vmul.f32 $2.550000000e+02, v14;
	v19 =	vld [tilespmem:s26+$0x8440]  }
0x273: {  	v11 =	vadd.s32 $0xB5000000, v11;
	v13 =	vadd.f32 v1, v13;
	v15 =	vmul.f32 $2.550000000e+02, v15;
	[tilespmem:v6+s10+$0x0] =	vst.idx.add.f32.msk $0xffff, v2  }
0x274: {  	v6 =	vadd.s32 $0xB5000000, v12;
	v12 =	vadd.f32 v1, v14;
	v14 =	vmul.f32 $2.550000000e+02, v16;
	v16 =	vld [tilespmem:s26+$0x8450]  }
0x275: {  	v13 =	vadd.s32 $0xB5000000, v13;
	v15 =	vadd.f32 v1, v15;
	v17 =	vmul.f32 $2.550000000e+02, v17;
	v20 =	vld [tilespmem:s26+$0x8460]  }
0x276: {  	[tilespmem:v7+s10+$0x0] =	vst.idx.add.f32.msk $0xffff, v2;
	v7 =	vadd.s32 $0xB5000000, v12;
	v12 =	vadd.f32 v1, v14;
	v14 =	vmul.f32 $2.550000000e+02, v18  }
0x277: {  	[tilespmem:v8+s10+$0x0] =	vst.idx.add.f32.msk $0xffff, v2;
	v8 =	vadd.s32 $0xB5000000, v15;
	v15 =	vadd.f32 v1, v17;
	v17 =	vmul.f32 $2.550000000e+02, v19  }
0x278: {  	[tilespmem:v9+s10+$0x0] =	vst.idx.add.f32.msk $0xffff, v2;
	v9 =	vadd.s32 $0xB5000000, v12;
	v12 =	vadd.f32 v1, v14  }
0x279: {  	[tilespmem:v10+s10+$0x0] =	vst.idx.add.f32.msk $0xffff, v2;
	v10 =	vadd.s32 $0xB5000000, v15;
	v14 =	vadd.f32 v1, v17;
	v15 =	vmul.f32 $2.550000000e+02, v16  }
0x27a: {  	[tilespmem:v11+s10+$0x0] =	vst.idx.add.f32.msk $0xffff, v2;
	v11 =	vadd.s32 $0xB5000000, v12;
	v12 =	vmul.f32 $2.550000000e+02, v20  }
0x27b: {  	[tilespmem:v6+s10+$0x0] =	vst.idx.add.f32.msk $0xffff, v2;
	v6 =	vadd.s32 $0xB5000000, v14;
	v14 =	vadd.f32 v1, v15  }
0x27c: {  	[tilespmem:v13+s10+$0x0] =	vst.idx.add.f32.msk $0xffff, v2;
	v12 =	vadd.f32 v1, v12  }
.Ltmp8:
0x27d: {  	[tilespmem:v7+s10+$0x0] =	vst.idx.add.f32.msk $0xffff, v2;
	v7 =	vadd.s32 $0xB5000000, v14;
	(pc) =	sbr.rel @p0 .LBB2_18-.Ltmp8, $4  }
0x27e: {  	[tilespmem:v8+s10+$0x0] =	vst.idx.add.f32.msk $0xffff, v2;
	v8 =	vadd.s32 $0xB5000000, v12  }
0x27f: {  	[tilespmem:v9+s10+$0x0] =	vst.idx.add.f32.msk $0xffff, v2  }
0x280: {  	[tilespmem:v10+s10+$0x0] =	vst.idx.add.f32.msk $0xffff, v2  }
0x281: {  	s23 =	sadd.s32 $0x40, s23;
	s24 =	sadd.s32 $0x800, s24;
	s25 =	sadd.s32 $0x100, s25;
	[tilespmem:v11+s10+$0x0] =	vst.idx.add.f32.msk $0xffff, v2  }
0x282: {  	_ =	sdelay $0x3  }
0x283: {  	[tilespmem:v6+s10+$0x0] =	vst.idx.add.f32.msk $0xffff, v2  }
0x284: {  	[tilespmem:v7+s10+$0x0] =	vst.idx.add.f32.msk $0xffff, v2  }
0x285: {  	[tilespmem:v8+s10+$0x0] =	vst.idx.add.f32.msk $0xffff, v2  }
0x286: {  	s22 =	simm.s32 $0x0;
	s23 =	rddreg [dreg:$0xf]  }
0x287: {  	[tilespmem:s7], [sflag:$0x2] =	stream.linear.gather [hbm4b:s23+s22], $0x8000, $0x38;
	[tilespmem:$0x1A200] =	vst v63  }
0x288: {  	s29 =	sand.u32 $0x7000, s22;
	s24 =	sand.u32 $0x800, s22;
	_ =	swait.ge [sflag:s8], $0x8000  }
0x289: {  	s22 =	sand.u32 $0x380, s22;
	s23 =	sor.u32 s24, s29;
	[sflag:s8] =	ssyncset.done $0x0  }
0x28a: {  	s22 =	sor.u32 s22, s23;
	[sflag:s8] =	ssyncadd.s32 $0xFFFF8000  }
0x28b: {  	v6 =	vld [tilespmem:s22+$0x470]  }
0x28c: {  	v7 =	vld [tilespmem:s22+$0x0]  }
0x28d: {  	v8 =	vld [tilespmem:s22+$0x10]  }
0x28e: {  	v9 =	vld [tilespmem:s22+$0x20]  }
0x28f: {  	v10 =	vld [tilespmem:s22+$0x30]  }
0x290: {  	v11 =	vld [tilespmem:s22+$0x40]  }
0x291: {  	v12 =	vld [tilespmem:s22+$0x50];
	v6 =	vmul.f32 $2.550000000e+02, v6  }
0x292: {  	v13 =	vld [tilespmem:s22+$0x60]  }
0x293: {  	v14 =	vld [tilespmem:s22+$0x70];
	v7 =	vmul.f32 $2.550000000e+02, v7;
	v6 =	vadd.f32 v1, v6  }
0x294: {  	v15 =	vld [tilespmem:s22+$0x400];
	v8 =	vmul.f32 $2.550000000e+02, v8  }
0x295: {  	v16 =	vld [tilespmem:s22+$0x410];
	v9 =	vmul.f32 $2.550000000e+02, v9;
	v7 =	vadd.f32 v1, v7;
	v6 =	vadd.s32 $0xB5000000, v6  }
0x296: {  	v17 =	vld [tilespmem:s22+$0x420];
	v10 =	vmul.f32 $2.550000000e+02, v10;
	v11 =	vmul.f32 $2.550000000e+02, v11;
	v8 =	vadd.f32 v1, v8  }
0x297: {  	v18 =	vld [tilespmem:s22+$0x430];
	v12 =	vmul.f32 $2.550000000e+02, v12;
	v9 =	vadd.f32 v1, v9;
	v7 =	vadd.s32 $0xB5000000, v7  }
0x298: {  	v19 =	vld [tilespmem:s22+$0x440];
	v10 =	vadd.f32 v1, v10;
	v11 =	vadd.f32 v1, v11;
	v8 =	vadd.s32 $0xB5000000, v8  }
0x299: {  	v56 =	vld [tilespmem:s22+$0x450];
	v13 =	vmul.f32 $2.550000000e+02, v13;
	v55 =	vmul.f32 $2.550000000e+02, v14;
	v9 =	vadd.s32 $0xB5000000, v9  }
0x29a: {  	v11 =	vadd.s32 $0xB5000000, v11;
	[tilespmem:v6+s10+$0x0] =	vst.idx.add.f32.msk $0xffff, v2;
	v6 =	vadd.s32 $0xB5000000, v10;
	v10 =	vadd.f32 v1, v12  }
0x29b: {  	v20 =	vld [tilespmem:s22+$0x460];
	v15 =	vmul.f32 $2.550000000e+02, v15;
	v13 =	vadd.f32 v1, v13  }
0x29c: {  	v16 =	vmul.f32 $2.550000000e+02, v16;
	v12 =	vadd.f32 v1, v55;
	[tilespmem:v7+s10+$0x0] =	vst.idx.add.f32.msk $0xffff, v2;
	v10 =	vadd.s32 $0xB5000000, v10  }
0x29d: {  	v57 =	vadd.f32 v1, v15;
	v7 =	vadd.s32 $0xB5000000, v13;
	[tilespmem:v8+s10+$0x0] =	vst.idx.add.f32.msk $0xffff, v2  }
0x29e: {  	v59 =	vadd.f32 v1, v16;
	[tilespmem:v9+s10+$0x0] =	vst.idx.add.f32.msk $0xffff, v2;
	v8 =	vadd.s32 $0xB5000000, v12  }
0x29f: {  	v58 =	vmul.f32 $2.550000000e+02, v17;
	v9 =	vadd.s32 $0xB5000000, v57;
	[tilespmem:v11+s10+$0x0] =	vst.idx.add.f32.msk $0xffff, v2  }
0x2a0: {  	v60 =	vmul.f32 $2.550000000e+02, v18;
	[tilespmem:v6+s10+$0x0] =	vst.idx.add.f32.msk $0xffff, v2;
	v6 =	vadd.s32 $0xB5000000, v59  }
0x2a1: {  	v61 =	vadd.f32 v1, v58;
	[tilespmem:v10+s10+$0x0] =	vst.idx.add.f32.msk $0xffff, v2;
	v10 =	vmul.f32 $2.550000000e+02, v19  }
0x2a2: {  	v62 =	vadd.f32 v1, v60;
	[tilespmem:v7+s10+$0x0] =	vst.idx.add.f32.msk $0xffff, v2;
	v7 =	vmul.f32 $2.550000000e+02, v56  }
0x2a3: {  	v63 =	vmul.f32 $2.550000000e+02, v20;
	v11 =	vadd.s32 $0xB5000000, v61;
	[tilespmem:v8+s10+$0x0] =	vst.idx.add.f32.msk $0xffff, v2;
	v8 =	vadd.f32 v1, v10  }
0x2a4: {  	v12 =	vadd.s32 $0xB5000000, v62;
	[tilespmem:v9+s10+$0x0] =	vst.idx.add.f32.msk $0xffff, v2;
	v7 =	vadd.f32 v1, v7  }
0x2a5: {  	v9 =	vadd.f32 v1, v63;
	[tilespmem:v6+s10+$0x0] =	vst.idx.add.f32.msk $0xffff, v2;
	v6 =	vadd.s32 $0xB5000000, v8  }
0x2a6: {  	v7 =	vadd.s32 $0xB5000000, v7  }
0x2a7: {  	v8 =	vadd.s32 $0xB5000000, v9  }
0x2a8: {  	s25 =	simm.s32 $0x100;
	[tilespmem:v11+s10+$0x0] =	vst.idx.add.f32.msk $0xffff, v2  }
0x2a9: {  	s24 =	simm.s32 $0x800;
	s23 =	simm.s32 $0x40;
	s22 =	simm.s32 $0x0;
	[tilespmem:v12+s10+$0x0] =	vst.idx.add.f32.msk $0xffff, v2  }
.LBB2_20:
0x2aa: {  	s26 =	sand.u32 $0x7000, s25;
	s28 =	sand.u32 $0x800, s24;
	s22 =	sadd.s32 $0x10, s22;
	[tilespmem:v6+s10+$0x0] =	vst.idx.add.f32.msk $0xffff, v2  }
0x2ab: {  	s29 =	sand.u32 $0x380, s23;
	s26 =	sor.u32 s28, s26;
	p0 =	slt.u32 s22, $0x7F0;
	[tilespmem:v7+s10+$0x0] =	vst.idx.add.f32.msk $0xffff, v2  }
0x2ac: {  	s26 =	sor.u32 s29, s26;
	[tilespmem:v8+s10+$0x0] =	vst.idx.add.f32.msk $0xffff, v2  }
0x2ad: {  	v6 =	vld [tilespmem:s26+$0x470]  }
0x2ae: {  	v7 =	vld [tilespmem:s26+$0x0]  }
0x2af: {  	v8 =	vld [tilespmem:s26+$0x10]  }
0x2b0: {  	v9 =	vld [tilespmem:s26+$0x20]  }
0x2b1: {  	v10 =	vld [tilespmem:s26+$0x30]  }
0x2b2: {  	v11 =	vld [tilespmem:s26+$0x40];
	v6 =	vmul.f32 $2.550000000e+02, v6  }
0x2b3: {  	v7 =	vmul.f32 $2.550000000e+02, v7;
	v12 =	vld [tilespmem:s26+$0x50]  }
0x2b4: {  	v8 =	vmul.f32 $2.550000000e+02, v8;
	v13 =	vld [tilespmem:s26+$0x60];
	v6 =	vadd.f32 v1, v6  }
0x2b5: {  	v7 =	vadd.f32 v1, v7;
	v9 =	vmul.f32 $2.550000000e+02, v9;
	v14 =	vld [tilespmem:s26+$0x70]  }
0x2b6: {  	v8 =	vadd.f32 v1, v8;
	v10 =	vmul.f32 $2.550000000e+02, v10;
	v15 =	vld [tilespmem:s26+$0x400];
	v6 =	vadd.s32 $0xB5000000, v6  }
0x2b7: {  	v7 =	vadd.s32 $0xB5000000, v7;
	v9 =	vadd.f32 v1, v9;
	v11 =	vmul.f32 $2.550000000e+02, v11;
	v16 =	vld [tilespmem:s26+$0x410]  }
0x2b8: {  	v8 =	vadd.s32 $0xB5000000, v8;
	v10 =	vadd.f32 v1, v10;
	v12 =	vmul.f32 $2.550000000e+02, v12;
	v17 =	vld [tilespmem:s26+$0x420]  }
0x2b9: {  	v9 =	vadd.s32 $0xB5000000, v9;
	v11 =	vadd.f32 v1, v11;
	v13 =	vmul.f32 $2.550000000e+02, v13;
	v18 =	vld [tilespmem:s26+$0x430]  }
0x2ba: {  	v10 =	vadd.s32 $0xB5000000, v10;
	v12 =	vadd.f32 v1, v12;
	v14 =	vmul.f32 $2.550000000e+02, v14;
	v19 =	vld [tilespmem:s26+$0x440]  }
0x2bb: {  	v11 =	vadd.s32 $0xB5000000, v11;
	v13 =	vadd.f32 v1, v13;
	v15 =	vmul.f32 $2.550000000e+02, v15;
	[tilespmem:v6+s10+$0x0] =	vst.idx.add.f32.msk $0xffff, v2  }
0x2bc: {  	v6 =	vadd.s32 $0xB5000000, v12;
	v12 =	vadd.f32 v1, v14;
	v14 =	vmul.f32 $2.550000000e+02, v16;
	v16 =	vld [tilespmem:s26+$0x450]  }
0x2bd: {  	v13 =	vadd.s32 $0xB5000000, v13;
	v15 =	vadd.f32 v1, v15;
	v17 =	vmul.f32 $2.550000000e+02, v17;
	v20 =	vld [tilespmem:s26+$0x460]  }
0x2be: {  	[tilespmem:v7+s10+$0x0] =	vst.idx.add.f32.msk $0xffff, v2;
	v7 =	vadd.s32 $0xB5000000, v12;
	v12 =	vadd.f32 v1, v14;
	v14 =	vmul.f32 $2.550000000e+02, v18  }
0x2bf: {  	[tilespmem:v8+s10+$0x0] =	vst.idx.add.f32.msk $0xffff, v2;
	v8 =	vadd.s32 $0xB5000000, v15;
	v15 =	vadd.f32 v1, v17;
	v17 =	vmul.f32 $2.550000000e+02, v19  }
0x2c0: {  	[tilespmem:v9+s10+$0x0] =	vst.idx.add.f32.msk $0xffff, v2;
	v9 =	vadd.s32 $0xB5000000, v12;
	v12 =	vadd.f32 v1, v14  }
0x2c1: {  	[tilespmem:v10+s10+$0x0] =	vst.idx.add.f32.msk $0xffff, v2;
	v10 =	vadd.s32 $0xB5000000, v15;
	v14 =	vadd.f32 v1, v17;
	v15 =	vmul.f32 $2.550000000e+02, v16  }
0x2c2: {  	[tilespmem:v11+s10+$0x0] =	vst.idx.add.f32.msk $0xffff, v2;
	v11 =	vadd.s32 $0xB5000000, v12;
	v12 =	vmul.f32 $2.550000000e+02, v20  }
0x2c3: {  	[tilespmem:v6+s10+$0x0] =	vst.idx.add.f32.msk $0xffff, v2;
	v6 =	vadd.s32 $0xB5000000, v14;
	v14 =	vadd.f32 v1, v15  }
0x2c4: {  	[tilespmem:v13+s10+$0x0] =	vst.idx.add.f32.msk $0xffff, v2;
	v12 =	vadd.f32 v1, v12  }
.Ltmp9:
0x2c5: {  	[tilespmem:v7+s10+$0x0] =	vst.idx.add.f32.msk $0xffff, v2;
	v7 =	vadd.s32 $0xB5000000, v14;
	(pc) =	sbr.rel @p0 .LBB2_20-.Ltmp9, $4  }
0x2c6: {  	[tilespmem:v8+s10+$0x0] =	vst.idx.add.f32.msk $0xffff, v2;
	v8 =	vadd.s32 $0xB5000000, v12  }
0x2c7: {  	[tilespmem:v9+s10+$0x0] =	vst.idx.add.f32.msk $0xffff, v2  }
0x2c8: {  	[tilespmem:v10+s10+$0x0] =	vst.idx.add.f32.msk $0xffff, v2  }
0x2c9: {  	s23 =	sadd.s32 $0x40, s23;
	s24 =	sadd.s32 $0x800, s24;
	s25 =	sadd.s32 $0x100, s25;
	[tilespmem:v11+s10+$0x0] =	vst.idx.add.f32.msk $0xffff, v2  }
0x2ca: {  	_ =	sdelay $0x3  }
0x2cb: {  	[tilespmem:v6+s10+$0x0] =	vst.idx.add.f32.msk $0xffff, v2  }
0x2cc: {  	[tilespmem:v7+s10+$0x0] =	vst.idx.add.f32.msk $0xffff, v2  }
0x2cd: {  	[tilespmem:v8+s10+$0x0] =	vst.idx.add.f32.msk $0xffff, v2  }
0x2ce: {  	s22 =	simm.s32 $0x0;
	s23 =	rddreg [dreg:$0xb]  }
0x2cf: {  	[tilespmem:s22], [sflag:$0x1] =	stream.linear.gather [hbm4b:s23+s22], $0x8000, $0x38;
	[tilespmem:$0x1A200] =	vst v63  }
0x2d0: {  	s29 =	sand.u32 $0x7000, s22;
	s24 =	sand.u32 $0x800, s22;
	_ =	swait.ge [sflag:s12], $0x8000  }
0x2d1: {  	s22 =	sand.u32 $0x380, s22;
	s23 =	sor.u32 s24, s29;
	[sflag:s12] =	ssyncset.done $0x0  }
0x2d2: {  	s22 =	sor.u32 s22, s23;
	[sflag:s12] =	ssyncadd.s32 $0xFFFF8000  }
0x2d3: {  	v6 =	vld [tilespmem:s22+$0x8470]  }
0x2d4: {  	v7 =	vld [tilespmem:s22+$0x8000]  }
0x2d5: {  	v8 =	vld [tilespmem:s22+$0x8010]  }
0x2d6: {  	v9 =	vld [tilespmem:s22+$0x8020]  }
0x2d7: {  	v10 =	vld [tilespmem:s22+$0x8030]  }
0x2d8: {  	v11 =	vld [tilespmem:s22+$0x8040]  }
0x2d9: {  	v12 =	vld [tilespmem:s22+$0x8050];
	v6 =	vmul.f32 $2.550000000e+02, v6  }
0x2da: {  	v13 =	vld [tilespmem:s22+$0x8060]  }
0x2db: {  	v14 =	vld [tilespmem:s22+$0x8070];
	v7 =	vmul.f32 $2.550000000e+02, v7;
	v6 =	vadd.f32 v1, v6  }
0x2dc: {  	v15 =	vld [tilespmem:s22+$0x8400];
	v8 =	vmul.f32 $2.550000000e+02, v8  }
0x2dd: {  	v16 =	vld [tilespmem:s22+$0x8410];
	v9 =	vmul.f32 $2.550000000e+02, v9;
	v7 =	vadd.f32 v1, v7;
	v6 =	vadd.s32 $0xB5000000, v6  }
0x2de: {  	v17 =	vld [tilespmem:s22+$0x8420];
	v10 =	vmul.f32 $2.550000000e+02, v10;
	v11 =	vmul.f32 $2.550000000e+02, v11;
	v8 =	vadd.f32 v1, v8  }
0x2df: {  	v18 =	vld [tilespmem:s22+$0x8430];
	v12 =	vmul.f32 $2.550000000e+02, v12;
	v9 =	vadd.f32 v1, v9;
	v7 =	vadd.s32 $0xB5000000, v7  }
0x2e0: {  	v19 =	vld [tilespmem:s22+$0x8440];
	v10 =	vadd.f32 v1, v10;
	v11 =	vadd.f32 v1, v11;
	v8 =	vadd.s32 $0xB5000000, v8  }
0x2e1: {  	v56 =	vld [tilespmem:s22+$0x8450];
	v13 =	vmul.f32 $2.550000000e+02, v13;
	v55 =	vmul.f32 $2.550000000e+02, v14;
	v9 =	vadd.s32 $0xB5000000, v9  }
0x2e2: {  	v11 =	vadd.s32 $0xB5000000, v11;
	[tilespmem:v6+s10+$0x0] =	vst.idx.add.f32.msk $0xffff, v2;
	v6 =	vadd.s32 $0xB5000000, v10;
	v10 =	vadd.f32 v1, v12  }
0x2e3: {  	v20 =	vld [tilespmem:s22+$0x8460];
	v15 =	vmul.f32 $2.550000000e+02, v15;
	v13 =	vadd.f32 v1, v13  }
0x2e4: {  	v16 =	vmul.f32 $2.550000000e+02, v16;
	v12 =	vadd.f32 v1, v55;
	[tilespmem:v7+s10+$0x0] =	vst.idx.add.f32.msk $0xffff, v2;
	v10 =	vadd.s32 $0xB5000000, v10  }
0x2e5: {  	v57 =	vadd.f32 v1, v15;
	v7 =	vadd.s32 $0xB5000000, v13;
	[tilespmem:v8+s10+$0x0] =	vst.idx.add.f32.msk $0xffff, v2  }
0x2e6: {  	v59 =	vadd.f32 v1, v16;
	[tilespmem:v9+s10+$0x0] =	vst.idx.add.f32.msk $0xffff, v2;
	v8 =	vadd.s32 $0xB5000000, v12  }
0x2e7: {  	v58 =	vmul.f32 $2.550000000e+02, v17;
	v9 =	vadd.s32 $0xB5000000, v57;
	[tilespmem:v11+s10+$0x0] =	vst.idx.add.f32.msk $0xffff, v2  }
0x2e8: {  	v60 =	vmul.f32 $2.550000000e+02, v18;
	[tilespmem:v6+s10+$0x0] =	vst.idx.add.f32.msk $0xffff, v2;
	v6 =	vadd.s32 $0xB5000000, v59  }
0x2e9: {  	v61 =	vadd.f32 v1, v58;
	[tilespmem:v10+s10+$0x0] =	vst.idx.add.f32.msk $0xffff, v2;
	v10 =	vmul.f32 $2.550000000e+02, v19  }
0x2ea: {  	v62 =	vadd.f32 v1, v60;
	[tilespmem:v7+s10+$0x0] =	vst.idx.add.f32.msk $0xffff, v2;
	v7 =	vmul.f32 $2.550000000e+02, v56  }
0x2eb: {  	v63 =	vmul.f32 $2.550000000e+02, v20;
	v11 =	vadd.s32 $0xB5000000, v61;
	[tilespmem:v8+s10+$0x0] =	vst.idx.add.f32.msk $0xffff, v2;
	v8 =	vadd.f32 v1, v10  }
0x2ec: {  	v12 =	vadd.s32 $0xB5000000, v62;
	[tilespmem:v9+s10+$0x0] =	vst.idx.add.f32.msk $0xffff, v2;
	v7 =	vadd.f32 v1, v7  }
0x2ed: {  	v9 =	vadd.f32 v1, v63;
	[tilespmem:v6+s10+$0x0] =	vst.idx.add.f32.msk $0xffff, v2;
	v6 =	vadd.s32 $0xB5000000, v8  }
0x2ee: {  	v7 =	vadd.s32 $0xB5000000, v7  }
0x2ef: {  	v8 =	vadd.s32 $0xB5000000, v9  }
0x2f0: {  	s25 =	simm.s32 $0x100;
	[tilespmem:v11+s10+$0x0] =	vst.idx.add.f32.msk $0xffff, v2  }
0x2f1: {  	s24 =	simm.s32 $0x800;
	s23 =	simm.s32 $0x40;
	s22 =	simm.s32 $0x0;
	[tilespmem:v12+s10+$0x0] =	vst.idx.add.f32.msk $0xffff, v2  }
.LBB2_22:
0x2f2: {  	s26 =	sand.u32 $0x7000, s25;
	s28 =	sand.u32 $0x800, s24;
	s22 =	sadd.s32 $0x10, s22;
	[tilespmem:v6+s10+$0x0] =	vst.idx.add.f32.msk $0xffff, v2  }
0x2f3: {  	s29 =	sand.u32 $0x380, s23;
	s26 =	sor.u32 s28, s26;
	p0 =	slt.u32 s22, $0x7F0;
	[tilespmem:v7+s10+$0x0] =	vst.idx.add.f32.msk $0xffff, v2  }
0x2f4: {  	s26 =	sor.u32 s29, s26;
	[tilespmem:v8+s10+$0x0] =	vst.idx.add.f32.msk $0xffff, v2  }
0x2f5: {  	v6 =	vld [tilespmem:s26+$0x8470]  }
0x2f6: {  	v7 =	vld [tilespmem:s26+$0x8000]  }
0x2f7: {  	v8 =	vld [tilespmem:s26+$0x8010]  }
0x2f8: {  	v9 =	vld [tilespmem:s26+$0x8020]  }
0x2f9: {  	v10 =	vld [tilespmem:s26+$0x8030]  }
0x2fa: {  	v11 =	vld [tilespmem:s26+$0x8040];
	v6 =	vmul.f32 $2.550000000e+02, v6  }
0x2fb: {  	v7 =	vmul.f32 $2.550000000e+02, v7;
	v12 =	vld [tilespmem:s26+$0x8050]  }
0x2fc: {  	v8 =	vmul.f32 $2.550000000e+02, v8;
	v13 =	vld [tilespmem:s26+$0x8060];
	v6 =	vadd.f32 v1, v6  }
0x2fd: {  	v7 =	vadd.f32 v1, v7;
	v9 =	vmul.f32 $2.550000000e+02, v9;
	v14 =	vld [tilespmem:s26+$0x8070]  }
0x2fe: {  	v8 =	vadd.f32 v1, v8;
	v10 =	vmul.f32 $2.550000000e+02, v10;
	v15 =	vld [tilespmem:s26+$0x8400];
	v6 =	vadd.s32 $0xB5000000, v6  }
0x2ff: {  	v7 =	vadd.s32 $0xB5000000, v7;
	v9 =	vadd.f32 v1, v9;
	v11 =	vmul.f32 $2.550000000e+02, v11;
	v16 =	vld [tilespmem:s26+$0x8410]  }
0x300: {  	v8 =	vadd.s32 $0xB5000000, v8;
	v10 =	vadd.f32 v1, v10;
	v12 =	vmul.f32 $2.550000000e+02, v12;
	v17 =	vld [tilespmem:s26+$0x8420]  }
0x301: {  	v9 =	vadd.s32 $0xB5000000, v9;
	v11 =	vadd.f32 v1, v11;
	v13 =	vmul.f32 $2.550000000e+02, v13;
	v18 =	vld [tilespmem:s26+$0x8430]  }
0x302: {  	v10 =	vadd.s32 $0xB5000000, v10;
	v12 =	vadd.f32 v1, v12;
	v14 =	vmul.f32 $2.550000000e+02, v14;
	v19 =	vld [tilespmem:s26+$0x8440]  }
0x303: {  	v11 =	vadd.s32 $0xB5000000, v11;
	v13 =	vadd.f32 v1, v13;
	v15 =	vmul.f32 $2.550000000e+02, v15;
	[tilespmem:v6+s10+$0x0] =	vst.idx.add.f32.msk $0xffff, v2  }
0x304: {  	v6 =	vadd.s32 $0xB5000000, v12;
	v12 =	vadd.f32 v1, v14;
	v14 =	vmul.f32 $2.550000000e+02, v16;
	v16 =	vld [tilespmem:s26+$0x8450]  }
0x305: {  	v13 =	vadd.s32 $0xB5000000, v13;
	v15 =	vadd.f32 v1, v15;
	v17 =	vmul.f32 $2.550000000e+02, v17;
	v20 =	vld [tilespmem:s26+$0x8460]  }
0x306: {  	[tilespmem:v7+s10+$0x0] =	vst.idx.add.f32.msk $0xffff, v2;
	v7 =	vadd.s32 $0xB5000000, v12;
	v12 =	vadd.f32 v1, v14;
	v14 =	vmul.f32 $2.550000000e+02, v18  }
0x307: {  	[tilespmem:v8+s10+$0x0] =	vst.idx.add.f32.msk $0xffff, v2;
	v8 =	vadd.s32 $0xB5000000, v15;
	v15 =	vadd.f32 v1, v17;
	v17 =	vmul.f32 $2.550000000e+02, v19  }
0x308: {  	[tilespmem:v9+s10+$0x0] =	vst.idx.add.f32.msk $0xffff, v2;
	v9 =	vadd.s32 $0xB5000000, v12;
	v12 =	vadd.f32 v1, v14  }
0x309: {  	[tilespmem:v10+s10+$0x0] =	vst.idx.add.f32.msk $0xffff, v2;
	v10 =	vadd.s32 $0xB5000000, v15;
	v14 =	vadd.f32 v1, v17;
	v15 =	vmul.f32 $2.550000000e+02, v16  }
0x30a: {  	[tilespmem:v11+s10+$0x0] =	vst.idx.add.f32.msk $0xffff, v2;
	v11 =	vadd.s32 $0xB5000000, v12;
	v12 =	vmul.f32 $2.550000000e+02, v20  }
0x30b: {  	[tilespmem:v6+s10+$0x0] =	vst.idx.add.f32.msk $0xffff, v2;
	v6 =	vadd.s32 $0xB5000000, v14;
	v14 =	vadd.f32 v1, v15  }
0x30c: {  	[tilespmem:v13+s10+$0x0] =	vst.idx.add.f32.msk $0xffff, v2;
	v12 =	vadd.f32 v1, v12  }
.Ltmp10:
0x30d: {  	[tilespmem:v7+s10+$0x0] =	vst.idx.add.f32.msk $0xffff, v2;
	v7 =	vadd.s32 $0xB5000000, v14;
	(pc) =	sbr.rel @p0 .LBB2_22-.Ltmp10, $4  }
0x30e: {  	[tilespmem:v8+s10+$0x0] =	vst.idx.add.f32.msk $0xffff, v2;
	v8 =	vadd.s32 $0xB5000000, v12  }
0x30f: {  	[tilespmem:v9+s10+$0x0] =	vst.idx.add.f32.msk $0xffff, v2  }
0x310: {  	[tilespmem:v10+s10+$0x0] =	vst.idx.add.f32.msk $0xffff, v2  }
0x311: {  	s23 =	sadd.s32 $0x40, s23;
	s24 =	sadd.s32 $0x800, s24;
	s25 =	sadd.s32 $0x100, s25;
	[tilespmem:v11+s10+$0x0] =	vst.idx.add.f32.msk $0xffff, v2  }
0x312: {  	_ =	sdelay $0x3  }
0x313: {  	[tilespmem:v6+s10+$0x0] =	vst.idx.add.f32.msk $0xffff, v2  }
0x314: {  	[tilespmem:v7+s10+$0x0] =	vst.idx.add.f32.msk $0xffff, v2  }
0x315: {  	[tilespmem:v8+s10+$0x0] =	vst.idx.add.f32.msk $0xffff, v2  }
0x316: {  	s22 =	simm.s32 $0x0;
	s23 =	rddreg [dreg:$0xd]  }
0x317: {  	[tilespmem:s7], [sflag:$0x2] =	stream.linear.gather [hbm4b:s23+s22], $0x8000, $0x38;
	[tilespmem:$0x1A200] =	vst v63  }
0x318: {  	s29 =	sand.u32 $0x7000, s22;
	s24 =	sand.u32 $0x800, s22;
	_ =	swait.ge [sflag:s8], $0x8000  }
0x319: {  	s22 =	sand.u32 $0x380, s22;
	s23 =	sor.u32 s24, s29;
	[sflag:s8] =	ssyncset.done $0x0  }
0x31a: {  	s22 =	sor.u32 s22, s23;
	[sflag:s8] =	ssyncadd.s32 $0xFFFF8000  }
0x31b: {  	v6 =	vld [tilespmem:s22+$0x470]  }
0x31c: {  	v7 =	vld [tilespmem:s22+$0x0]  }
0x31d: {  	v8 =	vld [tilespmem:s22+$0x10]  }
0x31e: {  	v9 =	vld [tilespmem:s22+$0x20]  }
0x31f: {  	v10 =	vld [tilespmem:s22+$0x30]  }
0x320: {  	v11 =	vld [tilespmem:s22+$0x40]  }
0x321: {  	v12 =	vld [tilespmem:s22+$0x50];
	v6 =	vmul.f32 $2.550000000e+02, v6  }
0x322: {  	v13 =	vld [tilespmem:s22+$0x60]  }
0x323: {  	v14 =	vld [tilespmem:s22+$0x70];
	v7 =	vmul.f32 $2.550000000e+02, v7;
	v6 =	vadd.f32 v1, v6  }
0x324: {  	v15 =	vld [tilespmem:s22+$0x400];
	v8 =	vmul.f32 $2.550000000e+02, v8  }
0x325: {  	v16 =	vld [tilespmem:s22+$0x410];
	v9 =	vmul.f32 $2.550000000e+02, v9;
	v7 =	vadd.f32 v1, v7;
	v6 =	vadd.s32 $0xB5000000, v6  }
0x326: {  	v17 =	vld [tilespmem:s22+$0x420];
	v10 =	vmul.f32 $2.550000000e+02, v10;
	v11 =	vmul.f32 $2.550000000e+02, v11;
	v8 =	vadd.f32 v1, v8  }
0x327: {  	v18 =	vld [tilespmem:s22+$0x430];
	v12 =	vmul.f32 $2.550000000e+02, v12;
	v9 =	vadd.f32 v1, v9;
	v7 =	vadd.s32 $0xB5000000, v7  }
0x328: {  	v19 =	vld [tilespmem:s22+$0x440];
	v10 =	vadd.f32 v1, v10;
	v11 =	vadd.f32 v1, v11;
	v8 =	vadd.s32 $0xB5000000, v8  }
0x329: {  	v56 =	vld [tilespmem:s22+$0x450];
	v13 =	vmul.f32 $2.550000000e+02, v13;
	v55 =	vmul.f32 $2.550000000e+02, v14;
	v9 =	vadd.s32 $0xB5000000, v9  }
0x32a: {  	v11 =	vadd.s32 $0xB5000000, v11;
	[tilespmem:v6+s10+$0x0] =	vst.idx.add.f32.msk $0xffff, v2;
	v6 =	vadd.s32 $0xB5000000, v10;
	v10 =	vadd.f32 v1, v12  }
0x32b: {  	v20 =	vld [tilespmem:s22+$0x460];
	v15 =	vmul.f32 $2.550000000e+02, v15;
	v13 =	vadd.f32 v1, v13  }
0x32c: {  	v16 =	vmul.f32 $2.550000000e+02, v16;
	v12 =	vadd.f32 v1, v55;
	[tilespmem:v7+s10+$0x0] =	vst.idx.add.f32.msk $0xffff, v2;
	v10 =	vadd.s32 $0xB5000000, v10  }
0x32d: {  	v57 =	vadd.f32 v1, v15;
	v7 =	vadd.s32 $0xB5000000, v13;
	[tilespmem:v8+s10+$0x0] =	vst.idx.add.f32.msk $0xffff, v2  }
0x32e: {  	v59 =	vadd.f32 v1, v16;
	[tilespmem:v9+s10+$0x0] =	vst.idx.add.f32.msk $0xffff, v2;
	v8 =	vadd.s32 $0xB5000000, v12  }
0x32f: {  	v58 =	vmul.f32 $2.550000000e+02, v17;
	v9 =	vadd.s32 $0xB5000000, v57;
	[tilespmem:v11+s10+$0x0] =	vst.idx.add.f32.msk $0xffff, v2  }
0x330: {  	v60 =	vmul.f32 $2.550000000e+02, v18;
	[tilespmem:v6+s10+$0x0] =	vst.idx.add.f32.msk $0xffff, v2;
	v6 =	vadd.s32 $0xB5000000, v59  }
0x331: {  	v61 =	vadd.f32 v1, v58;
	[tilespmem:v10+s10+$0x0] =	vst.idx.add.f32.msk $0xffff, v2;
	v10 =	vmul.f32 $2.550000000e+02, v19  }
0x332: {  	v62 =	vadd.f32 v1, v60;
	[tilespmem:v7+s10+$0x0] =	vst.idx.add.f32.msk $0xffff, v2;
	v7 =	vmul.f32 $2.550000000e+02, v56  }
0x333: {  	v63 =	vmul.f32 $2.550000000e+02, v20;
	v11 =	vadd.s32 $0xB5000000, v61;
	[tilespmem:v8+s10+$0x0] =	vst.idx.add.f32.msk $0xffff, v2;
	v8 =	vadd.f32 v1, v10  }
0x334: {  	v12 =	vadd.s32 $0xB5000000, v62;
	[tilespmem:v9+s10+$0x0] =	vst.idx.add.f32.msk $0xffff, v2;
	v7 =	vadd.f32 v1, v7  }
0x335: {  	v9 =	vadd.f32 v1, v63;
	[tilespmem:v6+s10+$0x0] =	vst.idx.add.f32.msk $0xffff, v2;
	v6 =	vadd.s32 $0xB5000000, v8  }
0x336: {  	v7 =	vadd.s32 $0xB5000000, v7  }
0x337: {  	v8 =	vadd.s32 $0xB5000000, v9  }
0x338: {  	s25 =	simm.s32 $0x100;
	[tilespmem:v11+s10+$0x0] =	vst.idx.add.f32.msk $0xffff, v2  }
0x339: {  	s24 =	simm.s32 $0x800;
	s23 =	simm.s32 $0x40;
	s22 =	simm.s32 $0x0;
	[tilespmem:v12+s10+$0x0] =	vst.idx.add.f32.msk $0xffff, v2  }
.LBB2_24:
0x33a: {  	s26 =	sand.u32 $0x7000, s25;
	s28 =	sand.u32 $0x800, s24;
	s22 =	sadd.s32 $0x10, s22;
	[tilespmem:v6+s10+$0x0] =	vst.idx.add.f32.msk $0xffff, v2  }
0x33b: {  	s29 =	sand.u32 $0x380, s23;
	s26 =	sor.u32 s28, s26;
	p0 =	slt.u32 s22, $0x7F0;
	[tilespmem:v7+s10+$0x0] =	vst.idx.add.f32.msk $0xffff, v2  }
0x33c: {  	s26 =	sor.u32 s29, s26;
	[tilespmem:v8+s10+$0x0] =	vst.idx.add.f32.msk $0xffff, v2  }
0x33d: {  	v6 =	vld [tilespmem:s26+$0x470]  }
0x33e: {  	v7 =	vld [tilespmem:s26+$0x0]  }
0x33f: {  	v8 =	vld [tilespmem:s26+$0x10]  }
0x340: {  	v9 =	vld [tilespmem:s26+$0x20]  }
0x341: {  	v10 =	vld [tilespmem:s26+$0x30]  }
0x342: {  	v11 =	vld [tilespmem:s26+$0x40];
	v6 =	vmul.f32 $2.550000000e+02, v6  }
0x343: {  	v7 =	vmul.f32 $2.550000000e+02, v7;
	v12 =	vld [tilespmem:s26+$0x50]  }
0x344: {  	v8 =	vmul.f32 $2.550000000e+02, v8;
	v13 =	vld [tilespmem:s26+$0x60];
	v6 =	vadd.f32 v1, v6  }
0x345: {  	v7 =	vadd.f32 v1, v7;
	v9 =	vmul.f32 $2.550000000e+02, v9;
	v14 =	vld [tilespmem:s26+$0x70]  }
0x346: {  	v8 =	vadd.f32 v1, v8;
	v10 =	vmul.f32 $2.550000000e+02, v10;
	v15 =	vld [tilespmem:s26+$0x400];
	v6 =	vadd.s32 $0xB5000000, v6  }
0x347: {  	v7 =	vadd.s32 $0xB5000000, v7;
	v9 =	vadd.f32 v1, v9;
	v11 =	vmul.f32 $2.550000000e+02, v11;
	v16 =	vld [tilespmem:s26+$0x410]  }
0x348: {  	v8 =	vadd.s32 $0xB5000000, v8;
	v10 =	vadd.f32 v1, v10;
	v12 =	vmul.f32 $2.550000000e+02, v12;
	v17 =	vld [tilespmem:s26+$0x420]  }
0x349: {  	v9 =	vadd.s32 $0xB5000000, v9;
	v11 =	vadd.f32 v1, v11;
	v13 =	vmul.f32 $2.550000000e+02, v13;
	v18 =	vld [tilespmem:s26+$0x430]  }
0x34a: {  	v10 =	vadd.s32 $0xB5000000, v10;
	v12 =	vadd.f32 v1, v12;
	v14 =	vmul.f32 $2.550000000e+02, v14;
	v19 =	vld [tilespmem:s26+$0x440]  }
0x34b: {  	v11 =	vadd.s32 $0xB5000000, v11;
	v13 =	vadd.f32 v1, v13;
	v15 =	vmul.f32 $2.550000000e+02, v15;
	[tilespmem:v6+s10+$0x0] =	vst.idx.add.f32.msk $0xffff, v2  }
0x34c: {  	v6 =	vadd.s32 $0xB5000000, v12;
	v12 =	vadd.f32 v1, v14;
	v14 =	vmul.f32 $2.550000000e+02, v16;
	v16 =	vld [tilespmem:s26+$0x450]  }
0x34d: {  	v13 =	vadd.s32 $0xB5000000, v13;
	v15 =	vadd.f32 v1, v15;
	v17 =	vmul.f32 $2.550000000e+02, v17;
	v20 =	vld [tilespmem:s26+$0x460]  }
0x34e: {  	[tilespmem:v7+s10+$0x0] =	vst.idx.add.f32.msk $0xffff, v2;
	v7 =	vadd.s32 $0xB5000000, v12;
	v12 =	vadd.f32 v1, v14;
	v14 =	vmul.f32 $2.550000000e+02, v18  }
0x34f: {  	[tilespmem:v8+s10+$0x0] =	vst.idx.add.f32.msk $0xffff, v2;
	v8 =	vadd.s32 $0xB5000000, v15;
	v15 =	vadd.f32 v1, v17;
	v17 =	vmul.f32 $2.550000000e+02, v19  }
0x350: {  	[tilespmem:v9+s10+$0x0] =	vst.idx.add.f32.msk $0xffff, v2;
	v9 =	vadd.s32 $0xB5000000, v12;
	v12 =	vadd.f32 v1, v14  }
0x351: {  	[tilespmem:v10+s10+$0x0] =	vst.idx.add.f32.msk $0xffff, v2;
	v10 =	vadd.s32 $0xB5000000, v15;
	v14 =	vadd.f32 v1, v17;
	v15 =	vmul.f32 $2.550000000e+02, v16  }
0x352: {  	[tilespmem:v11+s10+$0x0] =	vst.idx.add.f32.msk $0xffff, v2;
	v11 =	vadd.s32 $0xB5000000, v12;
	v12 =	vmul.f32 $2.550000000e+02, v20  }
0x353: {  	[tilespmem:v6+s10+$0x0] =	vst.idx.add.f32.msk $0xffff, v2;
	v6 =	vadd.s32 $0xB5000000, v14;
	v14 =	vadd.f32 v1, v15  }
0x354: {  	[tilespmem:v13+s10+$0x0] =	vst.idx.add.f32.msk $0xffff, v2;
	v12 =	vadd.f32 v1, v12  }
.Ltmp11:
0x355: {  	[tilespmem:v7+s10+$0x0] =	vst.idx.add.f32.msk $0xffff, v2;
	v7 =	vadd.s32 $0xB5000000, v14;
	(pc) =	sbr.rel @p0 .LBB2_24-.Ltmp11, $4  }
0x356: {  	[tilespmem:v8+s10+$0x0] =	vst.idx.add.f32.msk $0xffff, v2;
	v8 =	vadd.s32 $0xB5000000, v12  }
0x357: {  	[tilespmem:v9+s10+$0x0] =	vst.idx.add.f32.msk $0xffff, v2  }
0x358: {  	[tilespmem:v10+s10+$0x0] =	vst.idx.add.f32.msk $0xffff, v2  }
0x359: {  	s23 =	sadd.s32 $0x40, s23;
	s24 =	sadd.s32 $0x800, s24;
	s25 =	sadd.s32 $0x100, s25;
	[tilespmem:v11+s10+$0x0] =	vst.idx.add.f32.msk $0xffff, v2  }
0x35a: {  	_ =	sdelay $0x3  }
0x35b: {  	[tilespmem:v6+s10+$0x0] =	vst.idx.add.f32.msk $0xffff, v2  }
0x35c: {  	[tilespmem:v7+s10+$0x0] =	vst.idx.add.f32.msk $0xffff, v2  }
0x35d: {  	[tilespmem:v8+s10+$0x0] =	vst.idx.add.f32.msk $0xffff, v2;
	s22 =	simm.s32 $0x0  }
0x35e: {  	_ =	swait.ge [sflag:s12], $0x8000;
	s23 =	sand.u32 $0x7000, s22;
	s24 =	sand.u32 $0x800, s22  }
0x35f: {  	s22 =	sand.u32 $0x380, s22;
	[sflag:s12] =	ssyncset.done $0x0;
	s23 =	sor.u32 s24, s23  }
0x360: {  	[sflag:s12] =	ssyncadd.s32 $0xFFFF8000;
	s22 =	sor.u32 s22, s23  }
0x361: {  	v6 =	vld [tilespmem:s22+$0x8470]  }
0x362: {  	v7 =	vld [tilespmem:s22+$0x8000]  }
0x363: {  	v8 =	vld [tilespmem:s22+$0x8010]  }
0x364: {  	v9 =	vld [tilespmem:s22+$0x8020]  }
0x365: {  	v10 =	vld [tilespmem:s22+$0x8030]  }
0x366: {  	v11 =	vld [tilespmem:s22+$0x8040]  }
0x367: {  	v12 =	vld [tilespmem:s22+$0x8050];
	v6 =	vmul.f32 $2.550000000e+02, v6  }
0x368: {  	v13 =	vld [tilespmem:s22+$0x8060]  }
0x369: {  	v14 =	vld [tilespmem:s22+$0x8070];
	v7 =	vmul.f32 $2.550000000e+02, v7;
	v6 =	vadd.f32 v1, v6  }
0x36a: {  	v15 =	vld [tilespmem:s22+$0x8400];
	v8 =	vmul.f32 $2.550000000e+02, v8  }
0x36b: {  	v16 =	vld [tilespmem:s22+$0x8410];
	v9 =	vmul.f32 $2.550000000e+02, v9;
	v7 =	vadd.f32 v1, v7;
	v6 =	vadd.s32 $0xB5000000, v6  }
0x36c: {  	v17 =	vld [tilespmem:s22+$0x8420];
	v10 =	vmul.f32 $2.550000000e+02, v10;
	v11 =	vmul.f32 $2.550000000e+02, v11;
	v8 =	vadd.f32 v1, v8  }
0x36d: {  	v18 =	vld [tilespmem:s22+$0x8430];
	v12 =	vmul.f32 $2.550000000e+02, v12;
	v9 =	vadd.f32 v1, v9;
	v7 =	vadd.s32 $0xB5000000, v7  }
0x36e: {  	v19 =	vld [tilespmem:s22+$0x8440];
	v10 =	vadd.f32 v1, v10;
	v11 =	vadd.f32 v1, v11;
	v8 =	vadd.s32 $0xB5000000, v8  }
0x36f: {  	v56 =	vld [tilespmem:s22+$0x8450];
	v13 =	vmul.f32 $2.550000000e+02, v13;
	v55 =	vmul.f32 $2.550000000e+02, v14;
	v9 =	vadd.s32 $0xB5000000, v9  }
0x370: {  	v11 =	vadd.s32 $0xB5000000, v11;
	[tilespmem:v6+s10+$0x0] =	vst.idx.add.f32.msk $0xffff, v2;
	v6 =	vadd.s32 $0xB5000000, v10;
	v10 =	vadd.f32 v1, v12  }
0x371: {  	v20 =	vld [tilespmem:s22+$0x8460];
	v15 =	vmul.f32 $2.550000000e+02, v15;
	v13 =	vadd.f32 v1, v13  }
0x372: {  	v16 =	vmul.f32 $2.550000000e+02, v16;
	v12 =	vadd.f32 v1, v55;
	[tilespmem:v7+s10+$0x0] =	vst.idx.add.f32.msk $0xffff, v2;
	v10 =	vadd.s32 $0xB5000000, v10  }
0x373: {  	v57 =	vadd.f32 v1, v15;
	v7 =	vadd.s32 $0xB5000000, v13;
	[tilespmem:v8+s10+$0x0] =	vst.idx.add.f32.msk $0xffff, v2  }
0x374: {  	v59 =	vadd.f32 v1, v16;
	[tilespmem:v9+s10+$0x0] =	vst.idx.add.f32.msk $0xffff, v2;
	v8 =	vadd.s32 $0xB5000000, v12  }
0x375: {  	v58 =	vmul.f32 $2.550000000e+02, v17;
	v9 =	vadd.s32 $0xB5000000, v57;
	[tilespmem:v11+s10+$0x0] =	vst.idx.add.f32.msk $0xffff, v2  }
0x376: {  	v60 =	vmul.f32 $2.550000000e+02, v18;
	[tilespmem:v6+s10+$0x0] =	vst.idx.add.f32.msk $0xffff, v2;
	v6 =	vadd.s32 $0xB5000000, v59  }
0x377: {  	v61 =	vadd.f32 v1, v58;
	[tilespmem:v10+s10+$0x0] =	vst.idx.add.f32.msk $0xffff, v2;
	v10 =	vmul.f32 $2.550000000e+02, v19  }
0x378: {  	v62 =	vadd.f32 v1, v60;
	[tilespmem:v7+s10+$0x0] =	vst.idx.add.f32.msk $0xffff, v2;
	v7 =	vmul.f32 $2.550000000e+02, v56  }
0x379: {  	v63 =	vmul.f32 $2.550000000e+02, v20;
	v11 =	vadd.s32 $0xB5000000, v61;
	[tilespmem:v8+s10+$0x0] =	vst.idx.add.f32.msk $0xffff, v2;
	v8 =	vadd.f32 v1, v10  }
0x37a: {  	v12 =	vadd.s32 $0xB5000000, v62;
	[tilespmem:v9+s10+$0x0] =	vst.idx.add.f32.msk $0xffff, v2;
	v7 =	vadd.f32 v1, v7  }
0x37b: {  	v9 =	vadd.f32 v1, v63;
	[tilespmem:v6+s10+$0x0] =	vst.idx.add.f32.msk $0xffff, v2;
	v6 =	vadd.s32 $0xB5000000, v8  }
0x37c: {  	v7 =	vadd.s32 $0xB5000000, v7  }
0x37d: {  	v8 =	vadd.s32 $0xB5000000, v9  }
0x37e: {  	s25 =	simm.s32 $0x100;
	[tilespmem:v11+s10+$0x0] =	vst.idx.add.f32.msk $0xffff, v2  }
0x37f: {  	s24 =	simm.s32 $0x800;
	s23 =	simm.s32 $0x40;
	s22 =	simm.s32 $0x0;
	[tilespmem:v12+s10+$0x0] =	vst.idx.add.f32.msk $0xffff, v2  }
.LBB2_26:
0x380: {  	s26 =	sand.u32 $0x7000, s25;
	s28 =	sand.u32 $0x800, s24;
	s22 =	sadd.s32 $0x10, s22;
	[tilespmem:v6+s10+$0x0] =	vst.idx.add.f32.msk $0xffff, v2  }
0x381: {  	s29 =	sand.u32 $0x380, s23;
	s26 =	sor.u32 s28, s26;
	p0 =	slt.u32 s22, $0x7F0;
	[tilespmem:v7+s10+$0x0] =	vst.idx.add.f32.msk $0xffff, v2  }
0x382: {  	s26 =	sor.u32 s29, s26;
	[tilespmem:v8+s10+$0x0] =	vst.idx.add.f32.msk $0xffff, v2  }
0x383: {  	v6 =	vld [tilespmem:s26+$0x8470]  }
0x384: {  	v7 =	vld [tilespmem:s26+$0x8000]  }
0x385: {  	v8 =	vld [tilespmem:s26+$0x8010]  }
0x386: {  	v9 =	vld [tilespmem:s26+$0x8020]  }
0x387: {  	v10 =	vld [tilespmem:s26+$0x8030]  }
0x388: {  	v11 =	vld [tilespmem:s26+$0x8040];
	v6 =	vmul.f32 $2.550000000e+02, v6  }
0x389: {  	v7 =	vmul.f32 $2.550000000e+02, v7;
	v12 =	vld [tilespmem:s26+$0x8050]  }
0x38a: {  	v8 =	vmul.f32 $2.550000000e+02, v8;
	v13 =	vld [tilespmem:s26+$0x8060];
	v6 =	vadd.f32 v1, v6  }
0x38b: {  	v7 =	vadd.f32 v1, v7;
	v9 =	vmul.f32 $2.550000000e+02, v9;
	v14 =	vld [tilespmem:s26+$0x8070]  }
0x38c: {  	v8 =	vadd.f32 v1, v8;
	v10 =	vmul.f32 $2.550000000e+02, v10;
	v15 =	vld [tilespmem:s26+$0x8400];
	v6 =	vadd.s32 $0xB5000000, v6  }
0x38d: {  	v7 =	vadd.s32 $0xB5000000, v7;
	v9 =	vadd.f32 v1, v9;
	v11 =	vmul.f32 $2.550000000e+02, v11;
	v16 =	vld [tilespmem:s26+$0x8410]  }
0x38e: {  	v8 =	vadd.s32 $0xB5000000, v8;
	v10 =	vadd.f32 v1, v10;
	v12 =	vmul.f32 $2.550000000e+02, v12;
	v17 =	vld [tilespmem:s26+$0x8420]  }
0x38f: {  	v9 =	vadd.s32 $0xB5000000, v9;
	v11 =	vadd.f32 v1, v11;
	v13 =	vmul.f32 $2.550000000e+02, v13;
	v18 =	vld [tilespmem:s26+$0x8430]  }
0x390: {  	v10 =	vadd.s32 $0xB5000000, v10;
	v12 =	vadd.f32 v1, v12;
	v14 =	vmul.f32 $2.550000000e+02, v14;
	v19 =	vld [tilespmem:s26+$0x8440]  }
0x391: {  	v11 =	vadd.s32 $0xB5000000, v11;
	v13 =	vadd.f32 v1, v13;
	v15 =	vmul.f32 $2.550000000e+02, v15;
	[tilespmem:v6+s10+$0x0] =	vst.idx.add.f32.msk $0xffff, v2  }
0x392: {  	v6 =	vadd.s32 $0xB5000000, v12;
	v12 =	vadd.f32 v1, v14;
	v14 =	vmul.f32 $2.550000000e+02, v16;
	v16 =	vld [tilespmem:s26+$0x8450]  }
0x393: {  	v13 =	vadd.s32 $0xB5000000, v13;
	v15 =	vadd.f32 v1, v15;
	v17 =	vmul.f32 $2.550000000e+02, v17;
	v20 =	vld [tilespmem:s26+$0x8460]  }
0x394: {  	[tilespmem:v7+s10+$0x0] =	vst.idx.add.f32.msk $0xffff, v2;
	v7 =	vadd.s32 $0xB5000000, v12;
	v12 =	vadd.f32 v1, v14;
	v14 =	vmul.f32 $2.550000000e+02, v18  }
0x395: {  	[tilespmem:v8+s10+$0x0] =	vst.idx.add.f32.msk $0xffff, v2;
	v8 =	vadd.s32 $0xB5000000, v15;
	v15 =	vadd.f32 v1, v17;
	v17 =	vmul.f32 $2.550000000e+02, v19  }
0x396: {  	[tilespmem:v9+s10+$0x0] =	vst.idx.add.f32.msk $0xffff, v2;
	v9 =	vadd.s32 $0xB5000000, v12;
	v12 =	vadd.f32 v1, v14  }
0x397: {  	[tilespmem:v10+s10+$0x0] =	vst.idx.add.f32.msk $0xffff, v2;
	v10 =	vadd.s32 $0xB5000000, v15;
	v14 =	vadd.f32 v1, v17;
	v15 =	vmul.f32 $2.550000000e+02, v16  }
0x398: {  	[tilespmem:v11+s10+$0x0] =	vst.idx.add.f32.msk $0xffff, v2;
	v11 =	vadd.s32 $0xB5000000, v12;
	v12 =	vmul.f32 $2.550000000e+02, v20  }
0x399: {  	[tilespmem:v6+s10+$0x0] =	vst.idx.add.f32.msk $0xffff, v2;
	v6 =	vadd.s32 $0xB5000000, v14;
	v14 =	vadd.f32 v1, v15  }
0x39a: {  	[tilespmem:v13+s10+$0x0] =	vst.idx.add.f32.msk $0xffff, v2;
	v12 =	vadd.f32 v1, v12  }
.Ltmp12:
0x39b: {  	[tilespmem:v7+s10+$0x0] =	vst.idx.add.f32.msk $0xffff, v2;
	v7 =	vadd.s32 $0xB5000000, v14;
	(pc) =	sbr.rel @p0 .LBB2_26-.Ltmp12, $4  }
0x39c: {  	[tilespmem:v8+s10+$0x0] =	vst.idx.add.f32.msk $0xffff, v2;
	v8 =	vadd.s32 $0xB5000000, v12  }
0x39d: {  	[tilespmem:v9+s10+$0x0] =	vst.idx.add.f32.msk $0xffff, v2  }
0x39e: {  	[tilespmem:v10+s10+$0x0] =	vst.idx.add.f32.msk $0xffff, v2  }
0x39f: {  	s23 =	sadd.s32 $0x40, s23;
	s24 =	sadd.s32 $0x800, s24;
	s25 =	sadd.s32 $0x100, s25;
	[tilespmem:v11+s10+$0x0] =	vst.idx.add.f32.msk $0xffff, v2  }
0x3a0: {  	_ =	sdelay $0x3  }
0x3a1: {  	[tilespmem:v6+s10+$0x0] =	vst.idx.add.f32.msk $0xffff, v2  }
0x3a2: {  	[tilespmem:v7+s10+$0x0] =	vst.idx.add.f32.msk $0xffff, v2  }
0x3a3: {  	[tilespmem:v8+s10+$0x0] =	vst.idx.add.f32.msk $0xffff, v2  }
0x3a4: {  	[tilespmem:s16], [sflag:$0x1] =	stream.strided.gather [hbm4b:s14+s13], $0x2000, s15, s13, $0x38;
	[tilespmem:$0x1A200] =	vst v63  }
0x3a5: {  	s22 =	rddreg [dreg:$0x12]  }
0x3a6: {  	[tilespmem:s17], [sflag:$0x1] =	stream.strided.gather [hbm4b:s22+s13], $0x2000, s15, s13, $0x38;
	[tilespmem:$0x1A200] =	vst v63  }
0x3a7: {  	s26 =	rddreg [dreg:$0xe]  }
0x3a8: {  	[tilespmem:s18], [sflag:$0x2] =	stream.strided.gather [hbm4b:s26+s13], $0x2000, s15, s13, $0x38;
	[tilespmem:$0x1A200] =	vst v63  }
0x3a9: {  	s28 =	rddreg [dreg:$0x10]  }
0x3aa: {  	[tilespmem:s19], [sflag:$0x2] =	stream.strided.gather [hbm4b:s28+s13], $0x2000, s15, s13, $0x38;
	[tilespmem:$0x1A200] =	vst v63  }
0x3ab: {  	_ =	swait.ge [sflag:s8], $0x2000  }
0x3ac: {  	[sflag:s8] =	ssyncset.done $0x0  }
0x3ad: {  	s29 =	simm.s32 $0x10080;
	[sflag:s8] =	ssyncadd.s32 $0xFFFFE000  }
0x3ae: {  	v6 =	vld [tilespmem:s29+$0x70]  }
0x3af: {  	v7 =	vld [tilespmem:s29+$0xFFFFFF90]  }
0x3b0: {  	v8 =	vld [tilespmem:s29+$0xFFFFFFA0]  }
0x3b1: {  	v9 =	vld [tilespmem:s29+$0xFFFFFFB0]  }
0x3b2: {  	v10 =	vld [tilespmem:s29+$0xFFFFFFC0]  }
0x3b3: {  	v11 =	vld [tilespmem:s29+$0xFFFFFFD0]  }
0x3b4: {  	v12 =	vld [tilespmem:s29+$0xFFFFFFE0]  }
0x3b5: {  	v13 =	vld [tilespmem:s29+$0xFFFFFFF0]  }
0x3b6: {  	v14 =	vld [tilespmem:s29+$0x0]  }
0x3b7: {  	v15 =	vld [tilespmem:s29+$0x10]  }
0x3b8: {  	v5 =	vmul.f32 v4, v5;
	v16 =	vld [tilespmem:s29+$0x20];
	v6 =	vmul.f32 v6, v4  }
0x3b9: {  	v17 =	vld [tilespmem:s29+$0x30];
	v7 =	vmul.f32 v7, v4;
	v8 =	vmul.f32 v8, v4  }
0x3ba: {  	v18 =	vld [tilespmem:s29+$0x40];
	v9 =	vmul.f32 v9, v4;
	v10 =	vmul.f32 v10, v4  }
0x3bb: {  	v21 =	vld [tilespmem:s29+$0x60];
	v11 =	vmul.f32 v11, v4;
	v12 =	vmul.f32 v12, v4  }
0x3bc: {  	v5 =	vsub.f32 v3, v5;
	v13 =	vmul.f32 v13, v4;
	v14 =	vmul.f32 v14, v4  }
0x3bd: {  	v15 =	vmul.f32 v15, v4;
	v16 =	vmul.f32 v16, v4  }
0x3be: {  	v17 =	vmul.f32 v17, v4;
	v6 =	vadd.f32 v6, v5;
	v7 =	vadd.f32 v7, v5  }
0x3bf: {  	v18 =	vmul.f32 v18, v4;
	v8 =	vadd.f32 v8, v5;
	v9 =	vadd.f32 v9, v5  }
0x3c0: {  	v19 =	vld [tilespmem:s29+$0x50];
	v61 =	vmul.f32 v21, v4;
	v10 =	vadd.f32 v10, v5;
	v11 =	vadd.f32 v11, v5  }
0x3c1: {  	v20 =	vld [tilespmem:s29+$0xFFFFFF80];
	v12 =	vadd.f32 v12, v5;
	v6 =	vtrunc.f32 v6;
	v7 =	vtrunc.f32 v7  }
0x3c2: {  	v13 =	vadd.f32 v13, v5;
	v8 =	vtrunc.f32 v8;
	v9 =	vtrunc.f32 v9  }
0x3c3: {  	v14 =	vadd.f32 v14, v5;
	v10 =	vtrunc.f32 v10;
	v11 =	vtrunc.f32 v11  }
0x3c4: {  	v15 =	vadd.f32 v15, v5;
	v12 =	vtrunc.f32 v12;
	v13 =	vtrunc.f32 v13  }
0x3c5: {  	v16 =	vadd.f32 v16, v5;
	v22 =	vtrunc.f32 v14;
	v14 =	vmul.f32 v19, v4  }
0x3c6: {  	v17 =	vadd.f32 v17, v5;
	v19 =	vtrunc.f32 v15;
	v15 =	vmul.f32 v20, v4  }
0x3c7: {  	v18 =	vadd.f32 v18, v5;
	v62 =	vtrunc.f32 v16;
	v6 =	vcvt.f32.s32 v6  }
0x3c8: {  	v17 =	vtrunc.f32 v17;
	v7 =	vcvt.f32.s32 v7;
	v15 =	vadd.f32 v15, v5  }
0x3c9: {  	v18 =	vtrunc.f32 v18;
	v8 =	vcvt.f32.s32 v8  }
0x3ca: {  	v16 =	vadd.f32 v61, v5;
	v63 =	vcvt.f32.s32 v9;
	v15 =	vtrunc.f32 v15  }
0x3cb: {  	v13 =	vcvt.f32.s32 v13;
	v24 =	vcvt.f32.s32 v15  }
0x3cc: {  	v9 =	vcvt.f32.s32 v62;
	v14 =	vadd.f32 v14, v5;
	v25 =	vtrunc.f32 v16  }
0x3cd: {  	v16 =	vcvt.f32.s32 v10;
	v10 =	vcvt.f32.s32 v17;
	[tilespmem:v6+s20+$0x0] =	vst.idx.add.f32.msk $0xffff, v2  }
0x3ce: {  	v23 =	vtrunc.f32 v14;
	v14 =	vcvt.f32.s32 v12;
	[tilespmem:v7+s20+$0x0] =	vst.idx.add.f32.msk $0xffff, v2  }
0x3cf: {  	v12 =	vcvt.f32.s32 v19;
	v15 =	vcvt.f32.s32 v11;
	[tilespmem:v8+s20+$0x0] =	vst.idx.add.f32.msk $0xffff, v2  }
0x3d0: {  	v11 =	vcvt.f32.s32 v22;
	v7 =	vcvt.f32.s32 v18;
	[tilespmem:v63+s20+$0x0] =	vst.idx.add.f32.msk $0xffff, v2  }
0x3d1: {  	s23 =	simm.s32 $0x10180;
	s22 =	simm.s32 $0x0;
	v8 =	vcvt.f32.s32 v23;
	v6 =	vcvt.f32.s32 v25;
	[tilespmem:v24+s20+$0x0] =	vst.idx.add.f32.msk $0xffff, v2  }
.LBB2_28:
0x3d2: {  	v17 =	vld [tilespmem:s23+$0x70];
	s22 =	sadd.s32 $0x10, s22  }
0x3d3: {  	v18 =	vld [tilespmem:s23+$0xFFFFFF90];
	p0 =	slt.u32 s22, $0x1F0  }
0x3d4: {  	v19 =	vld [tilespmem:s23+$0xFFFFFFA0]  }
0x3d5: {  	v20 =	vld [tilespmem:s23+$0xFFFFFFB0]  }
0x3d6: {  	v21 =	vld [tilespmem:s23+$0xFFFFFFC0]  }
0x3d7: {  	v22 =	vld [tilespmem:s23+$0xFFFFFFD0];
	v17 =	vmul.f32 v17, v4  }
0x3d8: {  	v18 =	vmul.f32 v18, v4;
	v23 =	vld [tilespmem:s23+$0xFFFFFFE0]  }
0x3d9: {  	v19 =	vmul.f32 v19, v4;
	v24 =	vld [tilespmem:s23+$0xFFFFFFF0];
	v17 =	vadd.f32 v17, v5  }
0x3da: {  	v18 =	vadd.f32 v18, v5;
	v20 =	vmul.f32 v20, v4;
	v25 =	vld [tilespmem:s23+$0x0]  }
0x3db: {  	v19 =	vadd.f32 v19, v5;
	v21 =	vmul.f32 v21, v4;
	v26 =	vld [tilespmem:s23+$0x10];
	v17 =	vtrunc.f32 v17  }
0x3dc: {  	v20 =	vadd.f32 v20, v5;
	v22 =	vmul.f32 v22, v4;
	v27 =	vld [tilespmem:s23+$0x20];
	v17 =	vcvt.f32.s32 v17  }
0x3dd: {  	v18 =	vtrunc.f32 v18;
	v21 =	vadd.f32 v21, v5;
	v23 =	vmul.f32 v23, v4;
	v28 =	vld [tilespmem:s23+$0x30]  }
0x3de: {  	v19 =	vtrunc.f32 v19;
	v22 =	vadd.f32 v22, v5;
	v24 =	vmul.f32 v24, v4;
	v29 =	vld [tilespmem:s23+$0x40]  }
0x3df: {  	v20 =	vtrunc.f32 v20;
	v23 =	vadd.f32 v23, v5;
	v25 =	vmul.f32 v25, v4;
	v30 =	vld [tilespmem:s23+$0x50]  }
0x3e0: {  	v21 =	vtrunc.f32 v21;
	v24 =	vadd.f32 v24, v5;
	v26 =	vmul.f32 v26, v4;
	v31 =	vld [tilespmem:s23+$0x60]  }
0x3e1: {  	v22 =	vtrunc.f32 v22;
	v32 =	vld [tilespmem:s23+$0xFFFFFF80];
	v25 =	vadd.f32 v25, v5;
	v27 =	vmul.f32 v27, v4  }
0x3e2: {  	v23 =	vtrunc.f32 v23;
	v26 =	vadd.f32 v26, v5;
	v28 =	vmul.f32 v28, v4;
	[tilespmem:v17+s20+$0x0] =	vst.idx.add.f32.msk $0xffff, v2  }
0x3e3: {  	v17 =	vtrunc.f32 v24;
	v24 =	vadd.f32 v27, v5;
	v27 =	vmul.f32 v29, v4;
	[tilespmem:v16+s20+$0x0] =	vst.idx.add.f32.msk $0xffff, v2  }
0x3e4: {  	v25 =	vtrunc.f32 v25;
	v16 =	vadd.f32 v28, v5;
	v28 =	vmul.f32 v30, v4;
	[tilespmem:v15+s20+$0x0] =	vst.idx.add.f32.msk $0xffff, v2  }
0x3e5: {  	v26 =	vtrunc.f32 v26;
	v15 =	vadd.f32 v27, v5;
	v27 =	vmul.f32 v31, v4;
	[tilespmem:v14+s20+$0x0] =	vst.idx.add.f32.msk $0xffff, v2  }
0x3e6: {  	v24 =	vtrunc.f32 v24;
	v14 =	vmul.f32 v32, v4;
	v28 =	vadd.f32 v28, v5;
	[tilespmem:v13+s20+$0x0] =	vst.idx.add.f32.msk $0xffff, v2  }
0x3e7: {  	v29 =	vtrunc.f32 v16;
	v30 =	vtrunc.f32 v15;
	v13 =	vadd.f32 v27, v5;
	[tilespmem:v11+s20+$0x0] =	vst.idx.add.f32.msk $0xffff, v2  }
0x3e8: {  	v18 =	vcvt.f32.s32 v18;
	v11 =	vadd.f32 v14, v5;
	v27 =	vtrunc.f32 v28;
	[tilespmem:v12+s20+$0x0] =	vst.idx.add.f32.msk $0xffff, v2  }
0x3e9: {  	v19 =	vcvt.f32.s32 v19;
	v28 =	vtrunc.f32 v13;
	[tilespmem:v9+s20+$0x0] =	vst.idx.add.f32.msk $0xffff, v2  }
0x3ea: {  	v20 =	vcvt.f32.s32 v20;
	v9 =	vtrunc.f32 v11;
	[tilespmem:v10+s20+$0x0] =	vst.idx.add.f32.msk $0xffff, v2  }
0x3eb: {  	v16 =	vcvt.f32.s32 v21;
	v31 =	vcvt.f32.s32 v9;
	[tilespmem:v7+s20+$0x0] =	vst.idx.add.f32.msk $0xffff, v2  }
0x3ec: {  	v15 =	vcvt.f32.s32 v22;
	v14 =	vcvt.f32.s32 v23;
	[tilespmem:v8+s20+$0x0] =	vst.idx.add.f32.msk $0xffff, v2  }
.Ltmp13:
0x3ed: {  	v13 =	vcvt.f32.s32 v17;
	v11 =	vcvt.f32.s32 v25;
	[tilespmem:v6+s20+$0x0] =	vst.idx.add.f32.msk $0xffff, v2;
	(pc) =	sbr.rel @p0 .LBB2_28-.Ltmp13, $4  }
0x3ee: {  	v12 =	vcvt.f32.s32 v26;
	v9 =	vcvt.f32.s32 v24;
	[tilespmem:v18+s20+$0x0] =	vst.idx.add.f32.msk $0xffff, v2  }
0x3ef: {  	v10 =	vcvt.f32.s32 v29;
	v7 =	vcvt.f32.s32 v30;
	[tilespmem:v19+s20+$0x0] =	vst.idx.add.f32.msk $0xffff, v2  }
0x3f0: {  	v8 =	vcvt.f32.s32 v27;
	v6 =	vcvt.f32.s32 v28;
	[tilespmem:v20+s20+$0x0] =	vst.idx.add.f32.msk $0xffff, v2  }
0x3f1: {  	s23 =	sadd.s32 $0x100, s23;
	[tilespmem:v31+s20+$0x0] =	vst.idx.add.f32.msk $0xffff, v2  }
0x3f2: {  	_ =	sdelay $0x3  }
0x3f3: {  	[tilespmem:v16+s20+$0x0] =	vst.idx.add.f32.msk $0xffff, v2  }
0x3f4: {  	[tilespmem:v15+s20+$0x0] =	vst.idx.add.f32.msk $0xffff, v2  }
0x3f5: {  	[tilespmem:v14+s20+$0x0] =	vst.idx.add.f32.msk $0xffff, v2  }
0x3f6: {  	[tilespmem:v13+s20+$0x0] =	vst.idx.add.f32.msk $0xffff, v2  }
0x3f7: {  	[tilespmem:v11+s20+$0x0] =	vst.idx.add.f32.msk $0xffff, v2  }
0x3f8: {  	[tilespmem:v12+s20+$0x0] =	vst.idx.add.f32.msk $0xffff, v2  }
0x3f9: {  	[tilespmem:v9+s20+$0x0] =	vst.idx.add.f32.msk $0xffff, v2  }
0x3fa: {  	[tilespmem:v10+s20+$0x0] =	vst.idx.add.f32.msk $0xffff, v2  }
0x3fb: {  	[tilespmem:v7+s20+$0x0] =	vst.idx.add.f32.msk $0xffff, v2  }
0x3fc: {  	[tilespmem:v8+s20+$0x0] =	vst.idx.add.f32.msk $0xffff, v2  }
0x3fd: {  	[tilespmem:v6+s20+$0x0] =	vst.idx.add.f32.msk $0xffff, v2  }
0x3fe: {  	_ =	swait.ge [sflag:s8], $0x2000  }
0x3ff: {  	[sflag:s8] =	ssyncset.done $0x0  }
0x400: {  	s22 =	simm.s32 $0x14100;
	[sflag:s8] =	ssyncadd.s32 $0xFFFFE000  }
0x401: {  	v6 =	vld [tilespmem:s22+$0xB0]  }
0x402: {  	v7 =	vld [tilespmem:s22+$0xFFFFFF10]  }
0x403: {  	v8 =	vld [tilespmem:s22+$0xFFFFFF20]  }
0x404: {  	v9 =	vld [tilespmem:s22+$0xFFFFFF30]  }
0x405: {  	v10 =	vld [tilespmem:s22+$0xFFFFFF80]  }
0x406: {  	v11 =	vld [tilespmem:s22+$0xFFFFFF90]  }
0x407: {  	v12 =	vld [tilespmem:s22+$0xFFFFFFA0]  }
0x408: {  	v13 =	vld [tilespmem:s22+$0xFFFFFFB0]  }
0x409: {  	v14 =	vld [tilespmem:s22+$0x0]  }
0x40a: {  	v15 =	vld [tilespmem:s22+$0x10]  }
0x40b: {  	v16 =	vld [tilespmem:s22+$0x20];
	v6 =	vmul.f32 v6, v4  }
0x40c: {  	v17 =	vld [tilespmem:s22+$0x30];
	v7 =	vmul.f32 v7, v4;
	v8 =	vmul.f32 v8, v4  }
0x40d: {  	v18 =	vld [tilespmem:s22+$0x80];
	v9 =	vmul.f32 v9, v4;
	v10 =	vmul.f32 v10, v4  }
0x40e: {  	v21 =	vld [tilespmem:s22+$0xA0];
	v11 =	vmul.f32 v11, v4;
	v12 =	vmul.f32 v12, v4  }
0x40f: {  	v13 =	vmul.f32 v13, v4;
	v14 =	vmul.f32 v14, v4  }
0x410: {  	v15 =	vmul.f32 v15, v4;
	v16 =	vmul.f32 v16, v4  }
0x411: {  	v17 =	vmul.f32 v17, v4;
	v6 =	vadd.f32 v6, v5;
	v7 =	vadd.f32 v7, v5  }
0x412: {  	v18 =	vmul.f32 v18, v4;
	v8 =	vadd.f32 v8, v5;
	v9 =	vadd.f32 v9, v5  }
0x413: {  	v19 =	vld [tilespmem:s22+$0x90];
	v61 =	vmul.f32 v21, v4;
	v10 =	vadd.f32 v10, v5;
	v11 =	vadd.f32 v11, v5  }
0x414: {  	v20 =	vld [tilespmem:s22+$0xFFFFFF00];
	v12 =	vadd.f32 v12, v5;
	v6 =	vtrunc.f32 v6;
	v7 =	vtrunc.f32 v7  }
0x415: {  	v13 =	vadd.f32 v13, v5;
	v8 =	vtrunc.f32 v8;
	v9 =	vtrunc.f32 v9  }
0x416: {  	v14 =	vadd.f32 v14, v5;
	v10 =	vtrunc.f32 v10;
	v11 =	vtrunc.f32 v11  }
0x417: {  	v15 =	vadd.f32 v15, v5;
	v12 =	vtrunc.f32 v12;
	v13 =	vtrunc.f32 v13  }
0x418: {  	v16 =	vadd.f32 v16, v5;
	v22 =	vtrunc.f32 v14;
	v14 =	vmul.f32 v19, v4  }
0x419: {  	v17 =	vadd.f32 v17, v5;
	v19 =	vtrunc.f32 v15;
	v15 =	vmul.f32 v20, v4  }
0x41a: {  	v18 =	vadd.f32 v18, v5;
	v62 =	vtrunc.f32 v16;
	v6 =	vcvt.f32.s32 v6  }
0x41b: {  	v17 =	vtrunc.f32 v17;
	v7 =	vcvt.f32.s32 v7;
	v15 =	vadd.f32 v15, v5  }
0x41c: {  	v18 =	vtrunc.f32 v18;
	v8 =	vcvt.f32.s32 v8  }
0x41d: {  	v16 =	vadd.f32 v61, v5;
	v63 =	vcvt.f32.s32 v9;
	v15 =	vtrunc.f32 v15  }
0x41e: {  	v13 =	vcvt.f32.s32 v13;
	v24 =	vcvt.f32.s32 v15  }
0x41f: {  	v9 =	vcvt.f32.s32 v62;
	v14 =	vadd.f32 v14, v5;
	v25 =	vtrunc.f32 v16  }
0x420: {  	v16 =	vcvt.f32.s32 v10;
	v10 =	vcvt.f32.s32 v17;
	[tilespmem:v6+s20+$0x0] =	vst.idx.add.f32.msk $0xffff, v2  }
0x421: {  	v23 =	vtrunc.f32 v14;
	v14 =	vcvt.f32.s32 v12;
	[tilespmem:v7+s20+$0x0] =	vst.idx.add.f32.msk $0xffff, v2  }
0x422: {  	v12 =	vcvt.f32.s32 v19;
	v15 =	vcvt.f32.s32 v11;
	[tilespmem:v8+s20+$0x0] =	vst.idx.add.f32.msk $0xffff, v2  }
0x423: {  	v11 =	vcvt.f32.s32 v22;
	v7 =	vcvt.f32.s32 v18;
	[tilespmem:v63+s20+$0x0] =	vst.idx.add.f32.msk $0xffff, v2  }
0x424: {  	s23 =	simm.s32 $0x14300;
	s22 =	simm.s32 $0x0;
	v8 =	vcvt.f32.s32 v23;
	v6 =	vcvt.f32.s32 v25;
	[tilespmem:v24+s20+$0x0] =	vst.idx.add.f32.msk $0xffff, v2  }
.LBB2_30:
0x425: {  	v17 =	vld [tilespmem:s23+$0xB0];
	s22 =	sadd.s32 $0x10, s22  }
0x426: {  	v18 =	vld [tilespmem:s23+$0xFFFFFF10];
	p0 =	slt.u32 s22, $0xF0  }
0x427: {  	v19 =	vld [tilespmem:s23+$0xFFFFFF20]  }
0x428: {  	v20 =	vld [tilespmem:s23+$0xFFFFFF30]  }
0x429: {  	v21 =	vld [tilespmem:s23+$0xFFFFFF80]  }
0x42a: {  	v22 =	vld [tilespmem:s23+$0xFFFFFF90];
	v17 =	vmul.f32 v17, v4  }
0x42b: {  	v18 =	vmul.f32 v18, v4;
	v23 =	vld [tilespmem:s23+$0xFFFFFFA0]  }
0x42c: {  	v19 =	vmul.f32 v19, v4;
	v24 =	vld [tilespmem:s23+$0xFFFFFFB0];
	v17 =	vadd.f32 v17, v5  }
0x42d: {  	v18 =	vadd.f32 v18, v5;
	v20 =	vmul.f32 v20, v4;
	v25 =	vld [tilespmem:s23+$0x0]  }
0x42e: {  	v19 =	vadd.f32 v19, v5;
	v21 =	vmul.f32 v21, v4;
	v26 =	vld [tilespmem:s23+$0x10];
	v17 =	vtrunc.f32 v17  }
0x42f: {  	v20 =	vadd.f32 v20, v5;
	v22 =	vmul.f32 v22, v4;
	v27 =	vld [tilespmem:s23+$0x20];
	v17 =	vcvt.f32.s32 v17  }
0x430: {  	v18 =	vtrunc.f32 v18;
	v21 =	vadd.f32 v21, v5;
	v23 =	vmul.f32 v23, v4;
	v28 =	vld [tilespmem:s23+$0x30]  }
0x431: {  	v19 =	vtrunc.f32 v19;
	v22 =	vadd.f32 v22, v5;
	v24 =	vmul.f32 v24, v4;
	v29 =	vld [tilespmem:s23+$0x80]  }
0x432: {  	v20 =	vtrunc.f32 v20;
	v23 =	vadd.f32 v23, v5;
	v25 =	vmul.f32 v25, v4;
	v30 =	vld [tilespmem:s23+$0x90]  }
0x433: {  	v21 =	vtrunc.f32 v21;
	v24 =	vadd.f32 v24, v5;
	v26 =	vmul.f32 v26, v4;
	v31 =	vld [tilespmem:s23+$0xA0]  }
0x434: {  	v22 =	vtrunc.f32 v22;
	v32 =	vld [tilespmem:s23+$0xFFFFFF00];
	v25 =	vadd.f32 v25, v5;
	v27 =	vmul.f32 v27, v4  }
0x435: {  	v23 =	vtrunc.f32 v23;
	v26 =	vadd.f32 v26, v5;
	v28 =	vmul.f32 v28, v4;
	[tilespmem:v17+s20+$0x0] =	vst.idx.add.f32.msk $0xffff, v2  }
0x436: {  	v17 =	vtrunc.f32 v24;
	v24 =	vadd.f32 v27, v5;
	v27 =	vmul.f32 v29, v4;
	[tilespmem:v16+s20+$0x0] =	vst.idx.add.f32.msk $0xffff, v2  }
0x437: {  	v25 =	vtrunc.f32 v25;
	v16 =	vadd.f32 v28, v5;
	v28 =	vmul.f32 v30, v4;
	[tilespmem:v15+s20+$0x0] =	vst.idx.add.f32.msk $0xffff, v2  }
0x438: {  	v26 =	vtrunc.f32 v26;
	v15 =	vadd.f32 v27, v5;
	v27 =	vmul.f32 v31, v4;
	[tilespmem:v14+s20+$0x0] =	vst.idx.add.f32.msk $0xffff, v2  }
0x439: {  	v24 =	vtrunc.f32 v24;
	v14 =	vmul.f32 v32, v4;
	v28 =	vadd.f32 v28, v5;
	[tilespmem:v13+s20+$0x0] =	vst.idx.add.f32.msk $0xffff, v2  }
0x43a: {  	v29 =	vtrunc.f32 v16;
	v30 =	vtrunc.f32 v15;
	v13 =	vadd.f32 v27, v5;
	[tilespmem:v11+s20+$0x0] =	vst.idx.add.f32.msk $0xffff, v2  }
0x43b: {  	v18 =	vcvt.f32.s32 v18;
	v11 =	vadd.f32 v14, v5;
	v27 =	vtrunc.f32 v28;
	[tilespmem:v12+s20+$0x0] =	vst.idx.add.f32.msk $0xffff, v2  }
0x43c: {  	v19 =	vcvt.f32.s32 v19;
	v28 =	vtrunc.f32 v13;
	[tilespmem:v9+s20+$0x0] =	vst.idx.add.f32.msk $0xffff, v2  }
0x43d: {  	v20 =	vcvt.f32.s32 v20;
	v9 =	vtrunc.f32 v11;
	[tilespmem:v10+s20+$0x0] =	vst.idx.add.f32.msk $0xffff, v2  }
0x43e: {  	v16 =	vcvt.f32.s32 v21;
	v31 =	vcvt.f32.s32 v9;
	[tilespmem:v7+s20+$0x0] =	vst.idx.add.f32.msk $0xffff, v2  }
0x43f: {  	v15 =	vcvt.f32.s32 v22;
	v14 =	vcvt.f32.s32 v23;
	[tilespmem:v8+s20+$0x0] =	vst.idx.add.f32.msk $0xffff, v2  }
.Ltmp14:
0x440: {  	v13 =	vcvt.f32.s32 v17;
	v11 =	vcvt.f32.s32 v25;
	[tilespmem:v6+s20+$0x0] =	vst.idx.add.f32.msk $0xffff, v2;
	(pc) =	sbr.rel @p0 .LBB2_30-.Ltmp14, $4  }
0x441: {  	v12 =	vcvt.f32.s32 v26;
	v9 =	vcvt.f32.s32 v24;
	[tilespmem:v18+s20+$0x0] =	vst.idx.add.f32.msk $0xffff, v2  }
0x442: {  	v10 =	vcvt.f32.s32 v29;
	v7 =	vcvt.f32.s32 v30;
	[tilespmem:v19+s20+$0x0] =	vst.idx.add.f32.msk $0xffff, v2  }
0x443: {  	v8 =	vcvt.f32.s32 v27;
	v6 =	vcvt.f32.s32 v28;
	[tilespmem:v20+s20+$0x0] =	vst.idx.add.f32.msk $0xffff, v2  }
0x444: {  	s23 =	sadd.s32 $0x200, s23;
	[tilespmem:v31+s20+$0x0] =	vst.idx.add.f32.msk $0xffff, v2  }
0x445: {  	_ =	sdelay $0x3  }
0x446: {  	[tilespmem:v16+s20+$0x0] =	vst.idx.add.f32.msk $0xffff, v2  }
0x447: {  	[tilespmem:v15+s20+$0x0] =	vst.idx.add.f32.msk $0xffff, v2  }
0x448: {  	[tilespmem:v14+s20+$0x0] =	vst.idx.add.f32.msk $0xffff, v2  }
0x449: {  	[tilespmem:v13+s20+$0x0] =	vst.idx.add.f32.msk $0xffff, v2  }
0x44a: {  	[tilespmem:v11+s20+$0x0] =	vst.idx.add.f32.msk $0xffff, v2  }
0x44b: {  	[tilespmem:v12+s20+$0x0] =	vst.idx.add.f32.msk $0xffff, v2  }
0x44c: {  	[tilespmem:v9+s20+$0x0] =	vst.idx.add.f32.msk $0xffff, v2  }
0x44d: {  	[tilespmem:v10+s20+$0x0] =	vst.idx.add.f32.msk $0xffff, v2  }
0x44e: {  	[tilespmem:v7+s20+$0x0] =	vst.idx.add.f32.msk $0xffff, v2  }
0x44f: {  	[tilespmem:v8+s20+$0x0] =	vst.idx.add.f32.msk $0xffff, v2  }
0x450: {  	[tilespmem:v6+s20+$0x0] =	vst.idx.add.f32.msk $0xffff, v2  }
0x451: {  	s22 =	rddreg [dreg:$0x11]  }
0x452: {  	[tilespmem:s16], [sflag:$0x1] =	stream.strided.gather [hbm4b:s22+s13], $0x2000, s15, s13, $0x38;
	[tilespmem:$0x1A200] =	vst v63  }
0x453: {  	s28 =	rddreg [dreg:$0x13]  }
0x454: {  	[tilespmem:s17], [sflag:$0x1] =	stream.strided.gather [hbm4b:s28+s13], $0x2000, s15, s13, $0x38;
	[tilespmem:$0x1A200] =	vst v63  }
0x455: {  	_ =	swait.ge [sflag:s12], $0x2000  }
0x456: {  	[sflag:s12] =	ssyncset.done $0x0  }
0x457: {  	s29 =	simm.s32 $0x12080;
	[sflag:s12] =	ssyncadd.s32 $0xFFFFE000  }
0x458: {  	v6 =	vld [tilespmem:s29+$0x70]  }
0x459: {  	v7 =	vld [tilespmem:s29+$0xFFFFFF90]  }
0x45a: {  	v8 =	vld [tilespmem:s29+$0xFFFFFFA0]  }
0x45b: {  	v9 =	vld [tilespmem:s29+$0xFFFFFFB0]  }
0x45c: {  	v10 =	vld [tilespmem:s29+$0xFFFFFFC0]  }
0x45d: {  	v11 =	vld [tilespmem:s29+$0xFFFFFFD0]  }
0x45e: {  	v12 =	vld [tilespmem:s29+$0xFFFFFFE0]  }
0x45f: {  	v13 =	vld [tilespmem:s29+$0xFFFFFFF0]  }
0x460: {  	v14 =	vld [tilespmem:s29+$0x0]  }
0x461: {  	v15 =	vld [tilespmem:s29+$0x10]  }
0x462: {  	v16 =	vld [tilespmem:s29+$0x20];
	v6 =	vmul.f32 v6, v4  }
0x463: {  	v17 =	vld [tilespmem:s29+$0x30];
	v7 =	vmul.f32 v7, v4;
	v8 =	vmul.f32 v8, v4  }
0x464: {  	v18 =	vld [tilespmem:s29+$0x40];
	v9 =	vmul.f32 v9, v4;
	v10 =	vmul.f32 v10, v4  }
0x465: {  	v21 =	vld [tilespmem:s29+$0x60];
	v11 =	vmul.f32 v11, v4;
	v12 =	vmul.f32 v12, v4  }
0x466: {  	v13 =	vmul.f32 v13, v4;
	v14 =	vmul.f32 v14, v4  }
0x467: {  	v15 =	vmul.f32 v15, v4;
	v16 =	vmul.f32 v16, v4  }
0x468: {  	v17 =	vmul.f32 v17, v4;
	v6 =	vadd.f32 v6, v5;
	v7 =	vadd.f32 v7, v5  }
0x469: {  	v18 =	vmul.f32 v18, v4;
	v8 =	vadd.f32 v8, v5;
	v9 =	vadd.f32 v9, v5  }
0x46a: {  	v19 =	vld [tilespmem:s29+$0x50];
	v61 =	vmul.f32 v21, v4;
	v10 =	vadd.f32 v10, v5;
	v11 =	vadd.f32 v11, v5  }
0x46b: {  	v20 =	vld [tilespmem:s29+$0xFFFFFF80];
	v12 =	vadd.f32 v12, v5;
	v6 =	vtrunc.f32 v6;
	v7 =	vtrunc.f32 v7  }
0x46c: {  	v13 =	vadd.f32 v13, v5;
	v8 =	vtrunc.f32 v8;
	v9 =	vtrunc.f32 v9  }
0x46d: {  	v14 =	vadd.f32 v14, v5;
	v10 =	vtrunc.f32 v10;
	v11 =	vtrunc.f32 v11  }
0x46e: {  	v15 =	vadd.f32 v15, v5;
	v12 =	vtrunc.f32 v12;
	v13 =	vtrunc.f32 v13  }
0x46f: {  	v16 =	vadd.f32 v16, v5;
	v22 =	vtrunc.f32 v14;
	v14 =	vmul.f32 v19, v4  }
0x470: {  	v17 =	vadd.f32 v17, v5;
	v19 =	vtrunc.f32 v15;
	v15 =	vmul.f32 v20, v4  }
0x471: {  	v18 =	vadd.f32 v18, v5;
	v62 =	vtrunc.f32 v16;
	v6 =	vcvt.f32.s32 v6  }
0x472: {  	v17 =	vtrunc.f32 v17;
	v7 =	vcvt.f32.s32 v7;
	v15 =	vadd.f32 v15, v5  }
0x473: {  	v18 =	vtrunc.f32 v18;
	v8 =	vcvt.f32.s32 v8  }
0x474: {  	v16 =	vadd.f32 v61, v5;
	v63 =	vcvt.f32.s32 v9;
	v15 =	vtrunc.f32 v15  }
0x475: {  	v13 =	vcvt.f32.s32 v13;
	v24 =	vcvt.f32.s32 v15  }
0x476: {  	v9 =	vcvt.f32.s32 v62;
	v14 =	vadd.f32 v14, v5;
	v25 =	vtrunc.f32 v16  }
0x477: {  	v16 =	vcvt.f32.s32 v10;
	v10 =	vcvt.f32.s32 v17;
	[tilespmem:v6+s20+$0x0] =	vst.idx.add.f32.msk $0xffff, v2  }
0x478: {  	v23 =	vtrunc.f32 v14;
	v14 =	vcvt.f32.s32 v12;
	[tilespmem:v7+s20+$0x0] =	vst.idx.add.f32.msk $0xffff, v2  }
0x479: {  	v12 =	vcvt.f32.s32 v19;
	v15 =	vcvt.f32.s32 v11;
	[tilespmem:v8+s20+$0x0] =	vst.idx.add.f32.msk $0xffff, v2  }
0x47a: {  	v11 =	vcvt.f32.s32 v22;
	v7 =	vcvt.f32.s32 v18;
	[tilespmem:v63+s20+$0x0] =	vst.idx.add.f32.msk $0xffff, v2  }
0x47b: {  	s23 =	simm.s32 $0x12180;
	s22 =	simm.s32 $0x0;
	v8 =	vcvt.f32.s32 v23;
	v6 =	vcvt.f32.s32 v25;
	[tilespmem:v24+s20+$0x0] =	vst.idx.add.f32.msk $0xffff, v2  }
.LBB2_32:
0x47c: {  	v17 =	vld [tilespmem:s23+$0x70];
	s22 =	sadd.s32 $0x10, s22  }
0x47d: {  	v18 =	vld [tilespmem:s23+$0xFFFFFF90];
	p0 =	slt.u32 s22, $0x1F0  }
0x47e: {  	v19 =	vld [tilespmem:s23+$0xFFFFFFA0]  }
0x47f: {  	v20 =	vld [tilespmem:s23+$0xFFFFFFB0]  }
0x480: {  	v21 =	vld [tilespmem:s23+$0xFFFFFFC0]  }
0x481: {  	v22 =	vld [tilespmem:s23+$0xFFFFFFD0];
	v17 =	vmul.f32 v17, v4  }
0x482: {  	v18 =	vmul.f32 v18, v4;
	v23 =	vld [tilespmem:s23+$0xFFFFFFE0]  }
0x483: {  	v19 =	vmul.f32 v19, v4;
	v24 =	vld [tilespmem:s23+$0xFFFFFFF0];
	v17 =	vadd.f32 v17, v5  }
0x484: {  	v18 =	vadd.f32 v18, v5;
	v20 =	vmul.f32 v20, v4;
	v25 =	vld [tilespmem:s23+$0x0]  }
0x485: {  	v19 =	vadd.f32 v19, v5;
	v21 =	vmul.f32 v21, v4;
	v26 =	vld [tilespmem:s23+$0x10];
	v17 =	vtrunc.f32 v17  }
0x486: {  	v20 =	vadd.f32 v20, v5;
	v22 =	vmul.f32 v22, v4;
	v27 =	vld [tilespmem:s23+$0x20];
	v17 =	vcvt.f32.s32 v17  }
0x487: {  	v18 =	vtrunc.f32 v18;
	v21 =	vadd.f32 v21, v5;
	v23 =	vmul.f32 v23, v4;
	v28 =	vld [tilespmem:s23+$0x30]  }
0x488: {  	v19 =	vtrunc.f32 v19;
	v22 =	vadd.f32 v22, v5;
	v24 =	vmul.f32 v24, v4;
	v29 =	vld [tilespmem:s23+$0x40]  }
0x489: {  	v20 =	vtrunc.f32 v20;
	v23 =	vadd.f32 v23, v5;
	v25 =	vmul.f32 v25, v4;
	v30 =	vld [tilespmem:s23+$0x50]  }
0x48a: {  	v21 =	vtrunc.f32 v21;
	v24 =	vadd.f32 v24, v5;
	v26 =	vmul.f32 v26, v4;
	v31 =	vld [tilespmem:s23+$0x60]  }
0x48b: {  	v22 =	vtrunc.f32 v22;
	v32 =	vld [tilespmem:s23+$0xFFFFFF80];
	v25 =	vadd.f32 v25, v5;
	v27 =	vmul.f32 v27, v4  }
0x48c: {  	v23 =	vtrunc.f32 v23;
	v26 =	vadd.f32 v26, v5;
	v28 =	vmul.f32 v28, v4;
	[tilespmem:v17+s20+$0x0] =	vst.idx.add.f32.msk $0xffff, v2  }
0x48d: {  	v17 =	vtrunc.f32 v24;
	v24 =	vadd.f32 v27, v5;
	v27 =	vmul.f32 v29, v4;
	[tilespmem:v16+s20+$0x0] =	vst.idx.add.f32.msk $0xffff, v2  }
0x48e: {  	v25 =	vtrunc.f32 v25;
	v16 =	vadd.f32 v28, v5;
	v28 =	vmul.f32 v30, v4;
	[tilespmem:v15+s20+$0x0] =	vst.idx.add.f32.msk $0xffff, v2  }
0x48f: {  	v26 =	vtrunc.f32 v26;
	v15 =	vadd.f32 v27, v5;
	v27 =	vmul.f32 v31, v4;
	[tilespmem:v14+s20+$0x0] =	vst.idx.add.f32.msk $0xffff, v2  }
0x490: {  	v24 =	vtrunc.f32 v24;
	v14 =	vmul.f32 v32, v4;
	v28 =	vadd.f32 v28, v5;
	[tilespmem:v13+s20+$0x0] =	vst.idx.add.f32.msk $0xffff, v2  }
0x491: {  	v29 =	vtrunc.f32 v16;
	v30 =	vtrunc.f32 v15;
	v13 =	vadd.f32 v27, v5;
	[tilespmem:v11+s20+$0x0] =	vst.idx.add.f32.msk $0xffff, v2  }
0x492: {  	v18 =	vcvt.f32.s32 v18;
	v11 =	vadd.f32 v14, v5;
	v27 =	vtrunc.f32 v28;
	[tilespmem:v12+s20+$0x0] =	vst.idx.add.f32.msk $0xffff, v2  }
0x493: {  	v19 =	vcvt.f32.s32 v19;
	v28 =	vtrunc.f32 v13;
	[tilespmem:v9+s20+$0x0] =	vst.idx.add.f32.msk $0xffff, v2  }
0x494: {  	v20 =	vcvt.f32.s32 v20;
	v9 =	vtrunc.f32 v11;
	[tilespmem:v10+s20+$0x0] =	vst.idx.add.f32.msk $0xffff, v2  }
0x495: {  	v16 =	vcvt.f32.s32 v21;
	v31 =	vcvt.f32.s32 v9;
	[tilespmem:v7+s20+$0x0] =	vst.idx.add.f32.msk $0xffff, v2  }
0x496: {  	v15 =	vcvt.f32.s32 v22;
	v14 =	vcvt.f32.s32 v23;
	[tilespmem:v8+s20+$0x0] =	vst.idx.add.f32.msk $0xffff, v2  }
.Ltmp15:
0x497: {  	v13 =	vcvt.f32.s32 v17;
	v11 =	vcvt.f32.s32 v25;
	[tilespmem:v6+s20+$0x0] =	vst.idx.add.f32.msk $0xffff, v2;
	(pc) =	sbr.rel @p0 .LBB2_32-.Ltmp15, $4  }
0x498: {  	v12 =	vcvt.f32.s32 v26;
	v9 =	vcvt.f32.s32 v24;
	[tilespmem:v18+s20+$0x0] =	vst.idx.add.f32.msk $0xffff, v2  }
0x499: {  	v10 =	vcvt.f32.s32 v29;
	v7 =	vcvt.f32.s32 v30;
	[tilespmem:v19+s20+$0x0] =	vst.idx.add.f32.msk $0xffff, v2  }
0x49a: {  	v8 =	vcvt.f32.s32 v27;
	v6 =	vcvt.f32.s32 v28;
	[tilespmem:v20+s20+$0x0] =	vst.idx.add.f32.msk $0xffff, v2  }
0x49b: {  	s23 =	sadd.s32 $0x100, s23;
	[tilespmem:v31+s20+$0x0] =	vst.idx.add.f32.msk $0xffff, v2  }
0x49c: {  	_ =	sdelay $0x3  }
0x49d: {  	[tilespmem:v16+s20+$0x0] =	vst.idx.add.f32.msk $0xffff, v2  }
0x49e: {  	[tilespmem:v15+s20+$0x0] =	vst.idx.add.f32.msk $0xffff, v2  }
0x49f: {  	[tilespmem:v14+s20+$0x0] =	vst.idx.add.f32.msk $0xffff, v2  }
0x4a0: {  	[tilespmem:v13+s20+$0x0] =	vst.idx.add.f32.msk $0xffff, v2  }
0x4a1: {  	[tilespmem:v11+s20+$0x0] =	vst.idx.add.f32.msk $0xffff, v2  }
0x4a2: {  	[tilespmem:v12+s20+$0x0] =	vst.idx.add.f32.msk $0xffff, v2  }
0x4a3: {  	[tilespmem:v9+s20+$0x0] =	vst.idx.add.f32.msk $0xffff, v2  }
0x4a4: {  	[tilespmem:v10+s20+$0x0] =	vst.idx.add.f32.msk $0xffff, v2  }
0x4a5: {  	[tilespmem:v7+s20+$0x0] =	vst.idx.add.f32.msk $0xffff, v2  }
0x4a6: {  	[tilespmem:v8+s20+$0x0] =	vst.idx.add.f32.msk $0xffff, v2  }
0x4a7: {  	[tilespmem:v6+s20+$0x0] =	vst.idx.add.f32.msk $0xffff, v2  }
0x4a8: {  	_ =	swait.ge [sflag:s12], $0x2000  }
0x4a9: {  	[sflag:s12] =	ssyncset.done $0x0  }
0x4aa: {  	s22 =	simm.s32 $0x16100;
	[sflag:s12] =	ssyncadd.s32 $0xFFFFE000  }
0x4ab: {  	v6 =	vld [tilespmem:s22+$0xB0]  }
0x4ac: {  	v7 =	vld [tilespmem:s22+$0xFFFFFF10]  }
0x4ad: {  	v8 =	vld [tilespmem:s22+$0xFFFFFF20]  }
0x4ae: {  	v9 =	vld [tilespmem:s22+$0xFFFFFF30]  }
0x4af: {  	v10 =	vld [tilespmem:s22+$0xFFFFFF80]  }
0x4b0: {  	v11 =	vld [tilespmem:s22+$0xFFFFFF90]  }
0x4b1: {  	v12 =	vld [tilespmem:s22+$0xFFFFFFA0]  }
0x4b2: {  	v13 =	vld [tilespmem:s22+$0xFFFFFFB0]  }
0x4b3: {  	v14 =	vld [tilespmem:s22+$0x0]  }
0x4b4: {  	v15 =	vld [tilespmem:s22+$0x10]  }
0x4b5: {  	v16 =	vld [tilespmem:s22+$0x20];
	v6 =	vmul.f32 v6, v4  }
0x4b6: {  	v17 =	vld [tilespmem:s22+$0x30];
	v7 =	vmul.f32 v7, v4;
	v8 =	vmul.f32 v8, v4  }
0x4b7: {  	v18 =	vld [tilespmem:s22+$0x80];
	v9 =	vmul.f32 v9, v4;
	v10 =	vmul.f32 v10, v4  }
0x4b8: {  	v21 =	vld [tilespmem:s22+$0xA0];
	v11 =	vmul.f32 v11, v4;
	v12 =	vmul.f32 v12, v4  }
0x4b9: {  	v13 =	vmul.f32 v13, v4;
	v14 =	vmul.f32 v14, v4  }
0x4ba: {  	v15 =	vmul.f32 v15, v4;
	v16 =	vmul.f32 v16, v4  }
0x4bb: {  	v17 =	vmul.f32 v17, v4;
	v6 =	vadd.f32 v6, v5;
	v7 =	vadd.f32 v7, v5  }
0x4bc: {  	v18 =	vmul.f32 v18, v4;
	v8 =	vadd.f32 v8, v5;
	v9 =	vadd.f32 v9, v5  }
0x4bd: {  	v19 =	vld [tilespmem:s22+$0x90];
	v61 =	vmul.f32 v21, v4;
	v10 =	vadd.f32 v10, v5;
	v11 =	vadd.f32 v11, v5  }
0x4be: {  	v20 =	vld [tilespmem:s22+$0xFFFFFF00];
	v12 =	vadd.f32 v12, v5;
	v6 =	vtrunc.f32 v6;
	v7 =	vtrunc.f32 v7  }
0x4bf: {  	v13 =	vadd.f32 v13, v5;
	v8 =	vtrunc.f32 v8;
	v9 =	vtrunc.f32 v9  }
0x4c0: {  	v14 =	vadd.f32 v14, v5;
	v10 =	vtrunc.f32 v10;
	v11 =	vtrunc.f32 v11  }
0x4c1: {  	v15 =	vadd.f32 v15, v5;
	v12 =	vtrunc.f32 v12;
	v13 =	vtrunc.f32 v13  }
0x4c2: {  	v16 =	vadd.f32 v16, v5;
	v22 =	vtrunc.f32 v14;
	v14 =	vmul.f32 v19, v4  }
0x4c3: {  	v17 =	vadd.f32 v17, v5;
	v19 =	vtrunc.f32 v15;
	v15 =	vmul.f32 v20, v4  }
0x4c4: {  	v18 =	vadd.f32 v18, v5;
	v62 =	vtrunc.f32 v16;
	v6 =	vcvt.f32.s32 v6  }
0x4c5: {  	v17 =	vtrunc.f32 v17;
	v7 =	vcvt.f32.s32 v7;
	v15 =	vadd.f32 v15, v5  }
0x4c6: {  	v18 =	vtrunc.f32 v18;
	v8 =	vcvt.f32.s32 v8  }
0x4c7: {  	v16 =	vadd.f32 v61, v5;
	v63 =	vcvt.f32.s32 v9;
	v15 =	vtrunc.f32 v15  }
0x4c8: {  	v13 =	vcvt.f32.s32 v13;
	v24 =	vcvt.f32.s32 v15  }
0x4c9: {  	v9 =	vcvt.f32.s32 v62;
	v14 =	vadd.f32 v14, v5;
	v25 =	vtrunc.f32 v16  }
0x4ca: {  	v16 =	vcvt.f32.s32 v10;
	v10 =	vcvt.f32.s32 v17;
	[tilespmem:v6+s20+$0x0] =	vst.idx.add.f32.msk $0xffff, v2  }
0x4cb: {  	v23 =	vtrunc.f32 v14;
	v14 =	vcvt.f32.s32 v12;
	[tilespmem:v7+s20+$0x0] =	vst.idx.add.f32.msk $0xffff, v2  }
0x4cc: {  	v12 =	vcvt.f32.s32 v19;
	v15 =	vcvt.f32.s32 v11;
	[tilespmem:v8+s20+$0x0] =	vst.idx.add.f32.msk $0xffff, v2  }
0x4cd: {  	v11 =	vcvt.f32.s32 v22;
	v7 =	vcvt.f32.s32 v18;
	[tilespmem:v63+s20+$0x0] =	vst.idx.add.f32.msk $0xffff, v2  }
0x4ce: {  	s23 =	simm.s32 $0x16300;
	s22 =	simm.s32 $0x0;
	v8 =	vcvt.f32.s32 v23;
	v6 =	vcvt.f32.s32 v25;
	[tilespmem:v24+s20+$0x0] =	vst.idx.add.f32.msk $0xffff, v2  }
.LBB2_34:
0x4cf: {  	v17 =	vld [tilespmem:s23+$0xB0];
	s22 =	sadd.s32 $0x10, s22  }
0x4d0: {  	v18 =	vld [tilespmem:s23+$0xFFFFFF10];
	p0 =	slt.u32 s22, $0xF0  }
0x4d1: {  	v19 =	vld [tilespmem:s23+$0xFFFFFF20]  }
0x4d2: {  	v20 =	vld [tilespmem:s23+$0xFFFFFF30]  }
0x4d3: {  	v21 =	vld [tilespmem:s23+$0xFFFFFF80]  }
0x4d4: {  	v22 =	vld [tilespmem:s23+$0xFFFFFF90];
	v17 =	vmul.f32 v17, v4  }
0x4d5: {  	v18 =	vmul.f32 v18, v4;
	v23 =	vld [tilespmem:s23+$0xFFFFFFA0]  }
0x4d6: {  	v19 =	vmul.f32 v19, v4;
	v24 =	vld [tilespmem:s23+$0xFFFFFFB0];
	v17 =	vadd.f32 v17, v5  }
0x4d7: {  	v18 =	vadd.f32 v18, v5;
	v20 =	vmul.f32 v20, v4;
	v25 =	vld [tilespmem:s23+$0x0]  }
0x4d8: {  	v19 =	vadd.f32 v19, v5;
	v21 =	vmul.f32 v21, v4;
	v26 =	vld [tilespmem:s23+$0x10];
	v17 =	vtrunc.f32 v17  }
0x4d9: {  	v20 =	vadd.f32 v20, v5;
	v22 =	vmul.f32 v22, v4;
	v27 =	vld [tilespmem:s23+$0x20];
	v17 =	vcvt.f32.s32 v17  }
0x4da: {  	v18 =	vtrunc.f32 v18;
	v21 =	vadd.f32 v21, v5;
	v23 =	vmul.f32 v23, v4;
	v28 =	vld [tilespmem:s23+$0x30]  }
0x4db: {  	v19 =	vtrunc.f32 v19;
	v22 =	vadd.f32 v22, v5;
	v24 =	vmul.f32 v24, v4;
	v29 =	vld [tilespmem:s23+$0x80]  }
0x4dc: {  	v20 =	vtrunc.f32 v20;
	v23 =	vadd.f32 v23, v5;
	v25 =	vmul.f32 v25, v4;
	v30 =	vld [tilespmem:s23+$0x90]  }
0x4dd: {  	v21 =	vtrunc.f32 v21;
	v24 =	vadd.f32 v24, v5;
	v26 =	vmul.f32 v26, v4;
	v31 =	vld [tilespmem:s23+$0xA0]  }
0x4de: {  	v22 =	vtrunc.f32 v22;
	v32 =	vld [tilespmem:s23+$0xFFFFFF00];
	v25 =	vadd.f32 v25, v5;
	v27 =	vmul.f32 v27, v4  }
0x4df: {  	v23 =	vtrunc.f32 v23;
	v26 =	vadd.f32 v26, v5;
	v28 =	vmul.f32 v28, v4;
	[tilespmem:v17+s20+$0x0] =	vst.idx.add.f32.msk $0xffff, v2  }
0x4e0: {  	v17 =	vtrunc.f32 v24;
	v24 =	vadd.f32 v27, v5;
	v27 =	vmul.f32 v29, v4;
	[tilespmem:v16+s20+$0x0] =	vst.idx.add.f32.msk $0xffff, v2  }
0x4e1: {  	v25 =	vtrunc.f32 v25;
	v16 =	vadd.f32 v28, v5;
	v28 =	vmul.f32 v30, v4;
	[tilespmem:v15+s20+$0x0] =	vst.idx.add.f32.msk $0xffff, v2  }
0x4e2: {  	v26 =	vtrunc.f32 v26;
	v15 =	vadd.f32 v27, v5;
	v27 =	vmul.f32 v31, v4;
	[tilespmem:v14+s20+$0x0] =	vst.idx.add.f32.msk $0xffff, v2  }
0x4e3: {  	v24 =	vtrunc.f32 v24;
	v14 =	vmul.f32 v32, v4;
	v28 =	vadd.f32 v28, v5;
	[tilespmem:v13+s20+$0x0] =	vst.idx.add.f32.msk $0xffff, v2  }
0x4e4: {  	v29 =	vtrunc.f32 v16;
	v30 =	vtrunc.f32 v15;
	v13 =	vadd.f32 v27, v5;
	[tilespmem:v11+s20+$0x0] =	vst.idx.add.f32.msk $0xffff, v2  }
0x4e5: {  	v18 =	vcvt.f32.s32 v18;
	v11 =	vadd.f32 v14, v5;
	v27 =	vtrunc.f32 v28;
	[tilespmem:v12+s20+$0x0] =	vst.idx.add.f32.msk $0xffff, v2  }
0x4e6: {  	v19 =	vcvt.f32.s32 v19;
	v28 =	vtrunc.f32 v13;
	[tilespmem:v9+s20+$0x0] =	vst.idx.add.f32.msk $0xffff, v2  }
0x4e7: {  	v20 =	vcvt.f32.s32 v20;
	v9 =	vtrunc.f32 v11;
	[tilespmem:v10+s20+$0x0] =	vst.idx.add.f32.msk $0xffff, v2  }
0x4e8: {  	v16 =	vcvt.f32.s32 v21;
	v31 =	vcvt.f32.s32 v9;
	[tilespmem:v7+s20+$0x0] =	vst.idx.add.f32.msk $0xffff, v2  }
0x4e9: {  	v15 =	vcvt.f32.s32 v22;
	v14 =	vcvt.f32.s32 v23;
	[tilespmem:v8+s20+$0x0] =	vst.idx.add.f32.msk $0xffff, v2  }
.Ltmp16:
0x4ea: {  	v13 =	vcvt.f32.s32 v17;
	v11 =	vcvt.f32.s32 v25;
	[tilespmem:v6+s20+$0x0] =	vst.idx.add.f32.msk $0xffff, v2;
	(pc) =	sbr.rel @p0 .LBB2_34-.Ltmp16, $4  }
0x4eb: {  	v12 =	vcvt.f32.s32 v26;
	v9 =	vcvt.f32.s32 v24;
	[tilespmem:v18+s20+$0x0] =	vst.idx.add.f32.msk $0xffff, v2  }
0x4ec: {  	v10 =	vcvt.f32.s32 v29;
	v7 =	vcvt.f32.s32 v30;
	[tilespmem:v19+s20+$0x0] =	vst.idx.add.f32.msk $0xffff, v2  }
0x4ed: {  	v8 =	vcvt.f32.s32 v27;
	v6 =	vcvt.f32.s32 v28;
	[tilespmem:v20+s20+$0x0] =	vst.idx.add.f32.msk $0xffff, v2  }
0x4ee: {  	s23 =	sadd.s32 $0x200, s23;
	[tilespmem:v31+s20+$0x0] =	vst.idx.add.f32.msk $0xffff, v2  }
0x4ef: {  	_ =	sdelay $0x3  }
0x4f0: {  	[tilespmem:v16+s20+$0x0] =	vst.idx.add.f32.msk $0xffff, v2  }
0x4f1: {  	[tilespmem:v15+s20+$0x0] =	vst.idx.add.f32.msk $0xffff, v2  }
0x4f2: {  	[tilespmem:v14+s20+$0x0] =	vst.idx.add.f32.msk $0xffff, v2  }
0x4f3: {  	[tilespmem:v13+s20+$0x0] =	vst.idx.add.f32.msk $0xffff, v2  }
0x4f4: {  	[tilespmem:v11+s20+$0x0] =	vst.idx.add.f32.msk $0xffff, v2  }
0x4f5: {  	[tilespmem:v12+s20+$0x0] =	vst.idx.add.f32.msk $0xffff, v2  }
0x4f6: {  	[tilespmem:v9+s20+$0x0] =	vst.idx.add.f32.msk $0xffff, v2  }
0x4f7: {  	[tilespmem:v10+s20+$0x0] =	vst.idx.add.f32.msk $0xffff, v2  }
0x4f8: {  	[tilespmem:v7+s20+$0x0] =	vst.idx.add.f32.msk $0xffff, v2  }
0x4f9: {  	[tilespmem:v8+s20+$0x0] =	vst.idx.add.f32.msk $0xffff, v2  }
0x4fa: {  	[tilespmem:v6+s20+$0x0] =	vst.idx.add.f32.msk $0xffff, v2  }
0x4fb: {  	s22 =	rddreg [dreg:$0x17]  }
0x4fc: {  	[tilespmem:s18], [sflag:$0x2] =	stream.strided.gather [hbm4b:s22+s13], $0x2000, s15, s13, $0x38;
	[tilespmem:$0x1A200] =	vst v63  }
0x4fd: {  	s28 =	rddreg [dreg:$0x18]  }
0x4fe: {  	[tilespmem:s19], [sflag:$0x2] =	stream.strided.gather [hbm4b:s28+s13], $0x2000, s15, s13, $0x38;
	[tilespmem:$0x1A200] =	vst v63  }
0x4ff: {  	_ =	swait.ge [sflag:s8], $0x2000  }
0x500: {  	[sflag:s8] =	ssyncset.done $0x0  }
0x501: {  	s29 =	simm.s32 $0x10080;
	[sflag:s8] =	ssyncadd.s32 $0xFFFFE000  }
0x502: {  	v6 =	vld [tilespmem:s29+$0x70]  }
0x503: {  	v7 =	vld [tilespmem:s29+$0xFFFFFF90]  }
0x504: {  	v8 =	vld [tilespmem:s29+$0xFFFFFFA0]  }
0x505: {  	v9 =	vld [tilespmem:s29+$0xFFFFFFB0]  }
0x506: {  	v10 =	vld [tilespmem:s29+$0xFFFFFFC0]  }
0x507: {  	v11 =	vld [tilespmem:s29+$0xFFFFFFD0]  }
0x508: {  	v12 =	vld [tilespmem:s29+$0xFFFFFFE0]  }
0x509: {  	v13 =	vld [tilespmem:s29+$0xFFFFFFF0]  }
0x50a: {  	v14 =	vld [tilespmem:s29+$0x0]  }
0x50b: {  	v15 =	vld [tilespmem:s29+$0x10]  }
0x50c: {  	v16 =	vld [tilespmem:s29+$0x20];
	v6 =	vmul.f32 v6, v4  }
0x50d: {  	v17 =	vld [tilespmem:s29+$0x30];
	v7 =	vmul.f32 v7, v4;
	v8 =	vmul.f32 v8, v4  }
0x50e: {  	v18 =	vld [tilespmem:s29+$0x40];
	v9 =	vmul.f32 v9, v4;
	v10 =	vmul.f32 v10, v4  }
0x50f: {  	v21 =	vld [tilespmem:s29+$0x60];
	v11 =	vmul.f32 v11, v4;
	v12 =	vmul.f32 v12, v4  }
0x510: {  	v13 =	vmul.f32 v13, v4;
	v14 =	vmul.f32 v14, v4  }
0x511: {  	v15 =	vmul.f32 v15, v4;
	v16 =	vmul.f32 v16, v4  }
0x512: {  	v17 =	vmul.f32 v17, v4;
	v6 =	vadd.f32 v6, v5;
	v7 =	vadd.f32 v7, v5  }
0x513: {  	v18 =	vmul.f32 v18, v4;
	v8 =	vadd.f32 v8, v5;
	v9 =	vadd.f32 v9, v5  }
0x514: {  	v19 =	vld [tilespmem:s29+$0x50];
	v61 =	vmul.f32 v21, v4;
	v10 =	vadd.f32 v10, v5;
	v11 =	vadd.f32 v11, v5  }
0x515: {  	v20 =	vld [tilespmem:s29+$0xFFFFFF80];
	v12 =	vadd.f32 v12, v5;
	v6 =	vtrunc.f32 v6;
	v7 =	vtrunc.f32 v7  }
0x516: {  	v13 =	vadd.f32 v13, v5;
	v8 =	vtrunc.f32 v8;
	v9 =	vtrunc.f32 v9  }
0x517: {  	v14 =	vadd.f32 v14, v5;
	v10 =	vtrunc.f32 v10;
	v11 =	vtrunc.f32 v11  }
0x518: {  	v15 =	vadd.f32 v15, v5;
	v12 =	vtrunc.f32 v12;
	v13 =	vtrunc.f32 v13  }
0x519: {  	v16 =	vadd.f32 v16, v5;
	v22 =	vtrunc.f32 v14;
	v14 =	vmul.f32 v19, v4  }
0x51a: {  	v17 =	vadd.f32 v17, v5;
	v19 =	vtrunc.f32 v15;
	v15 =	vmul.f32 v20, v4  }
0x51b: {  	v18 =	vadd.f32 v18, v5;
	v62 =	vtrunc.f32 v16;
	v6 =	vcvt.f32.s32 v6  }
0x51c: {  	v17 =	vtrunc.f32 v17;
	v7 =	vcvt.f32.s32 v7;
	v15 =	vadd.f32 v15, v5  }
0x51d: {  	v18 =	vtrunc.f32 v18;
	v8 =	vcvt.f32.s32 v8  }
0x51e: {  	v16 =	vadd.f32 v61, v5;
	v63 =	vcvt.f32.s32 v9;
	v15 =	vtrunc.f32 v15  }
0x51f: {  	v13 =	vcvt.f32.s32 v13;
	v24 =	vcvt.f32.s32 v15  }
0x520: {  	v9 =	vcvt.f32.s32 v62;
	v14 =	vadd.f32 v14, v5;
	v25 =	vtrunc.f32 v16  }
0x521: {  	v16 =	vcvt.f32.s32 v10;
	v10 =	vcvt.f32.s32 v17;
	[tilespmem:v6+s20+$0x0] =	vst.idx.add.f32.msk $0xffff, v2  }
0x522: {  	v23 =	vtrunc.f32 v14;
	v14 =	vcvt.f32.s32 v12;
	[tilespmem:v7+s20+$0x0] =	vst.idx.add.f32.msk $0xffff, v2  }
0x523: {  	v12 =	vcvt.f32.s32 v19;
	v15 =	vcvt.f32.s32 v11;
	[tilespmem:v8+s20+$0x0] =	vst.idx.add.f32.msk $0xffff, v2  }
0x524: {  	v11 =	vcvt.f32.s32 v22;
	v7 =	vcvt.f32.s32 v18;
	[tilespmem:v63+s20+$0x0] =	vst.idx.add.f32.msk $0xffff, v2  }
0x525: {  	s23 =	simm.s32 $0x10180;
	s22 =	simm.s32 $0x0;
	v8 =	vcvt.f32.s32 v23;
	v6 =	vcvt.f32.s32 v25;
	[tilespmem:v24+s20+$0x0] =	vst.idx.add.f32.msk $0xffff, v2  }
.LBB2_36:
0x526: {  	v17 =	vld [tilespmem:s23+$0x70];
	s22 =	sadd.s32 $0x10, s22  }
0x527: {  	v18 =	vld [tilespmem:s23+$0xFFFFFF90];
	p0 =	slt.u32 s22, $0x1F0  }
0x528: {  	v19 =	vld [tilespmem:s23+$0xFFFFFFA0]  }
0x529: {  	v20 =	vld [tilespmem:s23+$0xFFFFFFB0]  }
0x52a: {  	v21 =	vld [tilespmem:s23+$0xFFFFFFC0]  }
0x52b: {  	v22 =	vld [tilespmem:s23+$0xFFFFFFD0];
	v17 =	vmul.f32 v17, v4  }
0x52c: {  	v18 =	vmul.f32 v18, v4;
	v23 =	vld [tilespmem:s23+$0xFFFFFFE0]  }
0x52d: {  	v19 =	vmul.f32 v19, v4;
	v24 =	vld [tilespmem:s23+$0xFFFFFFF0];
	v17 =	vadd.f32 v17, v5  }
0x52e: {  	v18 =	vadd.f32 v18, v5;
	v20 =	vmul.f32 v20, v4;
	v25 =	vld [tilespmem:s23+$0x0]  }
0x52f: {  	v19 =	vadd.f32 v19, v5;
	v21 =	vmul.f32 v21, v4;
	v26 =	vld [tilespmem:s23+$0x10];
	v17 =	vtrunc.f32 v17  }
0x530: {  	v20 =	vadd.f32 v20, v5;
	v22 =	vmul.f32 v22, v4;
	v27 =	vld [tilespmem:s23+$0x20];
	v17 =	vcvt.f32.s32 v17  }
0x531: {  	v18 =	vtrunc.f32 v18;
	v21 =	vadd.f32 v21, v5;
	v23 =	vmul.f32 v23, v4;
	v28 =	vld [tilespmem:s23+$0x30]  }
0x532: {  	v19 =	vtrunc.f32 v19;
	v22 =	vadd.f32 v22, v5;
	v24 =	vmul.f32 v24, v4;
	v29 =	vld [tilespmem:s23+$0x40]  }
0x533: {  	v20 =	vtrunc.f32 v20;
	v23 =	vadd.f32 v23, v5;
	v25 =	vmul.f32 v25, v4;
	v30 =	vld [tilespmem:s23+$0x50]  }
0x534: {  	v21 =	vtrunc.f32 v21;
	v24 =	vadd.f32 v24, v5;
	v26 =	vmul.f32 v26, v4;
	v31 =	vld [tilespmem:s23+$0x60]  }
0x535: {  	v22 =	vtrunc.f32 v22;
	v32 =	vld [tilespmem:s23+$0xFFFFFF80];
	v25 =	vadd.f32 v25, v5;
	v27 =	vmul.f32 v27, v4  }
0x536: {  	v23 =	vtrunc.f32 v23;
	v26 =	vadd.f32 v26, v5;
	v28 =	vmul.f32 v28, v4;
	[tilespmem:v17+s20+$0x0] =	vst.idx.add.f32.msk $0xffff, v2  }
0x537: {  	v17 =	vtrunc.f32 v24;
	v24 =	vadd.f32 v27, v5;
	v27 =	vmul.f32 v29, v4;
	[tilespmem:v16+s20+$0x0] =	vst.idx.add.f32.msk $0xffff, v2  }
0x538: {  	v25 =	vtrunc.f32 v25;
	v16 =	vadd.f32 v28, v5;
	v28 =	vmul.f32 v30, v4;
	[tilespmem:v15+s20+$0x0] =	vst.idx.add.f32.msk $0xffff, v2  }
0x539: {  	v26 =	vtrunc.f32 v26;
	v15 =	vadd.f32 v27, v5;
	v27 =	vmul.f32 v31, v4;
	[tilespmem:v14+s20+$0x0] =	vst.idx.add.f32.msk $0xffff, v2  }
0x53a: {  	v24 =	vtrunc.f32 v24;
	v14 =	vmul.f32 v32, v4;
	v28 =	vadd.f32 v28, v5;
	[tilespmem:v13+s20+$0x0] =	vst.idx.add.f32.msk $0xffff, v2  }
0x53b: {  	v29 =	vtrunc.f32 v16;
	v30 =	vtrunc.f32 v15;
	v13 =	vadd.f32 v27, v5;
	[tilespmem:v11+s20+$0x0] =	vst.idx.add.f32.msk $0xffff, v2  }
0x53c: {  	v18 =	vcvt.f32.s32 v18;
	v11 =	vadd.f32 v14, v5;
	v27 =	vtrunc.f32 v28;
	[tilespmem:v12+s20+$0x0] =	vst.idx.add.f32.msk $0xffff, v2  }
0x53d: {  	v19 =	vcvt.f32.s32 v19;
	v28 =	vtrunc.f32 v13;
	[tilespmem:v9+s20+$0x0] =	vst.idx.add.f32.msk $0xffff, v2  }
0x53e: {  	v20 =	vcvt.f32.s32 v20;
	v9 =	vtrunc.f32 v11;
	[tilespmem:v10+s20+$0x0] =	vst.idx.add.f32.msk $0xffff, v2  }
0x53f: {  	v16 =	vcvt.f32.s32 v21;
	v31 =	vcvt.f32.s32 v9;
	[tilespmem:v7+s20+$0x0] =	vst.idx.add.f32.msk $0xffff, v2  }
0x540: {  	v15 =	vcvt.f32.s32 v22;
	v14 =	vcvt.f32.s32 v23;
	[tilespmem:v8+s20+$0x0] =	vst.idx.add.f32.msk $0xffff, v2  }
.Ltmp17:
0x541: {  	v13 =	vcvt.f32.s32 v17;
	v11 =	vcvt.f32.s32 v25;
	[tilespmem:v6+s20+$0x0] =	vst.idx.add.f32.msk $0xffff, v2;
	(pc) =	sbr.rel @p0 .LBB2_36-.Ltmp17, $4  }
0x542: {  	v12 =	vcvt.f32.s32 v26;
	v9 =	vcvt.f32.s32 v24;
	[tilespmem:v18+s20+$0x0] =	vst.idx.add.f32.msk $0xffff, v2  }
0x543: {  	v10 =	vcvt.f32.s32 v29;
	v7 =	vcvt.f32.s32 v30;
	[tilespmem:v19+s20+$0x0] =	vst.idx.add.f32.msk $0xffff, v2  }
0x544: {  	v8 =	vcvt.f32.s32 v27;
	v6 =	vcvt.f32.s32 v28;
	[tilespmem:v20+s20+$0x0] =	vst.idx.add.f32.msk $0xffff, v2  }
0x545: {  	s23 =	sadd.s32 $0x100, s23;
	[tilespmem:v31+s20+$0x0] =	vst.idx.add.f32.msk $0xffff, v2  }
0x546: {  	_ =	sdelay $0x3  }
0x547: {  	[tilespmem:v16+s20+$0x0] =	vst.idx.add.f32.msk $0xffff, v2  }
0x548: {  	[tilespmem:v15+s20+$0x0] =	vst.idx.add.f32.msk $0xffff, v2  }
0x549: {  	[tilespmem:v14+s20+$0x0] =	vst.idx.add.f32.msk $0xffff, v2  }
0x54a: {  	[tilespmem:v13+s20+$0x0] =	vst.idx.add.f32.msk $0xffff, v2  }
0x54b: {  	[tilespmem:v11+s20+$0x0] =	vst.idx.add.f32.msk $0xffff, v2  }
0x54c: {  	[tilespmem:v12+s20+$0x0] =	vst.idx.add.f32.msk $0xffff, v2  }
0x54d: {  	[tilespmem:v9+s20+$0x0] =	vst.idx.add.f32.msk $0xffff, v2  }
0x54e: {  	[tilespmem:v10+s20+$0x0] =	vst.idx.add.f32.msk $0xffff, v2  }
0x54f: {  	[tilespmem:v7+s20+$0x0] =	vst.idx.add.f32.msk $0xffff, v2  }
0x550: {  	[tilespmem:v8+s20+$0x0] =	vst.idx.add.f32.msk $0xffff, v2  }
0x551: {  	[tilespmem:v6+s20+$0x0] =	vst.idx.add.f32.msk $0xffff, v2  }
0x552: {  	_ =	swait.ge [sflag:s8], $0x2000  }
0x553: {  	[sflag:s8] =	ssyncset.done $0x0  }
0x554: {  	s22 =	simm.s32 $0x14100;
	[sflag:s8] =	ssyncadd.s32 $0xFFFFE000  }
0x555: {  	v6 =	vld [tilespmem:s22+$0xB0]  }
0x556: {  	v7 =	vld [tilespmem:s22+$0xFFFFFF10]  }
0x557: {  	v8 =	vld [tilespmem:s22+$0xFFFFFF20]  }
0x558: {  	v9 =	vld [tilespmem:s22+$0xFFFFFF30]  }
0x559: {  	v10 =	vld [tilespmem:s22+$0xFFFFFF80]  }
0x55a: {  	v11 =	vld [tilespmem:s22+$0xFFFFFF90]  }
0x55b: {  	v12 =	vld [tilespmem:s22+$0xFFFFFFA0]  }
0x55c: {  	v13 =	vld [tilespmem:s22+$0xFFFFFFB0]  }
0x55d: {  	v14 =	vld [tilespmem:s22+$0x0]  }
0x55e: {  	v15 =	vld [tilespmem:s22+$0x10]  }
0x55f: {  	v16 =	vld [tilespmem:s22+$0x20];
	v6 =	vmul.f32 v6, v4  }
0x560: {  	v17 =	vld [tilespmem:s22+$0x30];
	v7 =	vmul.f32 v7, v4;
	v8 =	vmul.f32 v8, v4  }
0x561: {  	v18 =	vld [tilespmem:s22+$0x80];
	v9 =	vmul.f32 v9, v4;
	v10 =	vmul.f32 v10, v4  }
0x562: {  	v21 =	vld [tilespmem:s22+$0xA0];
	v11 =	vmul.f32 v11, v4;
	v12 =	vmul.f32 v12, v4  }
0x563: {  	v13 =	vmul.f32 v13, v4;
	v14 =	vmul.f32 v14, v4  }
0x564: {  	v15 =	vmul.f32 v15, v4;
	v16 =	vmul.f32 v16, v4  }
0x565: {  	v17 =	vmul.f32 v17, v4;
	v6 =	vadd.f32 v6, v5;
	v7 =	vadd.f32 v7, v5  }
0x566: {  	v18 =	vmul.f32 v18, v4;
	v8 =	vadd.f32 v8, v5;
	v9 =	vadd.f32 v9, v5  }
0x567: {  	v19 =	vld [tilespmem:s22+$0x90];
	v61 =	vmul.f32 v21, v4;
	v10 =	vadd.f32 v10, v5;
	v11 =	vadd.f32 v11, v5  }
0x568: {  	v20 =	vld [tilespmem:s22+$0xFFFFFF00];
	v12 =	vadd.f32 v12, v5;
	v6 =	vtrunc.f32 v6;
	v7 =	vtrunc.f32 v7  }
0x569: {  	v13 =	vadd.f32 v13, v5;
	v8 =	vtrunc.f32 v8;
	v9 =	vtrunc.f32 v9  }
0x56a: {  	v14 =	vadd.f32 v14, v5;
	v10 =	vtrunc.f32 v10;
	v11 =	vtrunc.f32 v11  }
0x56b: {  	v15 =	vadd.f32 v15, v5;
	v12 =	vtrunc.f32 v12;
	v13 =	vtrunc.f32 v13  }
0x56c: {  	v16 =	vadd.f32 v16, v5;
	v22 =	vtrunc.f32 v14;
	v14 =	vmul.f32 v19, v4  }
0x56d: {  	v17 =	vadd.f32 v17, v5;
	v19 =	vtrunc.f32 v15;
	v15 =	vmul.f32 v20, v4  }
0x56e: {  	v18 =	vadd.f32 v18, v5;
	v62 =	vtrunc.f32 v16;
	v6 =	vcvt.f32.s32 v6  }
0x56f: {  	v17 =	vtrunc.f32 v17;
	v7 =	vcvt.f32.s32 v7;
	v15 =	vadd.f32 v15, v5  }
0x570: {  	v18 =	vtrunc.f32 v18;
	v8 =	vcvt.f32.s32 v8  }
0x571: {  	v16 =	vadd.f32 v61, v5;
	v63 =	vcvt.f32.s32 v9;
	v15 =	vtrunc.f32 v15  }
0x572: {  	v13 =	vcvt.f32.s32 v13;
	v24 =	vcvt.f32.s32 v15  }
0x573: {  	v9 =	vcvt.f32.s32 v62;
	v14 =	vadd.f32 v14, v5;
	v25 =	vtrunc.f32 v16  }
0x574: {  	v16 =	vcvt.f32.s32 v10;
	v10 =	vcvt.f32.s32 v17;
	[tilespmem:v6+s20+$0x0] =	vst.idx.add.f32.msk $0xffff, v2  }
0x575: {  	v23 =	vtrunc.f32 v14;
	v14 =	vcvt.f32.s32 v12;
	[tilespmem:v7+s20+$0x0] =	vst.idx.add.f32.msk $0xffff, v2  }
0x576: {  	v12 =	vcvt.f32.s32 v19;
	v15 =	vcvt.f32.s32 v11;
	[tilespmem:v8+s20+$0x0] =	vst.idx.add.f32.msk $0xffff, v2  }
0x577: {  	v11 =	vcvt.f32.s32 v22;
	v7 =	vcvt.f32.s32 v18;
	[tilespmem:v63+s20+$0x0] =	vst.idx.add.f32.msk $0xffff, v2  }
0x578: {  	s23 =	simm.s32 $0x14300;
	s22 =	simm.s32 $0x0;
	v8 =	vcvt.f32.s32 v23;
	v6 =	vcvt.f32.s32 v25;
	[tilespmem:v24+s20+$0x0] =	vst.idx.add.f32.msk $0xffff, v2  }
.LBB2_38:
0x579: {  	v17 =	vld [tilespmem:s23+$0xB0];
	s22 =	sadd.s32 $0x10, s22  }
0x57a: {  	v18 =	vld [tilespmem:s23+$0xFFFFFF10];
	p0 =	slt.u32 s22, $0xF0  }
0x57b: {  	v19 =	vld [tilespmem:s23+$0xFFFFFF20]  }
0x57c: {  	v20 =	vld [tilespmem:s23+$0xFFFFFF30]  }
0x57d: {  	v21 =	vld [tilespmem:s23+$0xFFFFFF80]  }
0x57e: {  	v22 =	vld [tilespmem:s23+$0xFFFFFF90];
	v17 =	vmul.f32 v17, v4  }
0x57f: {  	v18 =	vmul.f32 v18, v4;
	v23 =	vld [tilespmem:s23+$0xFFFFFFA0]  }
0x580: {  	v19 =	vmul.f32 v19, v4;
	v24 =	vld [tilespmem:s23+$0xFFFFFFB0];
	v17 =	vadd.f32 v17, v5  }
0x581: {  	v18 =	vadd.f32 v18, v5;
	v20 =	vmul.f32 v20, v4;
	v25 =	vld [tilespmem:s23+$0x0]  }
0x582: {  	v19 =	vadd.f32 v19, v5;
	v21 =	vmul.f32 v21, v4;
	v26 =	vld [tilespmem:s23+$0x10];
	v17 =	vtrunc.f32 v17  }
0x583: {  	v20 =	vadd.f32 v20, v5;
	v22 =	vmul.f32 v22, v4;
	v27 =	vld [tilespmem:s23+$0x20];
	v17 =	vcvt.f32.s32 v17  }
0x584: {  	v18 =	vtrunc.f32 v18;
	v21 =	vadd.f32 v21, v5;
	v23 =	vmul.f32 v23, v4;
	v28 =	vld [tilespmem:s23+$0x30]  }
0x585: {  	v19 =	vtrunc.f32 v19;
	v22 =	vadd.f32 v22, v5;
	v24 =	vmul.f32 v24, v4;
	v29 =	vld [tilespmem:s23+$0x80]  }
0x586: {  	v20 =	vtrunc.f32 v20;
	v23 =	vadd.f32 v23, v5;
	v25 =	vmul.f32 v25, v4;
	v30 =	vld [tilespmem:s23+$0x90]  }
0x587: {  	v21 =	vtrunc.f32 v21;
	v24 =	vadd.f32 v24, v5;
	v26 =	vmul.f32 v26, v4;
	v31 =	vld [tilespmem:s23+$0xA0]  }
0x588: {  	v22 =	vtrunc.f32 v22;
	v32 =	vld [tilespmem:s23+$0xFFFFFF00];
	v25 =	vadd.f32 v25, v5;
	v27 =	vmul.f32 v27, v4  }
0x589: {  	v23 =	vtrunc.f32 v23;
	v26 =	vadd.f32 v26, v5;
	v28 =	vmul.f32 v28, v4;
	[tilespmem:v17+s20+$0x0] =	vst.idx.add.f32.msk $0xffff, v2  }
0x58a: {  	v17 =	vtrunc.f32 v24;
	v24 =	vadd.f32 v27, v5;
	v27 =	vmul.f32 v29, v4;
	[tilespmem:v16+s20+$0x0] =	vst.idx.add.f32.msk $0xffff, v2  }
0x58b: {  	v25 =	vtrunc.f32 v25;
	v16 =	vadd.f32 v28, v5;
	v28 =	vmul.f32 v30, v4;
	[tilespmem:v15+s20+$0x0] =	vst.idx.add.f32.msk $0xffff, v2  }
0x58c: {  	v26 =	vtrunc.f32 v26;
	v15 =	vadd.f32 v27, v5;
	v27 =	vmul.f32 v31, v4;
	[tilespmem:v14+s20+$0x0] =	vst.idx.add.f32.msk $0xffff, v2  }
0x58d: {  	v24 =	vtrunc.f32 v24;
	v14 =	vmul.f32 v32, v4;
	v28 =	vadd.f32 v28, v5;
	[tilespmem:v13+s20+$0x0] =	vst.idx.add.f32.msk $0xffff, v2  }
0x58e: {  	v29 =	vtrunc.f32 v16;
	v30 =	vtrunc.f32 v15;
	v13 =	vadd.f32 v27, v5;
	[tilespmem:v11+s20+$0x0] =	vst.idx.add.f32.msk $0xffff, v2  }
0x58f: {  	v18 =	vcvt.f32.s32 v18;
	v11 =	vadd.f32 v14, v5;
	v27 =	vtrunc.f32 v28;
	[tilespmem:v12+s20+$0x0] =	vst.idx.add.f32.msk $0xffff, v2  }
0x590: {  	v19 =	vcvt.f32.s32 v19;
	v28 =	vtrunc.f32 v13;
	[tilespmem:v9+s20+$0x0] =	vst.idx.add.f32.msk $0xffff, v2  }
0x591: {  	v20 =	vcvt.f32.s32 v20;
	v9 =	vtrunc.f32 v11;
	[tilespmem:v10+s20+$0x0] =	vst.idx.add.f32.msk $0xffff, v2  }
0x592: {  	v16 =	vcvt.f32.s32 v21;
	v31 =	vcvt.f32.s32 v9;
	[tilespmem:v7+s20+$0x0] =	vst.idx.add.f32.msk $0xffff, v2  }
0x593: {  	v15 =	vcvt.f32.s32 v22;
	v14 =	vcvt.f32.s32 v23;
	[tilespmem:v8+s20+$0x0] =	vst.idx.add.f32.msk $0xffff, v2  }
.Ltmp18:
0x594: {  	v13 =	vcvt.f32.s32 v17;
	v11 =	vcvt.f32.s32 v25;
	[tilespmem:v6+s20+$0x0] =	vst.idx.add.f32.msk $0xffff, v2;
	(pc) =	sbr.rel @p0 .LBB2_38-.Ltmp18, $4  }
0x595: {  	v12 =	vcvt.f32.s32 v26;
	v9 =	vcvt.f32.s32 v24;
	[tilespmem:v18+s20+$0x0] =	vst.idx.add.f32.msk $0xffff, v2  }
0x596: {  	v10 =	vcvt.f32.s32 v29;
	v7 =	vcvt.f32.s32 v30;
	[tilespmem:v19+s20+$0x0] =	vst.idx.add.f32.msk $0xffff, v2  }
0x597: {  	v8 =	vcvt.f32.s32 v27;
	v6 =	vcvt.f32.s32 v28;
	[tilespmem:v20+s20+$0x0] =	vst.idx.add.f32.msk $0xffff, v2  }
0x598: {  	s23 =	sadd.s32 $0x200, s23;
	[tilespmem:v31+s20+$0x0] =	vst.idx.add.f32.msk $0xffff, v2  }
0x599: {  	_ =	sdelay $0x3  }
0x59a: {  	[tilespmem:v16+s20+$0x0] =	vst.idx.add.f32.msk $0xffff, v2  }
0x59b: {  	[tilespmem:v15+s20+$0x0] =	vst.idx.add.f32.msk $0xffff, v2  }
0x59c: {  	[tilespmem:v14+s20+$0x0] =	vst.idx.add.f32.msk $0xffff, v2  }
0x59d: {  	[tilespmem:v13+s20+$0x0] =	vst.idx.add.f32.msk $0xffff, v2  }
0x59e: {  	[tilespmem:v11+s20+$0x0] =	vst.idx.add.f32.msk $0xffff, v2  }
0x59f: {  	[tilespmem:v12+s20+$0x0] =	vst.idx.add.f32.msk $0xffff, v2  }
0x5a0: {  	[tilespmem:v9+s20+$0x0] =	vst.idx.add.f32.msk $0xffff, v2  }
0x5a1: {  	[tilespmem:v10+s20+$0x0] =	vst.idx.add.f32.msk $0xffff, v2  }
0x5a2: {  	[tilespmem:v7+s20+$0x0] =	vst.idx.add.f32.msk $0xffff, v2  }
0x5a3: {  	[tilespmem:v8+s20+$0x0] =	vst.idx.add.f32.msk $0xffff, v2  }
0x5a4: {  	[tilespmem:v6+s20+$0x0] =	vst.idx.add.f32.msk $0xffff, v2  }
0x5a5: {  	s22 =	rddreg [dreg:$0x19]  }
0x5a6: {  	[tilespmem:s16], [sflag:$0x1] =	stream.strided.gather [hbm4b:s22+s13], $0x2000, s15, s13, $0x38;
	[tilespmem:$0x1A200] =	vst v63  }
0x5a7: {  	_ = 	snop  }
0x5a8: {  	[tilespmem:s17], [sflag:$0x1] =	stream.strided.gather [hbm4b:s30+s13], $0x2000, s15, s13, $0x38;
	[tilespmem:$0x1A200] =	vst v63  }
0x5a9: {  	_ =	swait.ge [sflag:s12], $0x2000  }
0x5aa: {  	[sflag:s12] =	ssyncset.done $0x0  }
0x5ab: {  	s29 =	simm.s32 $0x12080;
	[sflag:s12] =	ssyncadd.s32 $0xFFFFE000  }
0x5ac: {  	v6 =	vld [tilespmem:s29+$0x70]  }
0x5ad: {  	v7 =	vld [tilespmem:s29+$0xFFFFFF90]  }
0x5ae: {  	v8 =	vld [tilespmem:s29+$0xFFFFFFA0]  }
0x5af: {  	v9 =	vld [tilespmem:s29+$0xFFFFFFB0]  }
0x5b0: {  	v10 =	vld [tilespmem:s29+$0xFFFFFFC0]  }
0x5b1: {  	v11 =	vld [tilespmem:s29+$0xFFFFFFD0]  }
0x5b2: {  	v12 =	vld [tilespmem:s29+$0xFFFFFFE0]  }
0x5b3: {  	v13 =	vld [tilespmem:s29+$0xFFFFFFF0]  }
0x5b4: {  	v14 =	vld [tilespmem:s29+$0x0]  }
0x5b5: {  	v15 =	vld [tilespmem:s29+$0x10]  }
0x5b6: {  	v16 =	vld [tilespmem:s29+$0x20];
	v6 =	vmul.f32 v6, v4  }
0x5b7: {  	v17 =	vld [tilespmem:s29+$0x30];
	v7 =	vmul.f32 v7, v4;
	v8 =	vmul.f32 v8, v4  }
0x5b8: {  	v18 =	vld [tilespmem:s29+$0x40];
	v9 =	vmul.f32 v9, v4;
	v10 =	vmul.f32 v10, v4  }
0x5b9: {  	v21 =	vld [tilespmem:s29+$0x60];
	v11 =	vmul.f32 v11, v4;
	v12 =	vmul.f32 v12, v4  }
0x5ba: {  	v13 =	vmul.f32 v13, v4;
	v14 =	vmul.f32 v14, v4  }
0x5bb: {  	v15 =	vmul.f32 v15, v4;
	v16 =	vmul.f32 v16, v4  }
0x5bc: {  	v17 =	vmul.f32 v17, v4;
	v6 =	vadd.f32 v6, v5;
	v7 =	vadd.f32 v7, v5  }
0x5bd: {  	v18 =	vmul.f32 v18, v4;
	v8 =	vadd.f32 v8, v5;
	v9 =	vadd.f32 v9, v5  }
0x5be: {  	v19 =	vld [tilespmem:s29+$0x50];
	v61 =	vmul.f32 v21, v4;
	v10 =	vadd.f32 v10, v5;
	v11 =	vadd.f32 v11, v5  }
0x5bf: {  	v20 =	vld [tilespmem:s29+$0xFFFFFF80];
	v12 =	vadd.f32 v12, v5;
	v6 =	vtrunc.f32 v6;
	v7 =	vtrunc.f32 v7  }
0x5c0: {  	v13 =	vadd.f32 v13, v5;
	v8 =	vtrunc.f32 v8;
	v9 =	vtrunc.f32 v9  }
0x5c1: {  	v14 =	vadd.f32 v14, v5;
	v10 =	vtrunc.f32 v10;
	v11 =	vtrunc.f32 v11  }
0x5c2: {  	v15 =	vadd.f32 v15, v5;
	v12 =	vtrunc.f32 v12;
	v13 =	vtrunc.f32 v13  }
0x5c3: {  	v16 =	vadd.f32 v16, v5;
	v22 =	vtrunc.f32 v14;
	v14 =	vmul.f32 v19, v4  }
0x5c4: {  	v17 =	vadd.f32 v17, v5;
	v19 =	vtrunc.f32 v15;
	v15 =	vmul.f32 v20, v4  }
0x5c5: {  	v18 =	vadd.f32 v18, v5;
	v62 =	vtrunc.f32 v16;
	v6 =	vcvt.f32.s32 v6  }
0x5c6: {  	v17 =	vtrunc.f32 v17;
	v7 =	vcvt.f32.s32 v7;
	v15 =	vadd.f32 v15, v5  }
0x5c7: {  	v18 =	vtrunc.f32 v18;
	v8 =	vcvt.f32.s32 v8  }
0x5c8: {  	v16 =	vadd.f32 v61, v5;
	v63 =	vcvt.f32.s32 v9;
	v15 =	vtrunc.f32 v15  }
0x5c9: {  	v13 =	vcvt.f32.s32 v13;
	v24 =	vcvt.f32.s32 v15  }
0x5ca: {  	v9 =	vcvt.f32.s32 v62;
	v14 =	vadd.f32 v14, v5;
	v25 =	vtrunc.f32 v16  }
0x5cb: {  	v16 =	vcvt.f32.s32 v10;
	v10 =	vcvt.f32.s32 v17;
	[tilespmem:v6+s20+$0x0] =	vst.idx.add.f32.msk $0xffff, v2  }
0x5cc: {  	v23 =	vtrunc.f32 v14;
	v14 =	vcvt.f32.s32 v12;
	[tilespmem:v7+s20+$0x0] =	vst.idx.add.f32.msk $0xffff, v2  }
0x5cd: {  	v12 =	vcvt.f32.s32 v19;
	v15 =	vcvt.f32.s32 v11;
	[tilespmem:v8+s20+$0x0] =	vst.idx.add.f32.msk $0xffff, v2  }
0x5ce: {  	v11 =	vcvt.f32.s32 v22;
	v7 =	vcvt.f32.s32 v18;
	[tilespmem:v63+s20+$0x0] =	vst.idx.add.f32.msk $0xffff, v2  }
0x5cf: {  	s23 =	simm.s32 $0x12180;
	s22 =	simm.s32 $0x0;
	v8 =	vcvt.f32.s32 v23;
	v6 =	vcvt.f32.s32 v25;
	[tilespmem:v24+s20+$0x0] =	vst.idx.add.f32.msk $0xffff, v2  }
.LBB2_40:
0x5d0: {  	v17 =	vld [tilespmem:s23+$0x70];
	s22 =	sadd.s32 $0x10, s22  }
0x5d1: {  	v18 =	vld [tilespmem:s23+$0xFFFFFF90];
	p0 =	slt.u32 s22, $0x1F0  }
0x5d2: {  	v19 =	vld [tilespmem:s23+$0xFFFFFFA0]  }
0x5d3: {  	v20 =	vld [tilespmem:s23+$0xFFFFFFB0]  }
0x5d4: {  	v21 =	vld [tilespmem:s23+$0xFFFFFFC0]  }
0x5d5: {  	v22 =	vld [tilespmem:s23+$0xFFFFFFD0];
	v17 =	vmul.f32 v17, v4  }
0x5d6: {  	v18 =	vmul.f32 v18, v4;
	v23 =	vld [tilespmem:s23+$0xFFFFFFE0]  }
0x5d7: {  	v19 =	vmul.f32 v19, v4;
	v24 =	vld [tilespmem:s23+$0xFFFFFFF0];
	v17 =	vadd.f32 v17, v5  }
0x5d8: {  	v18 =	vadd.f32 v18, v5;
	v20 =	vmul.f32 v20, v4;
	v25 =	vld [tilespmem:s23+$0x0]  }
0x5d9: {  	v19 =	vadd.f32 v19, v5;
	v21 =	vmul.f32 v21, v4;
	v26 =	vld [tilespmem:s23+$0x10];
	v17 =	vtrunc.f32 v17  }
0x5da: {  	v20 =	vadd.f32 v20, v5;
	v22 =	vmul.f32 v22, v4;
	v27 =	vld [tilespmem:s23+$0x20];
	v17 =	vcvt.f32.s32 v17  }
0x5db: {  	v18 =	vtrunc.f32 v18;
	v21 =	vadd.f32 v21, v5;
	v23 =	vmul.f32 v23, v4;
	v28 =	vld [tilespmem:s23+$0x30]  }
0x5dc: {  	v19 =	vtrunc.f32 v19;
	v22 =	vadd.f32 v22, v5;
	v24 =	vmul.f32 v24, v4;
	v29 =	vld [tilespmem:s23+$0x40]  }
0x5dd: {  	v20 =	vtrunc.f32 v20;
	v23 =	vadd.f32 v23, v5;
	v25 =	vmul.f32 v25, v4;
	v30 =	vld [tilespmem:s23+$0x50]  }
0x5de: {  	v21 =	vtrunc.f32 v21;
	v24 =	vadd.f32 v24, v5;
	v26 =	vmul.f32 v26, v4;
	v31 =	vld [tilespmem:s23+$0x60]  }
0x5df: {  	v22 =	vtrunc.f32 v22;
	v32 =	vld [tilespmem:s23+$0xFFFFFF80];
	v25 =	vadd.f32 v25, v5;
	v27 =	vmul.f32 v27, v4  }
0x5e0: {  	v23 =	vtrunc.f32 v23;
	v26 =	vadd.f32 v26, v5;
	v28 =	vmul.f32 v28, v4;
	[tilespmem:v17+s20+$0x0] =	vst.idx.add.f32.msk $0xffff, v2  }
0x5e1: {  	v17 =	vtrunc.f32 v24;
	v24 =	vadd.f32 v27, v5;
	v27 =	vmul.f32 v29, v4;
	[tilespmem:v16+s20+$0x0] =	vst.idx.add.f32.msk $0xffff, v2  }
0x5e2: {  	v25 =	vtrunc.f32 v25;
	v16 =	vadd.f32 v28, v5;
	v28 =	vmul.f32 v30, v4;
	[tilespmem:v15+s20+$0x0] =	vst.idx.add.f32.msk $0xffff, v2  }
0x5e3: {  	v26 =	vtrunc.f32 v26;
	v15 =	vadd.f32 v27, v5;
	v27 =	vmul.f32 v31, v4;
	[tilespmem:v14+s20+$0x0] =	vst.idx.add.f32.msk $0xffff, v2  }
0x5e4: {  	v24 =	vtrunc.f32 v24;
	v14 =	vmul.f32 v32, v4;
	v28 =	vadd.f32 v28, v5;
	[tilespmem:v13+s20+$0x0] =	vst.idx.add.f32.msk $0xffff, v2  }
0x5e5: {  	v29 =	vtrunc.f32 v16;
	v30 =	vtrunc.f32 v15;
	v13 =	vadd.f32 v27, v5;
	[tilespmem:v11+s20+$0x0] =	vst.idx.add.f32.msk $0xffff, v2  }
0x5e6: {  	v18 =	vcvt.f32.s32 v18;
	v11 =	vadd.f32 v14, v5;
	v27 =	vtrunc.f32 v28;
	[tilespmem:v12+s20+$0x0] =	vst.idx.add.f32.msk $0xffff, v2  }
0x5e7: {  	v19 =	vcvt.f32.s32 v19;
	v28 =	vtrunc.f32 v13;
	[tilespmem:v9+s20+$0x0] =	vst.idx.add.f32.msk $0xffff, v2  }
0x5e8: {  	v20 =	vcvt.f32.s32 v20;
	v9 =	vtrunc.f32 v11;
	[tilespmem:v10+s20+$0x0] =	vst.idx.add.f32.msk $0xffff, v2  }
0x5e9: {  	v16 =	vcvt.f32.s32 v21;
	v31 =	vcvt.f32.s32 v9;
	[tilespmem:v7+s20+$0x0] =	vst.idx.add.f32.msk $0xffff, v2  }
0x5ea: {  	v15 =	vcvt.f32.s32 v22;
	v14 =	vcvt.f32.s32 v23;
	[tilespmem:v8+s20+$0x0] =	vst.idx.add.f32.msk $0xffff, v2  }
.Ltmp19:
0x5eb: {  	v13 =	vcvt.f32.s32 v17;
	v11 =	vcvt.f32.s32 v25;
	[tilespmem:v6+s20+$0x0] =	vst.idx.add.f32.msk $0xffff, v2;
	(pc) =	sbr.rel @p0 .LBB2_40-.Ltmp19, $4  }
0x5ec: {  	v12 =	vcvt.f32.s32 v26;
	v9 =	vcvt.f32.s32 v24;
	[tilespmem:v18+s20+$0x0] =	vst.idx.add.f32.msk $0xffff, v2  }
0x5ed: {  	v10 =	vcvt.f32.s32 v29;
	v7 =	vcvt.f32.s32 v30;
	[tilespmem:v19+s20+$0x0] =	vst.idx.add.f32.msk $0xffff, v2  }
0x5ee: {  	v8 =	vcvt.f32.s32 v27;
	v6 =	vcvt.f32.s32 v28;
	[tilespmem:v20+s20+$0x0] =	vst.idx.add.f32.msk $0xffff, v2  }
0x5ef: {  	s23 =	sadd.s32 $0x100, s23;
	[tilespmem:v31+s20+$0x0] =	vst.idx.add.f32.msk $0xffff, v2  }
0x5f0: {  	_ =	sdelay $0x3  }
0x5f1: {  	[tilespmem:v16+s20+$0x0] =	vst.idx.add.f32.msk $0xffff, v2  }
0x5f2: {  	[tilespmem:v15+s20+$0x0] =	vst.idx.add.f32.msk $0xffff, v2  }
0x5f3: {  	[tilespmem:v14+s20+$0x0] =	vst.idx.add.f32.msk $0xffff, v2  }
0x5f4: {  	[tilespmem:v13+s20+$0x0] =	vst.idx.add.f32.msk $0xffff, v2  }
0x5f5: {  	[tilespmem:v11+s20+$0x0] =	vst.idx.add.f32.msk $0xffff, v2  }
0x5f6: {  	[tilespmem:v12+s20+$0x0] =	vst.idx.add.f32.msk $0xffff, v2  }
0x5f7: {  	[tilespmem:v9+s20+$0x0] =	vst.idx.add.f32.msk $0xffff, v2  }
0x5f8: {  	[tilespmem:v10+s20+$0x0] =	vst.idx.add.f32.msk $0xffff, v2  }
0x5f9: {  	[tilespmem:v7+s20+$0x0] =	vst.idx.add.f32.msk $0xffff, v2  }
0x5fa: {  	[tilespmem:v8+s20+$0x0] =	vst.idx.add.f32.msk $0xffff, v2  }
0x5fb: {  	[tilespmem:v6+s20+$0x0] =	vst.idx.add.f32.msk $0xffff, v2  }
0x5fc: {  	_ =	swait.ge [sflag:s12], $0x2000  }
0x5fd: {  	[sflag:s12] =	ssyncset.done $0x0  }
0x5fe: {  	s22 =	simm.s32 $0x16100;
	[sflag:s12] =	ssyncadd.s32 $0xFFFFE000  }
0x5ff: {  	v6 =	vld [tilespmem:s22+$0xB0]  }
0x600: {  	v7 =	vld [tilespmem:s22+$0xFFFFFF10]  }
0x601: {  	v8 =	vld [tilespmem:s22+$0xFFFFFF20]  }
0x602: {  	v9 =	vld [tilespmem:s22+$0xFFFFFF30]  }
0x603: {  	v10 =	vld [tilespmem:s22+$0xFFFFFF80]  }
0x604: {  	v11 =	vld [tilespmem:s22+$0xFFFFFF90]  }
0x605: {  	v12 =	vld [tilespmem:s22+$0xFFFFFFA0]  }
0x606: {  	v13 =	vld [tilespmem:s22+$0xFFFFFFB0]  }
0x607: {  	v14 =	vld [tilespmem:s22+$0x0]  }
0x608: {  	v15 =	vld [tilespmem:s22+$0x10]  }
0x609: {  	v16 =	vld [tilespmem:s22+$0x20];
	v6 =	vmul.f32 v6, v4  }
0x60a: {  	v17 =	vld [tilespmem:s22+$0x30];
	v7 =	vmul.f32 v7, v4;
	v8 =	vmul.f32 v8, v4  }
0x60b: {  	v18 =	vld [tilespmem:s22+$0x80];
	v9 =	vmul.f32 v9, v4;
	v10 =	vmul.f32 v10, v4  }
0x60c: {  	v21 =	vld [tilespmem:s22+$0xA0];
	v11 =	vmul.f32 v11, v4;
	v12 =	vmul.f32 v12, v4  }
0x60d: {  	v13 =	vmul.f32 v13, v4;
	v14 =	vmul.f32 v14, v4  }
0x60e: {  	v15 =	vmul.f32 v15, v4;
	v16 =	vmul.f32 v16, v4  }
0x60f: {  	v17 =	vmul.f32 v17, v4;
	v6 =	vadd.f32 v6, v5;
	v7 =	vadd.f32 v7, v5  }
0x610: {  	v18 =	vmul.f32 v18, v4;
	v8 =	vadd.f32 v8, v5;
	v9 =	vadd.f32 v9, v5  }
0x611: {  	v19 =	vld [tilespmem:s22+$0x90];
	v61 =	vmul.f32 v21, v4;
	v10 =	vadd.f32 v10, v5;
	v11 =	vadd.f32 v11, v5  }
0x612: {  	v20 =	vld [tilespmem:s22+$0xFFFFFF00];
	v12 =	vadd.f32 v12, v5;
	v6 =	vtrunc.f32 v6;
	v7 =	vtrunc.f32 v7  }
0x613: {  	v13 =	vadd.f32 v13, v5;
	v8 =	vtrunc.f32 v8;
	v9 =	vtrunc.f32 v9  }
0x614: {  	v14 =	vadd.f32 v14, v5;
	v10 =	vtrunc.f32 v10;
	v11 =	vtrunc.f32 v11  }
0x615: {  	v15 =	vadd.f32 v15, v5;
	v12 =	vtrunc.f32 v12;
	v13 =	vtrunc.f32 v13  }
0x616: {  	v16 =	vadd.f32 v16, v5;
	v22 =	vtrunc.f32 v14;
	v14 =	vmul.f32 v19, v4  }
0x617: {  	v17 =	vadd.f32 v17, v5;
	v19 =	vtrunc.f32 v15;
	v15 =	vmul.f32 v20, v4  }
0x618: {  	v18 =	vadd.f32 v18, v5;
	v62 =	vtrunc.f32 v16;
	v6 =	vcvt.f32.s32 v6  }
0x619: {  	v17 =	vtrunc.f32 v17;
	v7 =	vcvt.f32.s32 v7;
	v15 =	vadd.f32 v15, v5  }
0x61a: {  	v18 =	vtrunc.f32 v18;
	v8 =	vcvt.f32.s32 v8  }
0x61b: {  	v16 =	vadd.f32 v61, v5;
	v63 =	vcvt.f32.s32 v9;
	v15 =	vtrunc.f32 v15  }
0x61c: {  	v13 =	vcvt.f32.s32 v13;
	v24 =	vcvt.f32.s32 v15  }
0x61d: {  	v9 =	vcvt.f32.s32 v62;
	v14 =	vadd.f32 v14, v5;
	v25 =	vtrunc.f32 v16  }
0x61e: {  	v16 =	vcvt.f32.s32 v10;
	v10 =	vcvt.f32.s32 v17;
	[tilespmem:v6+s20+$0x0] =	vst.idx.add.f32.msk $0xffff, v2  }
0x61f: {  	v23 =	vtrunc.f32 v14;
	v14 =	vcvt.f32.s32 v12;
	[tilespmem:v7+s20+$0x0] =	vst.idx.add.f32.msk $0xffff, v2  }
0x620: {  	v12 =	vcvt.f32.s32 v19;
	v15 =	vcvt.f32.s32 v11;
	[tilespmem:v8+s20+$0x0] =	vst.idx.add.f32.msk $0xffff, v2  }
0x621: {  	v11 =	vcvt.f32.s32 v22;
	v7 =	vcvt.f32.s32 v18;
	[tilespmem:v63+s20+$0x0] =	vst.idx.add.f32.msk $0xffff, v2  }
0x622: {  	s23 =	simm.s32 $0x16300;
	s22 =	simm.s32 $0x0;
	v8 =	vcvt.f32.s32 v23;
	v6 =	vcvt.f32.s32 v25;
	[tilespmem:v24+s20+$0x0] =	vst.idx.add.f32.msk $0xffff, v2  }
.LBB2_42:
0x623: {  	v17 =	vld [tilespmem:s23+$0xB0];
	s22 =	sadd.s32 $0x10, s22  }
0x624: {  	v18 =	vld [tilespmem:s23+$0xFFFFFF10];
	p0 =	slt.u32 s22, $0xF0  }
0x625: {  	v19 =	vld [tilespmem:s23+$0xFFFFFF20]  }
0x626: {  	v20 =	vld [tilespmem:s23+$0xFFFFFF30]  }
0x627: {  	v21 =	vld [tilespmem:s23+$0xFFFFFF80]  }
0x628: {  	v22 =	vld [tilespmem:s23+$0xFFFFFF90];
	v17 =	vmul.f32 v17, v4  }
0x629: {  	v18 =	vmul.f32 v18, v4;
	v23 =	vld [tilespmem:s23+$0xFFFFFFA0]  }
0x62a: {  	v19 =	vmul.f32 v19, v4;
	v24 =	vld [tilespmem:s23+$0xFFFFFFB0];
	v17 =	vadd.f32 v17, v5  }
0x62b: {  	v18 =	vadd.f32 v18, v5;
	v20 =	vmul.f32 v20, v4;
	v25 =	vld [tilespmem:s23+$0x0]  }
0x62c: {  	v19 =	vadd.f32 v19, v5;
	v21 =	vmul.f32 v21, v4;
	v26 =	vld [tilespmem:s23+$0x10];
	v17 =	vtrunc.f32 v17  }
0x62d: {  	v20 =	vadd.f32 v20, v5;
	v22 =	vmul.f32 v22, v4;
	v27 =	vld [tilespmem:s23+$0x20];
	v17 =	vcvt.f32.s32 v17  }
0x62e: {  	v18 =	vtrunc.f32 v18;
	v21 =	vadd.f32 v21, v5;
	v23 =	vmul.f32 v23, v4;
	v28 =	vld [tilespmem:s23+$0x30]  }
0x62f: {  	v19 =	vtrunc.f32 v19;
	v22 =	vadd.f32 v22, v5;
	v24 =	vmul.f32 v24, v4;
	v29 =	vld [tilespmem:s23+$0x80]  }
0x630: {  	v20 =	vtrunc.f32 v20;
	v23 =	vadd.f32 v23, v5;
	v25 =	vmul.f32 v25, v4;
	v30 =	vld [tilespmem:s23+$0x90]  }
0x631: {  	v21 =	vtrunc.f32 v21;
	v24 =	vadd.f32 v24, v5;
	v26 =	vmul.f32 v26, v4;
	v31 =	vld [tilespmem:s23+$0xA0]  }
0x632: {  	v22 =	vtrunc.f32 v22;
	v32 =	vld [tilespmem:s23+$0xFFFFFF00];
	v25 =	vadd.f32 v25, v5;
	v27 =	vmul.f32 v27, v4  }
0x633: {  	v23 =	vtrunc.f32 v23;
	v26 =	vadd.f32 v26, v5;
	v28 =	vmul.f32 v28, v4;
	[tilespmem:v17+s20+$0x0] =	vst.idx.add.f32.msk $0xffff, v2  }
0x634: {  	v17 =	vtrunc.f32 v24;
	v24 =	vadd.f32 v27, v5;
	v27 =	vmul.f32 v29, v4;
	[tilespmem:v16+s20+$0x0] =	vst.idx.add.f32.msk $0xffff, v2  }
0x635: {  	v25 =	vtrunc.f32 v25;
	v16 =	vadd.f32 v28, v5;
	v28 =	vmul.f32 v30, v4;
	[tilespmem:v15+s20+$0x0] =	vst.idx.add.f32.msk $0xffff, v2  }
0x636: {  	v26 =	vtrunc.f32 v26;
	v15 =	vadd.f32 v27, v5;
	v27 =	vmul.f32 v31, v4;
	[tilespmem:v14+s20+$0x0] =	vst.idx.add.f32.msk $0xffff, v2  }
0x637: {  	v24 =	vtrunc.f32 v24;
	v14 =	vmul.f32 v32, v4;
	v28 =	vadd.f32 v28, v5;
	[tilespmem:v13+s20+$0x0] =	vst.idx.add.f32.msk $0xffff, v2  }
0x638: {  	v29 =	vtrunc.f32 v16;
	v30 =	vtrunc.f32 v15;
	v13 =	vadd.f32 v27, v5;
	[tilespmem:v11+s20+$0x0] =	vst.idx.add.f32.msk $0xffff, v2  }
0x639: {  	v18 =	vcvt.f32.s32 v18;
	v11 =	vadd.f32 v14, v5;
	v27 =	vtrunc.f32 v28;
	[tilespmem:v12+s20+$0x0] =	vst.idx.add.f32.msk $0xffff, v2  }
0x63a: {  	v19 =	vcvt.f32.s32 v19;
	v28 =	vtrunc.f32 v13;
	[tilespmem:v9+s20+$0x0] =	vst.idx.add.f32.msk $0xffff, v2  }
0x63b: {  	v20 =	vcvt.f32.s32 v20;
	v9 =	vtrunc.f32 v11;
	[tilespmem:v10+s20+$0x0] =	vst.idx.add.f32.msk $0xffff, v2  }
0x63c: {  	v16 =	vcvt.f32.s32 v21;
	v31 =	vcvt.f32.s32 v9;
	[tilespmem:v7+s20+$0x0] =	vst.idx.add.f32.msk $0xffff, v2  }
0x63d: {  	v15 =	vcvt.f32.s32 v22;
	v14 =	vcvt.f32.s32 v23;
	[tilespmem:v8+s20+$0x0] =	vst.idx.add.f32.msk $0xffff, v2  }
.Ltmp20:
0x63e: {  	v13 =	vcvt.f32.s32 v17;
	v11 =	vcvt.f32.s32 v25;
	[tilespmem:v6+s20+$0x0] =	vst.idx.add.f32.msk $0xffff, v2;
	(pc) =	sbr.rel @p0 .LBB2_42-.Ltmp20, $4  }
0x63f: {  	v12 =	vcvt.f32.s32 v26;
	v9 =	vcvt.f32.s32 v24;
	[tilespmem:v18+s20+$0x0] =	vst.idx.add.f32.msk $0xffff, v2  }
0x640: {  	v10 =	vcvt.f32.s32 v29;
	v7 =	vcvt.f32.s32 v30;
	[tilespmem:v19+s20+$0x0] =	vst.idx.add.f32.msk $0xffff, v2  }
0x641: {  	v8 =	vcvt.f32.s32 v27;
	v6 =	vcvt.f32.s32 v28;
	[tilespmem:v20+s20+$0x0] =	vst.idx.add.f32.msk $0xffff, v2  }
0x642: {  	s23 =	sadd.s32 $0x200, s23;
	[tilespmem:v31+s20+$0x0] =	vst.idx.add.f32.msk $0xffff, v2  }
0x643: {  	_ =	sdelay $0x3  }
0x644: {  	[tilespmem:v16+s20+$0x0] =	vst.idx.add.f32.msk $0xffff, v2  }
0x645: {  	[tilespmem:v15+s20+$0x0] =	vst.idx.add.f32.msk $0xffff, v2  }
0x646: {  	[tilespmem:v14+s20+$0x0] =	vst.idx.add.f32.msk $0xffff, v2  }
0x647: {  	[tilespmem:v13+s20+$0x0] =	vst.idx.add.f32.msk $0xffff, v2  }
0x648: {  	[tilespmem:v11+s20+$0x0] =	vst.idx.add.f32.msk $0xffff, v2  }
0x649: {  	[tilespmem:v12+s20+$0x0] =	vst.idx.add.f32.msk $0xffff, v2  }
0x64a: {  	[tilespmem:v9+s20+$0x0] =	vst.idx.add.f32.msk $0xffff, v2  }
0x64b: {  	[tilespmem:v10+s20+$0x0] =	vst.idx.add.f32.msk $0xffff, v2  }
0x64c: {  	[tilespmem:v7+s20+$0x0] =	vst.idx.add.f32.msk $0xffff, v2  }
0x64d: {  	[tilespmem:v8+s20+$0x0] =	vst.idx.add.f32.msk $0xffff, v2  }
0x64e: {  	[tilespmem:v6+s20+$0x0] =	vst.idx.add.f32.msk $0xffff, v2  }
0x64f: {  	[tilespmem:s18], [sflag:$0x2] =	stream.strided.gather [hbm4b:s31+s13], $0x2000, s15, s13, $0x38;
	[tilespmem:$0x1A200] =	vst v63  }
0x650: {  	_ = 	snop  }
0x651: {  	[tilespmem:s19], [sflag:$0x2] =	stream.strided.gather [hbm4b:s1+s13], $0x2000, s15, s13, $0x38;
	[tilespmem:$0x1A200] =	vst v63  }
0x652: {  	_ =	swait.ge [sflag:s8], $0x2000  }
0x653: {  	[sflag:s8] =	ssyncset.done $0x0  }
0x654: {  	s22 =	simm.s32 $0x10080;
	[sflag:s8] =	ssyncadd.s32 $0xFFFFE000  }
0x655: {  	v6 =	vld [tilespmem:s22+$0x70]  }
0x656: {  	v7 =	vld [tilespmem:s22+$0xFFFFFF90]  }
0x657: {  	v8 =	vld [tilespmem:s22+$0xFFFFFFA0]  }
0x658: {  	v9 =	vld [tilespmem:s22+$0xFFFFFFB0]  }
0x659: {  	v10 =	vld [tilespmem:s22+$0xFFFFFFC0]  }
0x65a: {  	v11 =	vld [tilespmem:s22+$0xFFFFFFD0]  }
0x65b: {  	v12 =	vld [tilespmem:s22+$0xFFFFFFE0]  }
0x65c: {  	v13 =	vld [tilespmem:s22+$0xFFFFFFF0]  }
0x65d: {  	v14 =	vld [tilespmem:s22+$0x0]  }
0x65e: {  	v15 =	vld [tilespmem:s22+$0x10]  }
0x65f: {  	v16 =	vld [tilespmem:s22+$0x20];
	v6 =	vmul.f32 v6, v4  }
0x660: {  	v17 =	vld [tilespmem:s22+$0x30];
	v7 =	vmul.f32 v7, v4;
	v8 =	vmul.f32 v8, v4  }
0x661: {  	v18 =	vld [tilespmem:s22+$0x40];
	v9 =	vmul.f32 v9, v4;
	v10 =	vmul.f32 v10, v4  }
0x662: {  	v21 =	vld [tilespmem:s22+$0x60];
	v11 =	vmul.f32 v11, v4;
	v12 =	vmul.f32 v12, v4  }
0x663: {  	v13 =	vmul.f32 v13, v4;
	v14 =	vmul.f32 v14, v4  }
0x664: {  	v15 =	vmul.f32 v15, v4;
	v16 =	vmul.f32 v16, v4  }
0x665: {  	v17 =	vmul.f32 v17, v4;
	v6 =	vadd.f32 v6, v5;
	v7 =	vadd.f32 v7, v5  }
0x666: {  	v18 =	vmul.f32 v18, v4;
	v8 =	vadd.f32 v8, v5;
	v9 =	vadd.f32 v9, v5  }
0x667: {  	v19 =	vld [tilespmem:s22+$0x50];
	v61 =	vmul.f32 v21, v4;
	v10 =	vadd.f32 v10, v5;
	v11 =	vadd.f32 v11, v5  }
0x668: {  	v20 =	vld [tilespmem:s22+$0xFFFFFF80];
	v12 =	vadd.f32 v12, v5;
	v6 =	vtrunc.f32 v6;
	v7 =	vtrunc.f32 v7  }
0x669: {  	v13 =	vadd.f32 v13, v5;
	v8 =	vtrunc.f32 v8;
	v9 =	vtrunc.f32 v9  }
0x66a: {  	v14 =	vadd.f32 v14, v5;
	v10 =	vtrunc.f32 v10;
	v11 =	vtrunc.f32 v11  }
0x66b: {  	v15 =	vadd.f32 v15, v5;
	v12 =	vtrunc.f32 v12;
	v13 =	vtrunc.f32 v13  }
0x66c: {  	v16 =	vadd.f32 v16, v5;
	v22 =	vtrunc.f32 v14;
	v14 =	vmul.f32 v19, v4  }
0x66d: {  	v17 =	vadd.f32 v17, v5;
	v19 =	vtrunc.f32 v15;
	v15 =	vmul.f32 v20, v4  }
0x66e: {  	v18 =	vadd.f32 v18, v5;
	v62 =	vtrunc.f32 v16;
	v6 =	vcvt.f32.s32 v6  }
0x66f: {  	v17 =	vtrunc.f32 v17;
	v7 =	vcvt.f32.s32 v7;
	v15 =	vadd.f32 v15, v5  }
0x670: {  	v18 =	vtrunc.f32 v18;
	v8 =	vcvt.f32.s32 v8  }
0x671: {  	v16 =	vadd.f32 v61, v5;
	v63 =	vcvt.f32.s32 v9;
	v15 =	vtrunc.f32 v15  }
0x672: {  	v13 =	vcvt.f32.s32 v13;
	v24 =	vcvt.f32.s32 v15  }
0x673: {  	v9 =	vcvt.f32.s32 v62;
	v14 =	vadd.f32 v14, v5;
	v25 =	vtrunc.f32 v16  }
0x674: {  	v16 =	vcvt.f32.s32 v10;
	v10 =	vcvt.f32.s32 v17;
	[tilespmem:v6+s20+$0x0] =	vst.idx.add.f32.msk $0xffff, v2  }
0x675: {  	v23 =	vtrunc.f32 v14;
	v14 =	vcvt.f32.s32 v12;
	[tilespmem:v7+s20+$0x0] =	vst.idx.add.f32.msk $0xffff, v2  }
0x676: {  	v12 =	vcvt.f32.s32 v19;
	v15 =	vcvt.f32.s32 v11;
	[tilespmem:v8+s20+$0x0] =	vst.idx.add.f32.msk $0xffff, v2  }
0x677: {  	v11 =	vcvt.f32.s32 v22;
	v7 =	vcvt.f32.s32 v18;
	[tilespmem:v63+s20+$0x0] =	vst.idx.add.f32.msk $0xffff, v2  }
0x678: {  	s23 =	simm.s32 $0x10180;
	s22 =	simm.s32 $0x0;
	v8 =	vcvt.f32.s32 v23;
	v6 =	vcvt.f32.s32 v25;
	[tilespmem:v24+s20+$0x0] =	vst.idx.add.f32.msk $0xffff, v2  }
.LBB2_44:
0x679: {  	v17 =	vld [tilespmem:s23+$0x70];
	s22 =	sadd.s32 $0x10, s22  }
0x67a: {  	v18 =	vld [tilespmem:s23+$0xFFFFFF90];
	p0 =	slt.u32 s22, $0x1F0  }
0x67b: {  	v19 =	vld [tilespmem:s23+$0xFFFFFFA0]  }
0x67c: {  	v20 =	vld [tilespmem:s23+$0xFFFFFFB0]  }
0x67d: {  	v21 =	vld [tilespmem:s23+$0xFFFFFFC0]  }
0x67e: {  	v22 =	vld [tilespmem:s23+$0xFFFFFFD0];
	v17 =	vmul.f32 v17, v4  }
0x67f: {  	v18 =	vmul.f32 v18, v4;
	v23 =	vld [tilespmem:s23+$0xFFFFFFE0]  }
0x680: {  	v19 =	vmul.f32 v19, v4;
	v24 =	vld [tilespmem:s23+$0xFFFFFFF0];
	v17 =	vadd.f32 v17, v5  }
0x681: {  	v18 =	vadd.f32 v18, v5;
	v20 =	vmul.f32 v20, v4;
	v25 =	vld [tilespmem:s23+$0x0]  }
0x682: {  	v19 =	vadd.f32 v19, v5;
	v21 =	vmul.f32 v21, v4;
	v26 =	vld [tilespmem:s23+$0x10];
	v17 =	vtrunc.f32 v17  }
0x683: {  	v20 =	vadd.f32 v20, v5;
	v22 =	vmul.f32 v22, v4;
	v27 =	vld [tilespmem:s23+$0x20];
	v17 =	vcvt.f32.s32 v17  }
0x684: {  	v18 =	vtrunc.f32 v18;
	v21 =	vadd.f32 v21, v5;
	v23 =	vmul.f32 v23, v4;
	v28 =	vld [tilespmem:s23+$0x30]  }
0x685: {  	v19 =	vtrunc.f32 v19;
	v22 =	vadd.f32 v22, v5;
	v24 =	vmul.f32 v24, v4;
	v29 =	vld [tilespmem:s23+$0x40]  }
0x686: {  	v20 =	vtrunc.f32 v20;
	v23 =	vadd.f32 v23, v5;
	v25 =	vmul.f32 v25, v4;
	v30 =	vld [tilespmem:s23+$0x50]  }
0x687: {  	v21 =	vtrunc.f32 v21;
	v24 =	vadd.f32 v24, v5;
	v26 =	vmul.f32 v26, v4;
	v31 =	vld [tilespmem:s23+$0x60]  }
0x688: {  	v22 =	vtrunc.f32 v22;
	v32 =	vld [tilespmem:s23+$0xFFFFFF80];
	v25 =	vadd.f32 v25, v5;
	v27 =	vmul.f32 v27, v4  }
0x689: {  	v23 =	vtrunc.f32 v23;
	v26 =	vadd.f32 v26, v5;
	v28 =	vmul.f32 v28, v4;
	[tilespmem:v17+s20+$0x0] =	vst.idx.add.f32.msk $0xffff, v2  }
0x68a: {  	v17 =	vtrunc.f32 v24;
	v24 =	vadd.f32 v27, v5;
	v27 =	vmul.f32 v29, v4;
	[tilespmem:v16+s20+$0x0] =	vst.idx.add.f32.msk $0xffff, v2  }
0x68b: {  	v25 =	vtrunc.f32 v25;
	v16 =	vadd.f32 v28, v5;
	v28 =	vmul.f32 v30, v4;
	[tilespmem:v15+s20+$0x0] =	vst.idx.add.f32.msk $0xffff, v2  }
0x68c: {  	v26 =	vtrunc.f32 v26;
	v15 =	vadd.f32 v27, v5;
	v27 =	vmul.f32 v31, v4;
	[tilespmem:v14+s20+$0x0] =	vst.idx.add.f32.msk $0xffff, v2  }
0x68d: {  	v24 =	vtrunc.f32 v24;
	v14 =	vmul.f32 v32, v4;
	v28 =	vadd.f32 v28, v5;
	[tilespmem:v13+s20+$0x0] =	vst.idx.add.f32.msk $0xffff, v2  }
0x68e: {  	v29 =	vtrunc.f32 v16;
	v30 =	vtrunc.f32 v15;
	v13 =	vadd.f32 v27, v5;
	[tilespmem:v11+s20+$0x0] =	vst.idx.add.f32.msk $0xffff, v2  }
0x68f: {  	v18 =	vcvt.f32.s32 v18;
	v11 =	vadd.f32 v14, v5;
	v27 =	vtrunc.f32 v28;
	[tilespmem:v12+s20+$0x0] =	vst.idx.add.f32.msk $0xffff, v2  }
0x690: {  	v19 =	vcvt.f32.s32 v19;
	v28 =	vtrunc.f32 v13;
	[tilespmem:v9+s20+$0x0] =	vst.idx.add.f32.msk $0xffff, v2  }
0x691: {  	v20 =	vcvt.f32.s32 v20;
	v9 =	vtrunc.f32 v11;
	[tilespmem:v10+s20+$0x0] =	vst.idx.add.f32.msk $0xffff, v2  }
0x692: {  	v16 =	vcvt.f32.s32 v21;
	v31 =	vcvt.f32.s32 v9;
	[tilespmem:v7+s20+$0x0] =	vst.idx.add.f32.msk $0xffff, v2  }
0x693: {  	v15 =	vcvt.f32.s32 v22;
	v14 =	vcvt.f32.s32 v23;
	[tilespmem:v8+s20+$0x0] =	vst.idx.add.f32.msk $0xffff, v2  }
.Ltmp21:
0x694: {  	v13 =	vcvt.f32.s32 v17;
	v11 =	vcvt.f32.s32 v25;
	[tilespmem:v6+s20+$0x0] =	vst.idx.add.f32.msk $0xffff, v2;
	(pc) =	sbr.rel @p0 .LBB2_44-.Ltmp21, $4  }
0x695: {  	v12 =	vcvt.f32.s32 v26;
	v9 =	vcvt.f32.s32 v24;
	[tilespmem:v18+s20+$0x0] =	vst.idx.add.f32.msk $0xffff, v2  }
0x696: {  	v10 =	vcvt.f32.s32 v29;
	v7 =	vcvt.f32.s32 v30;
	[tilespmem:v19+s20+$0x0] =	vst.idx.add.f32.msk $0xffff, v2  }
0x697: {  	v8 =	vcvt.f32.s32 v27;
	v6 =	vcvt.f32.s32 v28;
	[tilespmem:v20+s20+$0x0] =	vst.idx.add.f32.msk $0xffff, v2  }
0x698: {  	s23 =	sadd.s32 $0x100, s23;
	[tilespmem:v31+s20+$0x0] =	vst.idx.add.f32.msk $0xffff, v2  }
0x699: {  	_ =	sdelay $0x3  }
0x69a: {  	[tilespmem:v16+s20+$0x0] =	vst.idx.add.f32.msk $0xffff, v2  }
0x69b: {  	[tilespmem:v15+s20+$0x0] =	vst.idx.add.f32.msk $0xffff, v2  }
0x69c: {  	[tilespmem:v14+s20+$0x0] =	vst.idx.add.f32.msk $0xffff, v2  }
0x69d: {  	[tilespmem:v13+s20+$0x0] =	vst.idx.add.f32.msk $0xffff, v2  }
0x69e: {  	[tilespmem:v11+s20+$0x0] =	vst.idx.add.f32.msk $0xffff, v2  }
0x69f: {  	[tilespmem:v12+s20+$0x0] =	vst.idx.add.f32.msk $0xffff, v2  }
0x6a0: {  	[tilespmem:v9+s20+$0x0] =	vst.idx.add.f32.msk $0xffff, v2  }
0x6a1: {  	[tilespmem:v10+s20+$0x0] =	vst.idx.add.f32.msk $0xffff, v2  }
0x6a2: {  	[tilespmem:v7+s20+$0x0] =	vst.idx.add.f32.msk $0xffff, v2  }
0x6a3: {  	[tilespmem:v8+s20+$0x0] =	vst.idx.add.f32.msk $0xffff, v2  }
0x6a4: {  	[tilespmem:v6+s20+$0x0] =	vst.idx.add.f32.msk $0xffff, v2  }
0x6a5: {  	_ =	swait.ge [sflag:s8], $0x2000  }
0x6a6: {  	[sflag:s8] =	ssyncset.done $0x0  }
0x6a7: {  	s22 =	simm.s32 $0x14100;
	[sflag:s8] =	ssyncadd.s32 $0xFFFFE000  }
0x6a8: {  	v6 =	vld [tilespmem:s22+$0xB0]  }
0x6a9: {  	v7 =	vld [tilespmem:s22+$0xFFFFFF10]  }
0x6aa: {  	v8 =	vld [tilespmem:s22+$0xFFFFFF20]  }
0x6ab: {  	v9 =	vld [tilespmem:s22+$0xFFFFFF30]  }
0x6ac: {  	v10 =	vld [tilespmem:s22+$0xFFFFFF80]  }
0x6ad: {  	v11 =	vld [tilespmem:s22+$0xFFFFFF90]  }
0x6ae: {  	v12 =	vld [tilespmem:s22+$0xFFFFFFA0]  }
0x6af: {  	v13 =	vld [tilespmem:s22+$0xFFFFFFB0]  }
0x6b0: {  	v14 =	vld [tilespmem:s22+$0x0]  }
0x6b1: {  	v15 =	vld [tilespmem:s22+$0x10]  }
0x6b2: {  	v16 =	vld [tilespmem:s22+$0x20];
	v6 =	vmul.f32 v6, v4  }
0x6b3: {  	v17 =	vld [tilespmem:s22+$0x30];
	v7 =	vmul.f32 v7, v4;
	v8 =	vmul.f32 v8, v4  }
0x6b4: {  	v18 =	vld [tilespmem:s22+$0x80];
	v9 =	vmul.f32 v9, v4;
	v10 =	vmul.f32 v10, v4  }
0x6b5: {  	v21 =	vld [tilespmem:s22+$0xA0];
	v11 =	vmul.f32 v11, v4;
	v12 =	vmul.f32 v12, v4  }
0x6b6: {  	v13 =	vmul.f32 v13, v4;
	v14 =	vmul.f32 v14, v4  }
0x6b7: {  	v15 =	vmul.f32 v15, v4;
	v16 =	vmul.f32 v16, v4  }
0x6b8: {  	v17 =	vmul.f32 v17, v4;
	v6 =	vadd.f32 v6, v5;
	v7 =	vadd.f32 v7, v5  }
0x6b9: {  	v18 =	vmul.f32 v18, v4;
	v8 =	vadd.f32 v8, v5;
	v9 =	vadd.f32 v9, v5  }
0x6ba: {  	v19 =	vld [tilespmem:s22+$0x90];
	v61 =	vmul.f32 v21, v4;
	v10 =	vadd.f32 v10, v5;
	v11 =	vadd.f32 v11, v5  }
0x6bb: {  	v20 =	vld [tilespmem:s22+$0xFFFFFF00];
	v12 =	vadd.f32 v12, v5;
	v6 =	vtrunc.f32 v6;
	v7 =	vtrunc.f32 v7  }
0x6bc: {  	v13 =	vadd.f32 v13, v5;
	v8 =	vtrunc.f32 v8;
	v9 =	vtrunc.f32 v9  }
0x6bd: {  	v14 =	vadd.f32 v14, v5;
	v10 =	vtrunc.f32 v10;
	v11 =	vtrunc.f32 v11  }
0x6be: {  	v15 =	vadd.f32 v15, v5;
	v12 =	vtrunc.f32 v12;
	v13 =	vtrunc.f32 v13  }
0x6bf: {  	v16 =	vadd.f32 v16, v5;
	v22 =	vtrunc.f32 v14;
	v14 =	vmul.f32 v19, v4  }
0x6c0: {  	v17 =	vadd.f32 v17, v5;
	v19 =	vtrunc.f32 v15;
	v15 =	vmul.f32 v20, v4  }
0x6c1: {  	v18 =	vadd.f32 v18, v5;
	v62 =	vtrunc.f32 v16;
	v6 =	vcvt.f32.s32 v6  }
0x6c2: {  	v17 =	vtrunc.f32 v17;
	v7 =	vcvt.f32.s32 v7;
	v15 =	vadd.f32 v15, v5  }
0x6c3: {  	v18 =	vtrunc.f32 v18;
	v8 =	vcvt.f32.s32 v8  }
0x6c4: {  	v16 =	vadd.f32 v61, v5;
	v63 =	vcvt.f32.s32 v9;
	v15 =	vtrunc.f32 v15  }
0x6c5: {  	v13 =	vcvt.f32.s32 v13;
	v24 =	vcvt.f32.s32 v15  }
0x6c6: {  	v9 =	vcvt.f32.s32 v62;
	v14 =	vadd.f32 v14, v5;
	v25 =	vtrunc.f32 v16  }
0x6c7: {  	v16 =	vcvt.f32.s32 v10;
	v10 =	vcvt.f32.s32 v17;
	[tilespmem:v6+s20+$0x0] =	vst.idx.add.f32.msk $0xffff, v2  }
0x6c8: {  	v23 =	vtrunc.f32 v14;
	v14 =	vcvt.f32.s32 v12;
	[tilespmem:v7+s20+$0x0] =	vst.idx.add.f32.msk $0xffff, v2  }
0x6c9: {  	v12 =	vcvt.f32.s32 v19;
	v15 =	vcvt.f32.s32 v11;
	[tilespmem:v8+s20+$0x0] =	vst.idx.add.f32.msk $0xffff, v2  }
0x6ca: {  	v11 =	vcvt.f32.s32 v22;
	v7 =	vcvt.f32.s32 v18;
	[tilespmem:v63+s20+$0x0] =	vst.idx.add.f32.msk $0xffff, v2  }
0x6cb: {  	s23 =	simm.s32 $0x14300;
	s22 =	simm.s32 $0x0;
	v8 =	vcvt.f32.s32 v23;
	v6 =	vcvt.f32.s32 v25;
	[tilespmem:v24+s20+$0x0] =	vst.idx.add.f32.msk $0xffff, v2  }
.LBB2_46:
0x6cc: {  	v17 =	vld [tilespmem:s23+$0xB0];
	s22 =	sadd.s32 $0x10, s22  }
0x6cd: {  	v18 =	vld [tilespmem:s23+$0xFFFFFF10];
	p0 =	slt.u32 s22, $0xF0  }
0x6ce: {  	v19 =	vld [tilespmem:s23+$0xFFFFFF20]  }
0x6cf: {  	v20 =	vld [tilespmem:s23+$0xFFFFFF30]  }
0x6d0: {  	v21 =	vld [tilespmem:s23+$0xFFFFFF80]  }
0x6d1: {  	v22 =	vld [tilespmem:s23+$0xFFFFFF90];
	v17 =	vmul.f32 v17, v4  }
0x6d2: {  	v18 =	vmul.f32 v18, v4;
	v23 =	vld [tilespmem:s23+$0xFFFFFFA0]  }
0x6d3: {  	v19 =	vmul.f32 v19, v4;
	v24 =	vld [tilespmem:s23+$0xFFFFFFB0];
	v17 =	vadd.f32 v17, v5  }
0x6d4: {  	v18 =	vadd.f32 v18, v5;
	v20 =	vmul.f32 v20, v4;
	v25 =	vld [tilespmem:s23+$0x0]  }
0x6d5: {  	v19 =	vadd.f32 v19, v5;
	v21 =	vmul.f32 v21, v4;
	v26 =	vld [tilespmem:s23+$0x10];
	v17 =	vtrunc.f32 v17  }
0x6d6: {  	v20 =	vadd.f32 v20, v5;
	v22 =	vmul.f32 v22, v4;
	v27 =	vld [tilespmem:s23+$0x20];
	v17 =	vcvt.f32.s32 v17  }
0x6d7: {  	v18 =	vtrunc.f32 v18;
	v21 =	vadd.f32 v21, v5;
	v23 =	vmul.f32 v23, v4;
	v28 =	vld [tilespmem:s23+$0x30]  }
0x6d8: {  	v19 =	vtrunc.f32 v19;
	v22 =	vadd.f32 v22, v5;
	v24 =	vmul.f32 v24, v4;
	v29 =	vld [tilespmem:s23+$0x80]  }
0x6d9: {  	v20 =	vtrunc.f32 v20;
	v23 =	vadd.f32 v23, v5;
	v25 =	vmul.f32 v25, v4;
	v30 =	vld [tilespmem:s23+$0x90]  }
0x6da: {  	v21 =	vtrunc.f32 v21;
	v24 =	vadd.f32 v24, v5;
	v26 =	vmul.f32 v26, v4;
	v31 =	vld [tilespmem:s23+$0xA0]  }
0x6db: {  	v22 =	vtrunc.f32 v22;
	v32 =	vld [tilespmem:s23+$0xFFFFFF00];
	v25 =	vadd.f32 v25, v5;
	v27 =	vmul.f32 v27, v4  }
0x6dc: {  	v23 =	vtrunc.f32 v23;
	v26 =	vadd.f32 v26, v5;
	v28 =	vmul.f32 v28, v4;
	[tilespmem:v17+s20+$0x0] =	vst.idx.add.f32.msk $0xffff, v2  }
0x6dd: {  	v17 =	vtrunc.f32 v24;
	v24 =	vadd.f32 v27, v5;
	v27 =	vmul.f32 v29, v4;
	[tilespmem:v16+s20+$0x0] =	vst.idx.add.f32.msk $0xffff, v2  }
0x6de: {  	v25 =	vtrunc.f32 v25;
	v16 =	vadd.f32 v28, v5;
	v28 =	vmul.f32 v30, v4;
	[tilespmem:v15+s20+$0x0] =	vst.idx.add.f32.msk $0xffff, v2  }
0x6df: {  	v26 =	vtrunc.f32 v26;
	v15 =	vadd.f32 v27, v5;
	v27 =	vmul.f32 v31, v4;
	[tilespmem:v14+s20+$0x0] =	vst.idx.add.f32.msk $0xffff, v2  }
0x6e0: {  	v24 =	vtrunc.f32 v24;
	v14 =	vmul.f32 v32, v4;
	v28 =	vadd.f32 v28, v5;
	[tilespmem:v13+s20+$0x0] =	vst.idx.add.f32.msk $0xffff, v2  }
0x6e1: {  	v29 =	vtrunc.f32 v16;
	v30 =	vtrunc.f32 v15;
	v13 =	vadd.f32 v27, v5;
	[tilespmem:v11+s20+$0x0] =	vst.idx.add.f32.msk $0xffff, v2  }
0x6e2: {  	v18 =	vcvt.f32.s32 v18;
	v11 =	vadd.f32 v14, v5;
	v27 =	vtrunc.f32 v28;
	[tilespmem:v12+s20+$0x0] =	vst.idx.add.f32.msk $0xffff, v2  }
0x6e3: {  	v19 =	vcvt.f32.s32 v19;
	v28 =	vtrunc.f32 v13;
	[tilespmem:v9+s20+$0x0] =	vst.idx.add.f32.msk $0xffff, v2  }
0x6e4: {  	v20 =	vcvt.f32.s32 v20;
	v9 =	vtrunc.f32 v11;
	[tilespmem:v10+s20+$0x0] =	vst.idx.add.f32.msk $0xffff, v2  }
0x6e5: {  	v16 =	vcvt.f32.s32 v21;
	v31 =	vcvt.f32.s32 v9;
	[tilespmem:v7+s20+$0x0] =	vst.idx.add.f32.msk $0xffff, v2  }
0x6e6: {  	v15 =	vcvt.f32.s32 v22;
	v14 =	vcvt.f32.s32 v23;
	[tilespmem:v8+s20+$0x0] =	vst.idx.add.f32.msk $0xffff, v2  }
.Ltmp22:
0x6e7: {  	v13 =	vcvt.f32.s32 v17;
	v11 =	vcvt.f32.s32 v25;
	[tilespmem:v6+s20+$0x0] =	vst.idx.add.f32.msk $0xffff, v2;
	(pc) =	sbr.rel @p0 .LBB2_46-.Ltmp22, $4  }
0x6e8: {  	v12 =	vcvt.f32.s32 v26;
	v9 =	vcvt.f32.s32 v24;
	[tilespmem:v18+s20+$0x0] =	vst.idx.add.f32.msk $0xffff, v2  }
0x6e9: {  	v10 =	vcvt.f32.s32 v29;
	v7 =	vcvt.f32.s32 v30;
	[tilespmem:v19+s20+$0x0] =	vst.idx.add.f32.msk $0xffff, v2  }
0x6ea: {  	v8 =	vcvt.f32.s32 v27;
	v6 =	vcvt.f32.s32 v28;
	[tilespmem:v20+s20+$0x0] =	vst.idx.add.f32.msk $0xffff, v2  }
0x6eb: {  	s23 =	sadd.s32 $0x200, s23;
	[tilespmem:v31+s20+$0x0] =	vst.idx.add.f32.msk $0xffff, v2  }
0x6ec: {  	_ =	sdelay $0x3  }
0x6ed: {  	[tilespmem:v16+s20+$0x0] =	vst.idx.add.f32.msk $0xffff, v2  }
0x6ee: {  	[tilespmem:v15+s20+$0x0] =	vst.idx.add.f32.msk $0xffff, v2  }
0x6ef: {  	[tilespmem:v14+s20+$0x0] =	vst.idx.add.f32.msk $0xffff, v2  }
0x6f0: {  	[tilespmem:v13+s20+$0x0] =	vst.idx.add.f32.msk $0xffff, v2  }
0x6f1: {  	[tilespmem:v11+s20+$0x0] =	vst.idx.add.f32.msk $0xffff, v2  }
0x6f2: {  	[tilespmem:v12+s20+$0x0] =	vst.idx.add.f32.msk $0xffff, v2  }
0x6f3: {  	[tilespmem:v9+s20+$0x0] =	vst.idx.add.f32.msk $0xffff, v2  }
0x6f4: {  	[tilespmem:v10+s20+$0x0] =	vst.idx.add.f32.msk $0xffff, v2  }
0x6f5: {  	[tilespmem:v7+s20+$0x0] =	vst.idx.add.f32.msk $0xffff, v2  }
0x6f6: {  	[tilespmem:v8+s20+$0x0] =	vst.idx.add.f32.msk $0xffff, v2  }
0x6f7: {  	[tilespmem:v6+s20+$0x0] =	vst.idx.add.f32.msk $0xffff, v2  }
0x6f8: {  	[tilespmem:s16], [sflag:$0x1] =	stream.strided.gather [hbm4b:s0+s13], $0x2000, s15, s13, $0x38;
	[tilespmem:$0x1A200] =	vst v63  }
0x6f9: {  	_ = 	snop  }
0x6fa: {  	[tilespmem:s17], [sflag:$0x1] =	stream.strided.gather [hbm4b:s2+s13], $0x2000, s15, s13, $0x38;
	[tilespmem:$0x1A200] =	vst v63  }
0x6fb: {  	_ =	swait.ge [sflag:s12], $0x2000  }
0x6fc: {  	[sflag:s12] =	ssyncset.done $0x0  }
0x6fd: {  	s22 =	simm.s32 $0x12080;
	[sflag:s12] =	ssyncadd.s32 $0xFFFFE000  }
0x6fe: {  	v6 =	vld [tilespmem:s22+$0x70]  }
0x6ff: {  	v7 =	vld [tilespmem:s22+$0xFFFFFF90]  }
0x700: {  	v8 =	vld [tilespmem:s22+$0xFFFFFFA0]  }
0x701: {  	v9 =	vld [tilespmem:s22+$0xFFFFFFB0]  }
0x702: {  	v10 =	vld [tilespmem:s22+$0xFFFFFFC0]  }
0x703: {  	v11 =	vld [tilespmem:s22+$0xFFFFFFD0]  }
0x704: {  	v12 =	vld [tilespmem:s22+$0xFFFFFFE0]  }
0x705: {  	v13 =	vld [tilespmem:s22+$0xFFFFFFF0]  }
0x706: {  	v14 =	vld [tilespmem:s22+$0x0]  }
0x707: {  	v15 =	vld [tilespmem:s22+$0x10]  }
0x708: {  	v16 =	vld [tilespmem:s22+$0x20];
	v6 =	vmul.f32 v6, v4  }
0x709: {  	v17 =	vld [tilespmem:s22+$0x30];
	v7 =	vmul.f32 v7, v4;
	v8 =	vmul.f32 v8, v4  }
0x70a: {  	v18 =	vld [tilespmem:s22+$0x40];
	v9 =	vmul.f32 v9, v4;
	v10 =	vmul.f32 v10, v4  }
0x70b: {  	v21 =	vld [tilespmem:s22+$0x60];
	v11 =	vmul.f32 v11, v4;
	v12 =	vmul.f32 v12, v4  }
0x70c: {  	v13 =	vmul.f32 v13, v4;
	v14 =	vmul.f32 v14, v4  }
0x70d: {  	v15 =	vmul.f32 v15, v4;
	v16 =	vmul.f32 v16, v4  }
0x70e: {  	v17 =	vmul.f32 v17, v4;
	v6 =	vadd.f32 v6, v5;
	v7 =	vadd.f32 v7, v5  }
0x70f: {  	v18 =	vmul.f32 v18, v4;
	v8 =	vadd.f32 v8, v5;
	v9 =	vadd.f32 v9, v5  }
0x710: {  	v19 =	vld [tilespmem:s22+$0x50];
	v61 =	vmul.f32 v21, v4;
	v10 =	vadd.f32 v10, v5;
	v11 =	vadd.f32 v11, v5  }
0x711: {  	v20 =	vld [tilespmem:s22+$0xFFFFFF80];
	v12 =	vadd.f32 v12, v5;
	v6 =	vtrunc.f32 v6;
	v7 =	vtrunc.f32 v7  }
0x712: {  	v13 =	vadd.f32 v13, v5;
	v8 =	vtrunc.f32 v8;
	v9 =	vtrunc.f32 v9  }
0x713: {  	v14 =	vadd.f32 v14, v5;
	v10 =	vtrunc.f32 v10;
	v11 =	vtrunc.f32 v11  }
0x714: {  	v15 =	vadd.f32 v15, v5;
	v12 =	vtrunc.f32 v12;
	v13 =	vtrunc.f32 v13  }
0x715: {  	v16 =	vadd.f32 v16, v5;
	v22 =	vtrunc.f32 v14;
	v14 =	vmul.f32 v19, v4  }
0x716: {  	v17 =	vadd.f32 v17, v5;
	v19 =	vtrunc.f32 v15;
	v15 =	vmul.f32 v20, v4  }
0x717: {  	v18 =	vadd.f32 v18, v5;
	v62 =	vtrunc.f32 v16;
	v6 =	vcvt.f32.s32 v6  }
0x718: {  	v17 =	vtrunc.f32 v17;
	v7 =	vcvt.f32.s32 v7;
	v15 =	vadd.f32 v15, v5  }
0x719: {  	v18 =	vtrunc.f32 v18;
	v8 =	vcvt.f32.s32 v8  }
0x71a: {  	v16 =	vadd.f32 v61, v5;
	v63 =	vcvt.f32.s32 v9;
	v15 =	vtrunc.f32 v15  }
0x71b: {  	v13 =	vcvt.f32.s32 v13;
	v24 =	vcvt.f32.s32 v15  }
0x71c: {  	v9 =	vcvt.f32.s32 v62;
	v14 =	vadd.f32 v14, v5;
	v25 =	vtrunc.f32 v16  }
0x71d: {  	v16 =	vcvt.f32.s32 v10;
	v10 =	vcvt.f32.s32 v17;
	[tilespmem:v6+s20+$0x0] =	vst.idx.add.f32.msk $0xffff, v2  }
0x71e: {  	v23 =	vtrunc.f32 v14;
	v14 =	vcvt.f32.s32 v12;
	[tilespmem:v7+s20+$0x0] =	vst.idx.add.f32.msk $0xffff, v2  }
0x71f: {  	v12 =	vcvt.f32.s32 v19;
	v15 =	vcvt.f32.s32 v11;
	[tilespmem:v8+s20+$0x0] =	vst.idx.add.f32.msk $0xffff, v2  }
0x720: {  	v11 =	vcvt.f32.s32 v22;
	v7 =	vcvt.f32.s32 v18;
	[tilespmem:v63+s20+$0x0] =	vst.idx.add.f32.msk $0xffff, v2  }
0x721: {  	s23 =	simm.s32 $0x12180;
	s22 =	simm.s32 $0x0;
	v8 =	vcvt.f32.s32 v23;
	v6 =	vcvt.f32.s32 v25;
	[tilespmem:v24+s20+$0x0] =	vst.idx.add.f32.msk $0xffff, v2  }
.LBB2_48:
0x722: {  	v17 =	vld [tilespmem:s23+$0x70];
	s22 =	sadd.s32 $0x10, s22  }
0x723: {  	v18 =	vld [tilespmem:s23+$0xFFFFFF90];
	p0 =	slt.u32 s22, $0x1F0  }
0x724: {  	v19 =	vld [tilespmem:s23+$0xFFFFFFA0]  }
0x725: {  	v20 =	vld [tilespmem:s23+$0xFFFFFFB0]  }
0x726: {  	v21 =	vld [tilespmem:s23+$0xFFFFFFC0]  }
0x727: {  	v22 =	vld [tilespmem:s23+$0xFFFFFFD0];
	v17 =	vmul.f32 v17, v4  }
0x728: {  	v18 =	vmul.f32 v18, v4;
	v23 =	vld [tilespmem:s23+$0xFFFFFFE0]  }
0x729: {  	v19 =	vmul.f32 v19, v4;
	v24 =	vld [tilespmem:s23+$0xFFFFFFF0];
	v17 =	vadd.f32 v17, v5  }
0x72a: {  	v18 =	vadd.f32 v18, v5;
	v20 =	vmul.f32 v20, v4;
	v25 =	vld [tilespmem:s23+$0x0]  }
0x72b: {  	v19 =	vadd.f32 v19, v5;
	v21 =	vmul.f32 v21, v4;
	v26 =	vld [tilespmem:s23+$0x10];
	v17 =	vtrunc.f32 v17  }
0x72c: {  	v20 =	vadd.f32 v20, v5;
	v22 =	vmul.f32 v22, v4;
	v27 =	vld [tilespmem:s23+$0x20];
	v17 =	vcvt.f32.s32 v17  }
0x72d: {  	v18 =	vtrunc.f32 v18;
	v21 =	vadd.f32 v21, v5;
	v23 =	vmul.f32 v23, v4;
	v28 =	vld [tilespmem:s23+$0x30]  }
0x72e: {  	v19 =	vtrunc.f32 v19;
	v22 =	vadd.f32 v22, v5;
	v24 =	vmul.f32 v24, v4;
	v29 =	vld [tilespmem:s23+$0x40]  }
0x72f: {  	v20 =	vtrunc.f32 v20;
	v23 =	vadd.f32 v23, v5;
	v25 =	vmul.f32 v25, v4;
	v30 =	vld [tilespmem:s23+$0x50]  }
0x730: {  	v21 =	vtrunc.f32 v21;
	v24 =	vadd.f32 v24, v5;
	v26 =	vmul.f32 v26, v4;
	v31 =	vld [tilespmem:s23+$0x60]  }
0x731: {  	v22 =	vtrunc.f32 v22;
	v32 =	vld [tilespmem:s23+$0xFFFFFF80];
	v25 =	vadd.f32 v25, v5;
	v27 =	vmul.f32 v27, v4  }
0x732: {  	v23 =	vtrunc.f32 v23;
	v26 =	vadd.f32 v26, v5;
	v28 =	vmul.f32 v28, v4;
	[tilespmem:v17+s20+$0x0] =	vst.idx.add.f32.msk $0xffff, v2  }
0x733: {  	v17 =	vtrunc.f32 v24;
	v24 =	vadd.f32 v27, v5;
	v27 =	vmul.f32 v29, v4;
	[tilespmem:v16+s20+$0x0] =	vst.idx.add.f32.msk $0xffff, v2  }
0x734: {  	v25 =	vtrunc.f32 v25;
	v16 =	vadd.f32 v28, v5;
	v28 =	vmul.f32 v30, v4;
	[tilespmem:v15+s20+$0x0] =	vst.idx.add.f32.msk $0xffff, v2  }
0x735: {  	v26 =	vtrunc.f32 v26;
	v15 =	vadd.f32 v27, v5;
	v27 =	vmul.f32 v31, v4;
	[tilespmem:v14+s20+$0x0] =	vst.idx.add.f32.msk $0xffff, v2  }
0x736: {  	v24 =	vtrunc.f32 v24;
	v14 =	vmul.f32 v32, v4;
	v28 =	vadd.f32 v28, v5;
	[tilespmem:v13+s20+$0x0] =	vst.idx.add.f32.msk $0xffff, v2  }
0x737: {  	v29 =	vtrunc.f32 v16;
	v30 =	vtrunc.f32 v15;
	v13 =	vadd.f32 v27, v5;
	[tilespmem:v11+s20+$0x0] =	vst.idx.add.f32.msk $0xffff, v2  }
0x738: {  	v18 =	vcvt.f32.s32 v18;
	v11 =	vadd.f32 v14, v5;
	v27 =	vtrunc.f32 v28;
	[tilespmem:v12+s20+$0x0] =	vst.idx.add.f32.msk $0xffff, v2  }
0x739: {  	v19 =	vcvt.f32.s32 v19;
	v28 =	vtrunc.f32 v13;
	[tilespmem:v9+s20+$0x0] =	vst.idx.add.f32.msk $0xffff, v2  }
0x73a: {  	v20 =	vcvt.f32.s32 v20;
	v9 =	vtrunc.f32 v11;
	[tilespmem:v10+s20+$0x0] =	vst.idx.add.f32.msk $0xffff, v2  }
0x73b: {  	v16 =	vcvt.f32.s32 v21;
	v31 =	vcvt.f32.s32 v9;
	[tilespmem:v7+s20+$0x0] =	vst.idx.add.f32.msk $0xffff, v2  }
0x73c: {  	v15 =	vcvt.f32.s32 v22;
	v14 =	vcvt.f32.s32 v23;
	[tilespmem:v8+s20+$0x0] =	vst.idx.add.f32.msk $0xffff, v2  }
.Ltmp23:
0x73d: {  	v13 =	vcvt.f32.s32 v17;
	v11 =	vcvt.f32.s32 v25;
	[tilespmem:v6+s20+$0x0] =	vst.idx.add.f32.msk $0xffff, v2;
	(pc) =	sbr.rel @p0 .LBB2_48-.Ltmp23, $4  }
0x73e: {  	v12 =	vcvt.f32.s32 v26;
	v9 =	vcvt.f32.s32 v24;
	[tilespmem:v18+s20+$0x0] =	vst.idx.add.f32.msk $0xffff, v2  }
0x73f: {  	v10 =	vcvt.f32.s32 v29;
	v7 =	vcvt.f32.s32 v30;
	[tilespmem:v19+s20+$0x0] =	vst.idx.add.f32.msk $0xffff, v2  }
0x740: {  	v8 =	vcvt.f32.s32 v27;
	v6 =	vcvt.f32.s32 v28;
	[tilespmem:v20+s20+$0x0] =	vst.idx.add.f32.msk $0xffff, v2  }
0x741: {  	s23 =	sadd.s32 $0x100, s23;
	[tilespmem:v31+s20+$0x0] =	vst.idx.add.f32.msk $0xffff, v2  }
0x742: {  	_ =	sdelay $0x3  }
0x743: {  	[tilespmem:v16+s20+$0x0] =	vst.idx.add.f32.msk $0xffff, v2  }
0x744: {  	[tilespmem:v15+s20+$0x0] =	vst.idx.add.f32.msk $0xffff, v2  }
0x745: {  	[tilespmem:v14+s20+$0x0] =	vst.idx.add.f32.msk $0xffff, v2  }
0x746: {  	[tilespmem:v13+s20+$0x0] =	vst.idx.add.f32.msk $0xffff, v2  }
0x747: {  	[tilespmem:v11+s20+$0x0] =	vst.idx.add.f32.msk $0xffff, v2  }
0x748: {  	[tilespmem:v12+s20+$0x0] =	vst.idx.add.f32.msk $0xffff, v2  }
0x749: {  	[tilespmem:v9+s20+$0x0] =	vst.idx.add.f32.msk $0xffff, v2  }
0x74a: {  	[tilespmem:v10+s20+$0x0] =	vst.idx.add.f32.msk $0xffff, v2  }
0x74b: {  	[tilespmem:v7+s20+$0x0] =	vst.idx.add.f32.msk $0xffff, v2  }
0x74c: {  	[tilespmem:v8+s20+$0x0] =	vst.idx.add.f32.msk $0xffff, v2  }
0x74d: {  	[tilespmem:v6+s20+$0x0] =	vst.idx.add.f32.msk $0xffff, v2  }
0x74e: {  	_ =	swait.ge [sflag:s12], $0x2000  }
0x74f: {  	[sflag:s12] =	ssyncset.done $0x0  }
0x750: {  	s22 =	simm.s32 $0x16100;
	[sflag:s12] =	ssyncadd.s32 $0xFFFFE000  }
0x751: {  	v6 =	vld [tilespmem:s22+$0xB0]  }
0x752: {  	v7 =	vld [tilespmem:s22+$0xFFFFFF10]  }
0x753: {  	v8 =	vld [tilespmem:s22+$0xFFFFFF20]  }
0x754: {  	v9 =	vld [tilespmem:s22+$0xFFFFFF30]  }
0x755: {  	v10 =	vld [tilespmem:s22+$0xFFFFFF80]  }
0x756: {  	v11 =	vld [tilespmem:s22+$0xFFFFFF90]  }
0x757: {  	v12 =	vld [tilespmem:s22+$0xFFFFFFA0]  }
0x758: {  	v13 =	vld [tilespmem:s22+$0xFFFFFFB0]  }
0x759: {  	v14 =	vld [tilespmem:s22+$0x0]  }
0x75a: {  	v15 =	vld [tilespmem:s22+$0x10]  }
0x75b: {  	v16 =	vld [tilespmem:s22+$0x20];
	v6 =	vmul.f32 v6, v4  }
0x75c: {  	v17 =	vld [tilespmem:s22+$0x30];
	v7 =	vmul.f32 v7, v4;
	v8 =	vmul.f32 v8, v4  }
0x75d: {  	v18 =	vld [tilespmem:s22+$0x80];
	v9 =	vmul.f32 v9, v4;
	v10 =	vmul.f32 v10, v4  }
0x75e: {  	v21 =	vld [tilespmem:s22+$0xA0];
	v11 =	vmul.f32 v11, v4;
	v12 =	vmul.f32 v12, v4  }
0x75f: {  	v13 =	vmul.f32 v13, v4;
	v14 =	vmul.f32 v14, v4  }
0x760: {  	v15 =	vmul.f32 v15, v4;
	v16 =	vmul.f32 v16, v4  }
0x761: {  	v17 =	vmul.f32 v17, v4;
	v6 =	vadd.f32 v6, v5;
	v7 =	vadd.f32 v7, v5  }
0x762: {  	v18 =	vmul.f32 v18, v4;
	v8 =	vadd.f32 v8, v5;
	v9 =	vadd.f32 v9, v5  }
0x763: {  	v19 =	vld [tilespmem:s22+$0x90];
	v61 =	vmul.f32 v21, v4;
	v10 =	vadd.f32 v10, v5;
	v11 =	vadd.f32 v11, v5  }
0x764: {  	v20 =	vld [tilespmem:s22+$0xFFFFFF00];
	v12 =	vadd.f32 v12, v5;
	v6 =	vtrunc.f32 v6;
	v7 =	vtrunc.f32 v7  }
0x765: {  	v13 =	vadd.f32 v13, v5;
	v8 =	vtrunc.f32 v8;
	v9 =	vtrunc.f32 v9  }
0x766: {  	v14 =	vadd.f32 v14, v5;
	v10 =	vtrunc.f32 v10;
	v11 =	vtrunc.f32 v11  }
0x767: {  	v15 =	vadd.f32 v15, v5;
	v12 =	vtrunc.f32 v12;
	v13 =	vtrunc.f32 v13  }
0x768: {  	v16 =	vadd.f32 v16, v5;
	v22 =	vtrunc.f32 v14;
	v14 =	vmul.f32 v19, v4  }
0x769: {  	v17 =	vadd.f32 v17, v5;
	v19 =	vtrunc.f32 v15;
	v15 =	vmul.f32 v20, v4  }
0x76a: {  	v18 =	vadd.f32 v18, v5;
	v62 =	vtrunc.f32 v16;
	v6 =	vcvt.f32.s32 v6  }
0x76b: {  	v17 =	vtrunc.f32 v17;
	v7 =	vcvt.f32.s32 v7;
	v15 =	vadd.f32 v15, v5  }
0x76c: {  	v18 =	vtrunc.f32 v18;
	v8 =	vcvt.f32.s32 v8  }
0x76d: {  	v16 =	vadd.f32 v61, v5;
	v63 =	vcvt.f32.s32 v9;
	v15 =	vtrunc.f32 v15  }
0x76e: {  	v13 =	vcvt.f32.s32 v13;
	v24 =	vcvt.f32.s32 v15  }
0x76f: {  	v9 =	vcvt.f32.s32 v62;
	v14 =	vadd.f32 v14, v5;
	v25 =	vtrunc.f32 v16  }
0x770: {  	v16 =	vcvt.f32.s32 v10;
	v10 =	vcvt.f32.s32 v17;
	[tilespmem:v6+s20+$0x0] =	vst.idx.add.f32.msk $0xffff, v2  }
0x771: {  	v23 =	vtrunc.f32 v14;
	v14 =	vcvt.f32.s32 v12;
	[tilespmem:v7+s20+$0x0] =	vst.idx.add.f32.msk $0xffff, v2  }
0x772: {  	v12 =	vcvt.f32.s32 v19;
	v15 =	vcvt.f32.s32 v11;
	[tilespmem:v8+s20+$0x0] =	vst.idx.add.f32.msk $0xffff, v2  }
0x773: {  	v11 =	vcvt.f32.s32 v22;
	v7 =	vcvt.f32.s32 v18;
	[tilespmem:v63+s20+$0x0] =	vst.idx.add.f32.msk $0xffff, v2  }
0x774: {  	s23 =	simm.s32 $0x16300;
	s22 =	simm.s32 $0x0;
	v8 =	vcvt.f32.s32 v23;
	v6 =	vcvt.f32.s32 v25;
	[tilespmem:v24+s20+$0x0] =	vst.idx.add.f32.msk $0xffff, v2  }
.LBB2_50:
0x775: {  	v17 =	vld [tilespmem:s23+$0xB0];
	s22 =	sadd.s32 $0x10, s22  }
0x776: {  	v18 =	vld [tilespmem:s23+$0xFFFFFF10];
	p0 =	slt.u32 s22, $0xF0  }
0x777: {  	v19 =	vld [tilespmem:s23+$0xFFFFFF20]  }
0x778: {  	v20 =	vld [tilespmem:s23+$0xFFFFFF30]  }
0x779: {  	v21 =	vld [tilespmem:s23+$0xFFFFFF80]  }
0x77a: {  	v22 =	vld [tilespmem:s23+$0xFFFFFF90];
	v17 =	vmul.f32 v17, v4  }
0x77b: {  	v18 =	vmul.f32 v18, v4;
	v23 =	vld [tilespmem:s23+$0xFFFFFFA0]  }
0x77c: {  	v19 =	vmul.f32 v19, v4;
	v24 =	vld [tilespmem:s23+$0xFFFFFFB0];
	v17 =	vadd.f32 v17, v5  }
0x77d: {  	v18 =	vadd.f32 v18, v5;
	v20 =	vmul.f32 v20, v4;
	v25 =	vld [tilespmem:s23+$0x0]  }
0x77e: {  	v19 =	vadd.f32 v19, v5;
	v21 =	vmul.f32 v21, v4;
	v26 =	vld [tilespmem:s23+$0x10];
	v17 =	vtrunc.f32 v17  }
0x77f: {  	v20 =	vadd.f32 v20, v5;
	v22 =	vmul.f32 v22, v4;
	v27 =	vld [tilespmem:s23+$0x20];
	v17 =	vcvt.f32.s32 v17  }
0x780: {  	v18 =	vtrunc.f32 v18;
	v21 =	vadd.f32 v21, v5;
	v23 =	vmul.f32 v23, v4;
	v28 =	vld [tilespmem:s23+$0x30]  }
0x781: {  	v19 =	vtrunc.f32 v19;
	v22 =	vadd.f32 v22, v5;
	v24 =	vmul.f32 v24, v4;
	v29 =	vld [tilespmem:s23+$0x80]  }
0x782: {  	v20 =	vtrunc.f32 v20;
	v23 =	vadd.f32 v23, v5;
	v25 =	vmul.f32 v25, v4;
	v30 =	vld [tilespmem:s23+$0x90]  }
0x783: {  	v21 =	vtrunc.f32 v21;
	v24 =	vadd.f32 v24, v5;
	v26 =	vmul.f32 v26, v4;
	v31 =	vld [tilespmem:s23+$0xA0]  }
0x784: {  	v22 =	vtrunc.f32 v22;
	v32 =	vld [tilespmem:s23+$0xFFFFFF00];
	v25 =	vadd.f32 v25, v5;
	v27 =	vmul.f32 v27, v4  }
0x785: {  	v23 =	vtrunc.f32 v23;
	v26 =	vadd.f32 v26, v5;
	v28 =	vmul.f32 v28, v4;
	[tilespmem:v17+s20+$0x0] =	vst.idx.add.f32.msk $0xffff, v2  }
0x786: {  	v17 =	vtrunc.f32 v24;
	v24 =	vadd.f32 v27, v5;
	v27 =	vmul.f32 v29, v4;
	[tilespmem:v16+s20+$0x0] =	vst.idx.add.f32.msk $0xffff, v2  }
0x787: {  	v25 =	vtrunc.f32 v25;
	v16 =	vadd.f32 v28, v5;
	v28 =	vmul.f32 v30, v4;
	[tilespmem:v15+s20+$0x0] =	vst.idx.add.f32.msk $0xffff, v2  }
0x788: {  	v26 =	vtrunc.f32 v26;
	v15 =	vadd.f32 v27, v5;
	v27 =	vmul.f32 v31, v4;
	[tilespmem:v14+s20+$0x0] =	vst.idx.add.f32.msk $0xffff, v2  }
0x789: {  	v24 =	vtrunc.f32 v24;
	v14 =	vmul.f32 v32, v4;
	v28 =	vadd.f32 v28, v5;
	[tilespmem:v13+s20+$0x0] =	vst.idx.add.f32.msk $0xffff, v2  }
0x78a: {  	v29 =	vtrunc.f32 v16;
	v30 =	vtrunc.f32 v15;
	v13 =	vadd.f32 v27, v5;
	[tilespmem:v11+s20+$0x0] =	vst.idx.add.f32.msk $0xffff, v2  }
0x78b: {  	v18 =	vcvt.f32.s32 v18;
	v11 =	vadd.f32 v14, v5;
	v27 =	vtrunc.f32 v28;
	[tilespmem:v12+s20+$0x0] =	vst.idx.add.f32.msk $0xffff, v2  }
0x78c: {  	v19 =	vcvt.f32.s32 v19;
	v28 =	vtrunc.f32 v13;
	[tilespmem:v9+s20+$0x0] =	vst.idx.add.f32.msk $0xffff, v2  }
0x78d: {  	v20 =	vcvt.f32.s32 v20;
	v9 =	vtrunc.f32 v11;
	[tilespmem:v10+s20+$0x0] =	vst.idx.add.f32.msk $0xffff, v2  }
0x78e: {  	v16 =	vcvt.f32.s32 v21;
	v31 =	vcvt.f32.s32 v9;
	[tilespmem:v7+s20+$0x0] =	vst.idx.add.f32.msk $0xffff, v2  }
0x78f: {  	v15 =	vcvt.f32.s32 v22;
	v14 =	vcvt.f32.s32 v23;
	[tilespmem:v8+s20+$0x0] =	vst.idx.add.f32.msk $0xffff, v2  }
.Ltmp24:
0x790: {  	v13 =	vcvt.f32.s32 v17;
	v11 =	vcvt.f32.s32 v25;
	[tilespmem:v6+s20+$0x0] =	vst.idx.add.f32.msk $0xffff, v2;
	(pc) =	sbr.rel @p0 .LBB2_50-.Ltmp24, $4  }
0x791: {  	v12 =	vcvt.f32.s32 v26;
	v9 =	vcvt.f32.s32 v24;
	[tilespmem:v18+s20+$0x0] =	vst.idx.add.f32.msk $0xffff, v2  }
0x792: {  	v10 =	vcvt.f32.s32 v29;
	v7 =	vcvt.f32.s32 v30;
	[tilespmem:v19+s20+$0x0] =	vst.idx.add.f32.msk $0xffff, v2  }
0x793: {  	v8 =	vcvt.f32.s32 v27;
	v6 =	vcvt.f32.s32 v28;
	[tilespmem:v20+s20+$0x0] =	vst.idx.add.f32.msk $0xffff, v2  }
0x794: {  	s23 =	sadd.s32 $0x200, s23;
	[tilespmem:v31+s20+$0x0] =	vst.idx.add.f32.msk $0xffff, v2  }
0x795: {  	_ =	sdelay $0x3  }
0x796: {  	[tilespmem:v16+s20+$0x0] =	vst.idx.add.f32.msk $0xffff, v2  }
0x797: {  	[tilespmem:v15+s20+$0x0] =	vst.idx.add.f32.msk $0xffff, v2  }
0x798: {  	[tilespmem:v14+s20+$0x0] =	vst.idx.add.f32.msk $0xffff, v2  }
0x799: {  	[tilespmem:v13+s20+$0x0] =	vst.idx.add.f32.msk $0xffff, v2  }
0x79a: {  	[tilespmem:v11+s20+$0x0] =	vst.idx.add.f32.msk $0xffff, v2  }
0x79b: {  	[tilespmem:v12+s20+$0x0] =	vst.idx.add.f32.msk $0xffff, v2  }
0x79c: {  	[tilespmem:v9+s20+$0x0] =	vst.idx.add.f32.msk $0xffff, v2  }
0x79d: {  	[tilespmem:v10+s20+$0x0] =	vst.idx.add.f32.msk $0xffff, v2  }
0x79e: {  	[tilespmem:v7+s20+$0x0] =	vst.idx.add.f32.msk $0xffff, v2  }
0x79f: {  	[tilespmem:v8+s20+$0x0] =	vst.idx.add.f32.msk $0xffff, v2  }
0x7a0: {  	[tilespmem:v6+s20+$0x0] =	vst.idx.add.f32.msk $0xffff, v2  }
0x7a1: {  	[tilespmem:s18], [sflag:$0x2] =	stream.strided.gather [hbm4b:s3+s13], $0x2000, s15, s13, $0x38;
	[tilespmem:$0x1A200] =	vst v63  }
0x7a2: {  	_ = 	snop  }
0x7a3: {  	[tilespmem:s19], [sflag:$0x2] =	stream.strided.gather [hbm4b:s5+s13], $0x2000, s15, s13, $0x38;
	[tilespmem:$0x1A200] =	vst v63  }
0x7a4: {  	_ =	swait.ge [sflag:s8], $0x2000  }
0x7a5: {  	[sflag:s8] =	ssyncset.done $0x0  }
0x7a6: {  	s22 =	simm.s32 $0x10080;
	[sflag:s8] =	ssyncadd.s32 $0xFFFFE000  }
0x7a7: {  	v6 =	vld [tilespmem:s22+$0x70]  }
0x7a8: {  	v7 =	vld [tilespmem:s22+$0xFFFFFF90]  }
0x7a9: {  	v8 =	vld [tilespmem:s22+$0xFFFFFFA0]  }
0x7aa: {  	v9 =	vld [tilespmem:s22+$0xFFFFFFB0]  }
0x7ab: {  	v10 =	vld [tilespmem:s22+$0xFFFFFFC0]  }
0x7ac: {  	v11 =	vld [tilespmem:s22+$0xFFFFFFD0]  }
0x7ad: {  	v12 =	vld [tilespmem:s22+$0xFFFFFFE0]  }
0x7ae: {  	v13 =	vld [tilespmem:s22+$0xFFFFFFF0]  }
0x7af: {  	v14 =	vld [tilespmem:s22+$0x0]  }
0x7b0: {  	v15 =	vld [tilespmem:s22+$0x10]  }
0x7b1: {  	v16 =	vld [tilespmem:s22+$0x20];
	v6 =	vmul.f32 v6, v4  }
0x7b2: {  	v17 =	vld [tilespmem:s22+$0x30];
	v7 =	vmul.f32 v7, v4;
	v8 =	vmul.f32 v8, v4  }
0x7b3: {  	v18 =	vld [tilespmem:s22+$0x40];
	v9 =	vmul.f32 v9, v4;
	v10 =	vmul.f32 v10, v4  }
0x7b4: {  	v21 =	vld [tilespmem:s22+$0x60];
	v11 =	vmul.f32 v11, v4;
	v12 =	vmul.f32 v12, v4  }
0x7b5: {  	v13 =	vmul.f32 v13, v4;
	v14 =	vmul.f32 v14, v4  }
0x7b6: {  	v15 =	vmul.f32 v15, v4;
	v16 =	vmul.f32 v16, v4  }
0x7b7: {  	v17 =	vmul.f32 v17, v4;
	v6 =	vadd.f32 v6, v5;
	v7 =	vadd.f32 v7, v5  }
0x7b8: {  	v18 =	vmul.f32 v18, v4;
	v8 =	vadd.f32 v8, v5;
	v9 =	vadd.f32 v9, v5  }
0x7b9: {  	v19 =	vld [tilespmem:s22+$0x50];
	v61 =	vmul.f32 v21, v4;
	v10 =	vadd.f32 v10, v5;
	v11 =	vadd.f32 v11, v5  }
0x7ba: {  	v20 =	vld [tilespmem:s22+$0xFFFFFF80];
	v12 =	vadd.f32 v12, v5;
	v6 =	vtrunc.f32 v6;
	v7 =	vtrunc.f32 v7  }
0x7bb: {  	v13 =	vadd.f32 v13, v5;
	v8 =	vtrunc.f32 v8;
	v9 =	vtrunc.f32 v9  }
0x7bc: {  	v14 =	vadd.f32 v14, v5;
	v10 =	vtrunc.f32 v10;
	v11 =	vtrunc.f32 v11  }
0x7bd: {  	v15 =	vadd.f32 v15, v5;
	v12 =	vtrunc.f32 v12;
	v13 =	vtrunc.f32 v13  }
0x7be: {  	v16 =	vadd.f32 v16, v5;
	v22 =	vtrunc.f32 v14;
	v14 =	vmul.f32 v19, v4  }
0x7bf: {  	v17 =	vadd.f32 v17, v5;
	v19 =	vtrunc.f32 v15;
	v15 =	vmul.f32 v20, v4  }
0x7c0: {  	v18 =	vadd.f32 v18, v5;
	v62 =	vtrunc.f32 v16;
	v6 =	vcvt.f32.s32 v6  }
0x7c1: {  	v17 =	vtrunc.f32 v17;
	v7 =	vcvt.f32.s32 v7;
	v15 =	vadd.f32 v15, v5  }
0x7c2: {  	v18 =	vtrunc.f32 v18;
	v8 =	vcvt.f32.s32 v8  }
0x7c3: {  	v16 =	vadd.f32 v61, v5;
	v63 =	vcvt.f32.s32 v9;
	v15 =	vtrunc.f32 v15  }
0x7c4: {  	v13 =	vcvt.f32.s32 v13;
	v24 =	vcvt.f32.s32 v15  }
0x7c5: {  	v9 =	vcvt.f32.s32 v62;
	v14 =	vadd.f32 v14, v5;
	v25 =	vtrunc.f32 v16  }
0x7c6: {  	v16 =	vcvt.f32.s32 v10;
	v10 =	vcvt.f32.s32 v17;
	[tilespmem:v6+s20+$0x0] =	vst.idx.add.f32.msk $0xffff, v2  }
0x7c7: {  	v23 =	vtrunc.f32 v14;
	v14 =	vcvt.f32.s32 v12;
	[tilespmem:v7+s20+$0x0] =	vst.idx.add.f32.msk $0xffff, v2  }
0x7c8: {  	v12 =	vcvt.f32.s32 v19;
	v15 =	vcvt.f32.s32 v11;
	[tilespmem:v8+s20+$0x0] =	vst.idx.add.f32.msk $0xffff, v2  }
0x7c9: {  	v11 =	vcvt.f32.s32 v22;
	v7 =	vcvt.f32.s32 v18;
	[tilespmem:v63+s20+$0x0] =	vst.idx.add.f32.msk $0xffff, v2  }
0x7ca: {  	s23 =	simm.s32 $0x10180;
	s22 =	simm.s32 $0x0;
	v8 =	vcvt.f32.s32 v23;
	v6 =	vcvt.f32.s32 v25;
	[tilespmem:v24+s20+$0x0] =	vst.idx.add.f32.msk $0xffff, v2  }
.LBB2_52:
0x7cb: {  	v17 =	vld [tilespmem:s23+$0x70];
	s22 =	sadd.s32 $0x10, s22  }
0x7cc: {  	v18 =	vld [tilespmem:s23+$0xFFFFFF90];
	p0 =	slt.u32 s22, $0x1F0  }
0x7cd: {  	v19 =	vld [tilespmem:s23+$0xFFFFFFA0]  }
0x7ce: {  	v20 =	vld [tilespmem:s23+$0xFFFFFFB0]  }
0x7cf: {  	v21 =	vld [tilespmem:s23+$0xFFFFFFC0]  }
0x7d0: {  	v22 =	vld [tilespmem:s23+$0xFFFFFFD0];
	v17 =	vmul.f32 v17, v4  }
0x7d1: {  	v18 =	vmul.f32 v18, v4;
	v23 =	vld [tilespmem:s23+$0xFFFFFFE0]  }
0x7d2: {  	v19 =	vmul.f32 v19, v4;
	v24 =	vld [tilespmem:s23+$0xFFFFFFF0];
	v17 =	vadd.f32 v17, v5  }
0x7d3: {  	v18 =	vadd.f32 v18, v5;
	v20 =	vmul.f32 v20, v4;
	v25 =	vld [tilespmem:s23+$0x0]  }
0x7d4: {  	v19 =	vadd.f32 v19, v5;
	v21 =	vmul.f32 v21, v4;
	v26 =	vld [tilespmem:s23+$0x10];
	v17 =	vtrunc.f32 v17  }
0x7d5: {  	v20 =	vadd.f32 v20, v5;
	v22 =	vmul.f32 v22, v4;
	v27 =	vld [tilespmem:s23+$0x20];
	v17 =	vcvt.f32.s32 v17  }
0x7d6: {  	v18 =	vtrunc.f32 v18;
	v21 =	vadd.f32 v21, v5;
	v23 =	vmul.f32 v23, v4;
	v28 =	vld [tilespmem:s23+$0x30]  }
0x7d7: {  	v19 =	vtrunc.f32 v19;
	v22 =	vadd.f32 v22, v5;
	v24 =	vmul.f32 v24, v4;
	v29 =	vld [tilespmem:s23+$0x40]  }
0x7d8: {  	v20 =	vtrunc.f32 v20;
	v23 =	vadd.f32 v23, v5;
	v25 =	vmul.f32 v25, v4;
	v30 =	vld [tilespmem:s23+$0x50]  }
0x7d9: {  	v21 =	vtrunc.f32 v21;
	v24 =	vadd.f32 v24, v5;
	v26 =	vmul.f32 v26, v4;
	v31 =	vld [tilespmem:s23+$0x60]  }
0x7da: {  	v22 =	vtrunc.f32 v22;
	v32 =	vld [tilespmem:s23+$0xFFFFFF80];
	v25 =	vadd.f32 v25, v5;
	v27 =	vmul.f32 v27, v4  }
0x7db: {  	v23 =	vtrunc.f32 v23;
	v26 =	vadd.f32 v26, v5;
	v28 =	vmul.f32 v28, v4;
	[tilespmem:v17+s20+$0x0] =	vst.idx.add.f32.msk $0xffff, v2  }
0x7dc: {  	v17 =	vtrunc.f32 v24;
	v24 =	vadd.f32 v27, v5;
	v27 =	vmul.f32 v29, v4;
	[tilespmem:v16+s20+$0x0] =	vst.idx.add.f32.msk $0xffff, v2  }
0x7dd: {  	v25 =	vtrunc.f32 v25;
	v16 =	vadd.f32 v28, v5;
	v28 =	vmul.f32 v30, v4;
	[tilespmem:v15+s20+$0x0] =	vst.idx.add.f32.msk $0xffff, v2  }
0x7de: {  	v26 =	vtrunc.f32 v26;
	v15 =	vadd.f32 v27, v5;
	v27 =	vmul.f32 v31, v4;
	[tilespmem:v14+s20+$0x0] =	vst.idx.add.f32.msk $0xffff, v2  }
0x7df: {  	v24 =	vtrunc.f32 v24;
	v14 =	vmul.f32 v32, v4;
	v28 =	vadd.f32 v28, v5;
	[tilespmem:v13+s20+$0x0] =	vst.idx.add.f32.msk $0xffff, v2  }
0x7e0: {  	v29 =	vtrunc.f32 v16;
	v30 =	vtrunc.f32 v15;
	v13 =	vadd.f32 v27, v5;
	[tilespmem:v11+s20+$0x0] =	vst.idx.add.f32.msk $0xffff, v2  }
0x7e1: {  	v18 =	vcvt.f32.s32 v18;
	v11 =	vadd.f32 v14, v5;
	v27 =	vtrunc.f32 v28;
	[tilespmem:v12+s20+$0x0] =	vst.idx.add.f32.msk $0xffff, v2  }
0x7e2: {  	v19 =	vcvt.f32.s32 v19;
	v28 =	vtrunc.f32 v13;
	[tilespmem:v9+s20+$0x0] =	vst.idx.add.f32.msk $0xffff, v2  }
0x7e3: {  	v20 =	vcvt.f32.s32 v20;
	v9 =	vtrunc.f32 v11;
	[tilespmem:v10+s20+$0x0] =	vst.idx.add.f32.msk $0xffff, v2  }
0x7e4: {  	v16 =	vcvt.f32.s32 v21;
	v31 =	vcvt.f32.s32 v9;
	[tilespmem:v7+s20+$0x0] =	vst.idx.add.f32.msk $0xffff, v2  }
0x7e5: {  	v15 =	vcvt.f32.s32 v22;
	v14 =	vcvt.f32.s32 v23;
	[tilespmem:v8+s20+$0x0] =	vst.idx.add.f32.msk $0xffff, v2  }
.Ltmp25:
0x7e6: {  	v13 =	vcvt.f32.s32 v17;
	v11 =	vcvt.f32.s32 v25;
	[tilespmem:v6+s20+$0x0] =	vst.idx.add.f32.msk $0xffff, v2;
	(pc) =	sbr.rel @p0 .LBB2_52-.Ltmp25, $4  }
0x7e7: {  	v12 =	vcvt.f32.s32 v26;
	v9 =	vcvt.f32.s32 v24;
	[tilespmem:v18+s20+$0x0] =	vst.idx.add.f32.msk $0xffff, v2  }
0x7e8: {  	v10 =	vcvt.f32.s32 v29;
	v7 =	vcvt.f32.s32 v30;
	[tilespmem:v19+s20+$0x0] =	vst.idx.add.f32.msk $0xffff, v2  }
0x7e9: {  	v8 =	vcvt.f32.s32 v27;
	v6 =	vcvt.f32.s32 v28;
	[tilespmem:v20+s20+$0x0] =	vst.idx.add.f32.msk $0xffff, v2  }
0x7ea: {  	s23 =	sadd.s32 $0x100, s23;
	[tilespmem:v31+s20+$0x0] =	vst.idx.add.f32.msk $0xffff, v2  }
0x7eb: {  	_ =	sdelay $0x3  }
0x7ec: {  	[tilespmem:v16+s20+$0x0] =	vst.idx.add.f32.msk $0xffff, v2  }
0x7ed: {  	[tilespmem:v15+s20+$0x0] =	vst.idx.add.f32.msk $0xffff, v2  }
0x7ee: {  	[tilespmem:v14+s20+$0x0] =	vst.idx.add.f32.msk $0xffff, v2  }
0x7ef: {  	[tilespmem:v13+s20+$0x0] =	vst.idx.add.f32.msk $0xffff, v2  }
0x7f0: {  	[tilespmem:v11+s20+$0x0] =	vst.idx.add.f32.msk $0xffff, v2  }
0x7f1: {  	[tilespmem:v12+s20+$0x0] =	vst.idx.add.f32.msk $0xffff, v2  }
0x7f2: {  	[tilespmem:v9+s20+$0x0] =	vst.idx.add.f32.msk $0xffff, v2  }
0x7f3: {  	[tilespmem:v10+s20+$0x0] =	vst.idx.add.f32.msk $0xffff, v2  }
0x7f4: {  	[tilespmem:v7+s20+$0x0] =	vst.idx.add.f32.msk $0xffff, v2  }
0x7f5: {  	[tilespmem:v8+s20+$0x0] =	vst.idx.add.f32.msk $0xffff, v2  }
0x7f6: {  	[tilespmem:v6+s20+$0x0] =	vst.idx.add.f32.msk $0xffff, v2  }
0x7f7: {  	_ =	swait.ge [sflag:s8], $0x2000  }
0x7f8: {  	[sflag:s8] =	ssyncset.done $0x0  }
0x7f9: {  	s22 =	simm.s32 $0x14100;
	[sflag:s8] =	ssyncadd.s32 $0xFFFFE000  }
0x7fa: {  	v6 =	vld [tilespmem:s22+$0xB0]  }
0x7fb: {  	v7 =	vld [tilespmem:s22+$0xFFFFFF10]  }
0x7fc: {  	v8 =	vld [tilespmem:s22+$0xFFFFFF20]  }
0x7fd: {  	v9 =	vld [tilespmem:s22+$0xFFFFFF30]  }
0x7fe: {  	v10 =	vld [tilespmem:s22+$0xFFFFFF80]  }
0x7ff: {  	v11 =	vld [tilespmem:s22+$0xFFFFFF90]  }
0x800: {  	v12 =	vld [tilespmem:s22+$0xFFFFFFA0]  }
0x801: {  	v13 =	vld [tilespmem:s22+$0xFFFFFFB0]  }
0x802: {  	v14 =	vld [tilespmem:s22+$0x0]  }
0x803: {  	v15 =	vld [tilespmem:s22+$0x10]  }
0x804: {  	v16 =	vld [tilespmem:s22+$0x20];
	v6 =	vmul.f32 v6, v4  }
0x805: {  	v17 =	vld [tilespmem:s22+$0x30];
	v7 =	vmul.f32 v7, v4;
	v8 =	vmul.f32 v8, v4  }
0x806: {  	v18 =	vld [tilespmem:s22+$0x80];
	v9 =	vmul.f32 v9, v4;
	v10 =	vmul.f32 v10, v4  }
0x807: {  	v21 =	vld [tilespmem:s22+$0xA0];
	v11 =	vmul.f32 v11, v4;
	v12 =	vmul.f32 v12, v4  }
0x808: {  	v13 =	vmul.f32 v13, v4;
	v14 =	vmul.f32 v14, v4  }
0x809: {  	v15 =	vmul.f32 v15, v4;
	v16 =	vmul.f32 v16, v4  }
0x80a: {  	v17 =	vmul.f32 v17, v4;
	v6 =	vadd.f32 v6, v5;
	v7 =	vadd.f32 v7, v5  }
0x80b: {  	v18 =	vmul.f32 v18, v4;
	v8 =	vadd.f32 v8, v5;
	v9 =	vadd.f32 v9, v5  }
0x80c: {  	v19 =	vld [tilespmem:s22+$0x90];
	v61 =	vmul.f32 v21, v4;
	v10 =	vadd.f32 v10, v5;
	v11 =	vadd.f32 v11, v5  }
0x80d: {  	v20 =	vld [tilespmem:s22+$0xFFFFFF00];
	v12 =	vadd.f32 v12, v5;
	v6 =	vtrunc.f32 v6;
	v7 =	vtrunc.f32 v7  }
0x80e: {  	v13 =	vadd.f32 v13, v5;
	v8 =	vtrunc.f32 v8;
	v9 =	vtrunc.f32 v9  }
0x80f: {  	v14 =	vadd.f32 v14, v5;
	v10 =	vtrunc.f32 v10;
	v11 =	vtrunc.f32 v11  }
0x810: {  	v15 =	vadd.f32 v15, v5;
	v12 =	vtrunc.f32 v12;
	v13 =	vtrunc.f32 v13  }
0x811: {  	v16 =	vadd.f32 v16, v5;
	v22 =	vtrunc.f32 v14;
	v14 =	vmul.f32 v19, v4  }
0x812: {  	v17 =	vadd.f32 v17, v5;
	v19 =	vtrunc.f32 v15;
	v15 =	vmul.f32 v20, v4  }
0x813: {  	v18 =	vadd.f32 v18, v5;
	v62 =	vtrunc.f32 v16;
	v6 =	vcvt.f32.s32 v6  }
0x814: {  	v17 =	vtrunc.f32 v17;
	v7 =	vcvt.f32.s32 v7;
	v15 =	vadd.f32 v15, v5  }
0x815: {  	v18 =	vtrunc.f32 v18;
	v8 =	vcvt.f32.s32 v8  }
0x816: {  	v16 =	vadd.f32 v61, v5;
	v63 =	vcvt.f32.s32 v9;
	v15 =	vtrunc.f32 v15  }
0x817: {  	v13 =	vcvt.f32.s32 v13;
	v24 =	vcvt.f32.s32 v15  }
0x818: {  	v9 =	vcvt.f32.s32 v62;
	v14 =	vadd.f32 v14, v5;
	v25 =	vtrunc.f32 v16  }
0x819: {  	v16 =	vcvt.f32.s32 v10;
	v10 =	vcvt.f32.s32 v17;
	[tilespmem:v6+s20+$0x0] =	vst.idx.add.f32.msk $0xffff, v2  }
0x81a: {  	v23 =	vtrunc.f32 v14;
	v14 =	vcvt.f32.s32 v12;
	[tilespmem:v7+s20+$0x0] =	vst.idx.add.f32.msk $0xffff, v2  }
0x81b: {  	v12 =	vcvt.f32.s32 v19;
	v15 =	vcvt.f32.s32 v11;
	[tilespmem:v8+s20+$0x0] =	vst.idx.add.f32.msk $0xffff, v2  }
0x81c: {  	v11 =	vcvt.f32.s32 v22;
	v7 =	vcvt.f32.s32 v18;
	[tilespmem:v63+s20+$0x0] =	vst.idx.add.f32.msk $0xffff, v2  }
0x81d: {  	s23 =	simm.s32 $0x14300;
	s22 =	simm.s32 $0x0;
	v8 =	vcvt.f32.s32 v23;
	v6 =	vcvt.f32.s32 v25;
	[tilespmem:v24+s20+$0x0] =	vst.idx.add.f32.msk $0xffff, v2  }
.LBB2_54:
0x81e: {  	v17 =	vld [tilespmem:s23+$0xB0];
	s22 =	sadd.s32 $0x10, s22  }
0x81f: {  	v18 =	vld [tilespmem:s23+$0xFFFFFF10];
	p0 =	slt.u32 s22, $0xF0  }
0x820: {  	v19 =	vld [tilespmem:s23+$0xFFFFFF20]  }
0x821: {  	v20 =	vld [tilespmem:s23+$0xFFFFFF30]  }
0x822: {  	v21 =	vld [tilespmem:s23+$0xFFFFFF80]  }
0x823: {  	v22 =	vld [tilespmem:s23+$0xFFFFFF90];
	v17 =	vmul.f32 v17, v4  }
0x824: {  	v18 =	vmul.f32 v18, v4;
	v23 =	vld [tilespmem:s23+$0xFFFFFFA0]  }
0x825: {  	v19 =	vmul.f32 v19, v4;
	v24 =	vld [tilespmem:s23+$0xFFFFFFB0];
	v17 =	vadd.f32 v17, v5  }
0x826: {  	v18 =	vadd.f32 v18, v5;
	v20 =	vmul.f32 v20, v4;
	v25 =	vld [tilespmem:s23+$0x0]  }
0x827: {  	v19 =	vadd.f32 v19, v5;
	v21 =	vmul.f32 v21, v4;
	v26 =	vld [tilespmem:s23+$0x10];
	v17 =	vtrunc.f32 v17  }
0x828: {  	v20 =	vadd.f32 v20, v5;
	v22 =	vmul.f32 v22, v4;
	v27 =	vld [tilespmem:s23+$0x20];
	v17 =	vcvt.f32.s32 v17  }
0x829: {  	v18 =	vtrunc.f32 v18;
	v21 =	vadd.f32 v21, v5;
	v23 =	vmul.f32 v23, v4;
	v28 =	vld [tilespmem:s23+$0x30]  }
0x82a: {  	v19 =	vtrunc.f32 v19;
	v22 =	vadd.f32 v22, v5;
	v24 =	vmul.f32 v24, v4;
	v29 =	vld [tilespmem:s23+$0x80]  }
0x82b: {  	v20 =	vtrunc.f32 v20;
	v23 =	vadd.f32 v23, v5;
	v25 =	vmul.f32 v25, v4;
	v30 =	vld [tilespmem:s23+$0x90]  }
0x82c: {  	v21 =	vtrunc.f32 v21;
	v24 =	vadd.f32 v24, v5;
	v26 =	vmul.f32 v26, v4;
	v31 =	vld [tilespmem:s23+$0xA0]  }
0x82d: {  	v22 =	vtrunc.f32 v22;
	v32 =	vld [tilespmem:s23+$0xFFFFFF00];
	v25 =	vadd.f32 v25, v5;
	v27 =	vmul.f32 v27, v4  }
0x82e: {  	v23 =	vtrunc.f32 v23;
	v26 =	vadd.f32 v26, v5;
	v28 =	vmul.f32 v28, v4;
	[tilespmem:v17+s20+$0x0] =	vst.idx.add.f32.msk $0xffff, v2  }
0x82f: {  	v17 =	vtrunc.f32 v24;
	v24 =	vadd.f32 v27, v5;
	v27 =	vmul.f32 v29, v4;
	[tilespmem:v16+s20+$0x0] =	vst.idx.add.f32.msk $0xffff, v2  }
0x830: {  	v25 =	vtrunc.f32 v25;
	v16 =	vadd.f32 v28, v5;
	v28 =	vmul.f32 v30, v4;
	[tilespmem:v15+s20+$0x0] =	vst.idx.add.f32.msk $0xffff, v2  }
0x831: {  	v26 =	vtrunc.f32 v26;
	v15 =	vadd.f32 v27, v5;
	v27 =	vmul.f32 v31, v4;
	[tilespmem:v14+s20+$0x0] =	vst.idx.add.f32.msk $0xffff, v2  }
0x832: {  	v24 =	vtrunc.f32 v24;
	v14 =	vmul.f32 v32, v4;
	v28 =	vadd.f32 v28, v5;
	[tilespmem:v13+s20+$0x0] =	vst.idx.add.f32.msk $0xffff, v2  }
0x833: {  	v29 =	vtrunc.f32 v16;
	v30 =	vtrunc.f32 v15;
	v13 =	vadd.f32 v27, v5;
	[tilespmem:v11+s20+$0x0] =	vst.idx.add.f32.msk $0xffff, v2  }
0x834: {  	v18 =	vcvt.f32.s32 v18;
	v11 =	vadd.f32 v14, v5;
	v27 =	vtrunc.f32 v28;
	[tilespmem:v12+s20+$0x0] =	vst.idx.add.f32.msk $0xffff, v2  }
0x835: {  	v19 =	vcvt.f32.s32 v19;
	v28 =	vtrunc.f32 v13;
	[tilespmem:v9+s20+$0x0] =	vst.idx.add.f32.msk $0xffff, v2  }
0x836: {  	v20 =	vcvt.f32.s32 v20;
	v9 =	vtrunc.f32 v11;
	[tilespmem:v10+s20+$0x0] =	vst.idx.add.f32.msk $0xffff, v2  }
0x837: {  	v16 =	vcvt.f32.s32 v21;
	v31 =	vcvt.f32.s32 v9;
	[tilespmem:v7+s20+$0x0] =	vst.idx.add.f32.msk $0xffff, v2  }
0x838: {  	v15 =	vcvt.f32.s32 v22;
	v14 =	vcvt.f32.s32 v23;
	[tilespmem:v8+s20+$0x0] =	vst.idx.add.f32.msk $0xffff, v2  }
.Ltmp26:
0x839: {  	v13 =	vcvt.f32.s32 v17;
	v11 =	vcvt.f32.s32 v25;
	[tilespmem:v6+s20+$0x0] =	vst.idx.add.f32.msk $0xffff, v2;
	(pc) =	sbr.rel @p0 .LBB2_54-.Ltmp26, $4  }
0x83a: {  	v12 =	vcvt.f32.s32 v26;
	v9 =	vcvt.f32.s32 v24;
	[tilespmem:v18+s20+$0x0] =	vst.idx.add.f32.msk $0xffff, v2  }
0x83b: {  	v10 =	vcvt.f32.s32 v29;
	v7 =	vcvt.f32.s32 v30;
	[tilespmem:v19+s20+$0x0] =	vst.idx.add.f32.msk $0xffff, v2  }
0x83c: {  	v8 =	vcvt.f32.s32 v27;
	v6 =	vcvt.f32.s32 v28;
	[tilespmem:v20+s20+$0x0] =	vst.idx.add.f32.msk $0xffff, v2  }
0x83d: {  	s23 =	sadd.s32 $0x200, s23;
	[tilespmem:v31+s20+$0x0] =	vst.idx.add.f32.msk $0xffff, v2  }
0x83e: {  	_ =	sdelay $0x3  }
0x83f: {  	[tilespmem:v16+s20+$0x0] =	vst.idx.add.f32.msk $0xffff, v2  }
0x840: {  	[tilespmem:v15+s20+$0x0] =	vst.idx.add.f32.msk $0xffff, v2  }
0x841: {  	[tilespmem:v14+s20+$0x0] =	vst.idx.add.f32.msk $0xffff, v2  }
0x842: {  	[tilespmem:v13+s20+$0x0] =	vst.idx.add.f32.msk $0xffff, v2  }
0x843: {  	[tilespmem:v11+s20+$0x0] =	vst.idx.add.f32.msk $0xffff, v2  }
0x844: {  	[tilespmem:v12+s20+$0x0] =	vst.idx.add.f32.msk $0xffff, v2  }
0x845: {  	[tilespmem:v9+s20+$0x0] =	vst.idx.add.f32.msk $0xffff, v2  }
0x846: {  	[tilespmem:v10+s20+$0x0] =	vst.idx.add.f32.msk $0xffff, v2  }
0x847: {  	[tilespmem:v7+s20+$0x0] =	vst.idx.add.f32.msk $0xffff, v2  }
0x848: {  	[tilespmem:v8+s20+$0x0] =	vst.idx.add.f32.msk $0xffff, v2  }
0x849: {  	[tilespmem:v6+s20+$0x0] =	vst.idx.add.f32.msk $0xffff, v2  }
0x84a: {  	_ =	swait.ge [sflag:s12], $0x2000  }
0x84b: {  	[sflag:s12] =	ssyncset.done $0x0  }
0x84c: {  	s22 =	simm.s32 $0x12080;
	[sflag:s12] =	ssyncadd.s32 $0xFFFFE000  }
0x84d: {  	v6 =	vld [tilespmem:s22+$0x70]  }
0x84e: {  	v7 =	vld [tilespmem:s22+$0xFFFFFF90]  }
0x84f: {  	v8 =	vld [tilespmem:s22+$0xFFFFFFA0]  }
0x850: {  	v9 =	vld [tilespmem:s22+$0xFFFFFFB0]  }
0x851: {  	v10 =	vld [tilespmem:s22+$0xFFFFFFC0]  }
0x852: {  	v11 =	vld [tilespmem:s22+$0xFFFFFFD0]  }
0x853: {  	v12 =	vld [tilespmem:s22+$0xFFFFFFE0]  }
0x854: {  	v13 =	vld [tilespmem:s22+$0xFFFFFFF0]  }
0x855: {  	v14 =	vld [tilespmem:s22+$0x0]  }
0x856: {  	v15 =	vld [tilespmem:s22+$0x10]  }
0x857: {  	v16 =	vld [tilespmem:s22+$0x20];
	v6 =	vmul.f32 v6, v4  }
0x858: {  	v17 =	vld [tilespmem:s22+$0x30];
	v7 =	vmul.f32 v7, v4;
	v8 =	vmul.f32 v8, v4  }
0x859: {  	v18 =	vld [tilespmem:s22+$0x40];
	v9 =	vmul.f32 v9, v4;
	v10 =	vmul.f32 v10, v4  }
0x85a: {  	v21 =	vld [tilespmem:s22+$0x60];
	v11 =	vmul.f32 v11, v4;
	v12 =	vmul.f32 v12, v4  }
0x85b: {  	v13 =	vmul.f32 v13, v4;
	v14 =	vmul.f32 v14, v4  }
0x85c: {  	v15 =	vmul.f32 v15, v4;
	v16 =	vmul.f32 v16, v4  }
0x85d: {  	v17 =	vmul.f32 v17, v4;
	v6 =	vadd.f32 v6, v5;
	v7 =	vadd.f32 v7, v5  }
0x85e: {  	v18 =	vmul.f32 v18, v4;
	v8 =	vadd.f32 v8, v5;
	v9 =	vadd.f32 v9, v5  }
0x85f: {  	v19 =	vld [tilespmem:s22+$0x50];
	v61 =	vmul.f32 v21, v4;
	v10 =	vadd.f32 v10, v5;
	v11 =	vadd.f32 v11, v5  }
0x860: {  	v20 =	vld [tilespmem:s22+$0xFFFFFF80];
	v12 =	vadd.f32 v12, v5;
	v6 =	vtrunc.f32 v6;
	v7 =	vtrunc.f32 v7  }
0x861: {  	v13 =	vadd.f32 v13, v5;
	v8 =	vtrunc.f32 v8;
	v9 =	vtrunc.f32 v9  }
0x862: {  	v14 =	vadd.f32 v14, v5;
	v10 =	vtrunc.f32 v10;
	v11 =	vtrunc.f32 v11  }
0x863: {  	v15 =	vadd.f32 v15, v5;
	v12 =	vtrunc.f32 v12;
	v13 =	vtrunc.f32 v13  }
0x864: {  	v16 =	vadd.f32 v16, v5;
	v22 =	vtrunc.f32 v14;
	v14 =	vmul.f32 v19, v4  }
0x865: {  	v17 =	vadd.f32 v17, v5;
	v19 =	vtrunc.f32 v15;
	v15 =	vmul.f32 v20, v4  }
0x866: {  	v18 =	vadd.f32 v18, v5;
	v62 =	vtrunc.f32 v16;
	v6 =	vcvt.f32.s32 v6  }
0x867: {  	v17 =	vtrunc.f32 v17;
	v7 =	vcvt.f32.s32 v7;
	v15 =	vadd.f32 v15, v5  }
0x868: {  	v18 =	vtrunc.f32 v18;
	v8 =	vcvt.f32.s32 v8  }
0x869: {  	v16 =	vadd.f32 v61, v5;
	v63 =	vcvt.f32.s32 v9;
	v15 =	vtrunc.f32 v15  }
0x86a: {  	v13 =	vcvt.f32.s32 v13;
	v24 =	vcvt.f32.s32 v15  }
0x86b: {  	v9 =	vcvt.f32.s32 v62;
	v14 =	vadd.f32 v14, v5;
	v25 =	vtrunc.f32 v16  }
0x86c: {  	v16 =	vcvt.f32.s32 v10;
	v10 =	vcvt.f32.s32 v17;
	[tilespmem:v6+s20+$0x0] =	vst.idx.add.f32.msk $0xffff, v2  }
0x86d: {  	v23 =	vtrunc.f32 v14;
	v14 =	vcvt.f32.s32 v12;
	[tilespmem:v7+s20+$0x0] =	vst.idx.add.f32.msk $0xffff, v2  }
0x86e: {  	v12 =	vcvt.f32.s32 v19;
	v15 =	vcvt.f32.s32 v11;
	[tilespmem:v8+s20+$0x0] =	vst.idx.add.f32.msk $0xffff, v2  }
0x86f: {  	v11 =	vcvt.f32.s32 v22;
	v7 =	vcvt.f32.s32 v18;
	[tilespmem:v63+s20+$0x0] =	vst.idx.add.f32.msk $0xffff, v2  }
0x870: {  	s23 =	simm.s32 $0x12180;
	s22 =	simm.s32 $0x0;
	v8 =	vcvt.f32.s32 v23;
	v6 =	vcvt.f32.s32 v25;
	[tilespmem:v24+s20+$0x0] =	vst.idx.add.f32.msk $0xffff, v2  }
.LBB2_56:
0x871: {  	v17 =	vld [tilespmem:s23+$0x70];
	s22 =	sadd.s32 $0x10, s22  }
0x872: {  	v18 =	vld [tilespmem:s23+$0xFFFFFF90];
	p0 =	slt.u32 s22, $0x1F0  }
0x873: {  	v19 =	vld [tilespmem:s23+$0xFFFFFFA0]  }
0x874: {  	v20 =	vld [tilespmem:s23+$0xFFFFFFB0]  }
0x875: {  	v21 =	vld [tilespmem:s23+$0xFFFFFFC0]  }
0x876: {  	v22 =	vld [tilespmem:s23+$0xFFFFFFD0];
	v17 =	vmul.f32 v17, v4  }
0x877: {  	v18 =	vmul.f32 v18, v4;
	v23 =	vld [tilespmem:s23+$0xFFFFFFE0]  }
0x878: {  	v19 =	vmul.f32 v19, v4;
	v24 =	vld [tilespmem:s23+$0xFFFFFFF0];
	v17 =	vadd.f32 v17, v5  }
0x879: {  	v18 =	vadd.f32 v18, v5;
	v20 =	vmul.f32 v20, v4;
	v25 =	vld [tilespmem:s23+$0x0]  }
0x87a: {  	v19 =	vadd.f32 v19, v5;
	v21 =	vmul.f32 v21, v4;
	v26 =	vld [tilespmem:s23+$0x10];
	v17 =	vtrunc.f32 v17  }
0x87b: {  	v20 =	vadd.f32 v20, v5;
	v22 =	vmul.f32 v22, v4;
	v27 =	vld [tilespmem:s23+$0x20];
	v17 =	vcvt.f32.s32 v17  }
0x87c: {  	v18 =	vtrunc.f32 v18;
	v21 =	vadd.f32 v21, v5;
	v23 =	vmul.f32 v23, v4;
	v28 =	vld [tilespmem:s23+$0x30]  }
0x87d: {  	v19 =	vtrunc.f32 v19;
	v22 =	vadd.f32 v22, v5;
	v24 =	vmul.f32 v24, v4;
	v29 =	vld [tilespmem:s23+$0x40]  }
0x87e: {  	v20 =	vtrunc.f32 v20;
	v23 =	vadd.f32 v23, v5;
	v25 =	vmul.f32 v25, v4;
	v30 =	vld [tilespmem:s23+$0x50]  }
0x87f: {  	v21 =	vtrunc.f32 v21;
	v24 =	vadd.f32 v24, v5;
	v26 =	vmul.f32 v26, v4;
	v31 =	vld [tilespmem:s23+$0x60]  }
0x880: {  	v22 =	vtrunc.f32 v22;
	v32 =	vld [tilespmem:s23+$0xFFFFFF80];
	v25 =	vadd.f32 v25, v5;
	v27 =	vmul.f32 v27, v4  }
0x881: {  	v23 =	vtrunc.f32 v23;
	v26 =	vadd.f32 v26, v5;
	v28 =	vmul.f32 v28, v4;
	[tilespmem:v17+s20+$0x0] =	vst.idx.add.f32.msk $0xffff, v2  }
0x882: {  	v17 =	vtrunc.f32 v24;
	v24 =	vadd.f32 v27, v5;
	v27 =	vmul.f32 v29, v4;
	[tilespmem:v16+s20+$0x0] =	vst.idx.add.f32.msk $0xffff, v2  }
0x883: {  	v25 =	vtrunc.f32 v25;
	v16 =	vadd.f32 v28, v5;
	v28 =	vmul.f32 v30, v4;
	[tilespmem:v15+s20+$0x0] =	vst.idx.add.f32.msk $0xffff, v2  }
0x884: {  	v26 =	vtrunc.f32 v26;
	v15 =	vadd.f32 v27, v5;
	v27 =	vmul.f32 v31, v4;
	[tilespmem:v14+s20+$0x0] =	vst.idx.add.f32.msk $0xffff, v2  }
0x885: {  	v24 =	vtrunc.f32 v24;
	v14 =	vmul.f32 v32, v4;
	v28 =	vadd.f32 v28, v5;
	[tilespmem:v13+s20+$0x0] =	vst.idx.add.f32.msk $0xffff, v2  }
0x886: {  	v29 =	vtrunc.f32 v16;
	v30 =	vtrunc.f32 v15;
	v13 =	vadd.f32 v27, v5;
	[tilespmem:v11+s20+$0x0] =	vst.idx.add.f32.msk $0xffff, v2  }
0x887: {  	v18 =	vcvt.f32.s32 v18;
	v11 =	vadd.f32 v14, v5;
	v27 =	vtrunc.f32 v28;
	[tilespmem:v12+s20+$0x0] =	vst.idx.add.f32.msk $0xffff, v2  }
0x888: {  	v19 =	vcvt.f32.s32 v19;
	v28 =	vtrunc.f32 v13;
	[tilespmem:v9+s20+$0x0] =	vst.idx.add.f32.msk $0xffff, v2  }
0x889: {  	v20 =	vcvt.f32.s32 v20;
	v9 =	vtrunc.f32 v11;
	[tilespmem:v10+s20+$0x0] =	vst.idx.add.f32.msk $0xffff, v2  }
0x88a: {  	v16 =	vcvt.f32.s32 v21;
	v31 =	vcvt.f32.s32 v9;
	[tilespmem:v7+s20+$0x0] =	vst.idx.add.f32.msk $0xffff, v2  }
0x88b: {  	v15 =	vcvt.f32.s32 v22;
	v14 =	vcvt.f32.s32 v23;
	[tilespmem:v8+s20+$0x0] =	vst.idx.add.f32.msk $0xffff, v2  }
.Ltmp27:
0x88c: {  	v13 =	vcvt.f32.s32 v17;
	v11 =	vcvt.f32.s32 v25;
	[tilespmem:v6+s20+$0x0] =	vst.idx.add.f32.msk $0xffff, v2;
	(pc) =	sbr.rel @p0 .LBB2_56-.Ltmp27, $4  }
0x88d: {  	v12 =	vcvt.f32.s32 v26;
	v9 =	vcvt.f32.s32 v24;
	[tilespmem:v18+s20+$0x0] =	vst.idx.add.f32.msk $0xffff, v2  }
0x88e: {  	v10 =	vcvt.f32.s32 v29;
	v7 =	vcvt.f32.s32 v30;
	[tilespmem:v19+s20+$0x0] =	vst.idx.add.f32.msk $0xffff, v2  }
0x88f: {  	v8 =	vcvt.f32.s32 v27;
	v6 =	vcvt.f32.s32 v28;
	[tilespmem:v20+s20+$0x0] =	vst.idx.add.f32.msk $0xffff, v2  }
0x890: {  	s23 =	sadd.s32 $0x100, s23;
	[tilespmem:v31+s20+$0x0] =	vst.idx.add.f32.msk $0xffff, v2  }
0x891: {  	_ =	sdelay $0x3  }
0x892: {  	[tilespmem:v16+s20+$0x0] =	vst.idx.add.f32.msk $0xffff, v2  }
0x893: {  	[tilespmem:v15+s20+$0x0] =	vst.idx.add.f32.msk $0xffff, v2  }
0x894: {  	[tilespmem:v14+s20+$0x0] =	vst.idx.add.f32.msk $0xffff, v2  }
0x895: {  	[tilespmem:v13+s20+$0x0] =	vst.idx.add.f32.msk $0xffff, v2  }
0x896: {  	[tilespmem:v11+s20+$0x0] =	vst.idx.add.f32.msk $0xffff, v2  }
0x897: {  	[tilespmem:v12+s20+$0x0] =	vst.idx.add.f32.msk $0xffff, v2  }
0x898: {  	[tilespmem:v9+s20+$0x0] =	vst.idx.add.f32.msk $0xffff, v2  }
0x899: {  	[tilespmem:v10+s20+$0x0] =	vst.idx.add.f32.msk $0xffff, v2  }
0x89a: {  	[tilespmem:v7+s20+$0x0] =	vst.idx.add.f32.msk $0xffff, v2  }
0x89b: {  	[tilespmem:v8+s20+$0x0] =	vst.idx.add.f32.msk $0xffff, v2  }
0x89c: {  	[tilespmem:v6+s20+$0x0] =	vst.idx.add.f32.msk $0xffff, v2  }
0x89d: {  	_ =	swait.ge [sflag:s12], $0x2000  }
0x89e: {  	[sflag:s12] =	ssyncset.done $0x0  }
0x89f: {  	s22 =	simm.s32 $0x16100;
	[sflag:s12] =	ssyncadd.s32 $0xFFFFE000  }
0x8a0: {  	v6 =	vld [tilespmem:s22+$0xB0]  }
0x8a1: {  	v7 =	vld [tilespmem:s22+$0xFFFFFF10]  }
0x8a2: {  	v8 =	vld [tilespmem:s22+$0xFFFFFF20]  }
0x8a3: {  	v9 =	vld [tilespmem:s22+$0xFFFFFF30]  }
0x8a4: {  	v10 =	vld [tilespmem:s22+$0xFFFFFF80]  }
0x8a5: {  	v11 =	vld [tilespmem:s22+$0xFFFFFF90]  }
0x8a6: {  	v12 =	vld [tilespmem:s22+$0xFFFFFFA0]  }
0x8a7: {  	v13 =	vld [tilespmem:s22+$0xFFFFFFB0]  }
0x8a8: {  	v14 =	vld [tilespmem:s22+$0x0]  }
0x8a9: {  	v15 =	vld [tilespmem:s22+$0x10]  }
0x8aa: {  	v16 =	vld [tilespmem:s22+$0x20];
	v6 =	vmul.f32 v6, v4  }
0x8ab: {  	v17 =	vld [tilespmem:s22+$0x30];
	v7 =	vmul.f32 v7, v4;
	v8 =	vmul.f32 v8, v4  }
0x8ac: {  	v18 =	vld [tilespmem:s22+$0x80];
	v9 =	vmul.f32 v9, v4;
	v10 =	vmul.f32 v10, v4  }
0x8ad: {  	v21 =	vld [tilespmem:s22+$0xA0];
	v11 =	vmul.f32 v11, v4;
	v12 =	vmul.f32 v12, v4  }
0x8ae: {  	v13 =	vmul.f32 v13, v4;
	v14 =	vmul.f32 v14, v4  }
0x8af: {  	v15 =	vmul.f32 v15, v4;
	v16 =	vmul.f32 v16, v4  }
0x8b0: {  	v17 =	vmul.f32 v17, v4;
	v6 =	vadd.f32 v6, v5;
	v7 =	vadd.f32 v7, v5  }
0x8b1: {  	v18 =	vmul.f32 v18, v4;
	v8 =	vadd.f32 v8, v5;
	v9 =	vadd.f32 v9, v5  }
0x8b2: {  	v19 =	vld [tilespmem:s22+$0x90];
	v61 =	vmul.f32 v21, v4;
	v10 =	vadd.f32 v10, v5;
	v11 =	vadd.f32 v11, v5  }
0x8b3: {  	v20 =	vld [tilespmem:s22+$0xFFFFFF00];
	v12 =	vadd.f32 v12, v5;
	v6 =	vtrunc.f32 v6;
	v7 =	vtrunc.f32 v7  }
0x8b4: {  	v13 =	vadd.f32 v13, v5;
	v8 =	vtrunc.f32 v8;
	v9 =	vtrunc.f32 v9  }
0x8b5: {  	v14 =	vadd.f32 v14, v5;
	v10 =	vtrunc.f32 v10;
	v11 =	vtrunc.f32 v11  }
0x8b6: {  	v15 =	vadd.f32 v15, v5;
	v12 =	vtrunc.f32 v12;
	v13 =	vtrunc.f32 v13  }
0x8b7: {  	v16 =	vadd.f32 v16, v5;
	v22 =	vtrunc.f32 v14;
	v14 =	vmul.f32 v19, v4  }
0x8b8: {  	v17 =	vadd.f32 v17, v5;
	v19 =	vtrunc.f32 v15;
	v15 =	vmul.f32 v20, v4  }
0x8b9: {  	v18 =	vadd.f32 v18, v5;
	v62 =	vtrunc.f32 v16;
	v6 =	vcvt.f32.s32 v6  }
0x8ba: {  	v17 =	vtrunc.f32 v17;
	v7 =	vcvt.f32.s32 v7;
	v15 =	vadd.f32 v15, v5  }
0x8bb: {  	v18 =	vtrunc.f32 v18;
	v8 =	vcvt.f32.s32 v8  }
0x8bc: {  	v16 =	vadd.f32 v61, v5;
	v63 =	vcvt.f32.s32 v9;
	v15 =	vtrunc.f32 v15  }
0x8bd: {  	v13 =	vcvt.f32.s32 v13;
	v24 =	vcvt.f32.s32 v15  }
0x8be: {  	v9 =	vcvt.f32.s32 v62;
	v14 =	vadd.f32 v14, v5;
	v25 =	vtrunc.f32 v16  }
0x8bf: {  	v16 =	vcvt.f32.s32 v10;
	v10 =	vcvt.f32.s32 v17;
	[tilespmem:v6+s20+$0x0] =	vst.idx.add.f32.msk $0xffff, v2  }
0x8c0: {  	v23 =	vtrunc.f32 v14;
	v14 =	vcvt.f32.s32 v12;
	[tilespmem:v7+s20+$0x0] =	vst.idx.add.f32.msk $0xffff, v2  }
0x8c1: {  	v12 =	vcvt.f32.s32 v19;
	v15 =	vcvt.f32.s32 v11;
	[tilespmem:v8+s20+$0x0] =	vst.idx.add.f32.msk $0xffff, v2  }
0x8c2: {  	v11 =	vcvt.f32.s32 v22;
	v7 =	vcvt.f32.s32 v18;
	[tilespmem:v63+s20+$0x0] =	vst.idx.add.f32.msk $0xffff, v2  }
0x8c3: {  	s23 =	simm.s32 $0x16300;
	s22 =	simm.s32 $0x0;
	v8 =	vcvt.f32.s32 v23;
	v6 =	vcvt.f32.s32 v25;
	[tilespmem:v24+s20+$0x0] =	vst.idx.add.f32.msk $0xffff, v2  }
.LBB2_58:
0x8c4: {  	v17 =	vld [tilespmem:s23+$0xB0];
	s22 =	sadd.s32 $0x10, s22  }
0x8c5: {  	v18 =	vld [tilespmem:s23+$0xFFFFFF10];
	p0 =	slt.u32 s22, $0xF0  }
0x8c6: {  	v19 =	vld [tilespmem:s23+$0xFFFFFF20]  }
0x8c7: {  	v20 =	vld [tilespmem:s23+$0xFFFFFF30]  }
0x8c8: {  	v21 =	vld [tilespmem:s23+$0xFFFFFF80]  }
0x8c9: {  	v22 =	vld [tilespmem:s23+$0xFFFFFF90];
	v17 =	vmul.f32 v17, v4  }
0x8ca: {  	v18 =	vmul.f32 v18, v4;
	v23 =	vld [tilespmem:s23+$0xFFFFFFA0]  }
0x8cb: {  	v19 =	vmul.f32 v19, v4;
	v24 =	vld [tilespmem:s23+$0xFFFFFFB0];
	v17 =	vadd.f32 v17, v5  }
0x8cc: {  	v18 =	vadd.f32 v18, v5;
	v20 =	vmul.f32 v20, v4;
	v25 =	vld [tilespmem:s23+$0x0]  }
0x8cd: {  	v19 =	vadd.f32 v19, v5;
	v21 =	vmul.f32 v21, v4;
	v26 =	vld [tilespmem:s23+$0x10];
	v17 =	vtrunc.f32 v17  }
0x8ce: {  	v20 =	vadd.f32 v20, v5;
	v22 =	vmul.f32 v22, v4;
	v27 =	vld [tilespmem:s23+$0x20];
	v17 =	vcvt.f32.s32 v17  }
0x8cf: {  	v18 =	vtrunc.f32 v18;
	v21 =	vadd.f32 v21, v5;
	v23 =	vmul.f32 v23, v4;
	v28 =	vld [tilespmem:s23+$0x30]  }
0x8d0: {  	v19 =	vtrunc.f32 v19;
	v22 =	vadd.f32 v22, v5;
	v24 =	vmul.f32 v24, v4;
	v29 =	vld [tilespmem:s23+$0x80]  }
0x8d1: {  	v20 =	vtrunc.f32 v20;
	v23 =	vadd.f32 v23, v5;
	v25 =	vmul.f32 v25, v4;
	v30 =	vld [tilespmem:s23+$0x90]  }
0x8d2: {  	v21 =	vtrunc.f32 v21;
	v24 =	vadd.f32 v24, v5;
	v26 =	vmul.f32 v26, v4;
	v31 =	vld [tilespmem:s23+$0xA0]  }
0x8d3: {  	v22 =	vtrunc.f32 v22;
	v32 =	vld [tilespmem:s23+$0xFFFFFF00];
	v25 =	vadd.f32 v25, v5;
	v27 =	vmul.f32 v27, v4  }
0x8d4: {  	v23 =	vtrunc.f32 v23;
	v26 =	vadd.f32 v26, v5;
	v28 =	vmul.f32 v28, v4;
	[tilespmem:v17+s20+$0x0] =	vst.idx.add.f32.msk $0xffff, v2  }
0x8d5: {  	v17 =	vtrunc.f32 v24;
	v24 =	vadd.f32 v27, v5;
	v27 =	vmul.f32 v29, v4;
	[tilespmem:v16+s20+$0x0] =	vst.idx.add.f32.msk $0xffff, v2  }
0x8d6: {  	v25 =	vtrunc.f32 v25;
	v16 =	vadd.f32 v28, v5;
	v28 =	vmul.f32 v30, v4;
	[tilespmem:v15+s20+$0x0] =	vst.idx.add.f32.msk $0xffff, v2  }
0x8d7: {  	v26 =	vtrunc.f32 v26;
	v15 =	vadd.f32 v27, v5;
	v27 =	vmul.f32 v31, v4;
	[tilespmem:v14+s20+$0x0] =	vst.idx.add.f32.msk $0xffff, v2  }
0x8d8: {  	v24 =	vtrunc.f32 v24;
	v14 =	vmul.f32 v32, v4;
	v28 =	vadd.f32 v28, v5;
	[tilespmem:v13+s20+$0x0] =	vst.idx.add.f32.msk $0xffff, v2  }
0x8d9: {  	v29 =	vtrunc.f32 v16;
	v30 =	vtrunc.f32 v15;
	v13 =	vadd.f32 v27, v5;
	[tilespmem:v11+s20+$0x0] =	vst.idx.add.f32.msk $0xffff, v2  }
0x8da: {  	v18 =	vcvt.f32.s32 v18;
	v11 =	vadd.f32 v14, v5;
	v27 =	vtrunc.f32 v28;
	[tilespmem:v12+s20+$0x0] =	vst.idx.add.f32.msk $0xffff, v2  }
0x8db: {  	v19 =	vcvt.f32.s32 v19;
	v28 =	vtrunc.f32 v13;
	[tilespmem:v9+s20+$0x0] =	vst.idx.add.f32.msk $0xffff, v2  }
0x8dc: {  	v20 =	vcvt.f32.s32 v20;
	v9 =	vtrunc.f32 v11;
	[tilespmem:v10+s20+$0x0] =	vst.idx.add.f32.msk $0xffff, v2  }
0x8dd: {  	v16 =	vcvt.f32.s32 v21;
	v31 =	vcvt.f32.s32 v9;
	[tilespmem:v7+s20+$0x0] =	vst.idx.add.f32.msk $0xffff, v2  }
0x8de: {  	v15 =	vcvt.f32.s32 v22;
	v14 =	vcvt.f32.s32 v23;
	[tilespmem:v8+s20+$0x0] =	vst.idx.add.f32.msk $0xffff, v2  }
.Ltmp28:
0x8df: {  	v13 =	vcvt.f32.s32 v17;
	v11 =	vcvt.f32.s32 v25;
	[tilespmem:v6+s20+$0x0] =	vst.idx.add.f32.msk $0xffff, v2;
	(pc) =	sbr.rel @p0 .LBB2_58-.Ltmp28, $4  }
0x8e0: {  	v12 =	vcvt.f32.s32 v26;
	v9 =	vcvt.f32.s32 v24;
	[tilespmem:v18+s20+$0x0] =	vst.idx.add.f32.msk $0xffff, v2  }
0x8e1: {  	v10 =	vcvt.f32.s32 v29;
	v7 =	vcvt.f32.s32 v30;
	[tilespmem:v19+s20+$0x0] =	vst.idx.add.f32.msk $0xffff, v2  }
0x8e2: {  	v8 =	vcvt.f32.s32 v27;
	v6 =	vcvt.f32.s32 v28;
	[tilespmem:v20+s20+$0x0] =	vst.idx.add.f32.msk $0xffff, v2  }
0x8e3: {  	s23 =	sadd.s32 $0x200, s23;
	[tilespmem:v31+s20+$0x0] =	vst.idx.add.f32.msk $0xffff, v2  }
0x8e4: {  	_ =	sdelay $0x3  }
0x8e5: {  	[tilespmem:v16+s20+$0x0] =	vst.idx.add.f32.msk $0xffff, v2  }
0x8e6: {  	[tilespmem:v15+s20+$0x0] =	vst.idx.add.f32.msk $0xffff, v2  }
0x8e7: {  	[tilespmem:v14+s20+$0x0] =	vst.idx.add.f32.msk $0xffff, v2  }
0x8e8: {  	[tilespmem:v13+s20+$0x0] =	vst.idx.add.f32.msk $0xffff, v2  }
0x8e9: {  	[tilespmem:v11+s20+$0x0] =	vst.idx.add.f32.msk $0xffff, v2  }
0x8ea: {  	[tilespmem:v12+s20+$0x0] =	vst.idx.add.f32.msk $0xffff, v2  }
0x8eb: {  	[tilespmem:v9+s20+$0x0] =	vst.idx.add.f32.msk $0xffff, v2  }
0x8ec: {  	[tilespmem:v10+s20+$0x0] =	vst.idx.add.f32.msk $0xffff, v2  }
0x8ed: {  	[tilespmem:v7+s20+$0x0] =	vst.idx.add.f32.msk $0xffff, v2  }
0x8ee: {  	[tilespmem:v8+s20+$0x0] =	vst.idx.add.f32.msk $0xffff, v2  }
0x8ef: {  	[tilespmem:v6+s20+$0x0] =	vst.idx.add.f32.msk $0xffff, v2  }
0x8f0: {  	s22 =	simm.s32 $0x0;
	s23 =	rddreg [dreg:$0x14]  }
0x8f1: {  	[hbm4b:s23+s22] =	stream.linear.scatter [tilespmem:s10], [sflag:$0x3], $0x1010, $0x38;
	[tilespmem:$0x1A200] =	vst v63  }
0x8f2: {  	_ =	swait.ge [sflag:s6], $0x1010  }
0x8f3: {  	[sflag:s6] =	ssyncset.done $0x0  }
0x8f4: {  	s28 =	rddreg [dreg:$0x15];
	[sflag:s6] =	ssyncadd.s32 $0xFFFFEFF0  }
0x8f5: {  	[hbm4b:s28+s22] =	stream.linear.scatter [tilespmem:s20], [sflag:$0x3], $0x1010, $0x38;
	[tilespmem:$0x1A200] =	vst v63  }
0x8f6: {  	_ =	swait.ge [sflag:s6], $0x1010  }
0x8f7: {  	s21 =	sadd.s32 $0x1, s21;
	s29 =	rddreg [dreg:$0x16]  }
0x8f8: {  	p0 =	sne.s32 s21, s29  }
.Ltmp29:
0x8f9: {  	_ = 	snop;
	(pc) =	sbr.rel @p0 .LBB2_1-.Ltmp29, $3  }
0x8fa: {  	_ =	sdelay $0x1  }
0x8fb: {  	[sflag:s6] =	ssyncset.done $0x0  }
0x8fc: {  	[sflag:s6] =	ssyncadd.s32 $0xFFFFEFF0  }
0x8fd: {  	_ =	sfence.sel $0x180000  }
0x8fe: {  	[bflag:$0x0] =	sbarrier.arrive $0xFFFF  }
0x8ff: {  	_ =	strace $0x90000047  }
0x900: {  	s0 =	stileid.u32;
	[bflag:$0x2] =	sbarrier.arrive $0xFFFF  }
0x901: {  	p0 =	sne.s32 s0, $0x0;
	s0 =	rddreg [dreg:$0x4]  }
0x902: {  	s0 =	sadd.s32 @!p0 $0x100000, s0  }
0x903: {  	[sflag:s0] =	ssyncadd.tile.s32 @!p0 $0x1;
	_ =	shalt  }
.Lfunc_end2:
_tile_overlayer_lowered:
.L_overlay_start_2:
0x904: {  	(tag) =	ssettag $0x2  }
0x905: {  	s0 =	rddreg [dreg:$0x0];
	s2 =	stileid.u32  }
0x906: {  	s1 =	rddreg [dreg:$0x1];
	p0 =	sne.s32 s2, $0x0  }
0x907: {  	s3 =	rddreg [dreg:$0x2];
	[bflag:$0x3] =	sbarrier.arrive $0xFFFF;
	s2 =	simm.s32 @!p0 $0x1C03  }
0x908: {  	[timem:s3], [sflag:s2] =	dma.local @!p0 [hbm:s0], s1  }
0x909: {  	s0 =	simm.s32 @!p0 $0x3  }
0x90a: {  	_ =	swait.ge @!p0 [sflag:s0], s1  }
0x90b: {  	s1 =	ssub.s32 @!p0 $0x0, s1;
	[sflag:s0] =	ssyncset.done @!p0 $0x0  }
0x90c: {  	[sflag:s0] =	ssyncadd.s32 @!p0 s1  }
0x90d: {  	[bflag:$0x3] =	sbarrier.arrive $0xFFFF  }
0x90e: {  	_ =	shalt  }

</sc_bundles>
